<compile_context>
chip_gen: v7x
topology: tpu7x:2x2x1
jax: 0.10.2.dev20260603
libtpu: 0.0.44.dev20260713+nightly
codegen_flags: <defaults>
</compile_context>

<pallas_src>
import math

import jax
import jax.numpy as jnp
from jax import lax
from jax.experimental import pallas as pl
from jax.experimental.pallas import tpu as pltpu
from jax.experimental.pallas import tpu_sc as plsc

_D = 1024
_L = 2048
_B = 4
_NC = 2
_NS = 16
_NW = _NC * _NS
_PE_ROWS = _L // _NW
_CHUNK_ROWS = 16
_CHUNK_ELEMS = _CHUNK_ROWS * _D
_KPB = _PE_ROWS // _CHUNK_ROWS
_NCHUNKS = _B * _KPB
_NBUF = 3
_LANES = 16
_CPR = _D // _LANES


def _sc_body(x_hbm, pe_hbm, out_hbm, pe_buf, xb, s_pe, s_in0, s_in1, s_in2,
             s_out0, s_out1, s_out2):
    inv_scale = 1.0 / math.sqrt(_D)
    in_sems = (s_in0, s_in1, s_in2)
    out_sems = (s_out0, s_out1, s_out2)
    wid = lax.axis_index("s") * _NC + lax.axis_index("c")
    row0 = wid * _PE_ROWS

    def x_slice(j):
        b, k = divmod(j, _KPB)
        return (b, pl.ds(row0 + k * _CHUNK_ROWS, _CHUNK_ROWS), slice(None))

    def start_in(j, p):
        pltpu.async_copy(x_hbm.at[x_slice(j)], xb.at[p], in_sems[p])

    def wait_in(j, p):
        pltpu.make_async_copy(x_hbm.at[x_slice(j)], xb.at[p], in_sems[p]).wait()

    def start_out(j, p):
        pltpu.async_copy(xb.at[p], out_hbm.at[x_slice(j)], out_sems[p])

    def wait_out(j, p):
        pltpu.make_async_copy(xb.at[p], out_hbm.at[x_slice(j)], out_sems[p]).wait()

    pe_src = pe_hbm.at[pl.ds(row0, _PE_ROWS), :]
    pltpu.async_copy(pe_src, pe_buf, s_pe)
    for j in range(_NBUF):
        start_in(j, j)
    pltpu.make_async_copy(pe_src, pe_buf, s_pe).wait()

    for j in range(_NCHUNKS):
        p = j % _NBUF
        if _NBUF - 1 <= j <= _NCHUNKS - 2:
            wait_out(j + 1 - _NBUF, (j + 1) % _NBUF)
            start_in(j + 1, (j + 1) % _NBUF)
        wait_in(j, p)
        k = j % _KPB

        @plsc.parallel_loop(0, _CHUNK_ELEMS // _LANES, unroll=8)
        def _add(i, p=p, k=k):
            r = i // _CPR
            sl = pl.ds((i % _CPR) * _LANES, _LANES)
            xb[p, r, sl] = xb[p, r, sl] + pe_buf[k * _CHUNK_ROWS + r, sl] * inv_scale

        start_out(j, p)

    for j in range(_NCHUNKS - _NBUF, _NCHUNKS):
        wait_out(j, j % _NBUF)


def kernel(x, pe):
    b, l, d = x.shape
    mesh = plsc.VectorSubcoreMesh(core_axis_name="c", subcore_axis_name="s")
    fn = pl.kernel(
        _sc_body,
        out_type=jax.ShapeDtypeStruct((b, l, d), x.dtype),
        mesh=mesh,
        scratch_types=[
            pltpu.VMEM((_PE_ROWS, _D), jnp.float32),
            pltpu.VMEM((_NBUF, _CHUNK_ROWS, _D), jnp.float32),
            pltpu.SemaphoreType.DMA,
            pltpu.SemaphoreType.DMA,
            pltpu.SemaphoreType.DMA,
            pltpu.SemaphoreType.DMA,
            pltpu.SemaphoreType.DMA,
            pltpu.SemaphoreType.DMA,
            pltpu.SemaphoreType.DMA,
        ],
        compiler_params=pltpu.CompilerParams(use_tc_tiling_on_sc=True),
    )
    return fn(x, pe[:l])

# --- scband reference (transcript-rebuilt; emitter-appended) ---
"""Pipeline reference for scband-learned-positional-embedding-24876450579335 (READ-ONLY COPY).

The authoritative reference and input builder live on the scoring server;
editing this copy changes nothing except your own understanding.
"""

import jax, jax.numpy as jnp
import numpy as np
import math

D_MODEL = 1024
MAX_LENGTH = 2048
BATCH = 4
SEQ_LEN = 2048

def setup_inputs(seed: int = 0) -> dict:
    key = jax.random.key(seed)
    k1, k2 = jax.random.split(key)
    x = jax.random.normal(k1, (BATCH, SEQ_LEN, D_MODEL), dtype=jnp.float32)
    # learned positional embedding table (nn.Embedding default init ~ N(0,1))
    pe = jax.random.normal(k2, (MAX_LENGTH, D_MODEL), dtype=jnp.float32)
    return {"x": x, "pe": pe}

def reference(x, pe):
    scale = math.sqrt(D_MODEL)
    length = x.shape[1]  # dim=1
    positions = jnp.arange(length)
    position_embedding = jnp.take(pe, positions, axis=0)[None, :, :]  # [1, L, d_model]
    return x + position_embedding / scale

if __name__ == "__main__":
    import jax
    _d = setup_inputs()
    print(jax.jit(kernel)(*tuple(_d.values())))

</pallas_src>

<mosaic_0001>
#map = affine_map<(d0, d1) -> (0, 0, 0)>
#map1 = affine_map<(d0, d1) -> (0, 0)>
module attributes {stable_mosaic.version = 14 : i64} {
  func.func @_sc_body(%arg0: i32, %arg1: i32, %arg2: memref<4x2048x1024xf32, #tpu.memory_space<hbm>>, %arg3: memref<2048x1024xf32, #tpu.memory_space<hbm>>, %arg4: memref<4x2048x1024xf32, #tpu.memory_space<hbm>>, %arg5: memref<64x1024xf32, #tpu.memory_space<vmem>>, %arg6: memref<3x16x1024xf32, #tpu.memory_space<vmem>>, %arg7: memref<!tpu.dma_semaphore, #tpu.memory_space<semaphore_mem>>, %arg8: memref<!tpu.dma_semaphore, #tpu.memory_space<semaphore_mem>>, %arg9: memref<!tpu.dma_semaphore, #tpu.memory_space<semaphore_mem>>, %arg10: memref<!tpu.dma_semaphore, #tpu.memory_space<semaphore_mem>>, %arg11: memref<!tpu.dma_semaphore, #tpu.memory_space<semaphore_mem>>, %arg12: memref<!tpu.dma_semaphore, #tpu.memory_space<semaphore_mem>>, %arg13: memref<!tpu.dma_semaphore, #tpu.memory_space<semaphore_mem>>) attributes {dimension_semantics = [#tpu.dimension_semantics<core_parallel>, #tpu.dimension_semantics<subcore_parallel>], iteration_bounds = array<i64: 2, 16>, scalar_prefetch = 0 : i64, scratch_operands = 9 : i64, tpu.core_type = #tpu.core_type<sc_vector_subcore>, window_params = [{transform_indices = #map}, {transform_indices = #map1}, {transform_indices = #map}]} {
    %mul3A = arith.constant 2 : i32
    %mul3A_0 = arith.muli %arg1, %mul3A : i32
    %add3A = arith.addi %mul3A_0, %arg0 : i32
    %mul3A_1 = arith.constant 64 : i32
    %mul3A_2 = arith.muli %add3A, %mul3A_1 : i32
    %dma_start3A = arith.constant 0 : i32
    %dma_start3A_3 = tpu.memref_slice %arg3[%mul3A_2, %dma_start3A] : memref<2048x1024xf32, #tpu.memory_space<hbm>> -> memref<64x1024xf32, #tpu.memory_space<hbm>>
    %dma_start3A_4 = arith.constant 0 : i32
    %dma_start3A_5 = tpu.memref_slice %arg3[%mul3A_2, %dma_start3A_4] : memref<2048x1024xf32, #tpu.memory_space<hbm>> -> memref<64x1024xf32, #tpu.memory_space<hbm>>
    tpu.enqueue_dma source(%dma_start3A_5 : memref<64x1024xf32, #tpu.memory_space<hbm>>) target(%arg5 : memref<64x1024xf32, #tpu.memory_space<vmem>>) target_semaphore(%arg7 : memref<!tpu.dma_semaphore, #tpu.memory_space<semaphore_mem>>)
    %add3A_6 = arith.constant 0 : i32
    %add3A_7 = arith.addi %mul3A_2, %add3A_6 : i32
    %dma_start3A_8 = arith.constant 0 : i32
    %dma_start3A_9 = arith.constant 0 : i32
    %dma_start3A_10 = arith.constant 0 : i32
    %dma_start3A_11 = arith.constant 0 : i32
    %dma_start3A_12 = tpu.memref_slice %arg6[%dma_start3A_9, %dma_start3A_10, %dma_start3A_11] : memref<3x16x1024xf32, #tpu.memory_space<vmem>> -> memref<1x16x1024xf32, #tpu.memory_space<vmem>>
    %dma_start3A_13 = tpu.memref_squeeze %dma_start3A_12 : memref<1x16x1024xf32, #tpu.memory_space<vmem>> -> memref<16x1024xf32, #tpu.memory_space<vmem>>
    %dma_start3A_14 = arith.constant 0 : i32
    %dma_start3A_15 = tpu.memref_slice %arg2[%dma_start3A_8, %add3A_7, %dma_start3A_14] : memref<4x2048x1024xf32, #tpu.memory_space<hbm>> -> memref<1x16x1024xf32, #tpu.memory_space<hbm>>
    %dma_start3A_16 = tpu.memref_squeeze %dma_start3A_15 : memref<1x16x1024xf32, #tpu.memory_space<hbm>> -> memref<16x1024xf32, #tpu.memory_space<hbm>>
    %dma_start3A_17 = arith.constant 0 : i32
    %dma_start3A_18 = arith.constant 0 : i32
    %dma_start3A_19 = tpu.memref_slice %arg6[%dma_start3A_9, %dma_start3A_17, %dma_start3A_18] : memref<3x16x1024xf32, #tpu.memory_space<vmem>> -> memref<1x16x1024xf32, #tpu.memory_space<vmem>>
    %dma_start3A_20 = tpu.memref_squeeze %dma_start3A_19 : memref<1x16x1024xf32, #tpu.memory_space<vmem>> -> memref<16x1024xf32, #tpu.memory_space<vmem>>
    %dma_start3A_21 = arith.constant 0 : i32
    %dma_start3A_22 = tpu.memref_slice %arg2[%dma_start3A_8, %add3A_7, %dma_start3A_21] : memref<4x2048x1024xf32, #tpu.memory_space<hbm>> -> memref<1x16x1024xf32, #tpu.memory_space<hbm>>
    %dma_start3A_23 = tpu.memref_squeeze %dma_start3A_22 : memref<1x16x1024xf32, #tpu.memory_space<hbm>> -> memref<16x1024xf32, #tpu.memory_space<hbm>>
    tpu.enqueue_dma source(%dma_start3A_23 : memref<16x1024xf32, #tpu.memory_space<hbm>>) target(%dma_start3A_20 : memref<16x1024xf32, #tpu.memory_space<vmem>>) target_semaphore(%arg8 : memref<!tpu.dma_semaphore, #tpu.memory_space<semaphore_mem>>)
    %add3A_24 = arith.constant 16 : i32
    %add3A_25 = arith.addi %mul3A_2, %add3A_24 : i32
    %dma_start3A_26 = arith.constant 0 : i32
    %dma_start3A_27 = arith.constant 1 : i32
    %dma_start3A_28 = arith.constant 0 : i32
    %dma_start3A_29 = arith.constant 0 : i32
    %dma_start3A_30 = tpu.memref_slice %arg6[%dma_start3A_27, %dma_start3A_28, %dma_start3A_29] : memref<3x16x1024xf32, #tpu.memory_space<vmem>> -> memref<1x16x1024xf32, #tpu.memory_space<vmem>>
    %dma_start3A_31 = tpu.memref_squeeze %dma_start3A_30 : memref<1x16x1024xf32, #tpu.memory_space<vmem>> -> memref<16x1024xf32, #tpu.memory_space<vmem>>
    %dma_start3A_32 = arith.constant 0 : i32
    %dma_start3A_33 = tpu.memref_slice %arg2[%dma_start3A_26, %add3A_25, %dma_start3A_32] : memref<4x2048x1024xf32, #tpu.memory_space<hbm>> -> memref<1x16x1024xf32, #tpu.memory_space<hbm>>
    %dma_start3A_34 = tpu.memref_squeeze %dma_start3A_33 : memref<1x16x1024xf32, #tpu.memory_space<hbm>> -> memref<16x1024xf32, #tpu.memory_space<hbm>>
    %dma_start3A_35 = arith.constant 0 : i32
    %dma_start3A_36 = arith.constant 0 : i32
    %dma_start3A_37 = tpu.memref_slice %arg6[%dma_start3A_27, %dma_start3A_35, %dma_start3A_36] : memref<3x16x1024xf32, #tpu.memory_space<vmem>> -> memref<1x16x1024xf32, #tpu.memory_space<vmem>>
    %dma_start3A_38 = tpu.memref_squeeze %dma_start3A_37 : memref<1x16x1024xf32, #tpu.memory_space<vmem>> -> memref<16x1024xf32, #tpu.memory_space<vmem>>
    %dma_start3A_39 = arith.constant 0 : i32
    %dma_start3A_40 = tpu.memref_slice %arg2[%dma_start3A_26, %add3A_25, %dma_start3A_39] : memref<4x2048x1024xf32, #tpu.memory_space<hbm>> -> memref<1x16x1024xf32, #tpu.memory_space<hbm>>
    %dma_start3A_41 = tpu.memref_squeeze %dma_start3A_40 : memref<1x16x1024xf32, #tpu.memory_space<hbm>> -> memref<16x1024xf32, #tpu.memory_space<hbm>>
    tpu.enqueue_dma source(%dma_start3A_41 : memref<16x1024xf32, #tpu.memory_space<hbm>>) target(%dma_start3A_38 : memref<16x1024xf32, #tpu.memory_space<vmem>>) target_semaphore(%arg9 : memref<!tpu.dma_semaphore, #tpu.memory_space<semaphore_mem>>)
    %add3A_42 = arith.constant 32 : i32
    %add3A_43 = arith.addi %mul3A_2, %add3A_42 : i32
    %dma_start3A_44 = arith.constant 0 : i32
    %dma_start3A_45 = arith.constant 2 : i32
    %dma_start3A_46 = arith.constant 0 : i32
    %dma_start3A_47 = arith.constant 0 : i32
    %dma_start3A_48 = tpu.memref_slice %arg6[%dma_start3A_45, %dma_start3A_46, %dma_start3A_47] : memref<3x16x1024xf32, #tpu.memory_space<vmem>> -> memref<1x16x1024xf32, #tpu.memory_space<vmem>>
    %dma_start3A_49 = tpu.memref_squeeze %dma_start3A_48 : memref<1x16x1024xf32, #tpu.memory_space<vmem>> -> memref<16x1024xf32, #tpu.memory_space<vmem>>
    %dma_start3A_50 = arith.constant 0 : i32
    %dma_start3A_51 = tpu.memref_slice %arg2[%dma_start3A_44, %add3A_43, %dma_start3A_50] : memref<4x2048x1024xf32, #tpu.memory_space<hbm>> -> memref<1x16x1024xf32, #tpu.memory_space<hbm>>
    %dma_start3A_52 = tpu.memref_squeeze %dma_start3A_51 : memref<1x16x1024xf32, #tpu.memory_space<hbm>> -> memref<16x1024xf32, #tpu.memory_space<hbm>>
    %dma_start3A_53 = arith.constant 0 : i32
    %dma_start3A_54 = arith.constant 0 : i32
    %dma_start3A_55 = tpu.memref_slice %arg6[%dma_start3A_45, %dma_start3A_53, %dma_start3A_54] : memref<3x16x1024xf32, #tpu.memory_space<vmem>> -> memref<1x16x1024xf32, #tpu.memory_space<vmem>>
    %dma_start3A_56 = tpu.memref_squeeze %dma_start3A_55 : memref<1x16x1024xf32, #tpu.memory_space<vmem>> -> memref<16x1024xf32, #tpu.memory_space<vmem>>
    %dma_start3A_57 = arith.constant 0 : i32
    %dma_start3A_58 = tpu.memref_slice %arg2[%dma_start3A_44, %add3A_43, %dma_start3A_57] : memref<4x2048x1024xf32, #tpu.memory_space<hbm>> -> memref<1x16x1024xf32, #tpu.memory_space<hbm>>
    %dma_start3A_59 = tpu.memref_squeeze %dma_start3A_58 : memref<1x16x1024xf32, #tpu.memory_space<hbm>> -> memref<16x1024xf32, #tpu.memory_space<hbm>>
    tpu.enqueue_dma source(%dma_start3A_59 : memref<16x1024xf32, #tpu.memory_space<hbm>>) target(%dma_start3A_56 : memref<16x1024xf32, #tpu.memory_space<vmem>>) target_semaphore(%arg10 : memref<!tpu.dma_semaphore, #tpu.memory_space<semaphore_mem>>)
    %dma_wait3A = arith.constant 0 : i32
    %dma_wait3A_60 = tpu.memref_slice %arg3[%mul3A_2, %dma_wait3A] : memref<2048x1024xf32, #tpu.memory_space<hbm>> -> memref<64x1024xf32, #tpu.memory_space<hbm>>
    %dma_wait3A_61 = arith.constant 0 : i32
    %dma_wait3A_62 = tpu.memref_slice %arg3[%mul3A_2, %dma_wait3A_61] : memref<2048x1024xf32, #tpu.memory_space<hbm>> -> memref<64x1024xf32, #tpu.memory_space<hbm>>
    tpu.wait_dma2 semaphore(%arg7 : memref<!tpu.dma_semaphore, #tpu.memory_space<semaphore_mem>>) src(%dma_wait3A_62 : memref<64x1024xf32, #tpu.memory_space<hbm>>) dst(%arg5 : memref<64x1024xf32, #tpu.memory_space<vmem>>)
    %add3A_63 = arith.constant 0 : i32
    %add3A_64 = arith.addi %mul3A_2, %add3A_63 : i32
    %dma_wait3A_65 = arith.constant 0 : i32
    %dma_wait3A_66 = arith.constant 0 : i32
    %dma_wait3A_67 = arith.constant 0 : i32
    %dma_wait3A_68 = arith.constant 0 : i32
    %dma_wait3A_69 = tpu.memref_slice %arg6[%dma_wait3A_66, %dma_wait3A_67, %dma_wait3A_68] : memref<3x16x1024xf32, #tpu.memory_space<vmem>> -> memref<1x16x1024xf32, #tpu.memory_space<vmem>>
    %dma_wait3A_70 = tpu.memref_squeeze %dma_wait3A_69 : memref<1x16x1024xf32, #tpu.memory_space<vmem>> -> memref<16x1024xf32, #tpu.memory_space<vmem>>
    %dma_wait3A_71 = arith.constant 0 : i32
    %dma_wait3A_72 = tpu.memref_slice %arg2[%dma_wait3A_65, %add3A_64, %dma_wait3A_71] : memref<4x2048x1024xf32, #tpu.memory_space<hbm>> -> memref<1x16x1024xf32, #tpu.memory_space<hbm>>
    %dma_wait3A_73 = tpu.memref_squeeze %dma_wait3A_72 : memref<1x16x1024xf32, #tpu.memory_space<hbm>> -> memref<16x1024xf32, #tpu.memory_space<hbm>>
    %dma_wait3A_74 = arith.constant 0 : i32
    %dma_wait3A_75 = arith.constant 0 : i32
    %dma_wait3A_76 = tpu.memref_slice %arg6[%dma_wait3A_66, %dma_wait3A_74, %dma_wait3A_75] : memref<3x16x1024xf32, #tpu.memory_space<vmem>> -> memref<1x16x1024xf32, #tpu.memory_space<vmem>>
    %dma_wait3A_77 = tpu.memref_squeeze %dma_wait3A_76 : memref<1x16x1024xf32, #tpu.memory_space<vmem>> -> memref<16x1024xf32, #tpu.memory_space<vmem>>
    %dma_wait3A_78 = arith.constant 0 : i32
    %dma_wait3A_79 = tpu.memref_slice %arg2[%dma_wait3A_65, %add3A_64, %dma_wait3A_78] : memref<4x2048x1024xf32, #tpu.memory_space<hbm>> -> memref<1x16x1024xf32, #tpu.memory_space<hbm>>
    %dma_wait3A_80 = tpu.memref_squeeze %dma_wait3A_79 : memref<1x16x1024xf32, #tpu.memory_space<hbm>> -> memref<16x1024xf32, #tpu.memory_space<hbm>>
    tpu.wait_dma2 semaphore(%arg8 : memref<!tpu.dma_semaphore, #tpu.memory_space<semaphore_mem>>) src(%dma_wait3A_80 : memref<16x1024xf32, #tpu.memory_space<hbm>>) dst(%dma_wait3A_77 : memref<16x1024xf32, #tpu.memory_space<vmem>>)
    %parallel_loop3A = arith.constant 0 : i32
    %parallel_loop3A_81 = arith.constant 1024 : i32
    %parallel_loop3A_82 = arith.constant 1 : i32
    scf.for %parallel_loop3A_1208 = %parallel_loop3A to %parallel_loop3A_81 step %parallel_loop3A_82  : i32 {
      %parallel_loop3A_1209 = arith.constant 64 : i32
      %parallel_loop3A_1210 = arith.divsi %parallel_loop3A_1208, %parallel_loop3A_1209 : i32
      %parallel_loop3A_1211 = arith.constant 0 : i32
      %parallel_loop3A_1212 = arith.cmpi sgt, %parallel_loop3A_1208, %parallel_loop3A_1211 : i32
      %parallel_loop3A_1213 = arith.extui %parallel_loop3A_1212 : i1 to i32
      %parallel_loop3A_1214 = arith.constant 0 : i32
      %parallel_loop3A_1215 = arith.cmpi slt, %parallel_loop3A_1208, %parallel_loop3A_1214 : i32
      %parallel_loop3A_1216 = arith.extui %parallel_loop3A_1215 : i1 to i32
      %parallel_loop3A_1217 = arith.subi %parallel_loop3A_1213, %parallel_loop3A_1216 : i32
      %parallel_loop3A_1218 = arith.constant 0 : i32
      %parallel_loop3A_1219 = arith.cmpi sgt, %parallel_loop3A_1209, %parallel_loop3A_1218 : i32
      %parallel_loop3A_1220 = arith.extui %parallel_loop3A_1219 : i1 to i32
      %parallel_loop3A_1221 = arith.constant 0 : i32
      %parallel_loop3A_1222 = arith.cmpi slt, %parallel_loop3A_1209, %parallel_loop3A_1221 : i32
      %parallel_loop3A_1223 = arith.extui %parallel_loop3A_1222 : i1 to i32
      %parallel_loop3A_1224 = arith.subi %parallel_loop3A_1220, %parallel_loop3A_1223 : i32
      %parallel_loop3A_1225 = arith.cmpi ne, %parallel_loop3A_1217, %parallel_loop3A_1224 : i32
      %parallel_loop3A_1226 = arith.remsi %parallel_loop3A_1208, %parallel_loop3A_1209 : i32
      %parallel_loop3A_1227 = arith.constant 0 : i32
      %parallel_loop3A_1228 = arith.cmpi ne, %parallel_loop3A_1226, %parallel_loop3A_1227 : i32
      %parallel_loop3A_1229 = arith.andi %parallel_loop3A_1225, %parallel_loop3A_1228 : i1
      %parallel_loop3A_1230 = arith.constant 1 : i32
      %parallel_loop3A_1231 = arith.subi %parallel_loop3A_1210, %parallel_loop3A_1230 : i32
      %parallel_loop3A_1232 = arith.select %parallel_loop3A_1229, %parallel_loop3A_1231, %parallel_loop3A_1210 : i32
      %parallel_loop3A_1233 = arith.constant 64 : i32
      %parallel_loop3A_1234 = arith.constant 0 : i32
      %parallel_loop3A_1235 = arith.cmpi eq, %parallel_loop3A_1233, %parallel_loop3A_1234 : i32
      %parallel_loop3A_1236 = arith.constant 1 : i32
      %parallel_loop3A_1237 = arith.select %parallel_loop3A_1235, %parallel_loop3A_1236, %parallel_loop3A_1233 : i32
      %parallel_loop3A_1238 = arith.remsi %parallel_loop3A_1208, %parallel_loop3A_1237 : i32
      %parallel_loop3A_1239 = arith.constant 0 : i32
      %parallel_loop3A_1240 = arith.cmpi ne, %parallel_loop3A_1238, %parallel_loop3A_1239 : i32
      %parallel_loop3A_1241 = arith.constant 0 : i32
      %parallel_loop3A_1242 = arith.cmpi slt, %parallel_loop3A_1238, %parallel_loop3A_1241 : i32
      %parallel_loop3A_1243 = arith.constant 0 : i32
      %parallel_loop3A_1244 = arith.cmpi slt, %parallel_loop3A_1237, %parallel_loop3A_1243 : i32
      %parallel_loop3A_1245 = arith.xori %parallel_loop3A_1242, %parallel_loop3A_1244 : i1
      %parallel_loop3A_1246 = arith.andi %parallel_loop3A_1245, %parallel_loop3A_1240 : i1
      %parallel_loop3A_1247 = arith.addi %parallel_loop3A_1238, %parallel_loop3A_1237 : i32
      %parallel_loop3A_1248 = arith.select %parallel_loop3A_1246, %parallel_loop3A_1247, %parallel_loop3A_1238 : i32
      %parallel_loop3A_1249 = arith.constant 16 : i32
      %parallel_loop3A_1250 = arith.muli %parallel_loop3A_1248, %parallel_loop3A_1249 : i32
      %parallel_loop3A_1251 = arith.constant 0 : i32
      %parallel_loop3A_1252 = arith.index_cast %parallel_loop3A_1251 : i32 to index
      %parallel_loop3A_1253 = arith.index_cast %parallel_loop3A_1232 : i32 to index
      %parallel_loop3A_1254 = arith.index_cast %parallel_loop3A_1250 : i32 to index
      %parallel_loop3A_1255 = tpu.vector_load %arg6[%parallel_loop3A_1252, %parallel_loop3A_1253, %parallel_loop3A_1254] {strides = array<i32>} : memref<3x16x1024xf32, #tpu.memory_space<vmem>>, vector<1x1x16xf32>,
      %parallel_loop3A_1256 = vector.shape_cast %parallel_loop3A_1255 : vector<1x1x16xf32> to vector<16xf32>
      %parallel_loop3A_1257 = arith.constant 0 : i32
      %parallel_loop3A_1258 = arith.addi %parallel_loop3A_1257, %parallel_loop3A_1232 : i32
      %parallel_loop3A_1259 = arith.index_cast %parallel_loop3A_1258 : i32 to index
      %parallel_loop3A_1260 = arith.index_cast %parallel_loop3A_1250 : i32 to index
      %parallel_loop3A_1261 = tpu.vector_load %arg5[%parallel_loop3A_1259, %parallel_loop3A_1260] {strides = array<i32>} : memref<64x1024xf32, #tpu.memory_space<vmem>>, vector<1x16xf32>,
      %parallel_loop3A_1262 = vector.shape_cast %parallel_loop3A_1261 : vector<1x16xf32> to vector<16xf32>
      %parallel_loop3A_1263 = arith.constant 3.125000e-02 : f32
      %parallel_loop3A_1264 = vector.broadcast %parallel_loop3A_1263 : f32 to vector<16xf32>
      %parallel_loop3A_1265 = arith.mulf %parallel_loop3A_1262, %parallel_loop3A_1264 : vector<16xf32>
      %parallel_loop3A_1266 = arith.addf %parallel_loop3A_1256, %parallel_loop3A_1265 : vector<16xf32>
      %parallel_loop3A_1267 = arith.constant 0 : i32
      %parallel_loop3A_1268 = arith.index_cast %parallel_loop3A_1267 : i32 to index
      %parallel_loop3A_1269 = arith.index_cast %parallel_loop3A_1232 : i32 to index
      %parallel_loop3A_1270 = arith.index_cast %parallel_loop3A_1250 : i32 to index
      %parallel_loop3A_1271 = tpu.vector_load %arg6[%parallel_loop3A_1268, %parallel_loop3A_1269, %parallel_loop3A_1270] {strides = array<i32>} : memref<3x16x1024xf32, #tpu.memory_space<vmem>>, vector<1x1x16xf32>,
      %parallel_loop3A_1272 = vector.shape_cast %parallel_loop3A_1271 : vector<1x1x16xf32> to vector<16xf32>
      %parallel_loop3A_1273 = vector.shape_cast %parallel_loop3A_1266 : vector<16xf32> to vector<1x1x16xf32>
      tpu.vector_store %arg6[%parallel_loop3A_1268, %parallel_loop3A_1269, %parallel_loop3A_1270], %parallel_loop3A_1273 {strides = array<i32>} : memref<3x16x1024xf32, #tpu.memory_space<vmem>>, vector<1x1x16xf32>,
    } {sc.loop_unroll_factor = 8 : i64, sc.parallel_access}
    %add3A_83 = arith.constant 0 : i32
    %add3A_84 = arith.addi %mul3A_2, %add3A_83 : i32
    %dma_start3A_85 = arith.constant 0 : i32
    %dma_start3A_86 = arith.constant 0 : i32
    %dma_start3A_87 = arith.constant 0 : i32
    %dma_start3A_88 = arith.constant 0 : i32
    %dma_start3A_89 = tpu.memref_slice %arg6[%dma_start3A_85, %dma_start3A_87, %dma_start3A_88] : memref<3x16x1024xf32, #tpu.memory_space<vmem>> -> memref<1x16x1024xf32, #tpu.memory_space<vmem>>
    %dma_start3A_90 = tpu.memref_squeeze %dma_start3A_89 : memref<1x16x1024xf32, #tpu.memory_space<vmem>> -> memref<16x1024xf32, #tpu.memory_space<vmem>>
    %dma_start3A_91 = arith.constant 0 : i32
    %dma_start3A_92 = tpu.memref_slice %arg4[%dma_start3A_86, %add3A_84, %dma_start3A_91] : memref<4x2048x1024xf32, #tpu.memory_space<hbm>> -> memref<1x16x1024xf32, #tpu.memory_space<hbm>>
    %dma_start3A_93 = tpu.memref_squeeze %dma_start3A_92 : memref<1x16x1024xf32, #tpu.memory_space<hbm>> -> memref<16x1024xf32, #tpu.memory_space<hbm>>
    %dma_start3A_94 = arith.constant 0 : i32
    %dma_start3A_95 = tpu.memref_slice %arg4[%dma_start3A_86, %add3A_84, %dma_start3A_94] : memref<4x2048x1024xf32, #tpu.memory_space<hbm>> -> memref<1x16x1024xf32, #tpu.memory_space<hbm>>
    %dma_start3A_96 = tpu.memref_squeeze %dma_start3A_95 : memref<1x16x1024xf32, #tpu.memory_space<hbm>> -> memref<16x1024xf32, #tpu.memory_space<hbm>>
    %dma_start3A_97 = arith.constant 0 : i32
    %dma_start3A_98 = arith.constant 0 : i32
    %dma_start3A_99 = tpu.memref_slice %arg6[%dma_start3A_85, %dma_start3A_97, %dma_start3A_98] : memref<3x16x1024xf32, #tpu.memory_space<vmem>> -> memref<1x16x1024xf32, #tpu.memory_space<vmem>>
    %dma_start3A_100 = tpu.memref_squeeze %dma_start3A_99 : memref<1x16x1024xf32, #tpu.memory_space<vmem>> -> memref<16x1024xf32, #tpu.memory_space<vmem>>
    tpu.enqueue_dma source(%dma_start3A_100 : memref<16x1024xf32, #tpu.memory_space<vmem>>) target(%dma_start3A_96 : memref<16x1024xf32, #tpu.memory_space<hbm>>) target_semaphore(%arg11 : memref<!tpu.dma_semaphore, #tpu.memory_space<semaphore_mem>>)
    %add3A_101 = arith.constant 16 : i32
    %add3A_102 = arith.addi %mul3A_2, %add3A_101 : i32
    %dma_wait3A_103 = arith.constant 0 : i32
    %dma_wait3A_104 = arith.constant 1 : i32
    %dma_wait3A_105 = arith.constant 0 : i32
    %dma_wait3A_106 = arith.constant 0 : i32
    %dma_wait3A_107 = tpu.memref_slice %arg6[%dma_wait3A_104, %dma_wait3A_105, %dma_wait3A_106] : memref<3x16x1024xf32, #tpu.memory_space<vmem>> -> memref<1x16x1024xf32, #tpu.memory_space<vmem>>
    %dma_wait3A_108 = tpu.memref_squeeze %dma_wait3A_107 : memref<1x16x1024xf32, #tpu.memory_space<vmem>> -> memref<16x1024xf32, #tpu.memory_space<vmem>>
    %dma_wait3A_109 = arith.constant 0 : i32
    %dma_wait3A_110 = tpu.memref_slice %arg2[%dma_wait3A_103, %add3A_102, %dma_wait3A_109] : memref<4x2048x1024xf32, #tpu.memory_space<hbm>> -> memref<1x16x1024xf32, #tpu.memory_space<hbm>>
    %dma_wait3A_111 = tpu.memref_squeeze %dma_wait3A_110 : memref<1x16x1024xf32, #tpu.memory_space<hbm>> -> memref<16x1024xf32, #tpu.memory_space<hbm>>
    %dma_wait3A_112 = arith.constant 0 : i32
    %dma_wait3A_113 = arith.constant 0 : i32
    %dma_wait3A_114 = tpu.memref_slice %arg6[%dma_wait3A_104, %dma_wait3A_112, %dma_wait3A_113] : memref<3x16x1024xf32, #tpu.memory_space<vmem>> -> memref<1x16x1024xf32, #tpu.memory_space<vmem>>
    %dma_wait3A_115 = tpu.memref_squeeze %dma_wait3A_114 : memref<1x16x1024xf32, #tpu.memory_space<vmem>> -> memref<16x1024xf32, #tpu.memory_space<vmem>>
    %dma_wait3A_116 = arith.constant 0 : i32
    %dma_wait3A_117 = tpu.memref_slice %arg2[%dma_wait3A_103, %add3A_102, %dma_wait3A_116] : memref<4x2048x1024xf32, #tpu.memory_space<hbm>> -> memref<1x16x1024xf32, #tpu.memory_space<hbm>>
    %dma_wait3A_118 = tpu.memref_squeeze %dma_wait3A_117 : memref<1x16x1024xf32, #tpu.memory_space<hbm>> -> memref<16x1024xf32, #tpu.memory_space<hbm>>
    tpu.wait_dma2 semaphore(%arg9 : memref<!tpu.dma_semaphore, #tpu.memory_space<semaphore_mem>>) src(%dma_wait3A_118 : memref<16x1024xf32, #tpu.memory_space<hbm>>) dst(%dma_wait3A_115 : memref<16x1024xf32, #tpu.memory_space<vmem>>)
    %parallel_loop3A_119 = arith.constant 0 : i32
    %parallel_loop3A_120 = arith.constant 1024 : i32
    %parallel_loop3A_121 = arith.constant 1 : i32
    scf.for %parallel_loop3A_1208 = %parallel_loop3A_119 to %parallel_loop3A_120 step %parallel_loop3A_121  : i32 {
      %parallel_loop3A_1209 = arith.constant 64 : i32
      %parallel_loop3A_1210 = arith.divsi %parallel_loop3A_1208, %parallel_loop3A_1209 : i32
      %parallel_loop3A_1211 = arith.constant 0 : i32
      %parallel_loop3A_1212 = arith.cmpi sgt, %parallel_loop3A_1208, %parallel_loop3A_1211 : i32
      %parallel_loop3A_1213 = arith.extui %parallel_loop3A_1212 : i1 to i32
      %parallel_loop3A_1214 = arith.constant 0 : i32
      %parallel_loop3A_1215 = arith.cmpi slt, %parallel_loop3A_1208, %parallel_loop3A_1214 : i32
      %parallel_loop3A_1216 = arith.extui %parallel_loop3A_1215 : i1 to i32
      %parallel_loop3A_1217 = arith.subi %parallel_loop3A_1213, %parallel_loop3A_1216 : i32
      %parallel_loop3A_1218 = arith.constant 0 : i32
      %parallel_loop3A_1219 = arith.cmpi sgt, %parallel_loop3A_1209, %parallel_loop3A_1218 : i32
      %parallel_loop3A_1220 = arith.extui %parallel_loop3A_1219 : i1 to i32
      %parallel_loop3A_1221 = arith.constant 0 : i32
      %parallel_loop3A_1222 = arith.cmpi slt, %parallel_loop3A_1209, %parallel_loop3A_1221 : i32
      %parallel_loop3A_1223 = arith.extui %parallel_loop3A_1222 : i1 to i32
      %parallel_loop3A_1224 = arith.subi %parallel_loop3A_1220, %parallel_loop3A_1223 : i32
      %parallel_loop3A_1225 = arith.cmpi ne, %parallel_loop3A_1217, %parallel_loop3A_1224 : i32
      %parallel_loop3A_1226 = arith.remsi %parallel_loop3A_1208, %parallel_loop3A_1209 : i32
      %parallel_loop3A_1227 = arith.constant 0 : i32
      %parallel_loop3A_1228 = arith.cmpi ne, %parallel_loop3A_1226, %parallel_loop3A_1227 : i32
      %parallel_loop3A_1229 = arith.andi %parallel_loop3A_1225, %parallel_loop3A_1228 : i1
      %parallel_loop3A_1230 = arith.constant 1 : i32
      %parallel_loop3A_1231 = arith.subi %parallel_loop3A_1210, %parallel_loop3A_1230 : i32
      %parallel_loop3A_1232 = arith.select %parallel_loop3A_1229, %parallel_loop3A_1231, %parallel_loop3A_1210 : i32
      %parallel_loop3A_1233 = arith.constant 64 : i32
      %parallel_loop3A_1234 = arith.constant 0 : i32
      %parallel_loop3A_1235 = arith.cmpi eq, %parallel_loop3A_1233, %parallel_loop3A_1234 : i32
      %parallel_loop3A_1236 = arith.constant 1 : i32
      %parallel_loop3A_1237 = arith.select %parallel_loop3A_1235, %parallel_loop3A_1236, %parallel_loop3A_1233 : i32
      %parallel_loop3A_1238 = arith.remsi %parallel_loop3A_1208, %parallel_loop3A_1237 : i32
      %parallel_loop3A_1239 = arith.constant 0 : i32
      %parallel_loop3A_1240 = arith.cmpi ne, %parallel_loop3A_1238, %parallel_loop3A_1239 : i32
      %parallel_loop3A_1241 = arith.constant 0 : i32
      %parallel_loop3A_1242 = arith.cmpi slt, %parallel_loop3A_1238, %parallel_loop3A_1241 : i32
      %parallel_loop3A_1243 = arith.constant 0 : i32
      %parallel_loop3A_1244 = arith.cmpi slt, %parallel_loop3A_1237, %parallel_loop3A_1243 : i32
      %parallel_loop3A_1245 = arith.xori %parallel_loop3A_1242, %parallel_loop3A_1244 : i1
      %parallel_loop3A_1246 = arith.andi %parallel_loop3A_1245, %parallel_loop3A_1240 : i1
      %parallel_loop3A_1247 = arith.addi %parallel_loop3A_1238, %parallel_loop3A_1237 : i32
      %parallel_loop3A_1248 = arith.select %parallel_loop3A_1246, %parallel_loop3A_1247, %parallel_loop3A_1238 : i32
      %parallel_loop3A_1249 = arith.constant 16 : i32
      %parallel_loop3A_1250 = arith.muli %parallel_loop3A_1248, %parallel_loop3A_1249 : i32
      %parallel_loop3A_1251 = arith.constant 1 : i32
      %parallel_loop3A_1252 = arith.index_cast %parallel_loop3A_1251 : i32 to index
      %parallel_loop3A_1253 = arith.index_cast %parallel_loop3A_1232 : i32 to index
      %parallel_loop3A_1254 = arith.index_cast %parallel_loop3A_1250 : i32 to index
      %parallel_loop3A_1255 = tpu.vector_load %arg6[%parallel_loop3A_1252, %parallel_loop3A_1253, %parallel_loop3A_1254] {strides = array<i32>} : memref<3x16x1024xf32, #tpu.memory_space<vmem>>, vector<1x1x16xf32>,
      %parallel_loop3A_1256 = vector.shape_cast %parallel_loop3A_1255 : vector<1x1x16xf32> to vector<16xf32>
      %parallel_loop3A_1257 = arith.constant 16 : i32
      %parallel_loop3A_1258 = arith.addi %parallel_loop3A_1257, %parallel_loop3A_1232 : i32
      %parallel_loop3A_1259 = arith.index_cast %parallel_loop3A_1258 : i32 to index
      %parallel_loop3A_1260 = arith.index_cast %parallel_loop3A_1250 : i32 to index
      %parallel_loop3A_1261 = tpu.vector_load %arg5[%parallel_loop3A_1259, %parallel_loop3A_1260] {strides = array<i32>} : memref<64x1024xf32, #tpu.memory_space<vmem>>, vector<1x16xf32>,
      %parallel_loop3A_1262 = vector.shape_cast %parallel_loop3A_1261 : vector<1x16xf32> to vector<16xf32>
      %parallel_loop3A_1263 = arith.constant 3.125000e-02 : f32
      %parallel_loop3A_1264 = vector.broadcast %parallel_loop3A_1263 : f32 to vector<16xf32>
      %parallel_loop3A_1265 = arith.mulf %parallel_loop3A_1262, %parallel_loop3A_1264 : vector<16xf32>
      %parallel_loop3A_1266 = arith.addf %parallel_loop3A_1256, %parallel_loop3A_1265 : vector<16xf32>
      %parallel_loop3A_1267 = arith.constant 1 : i32
      %parallel_loop3A_1268 = arith.index_cast %parallel_loop3A_1267 : i32 to index
      %parallel_loop3A_1269 = arith.index_cast %parallel_loop3A_1232 : i32 to index
      %parallel_loop3A_1270 = arith.index_cast %parallel_loop3A_1250 : i32 to index
      %parallel_loop3A_1271 = tpu.vector_load %arg6[%parallel_loop3A_1268, %parallel_loop3A_1269, %parallel_loop3A_1270] {strides = array<i32>} : memref<3x16x1024xf32, #tpu.memory_space<vmem>>, vector<1x1x16xf32>,
      %parallel_loop3A_1272 = vector.shape_cast %parallel_loop3A_1271 : vector<1x1x16xf32> to vector<16xf32>
      %parallel_loop3A_1273 = vector.shape_cast %parallel_loop3A_1266 : vector<16xf32> to vector<1x1x16xf32>
      tpu.vector_store %arg6[%parallel_loop3A_1268, %parallel_loop3A_1269, %parallel_loop3A_1270], %parallel_loop3A_1273 {strides = array<i32>} : memref<3x16x1024xf32, #tpu.memory_space<vmem>>, vector<1x1x16xf32>,
    } {sc.loop_unroll_factor = 8 : i64, sc.parallel_access}
    %add3A_122 = arith.constant 16 : i32
    %add3A_123 = arith.addi %mul3A_2, %add3A_122 : i32
    %dma_start3A_124 = arith.constant 1 : i32
    %dma_start3A_125 = arith.constant 0 : i32
    %dma_start3A_126 = arith.constant 0 : i32
    %dma_start3A_127 = arith.constant 0 : i32
    %dma_start3A_128 = tpu.memref_slice %arg6[%dma_start3A_124, %dma_start3A_126, %dma_start3A_127] : memref<3x16x1024xf32, #tpu.memory_space<vmem>> -> memref<1x16x1024xf32, #tpu.memory_space<vmem>>
    %dma_start3A_129 = tpu.memref_squeeze %dma_start3A_128 : memref<1x16x1024xf32, #tpu.memory_space<vmem>> -> memref<16x1024xf32, #tpu.memory_space<vmem>>
    %dma_start3A_130 = arith.constant 0 : i32
    %dma_start3A_131 = tpu.memref_slice %arg4[%dma_start3A_125, %add3A_123, %dma_start3A_130] : memref<4x2048x1024xf32, #tpu.memory_space<hbm>> -> memref<1x16x1024xf32, #tpu.memory_space<hbm>>
    %dma_start3A_132 = tpu.memref_squeeze %dma_start3A_131 : memref<1x16x1024xf32, #tpu.memory_space<hbm>> -> memref<16x1024xf32, #tpu.memory_space<hbm>>
    %dma_start3A_133 = arith.constant 0 : i32
    %dma_start3A_134 = tpu.memref_slice %arg4[%dma_start3A_125, %add3A_123, %dma_start3A_133] : memref<4x2048x1024xf32, #tpu.memory_space<hbm>> -> memref<1x16x1024xf32, #tpu.memory_space<hbm>>
    %dma_start3A_135 = tpu.memref_squeeze %dma_start3A_134 : memref<1x16x1024xf32, #tpu.memory_space<hbm>> -> memref<16x1024xf32, #tpu.memory_space<hbm>>
    %dma_start3A_136 = arith.constant 0 : i32
    %dma_start3A_137 = arith.constant 0 : i32
    %dma_start3A_138 = tpu.memref_slice %arg6[%dma_start3A_124, %dma_start3A_136, %dma_start3A_137] : memref<3x16x1024xf32, #tpu.memory_space<vmem>> -> memref<1x16x1024xf32, #tpu.memory_space<vmem>>
    %dma_start3A_139 = tpu.memref_squeeze %dma_start3A_138 : memref<1x16x1024xf32, #tpu.memory_space<vmem>> -> memref<16x1024xf32, #tpu.memory_space<vmem>>
    tpu.enqueue_dma source(%dma_start3A_139 : memref<16x1024xf32, #tpu.memory_space<vmem>>) target(%dma_start3A_135 : memref<16x1024xf32, #tpu.memory_space<hbm>>) target_semaphore(%arg12 : memref<!tpu.dma_semaphore, #tpu.memory_space<semaphore_mem>>)
    %add3A_140 = arith.constant 0 : i32
    %add3A_141 = arith.addi %mul3A_2, %add3A_140 : i32
    %dma_wait3A_142 = arith.constant 0 : i32
    %dma_wait3A_143 = arith.constant 0 : i32
    %dma_wait3A_144 = arith.constant 0 : i32
    %dma_wait3A_145 = arith.constant 0 : i32
    %dma_wait3A_146 = tpu.memref_slice %arg6[%dma_wait3A_142, %dma_wait3A_144, %dma_wait3A_145] : memref<3x16x1024xf32, #tpu.memory_space<vmem>> -> memref<1x16x1024xf32, #tpu.memory_space<vmem>>
    %dma_wait3A_147 = tpu.memref_squeeze %dma_wait3A_146 : memref<1x16x1024xf32, #tpu.memory_space<vmem>> -> memref<16x1024xf32, #tpu.memory_space<vmem>>
    %dma_wait3A_148 = arith.constant 0 : i32
    %dma_wait3A_149 = tpu.memref_slice %arg4[%dma_wait3A_143, %add3A_141, %dma_wait3A_148] : memref<4x2048x1024xf32, #tpu.memory_space<hbm>> -> memref<1x16x1024xf32, #tpu.memory_space<hbm>>
    %dma_wait3A_150 = tpu.memref_squeeze %dma_wait3A_149 : memref<1x16x1024xf32, #tpu.memory_space<hbm>> -> memref<16x1024xf32, #tpu.memory_space<hbm>>
    %dma_wait3A_151 = arith.constant 0 : i32
    %dma_wait3A_152 = tpu.memref_slice %arg4[%dma_wait3A_143, %add3A_141, %dma_wait3A_151] : memref<4x2048x1024xf32, #tpu.memory_space<hbm>> -> memref<1x16x1024xf32, #tpu.memory_space<hbm>>
    %dma_wait3A_153 = tpu.memref_squeeze %dma_wait3A_152 : memref<1x16x1024xf32, #tpu.memory_space<hbm>> -> memref<16x1024xf32, #tpu.memory_space<hbm>>
    %dma_wait3A_154 = arith.constant 0 : i32
    %dma_wait3A_155 = arith.constant 0 : i32
    %dma_wait3A_156 = tpu.memref_slice %arg6[%dma_wait3A_142, %dma_wait3A_154, %dma_wait3A_155] : memref<3x16x1024xf32, #tpu.memory_space<vmem>> -> memref<1x16x1024xf32, #tpu.memory_space<vmem>>
    %dma_wait3A_157 = tpu.memref_squeeze %dma_wait3A_156 : memref<1x16x1024xf32, #tpu.memory_space<vmem>> -> memref<16x1024xf32, #tpu.memory_space<vmem>>
    tpu.wait_dma2 semaphore(%arg11 : memref<!tpu.dma_semaphore, #tpu.memory_space<semaphore_mem>>) src(%dma_wait3A_157 : memref<16x1024xf32, #tpu.memory_space<vmem>>) dst(%dma_wait3A_153 : memref<16x1024xf32, #tpu.memory_space<hbm>>)
    %add3A_158 = arith.constant 48 : i32
    %add3A_159 = arith.addi %mul3A_2, %add3A_158 : i32
    %dma_start3A_160 = arith.constant 0 : i32
    %dma_start3A_161 = arith.constant 0 : i32
    %dma_start3A_162 = arith.constant 0 : i32
    %dma_start3A_163 = arith.constant 0 : i32
    %dma_start3A_164 = tpu.memref_slice %arg6[%dma_start3A_161, %dma_start3A_162, %dma_start3A_163] : memref<3x16x1024xf32, #tpu.memory_space<vmem>> -> memref<1x16x1024xf32, #tpu.memory_space<vmem>>
    %dma_start3A_165 = tpu.memref_squeeze %dma_start3A_164 : memref<1x16x1024xf32, #tpu.memory_space<vmem>> -> memref<16x1024xf32, #tpu.memory_space<vmem>>
    %dma_start3A_166 = arith.constant 0 : i32
    %dma_start3A_167 = tpu.memref_slice %arg2[%dma_start3A_160, %add3A_159, %dma_start3A_166] : memref<4x2048x1024xf32, #tpu.memory_space<hbm>> -> memref<1x16x1024xf32, #tpu.memory_space<hbm>>
    %dma_start3A_168 = tpu.memref_squeeze %dma_start3A_167 : memref<1x16x1024xf32, #tpu.memory_space<hbm>> -> memref<16x1024xf32, #tpu.memory_space<hbm>>
    %dma_start3A_169 = arith.constant 0 : i32
    %dma_start3A_170 = arith.constant 0 : i32
    %dma_start3A_171 = tpu.memref_slice %arg6[%dma_start3A_161, %dma_start3A_169, %dma_start3A_170] : memref<3x16x1024xf32, #tpu.memory_space<vmem>> -> memref<1x16x1024xf32, #tpu.memory_space<vmem>>
    %dma_start3A_172 = tpu.memref_squeeze %dma_start3A_171 : memref<1x16x1024xf32, #tpu.memory_space<vmem>> -> memref<16x1024xf32, #tpu.memory_space<vmem>>
    %dma_start3A_173 = arith.constant 0 : i32
    %dma_start3A_174 = tpu.memref_slice %arg2[%dma_start3A_160, %add3A_159, %dma_start3A_173] : memref<4x2048x1024xf32, #tpu.memory_space<hbm>> -> memref<1x16x1024xf32, #tpu.memory_space<hbm>>
    %dma_start3A_175 = tpu.memref_squeeze %dma_start3A_174 : memref<1x16x1024xf32, #tpu.memory_space<hbm>> -> memref<16x1024xf32, #tpu.memory_space<hbm>>
    tpu.enqueue_dma source(%dma_start3A_175 : memref<16x1024xf32, #tpu.memory_space<hbm>>) target(%dma_start3A_172 : memref<16x1024xf32, #tpu.memory_space<vmem>>) target_semaphore(%arg8 : memref<!tpu.dma_semaphore, #tpu.memory_space<semaphore_mem>>)
    %add3A_176 = arith.constant 32 : i32
    %add3A_177 = arith.addi %mul3A_2, %add3A_176 : i32
    %dma_wait3A_178 = arith.constant 0 : i32
    %dma_wait3A_179 = arith.constant 2 : i32
    %dma_wait3A_180 = arith.constant 0 : i32
    %dma_wait3A_181 = arith.constant 0 : i32
    %dma_wait3A_182 = tpu.memref_slice %arg6[%dma_wait3A_179, %dma_wait3A_180, %dma_wait3A_181] : memref<3x16x1024xf32, #tpu.memory_space<vmem>> -> memref<1x16x1024xf32, #tpu.memory_space<vmem>>
    %dma_wait3A_183 = tpu.memref_squeeze %dma_wait3A_182 : memref<1x16x1024xf32, #tpu.memory_space<vmem>> -> memref<16x1024xf32, #tpu.memory_space<vmem>>
    %dma_wait3A_184 = arith.constant 0 : i32
    %dma_wait3A_185 = tpu.memref_slice %arg2[%dma_wait3A_178, %add3A_177, %dma_wait3A_184] : memref<4x2048x1024xf32, #tpu.memory_space<hbm>> -> memref<1x16x1024xf32, #tpu.memory_space<hbm>>
    %dma_wait3A_186 = tpu.memref_squeeze %dma_wait3A_185 : memref<1x16x1024xf32, #tpu.memory_space<hbm>> -> memref<16x1024xf32, #tpu.memory_space<hbm>>
    %dma_wait3A_187 = arith.constant 0 : i32
    %dma_wait3A_188 = arith.constant 0 : i32
    %dma_wait3A_189 = tpu.memref_slice %arg6[%dma_wait3A_179, %dma_wait3A_187, %dma_wait3A_188] : memref<3x16x1024xf32, #tpu.memory_space<vmem>> -> memref<1x16x1024xf32, #tpu.memory_space<vmem>>
    %dma_wait3A_190 = tpu.memref_squeeze %dma_wait3A_189 : memref<1x16x1024xf32, #tpu.memory_space<vmem>> -> memref<16x1024xf32, #tpu.memory_space<vmem>>
    %dma_wait3A_191 = arith.constant 0 : i32
    %dma_wait3A_192 = tpu.memref_slice %arg2[%dma_wait3A_178, %add3A_177, %dma_wait3A_191] : memref<4x2048x1024xf32, #tpu.memory_space<hbm>> -> memref<1x16x1024xf32, #tpu.memory_space<hbm>>
    %dma_wait3A_193 = tpu.memref_squeeze %dma_wait3A_192 : memref<1x16x1024xf32, #tpu.memory_space<hbm>> -> memref<16x1024xf32, #tpu.memory_space<hbm>>
    tpu.wait_dma2 semaphore(%arg10 : memref<!tpu.dma_semaphore, #tpu.memory_space<semaphore_mem>>) src(%dma_wait3A_193 : memref<16x1024xf32, #tpu.memory_space<hbm>>) dst(%dma_wait3A_190 : memref<16x1024xf32, #tpu.memory_space<vmem>>)
    %parallel_loop3A_194 = arith.constant 0 : i32
    %parallel_loop3A_195 = arith.constant 1024 : i32
    %parallel_loop3A_196 = arith.constant 1 : i32
    scf.for %parallel_loop3A_1208 = %parallel_loop3A_194 to %parallel_loop3A_195 step %parallel_loop3A_196  : i32 {
      %parallel_loop3A_1209 = arith.constant 64 : i32
      %parallel_loop3A_1210 = arith.divsi %parallel_loop3A_1208, %parallel_loop3A_1209 : i32
      %parallel_loop3A_1211 = arith.constant 0 : i32
      %parallel_loop3A_1212 = arith.cmpi sgt, %parallel_loop3A_1208, %parallel_loop3A_1211 : i32
      %parallel_loop3A_1213 = arith.extui %parallel_loop3A_1212 : i1 to i32
      %parallel_loop3A_1214 = arith.constant 0 : i32
      %parallel_loop3A_1215 = arith.cmpi slt, %parallel_loop3A_1208, %parallel_loop3A_1214 : i32
      %parallel_loop3A_1216 = arith.extui %parallel_loop3A_1215 : i1 to i32
      %parallel_loop3A_1217 = arith.subi %parallel_loop3A_1213, %parallel_loop3A_1216 : i32
      %parallel_loop3A_1218 = arith.constant 0 : i32
      %parallel_loop3A_1219 = arith.cmpi sgt, %parallel_loop3A_1209, %parallel_loop3A_1218 : i32
      %parallel_loop3A_1220 = arith.extui %parallel_loop3A_1219 : i1 to i32
      %parallel_loop3A_1221 = arith.constant 0 : i32
      %parallel_loop3A_1222 = arith.cmpi slt, %parallel_loop3A_1209, %parallel_loop3A_1221 : i32
      %parallel_loop3A_1223 = arith.extui %parallel_loop3A_1222 : i1 to i32
      %parallel_loop3A_1224 = arith.subi %parallel_loop3A_1220, %parallel_loop3A_1223 : i32
      %parallel_loop3A_1225 = arith.cmpi ne, %parallel_loop3A_1217, %parallel_loop3A_1224 : i32
      %parallel_loop3A_1226 = arith.remsi %parallel_loop3A_1208, %parallel_loop3A_1209 : i32
      %parallel_loop3A_1227 = arith.constant 0 : i32
      %parallel_loop3A_1228 = arith.cmpi ne, %parallel_loop3A_1226, %parallel_loop3A_1227 : i32
      %parallel_loop3A_1229 = arith.andi %parallel_loop3A_1225, %parallel_loop3A_1228 : i1
      %parallel_loop3A_1230 = arith.constant 1 : i32
      %parallel_loop3A_1231 = arith.subi %parallel_loop3A_1210, %parallel_loop3A_1230 : i32
      %parallel_loop3A_1232 = arith.select %parallel_loop3A_1229, %parallel_loop3A_1231, %parallel_loop3A_1210 : i32
      %parallel_loop3A_1233 = arith.constant 64 : i32
      %parallel_loop3A_1234 = arith.constant 0 : i32
      %parallel_loop3A_1235 = arith.cmpi eq, %parallel_loop3A_1233, %parallel_loop3A_1234 : i32
      %parallel_loop3A_1236 = arith.constant 1 : i32
      %parallel_loop3A_1237 = arith.select %parallel_loop3A_1235, %parallel_loop3A_1236, %parallel_loop3A_1233 : i32
      %parallel_loop3A_1238 = arith.remsi %parallel_loop3A_1208, %parallel_loop3A_1237 : i32
      %parallel_loop3A_1239 = arith.constant 0 : i32
      %parallel_loop3A_1240 = arith.cmpi ne, %parallel_loop3A_1238, %parallel_loop3A_1239 : i32
      %parallel_loop3A_1241 = arith.constant 0 : i32
      %parallel_loop3A_1242 = arith.cmpi slt, %parallel_loop3A_1238, %parallel_loop3A_1241 : i32
      %parallel_loop3A_1243 = arith.constant 0 : i32
      %parallel_loop3A_1244 = arith.cmpi slt, %parallel_loop3A_1237, %parallel_loop3A_1243 : i32
      %parallel_loop3A_1245 = arith.xori %parallel_loop3A_1242, %parallel_loop3A_1244 : i1
      %parallel_loop3A_1246 = arith.andi %parallel_loop3A_1245, %parallel_loop3A_1240 : i1
      %parallel_loop3A_1247 = arith.addi %parallel_loop3A_1238, %parallel_loop3A_1237 : i32
      %parallel_loop3A_1248 = arith.select %parallel_loop3A_1246, %parallel_loop3A_1247, %parallel_loop3A_1238 : i32
      %parallel_loop3A_1249 = arith.constant 16 : i32
      %parallel_loop3A_1250 = arith.muli %parallel_loop3A_1248, %parallel_loop3A_1249 : i32
      %parallel_loop3A_1251 = arith.constant 2 : i32
      %parallel_loop3A_1252 = arith.index_cast %parallel_loop3A_1251 : i32 to index
      %parallel_loop3A_1253 = arith.index_cast %parallel_loop3A_1232 : i32 to index
      %parallel_loop3A_1254 = arith.index_cast %parallel_loop3A_1250 : i32 to index
      %parallel_loop3A_1255 = tpu.vector_load %arg6[%parallel_loop3A_1252, %parallel_loop3A_1253, %parallel_loop3A_1254] {strides = array<i32>} : memref<3x16x1024xf32, #tpu.memory_space<vmem>>, vector<1x1x16xf32>,
      %parallel_loop3A_1256 = vector.shape_cast %parallel_loop3A_1255 : vector<1x1x16xf32> to vector<16xf32>
      %parallel_loop3A_1257 = arith.constant 32 : i32
      %parallel_loop3A_1258 = arith.addi %parallel_loop3A_1257, %parallel_loop3A_1232 : i32
      %parallel_loop3A_1259 = arith.index_cast %parallel_loop3A_1258 : i32 to index
      %parallel_loop3A_1260 = arith.index_cast %parallel_loop3A_1250 : i32 to index
      %parallel_loop3A_1261 = tpu.vector_load %arg5[%parallel_loop3A_1259, %parallel_loop3A_1260] {strides = array<i32>} : memref<64x1024xf32, #tpu.memory_space<vmem>>, vector<1x16xf32>,
      %parallel_loop3A_1262 = vector.shape_cast %parallel_loop3A_1261 : vector<1x16xf32> to vector<16xf32>
      %parallel_loop3A_1263 = arith.constant 3.125000e-02 : f32
      %parallel_loop3A_1264 = vector.broadcast %parallel_loop3A_1263 : f32 to vector<16xf32>
      %parallel_loop3A_1265 = arith.mulf %parallel_loop3A_1262, %parallel_loop3A_1264 : vector<16xf32>
      %parallel_loop3A_1266 = arith.addf %parallel_loop3A_1256, %parallel_loop3A_1265 : vector<16xf32>
      %parallel_loop3A_1267 = arith.constant 2 : i32
      %parallel_loop3A_1268 = arith.index_cast %parallel_loop3A_1267 : i32 to index
      %parallel_loop3A_1269 = arith.index_cast %parallel_loop3A_1232 : i32 to index
      %parallel_loop3A_1270 = arith.index_cast %parallel_loop3A_1250 : i32 to index
      %parallel_loop3A_1271 = tpu.vector_load %arg6[%parallel_loop3A_1268, %parallel_loop3A_1269, %parallel_loop3A_1270] {strides = array<i32>} : memref<3x16x1024xf32, #tpu.memory_space<vmem>>, vector<1x1x16xf32>,
      %parallel_loop3A_1272 = vector.shape_cast %parallel_loop3A_1271 : vector<1x1x16xf32> to vector<16xf32>
      %parallel_loop3A_1273 = vector.shape_cast %parallel_loop3A_1266 : vector<16xf32> to vector<1x1x16xf32>
      tpu.vector_store %arg6[%parallel_loop3A_1268, %parallel_loop3A_1269, %parallel_loop3A_1270], %parallel_loop3A_1273 {strides = array<i32>} : memref<3x16x1024xf32, #tpu.memory_space<vmem>>, vector<1x1x16xf32>,
    } {sc.loop_unroll_factor = 8 : i64, sc.parallel_access}
    %add3A_197 = arith.constant 32 : i32
    %add3A_198 = arith.addi %mul3A_2, %add3A_197 : i32
    %dma_start3A_199 = arith.constant 2 : i32
    %dma_start3A_200 = arith.constant 0 : i32
    %dma_start3A_201 = arith.constant 0 : i32
    %dma_start3A_202 = arith.constant 0 : i32
    %dma_start3A_203 = tpu.memref_slice %arg6[%dma_start3A_199, %dma_start3A_201, %dma_start3A_202] : memref<3x16x1024xf32, #tpu.memory_space<vmem>> -> memref<1x16x1024xf32, #tpu.memory_space<vmem>>
    %dma_start3A_204 = tpu.memref_squeeze %dma_start3A_203 : memref<1x16x1024xf32, #tpu.memory_space<vmem>> -> memref<16x1024xf32, #tpu.memory_space<vmem>>
    %dma_start3A_205 = arith.constant 0 : i32
    %dma_start3A_206 = tpu.memref_slice %arg4[%dma_start3A_200, %add3A_198, %dma_start3A_205] : memref<4x2048x1024xf32, #tpu.memory_space<hbm>> -> memref<1x16x1024xf32, #tpu.memory_space<hbm>>
    %dma_start3A_207 = tpu.memref_squeeze %dma_start3A_206 : memref<1x16x1024xf32, #tpu.memory_space<hbm>> -> memref<16x1024xf32, #tpu.memory_space<hbm>>
    %dma_start3A_208 = arith.constant 0 : i32
    %dma_start3A_209 = tpu.memref_slice %arg4[%dma_start3A_200, %add3A_198, %dma_start3A_208] : memref<4x2048x1024xf32, #tpu.memory_space<hbm>> -> memref<1x16x1024xf32, #tpu.memory_space<hbm>>
    %dma_start3A_210 = tpu.memref_squeeze %dma_start3A_209 : memref<1x16x1024xf32, #tpu.memory_space<hbm>> -> memref<16x1024xf32, #tpu.memory_space<hbm>>
    %dma_start3A_211 = arith.constant 0 : i32
    %dma_start3A_212 = arith.constant 0 : i32
    %dma_start3A_213 = tpu.memref_slice %arg6[%dma_start3A_199, %dma_start3A_211, %dma_start3A_212] : memref<3x16x1024xf32, #tpu.memory_space<vmem>> -> memref<1x16x1024xf32, #tpu.memory_space<vmem>>
    %dma_start3A_214 = tpu.memref_squeeze %dma_start3A_213 : memref<1x16x1024xf32, #tpu.memory_space<vmem>> -> memref<16x1024xf32, #tpu.memory_space<vmem>>
    tpu.enqueue_dma source(%dma_start3A_214 : memref<16x1024xf32, #tpu.memory_space<vmem>>) target(%dma_start3A_210 : memref<16x1024xf32, #tpu.memory_space<hbm>>) target_semaphore(%arg13 : memref<!tpu.dma_semaphore, #tpu.memory_space<semaphore_mem>>)
    %add3A_215 = arith.constant 16 : i32
    %add3A_216 = arith.addi %mul3A_2, %add3A_215 : i32
    %dma_wait3A_217 = arith.constant 1 : i32
    %dma_wait3A_218 = arith.constant 0 : i32
    %dma_wait3A_219 = arith.constant 0 : i32
    %dma_wait3A_220 = arith.constant 0 : i32
    %dma_wait3A_221 = tpu.memref_slice %arg6[%dma_wait3A_217, %dma_wait3A_219, %dma_wait3A_220] : memref<3x16x1024xf32, #tpu.memory_space<vmem>> -> memref<1x16x1024xf32, #tpu.memory_space<vmem>>
    %dma_wait3A_222 = tpu.memref_squeeze %dma_wait3A_221 : memref<1x16x1024xf32, #tpu.memory_space<vmem>> -> memref<16x1024xf32, #tpu.memory_space<vmem>>
    %dma_wait3A_223 = arith.constant 0 : i32
    %dma_wait3A_224 = tpu.memref_slice %arg4[%dma_wait3A_218, %add3A_216, %dma_wait3A_223] : memref<4x2048x1024xf32, #tpu.memory_space<hbm>> -> memref<1x16x1024xf32, #tpu.memory_space<hbm>>
    %dma_wait3A_225 = tpu.memref_squeeze %dma_wait3A_224 : memref<1x16x1024xf32, #tpu.memory_space<hbm>> -> memref<16x1024xf32, #tpu.memory_space<hbm>>
    %dma_wait3A_226 = arith.constant 0 : i32
    %dma_wait3A_227 = tpu.memref_slice %arg4[%dma_wait3A_218, %add3A_216, %dma_wait3A_226] : memref<4x2048x1024xf32, #tpu.memory_space<hbm>> -> memref<1x16x1024xf32, #tpu.memory_space<hbm>>
    %dma_wait3A_228 = tpu.memref_squeeze %dma_wait3A_227 : memref<1x16x1024xf32, #tpu.memory_space<hbm>> -> memref<16x1024xf32, #tpu.memory_space<hbm>>
    %dma_wait3A_229 = arith.constant 0 : i32
    %dma_wait3A_230 = arith.constant 0 : i32
    %dma_wait3A_231 = tpu.memref_slice %arg6[%dma_wait3A_217, %dma_wait3A_229, %dma_wait3A_230] : memref<3x16x1024xf32, #tpu.memory_space<vmem>> -> memref<1x16x1024xf32, #tpu.memory_space<vmem>>
    %dma_wait3A_232 = tpu.memref_squeeze %dma_wait3A_231 : memref<1x16x1024xf32, #tpu.memory_space<vmem>> -> memref<16x1024xf32, #tpu.memory_space<vmem>>
    tpu.wait_dma2 semaphore(%arg12 : memref<!tpu.dma_semaphore, #tpu.memory_space<semaphore_mem>>) src(%dma_wait3A_232 : memref<16x1024xf32, #tpu.memory_space<vmem>>) dst(%dma_wait3A_228 : memref<16x1024xf32, #tpu.memory_space<hbm>>)
    %add3A_233 = arith.constant 0 : i32
    %add3A_234 = arith.addi %mul3A_2, %add3A_233 : i32
    %dma_start3A_235 = arith.constant 1 : i32
    %dma_start3A_236 = arith.constant 1 : i32
    %dma_start3A_237 = arith.constant 0 : i32
    %dma_start3A_238 = arith.constant 0 : i32
    %dma_start3A_239 = tpu.memref_slice %arg6[%dma_start3A_236, %dma_start3A_237, %dma_start3A_238] : memref<3x16x1024xf32, #tpu.memory_space<vmem>> -> memref<1x16x1024xf32, #tpu.memory_space<vmem>>
    %dma_start3A_240 = tpu.memref_squeeze %dma_start3A_239 : memref<1x16x1024xf32, #tpu.memory_space<vmem>> -> memref<16x1024xf32, #tpu.memory_space<vmem>>
    %dma_start3A_241 = arith.constant 0 : i32
    %dma_start3A_242 = tpu.memref_slice %arg2[%dma_start3A_235, %add3A_234, %dma_start3A_241] : memref<4x2048x1024xf32, #tpu.memory_space<hbm>> -> memref<1x16x1024xf32, #tpu.memory_space<hbm>>
    %dma_start3A_243 = tpu.memref_squeeze %dma_start3A_242 : memref<1x16x1024xf32, #tpu.memory_space<hbm>> -> memref<16x1024xf32, #tpu.memory_space<hbm>>
    %dma_start3A_244 = arith.constant 0 : i32
    %dma_start3A_245 = arith.constant 0 : i32
    %dma_start3A_246 = tpu.memref_slice %arg6[%dma_start3A_236, %dma_start3A_244, %dma_start3A_245] : memref<3x16x1024xf32, #tpu.memory_space<vmem>> -> memref<1x16x1024xf32, #tpu.memory_space<vmem>>
    %dma_start3A_247 = tpu.memref_squeeze %dma_start3A_246 : memref<1x16x1024xf32, #tpu.memory_space<vmem>> -> memref<16x1024xf32, #tpu.memory_space<vmem>>
    %dma_start3A_248 = arith.constant 0 : i32
    %dma_start3A_249 = tpu.memref_slice %arg2[%dma_start3A_235, %add3A_234, %dma_start3A_248] : memref<4x2048x1024xf32, #tpu.memory_space<hbm>> -> memref<1x16x1024xf32, #tpu.memory_space<hbm>>
    %dma_start3A_250 = tpu.memref_squeeze %dma_start3A_249 : memref<1x16x1024xf32, #tpu.memory_space<hbm>> -> memref<16x1024xf32, #tpu.memory_space<hbm>>
    tpu.enqueue_dma source(%dma_start3A_250 : memref<16x1024xf32, #tpu.memory_space<hbm>>) target(%dma_start3A_247 : memref<16x1024xf32, #tpu.memory_space<vmem>>) target_semaphore(%arg9 : memref<!tpu.dma_semaphore, #tpu.memory_space<semaphore_mem>>)
    %add3A_251 = arith.constant 48 : i32
    %add3A_252 = arith.addi %mul3A_2, %add3A_251 : i32
    %dma_wait3A_253 = arith.constant 0 : i32
    %dma_wait3A_254 = arith.constant 0 : i32
    %dma_wait3A_255 = arith.constant 0 : i32
    %dma_wait3A_256 = arith.constant 0 : i32
    %dma_wait3A_257 = tpu.memref_slice %arg6[%dma_wait3A_254, %dma_wait3A_255, %dma_wait3A_256] : memref<3x16x1024xf32, #tpu.memory_space<vmem>> -> memref<1x16x1024xf32, #tpu.memory_space<vmem>>
    %dma_wait3A_258 = tpu.memref_squeeze %dma_wait3A_257 : memref<1x16x1024xf32, #tpu.memory_space<vmem>> -> memref<16x1024xf32, #tpu.memory_space<vmem>>
    %dma_wait3A_259 = arith.constant 0 : i32
    %dma_wait3A_260 = tpu.memref_slice %arg2[%dma_wait3A_253, %add3A_252, %dma_wait3A_259] : memref<4x2048x1024xf32, #tpu.memory_space<hbm>> -> memref<1x16x1024xf32, #tpu.memory_space<hbm>>
    %dma_wait3A_261 = tpu.memref_squeeze %dma_wait3A_260 : memref<1x16x1024xf32, #tpu.memory_space<hbm>> -> memref<16x1024xf32, #tpu.memory_space<hbm>>
    %dma_wait3A_262 = arith.constant 0 : i32
    %dma_wait3A_263 = arith.constant 0 : i32
    %dma_wait3A_264 = tpu.memref_slice %arg6[%dma_wait3A_254, %dma_wait3A_262, %dma_wait3A_263] : memref<3x16x1024xf32, #tpu.memory_space<vmem>> -> memref<1x16x1024xf32, #tpu.memory_space<vmem>>
    %dma_wait3A_265 = tpu.memref_squeeze %dma_wait3A_264 : memref<1x16x1024xf32, #tpu.memory_space<vmem>> -> memref<16x1024xf32, #tpu.memory_space<vmem>>
    %dma_wait3A_266 = arith.constant 0 : i32
    %dma_wait3A_267 = tpu.memref_slice %arg2[%dma_wait3A_253, %add3A_252, %dma_wait3A_266] : memref<4x2048x1024xf32, #tpu.memory_space<hbm>> -> memref<1x16x1024xf32, #tpu.memory_space<hbm>>
    %dma_wait3A_268 = tpu.memref_squeeze %dma_wait3A_267 : memref<1x16x1024xf32, #tpu.memory_space<hbm>> -> memref<16x1024xf32, #tpu.memory_space<hbm>>
    tpu.wait_dma2 semaphore(%arg8 : memref<!tpu.dma_semaphore, #tpu.memory_space<semaphore_mem>>) src(%dma_wait3A_268 : memref<16x1024xf32, #tpu.memory_space<hbm>>) dst(%dma_wait3A_265 : memref<16x1024xf32, #tpu.memory_space<vmem>>)
    %parallel_loop3A_269 = arith.constant 0 : i32
    %parallel_loop3A_270 = arith.constant 1024 : i32
    %parallel_loop3A_271 = arith.constant 1 : i32
    scf.for %parallel_loop3A_1208 = %parallel_loop3A_269 to %parallel_loop3A_270 step %parallel_loop3A_271  : i32 {
      %parallel_loop3A_1209 = arith.constant 64 : i32
      %parallel_loop3A_1210 = arith.divsi %parallel_loop3A_1208, %parallel_loop3A_1209 : i32
      %parallel_loop3A_1211 = arith.constant 0 : i32
      %parallel_loop3A_1212 = arith.cmpi sgt, %parallel_loop3A_1208, %parallel_loop3A_1211 : i32
      %parallel_loop3A_1213 = arith.extui %parallel_loop3A_1212 : i1 to i32
      %parallel_loop3A_1214 = arith.constant 0 : i32
      %parallel_loop3A_1215 = arith.cmpi slt, %parallel_loop3A_1208, %parallel_loop3A_1214 : i32
      %parallel_loop3A_1216 = arith.extui %parallel_loop3A_1215 : i1 to i32
      %parallel_loop3A_1217 = arith.subi %parallel_loop3A_1213, %parallel_loop3A_1216 : i32
      %parallel_loop3A_1218 = arith.constant 0 : i32
      %parallel_loop3A_1219 = arith.cmpi sgt, %parallel_loop3A_1209, %parallel_loop3A_1218 : i32
      %parallel_loop3A_1220 = arith.extui %parallel_loop3A_1219 : i1 to i32
      %parallel_loop3A_1221 = arith.constant 0 : i32
      %parallel_loop3A_1222 = arith.cmpi slt, %parallel_loop3A_1209, %parallel_loop3A_1221 : i32
      %parallel_loop3A_1223 = arith.extui %parallel_loop3A_1222 : i1 to i32
      %parallel_loop3A_1224 = arith.subi %parallel_loop3A_1220, %parallel_loop3A_1223 : i32
      %parallel_loop3A_1225 = arith.cmpi ne, %parallel_loop3A_1217, %parallel_loop3A_1224 : i32
      %parallel_loop3A_1226 = arith.remsi %parallel_loop3A_1208, %parallel_loop3A_1209 : i32
      %parallel_loop3A_1227 = arith.constant 0 : i32
      %parallel_loop3A_1228 = arith.cmpi ne, %parallel_loop3A_1226, %parallel_loop3A_1227 : i32
      %parallel_loop3A_1229 = arith.andi %parallel_loop3A_1225, %parallel_loop3A_1228 : i1
      %parallel_loop3A_1230 = arith.constant 1 : i32
      %parallel_loop3A_1231 = arith.subi %parallel_loop3A_1210, %parallel_loop3A_1230 : i32
      %parallel_loop3A_1232 = arith.select %parallel_loop3A_1229, %parallel_loop3A_1231, %parallel_loop3A_1210 : i32
      %parallel_loop3A_1233 = arith.constant 64 : i32
      %parallel_loop3A_1234 = arith.constant 0 : i32
      %parallel_loop3A_1235 = arith.cmpi eq, %parallel_loop3A_1233, %parallel_loop3A_1234 : i32
      %parallel_loop3A_1236 = arith.constant 1 : i32
      %parallel_loop3A_1237 = arith.select %parallel_loop3A_1235, %parallel_loop3A_1236, %parallel_loop3A_1233 : i32
      %parallel_loop3A_1238 = arith.remsi %parallel_loop3A_1208, %parallel_loop3A_1237 : i32
      %parallel_loop3A_1239 = arith.constant 0 : i32
      %parallel_loop3A_1240 = arith.cmpi ne, %parallel_loop3A_1238, %parallel_loop3A_1239 : i32
      %parallel_loop3A_1241 = arith.constant 0 : i32
      %parallel_loop3A_1242 = arith.cmpi slt, %parallel_loop3A_1238, %parallel_loop3A_1241 : i32
      %parallel_loop3A_1243 = arith.constant 0 : i32
      %parallel_loop3A_1244 = arith.cmpi slt, %parallel_loop3A_1237, %parallel_loop3A_1243 : i32
      %parallel_loop3A_1245 = arith.xori %parallel_loop3A_1242, %parallel_loop3A_1244 : i1
      %parallel_loop3A_1246 = arith.andi %parallel_loop3A_1245, %parallel_loop3A_1240 : i1
      %parallel_loop3A_1247 = arith.addi %parallel_loop3A_1238, %parallel_loop3A_1237 : i32
      %parallel_loop3A_1248 = arith.select %parallel_loop3A_1246, %parallel_loop3A_1247, %parallel_loop3A_1238 : i32
      %parallel_loop3A_1249 = arith.constant 16 : i32
      %parallel_loop3A_1250 = arith.muli %parallel_loop3A_1248, %parallel_loop3A_1249 : i32
      %parallel_loop3A_1251 = arith.constant 0 : i32
      %parallel_loop3A_1252 = arith.index_cast %parallel_loop3A_1251 : i32 to index
      %parallel_loop3A_1253 = arith.index_cast %parallel_loop3A_1232 : i32 to index
      %parallel_loop3A_1254 = arith.index_cast %parallel_loop3A_1250 : i32 to index
      %parallel_loop3A_1255 = tpu.vector_load %arg6[%parallel_loop3A_1252, %parallel_loop3A_1253, %parallel_loop3A_1254] {strides = array<i32>} : memref<3x16x1024xf32, #tpu.memory_space<vmem>>, vector<1x1x16xf32>,
      %parallel_loop3A_1256 = vector.shape_cast %parallel_loop3A_1255 : vector<1x1x16xf32> to vector<16xf32>
      %parallel_loop3A_1257 = arith.constant 48 : i32
      %parallel_loop3A_1258 = arith.addi %parallel_loop3A_1257, %parallel_loop3A_1232 : i32
      %parallel_loop3A_1259 = arith.index_cast %parallel_loop3A_1258 : i32 to index
      %parallel_loop3A_1260 = arith.index_cast %parallel_loop3A_1250 : i32 to index
      %parallel_loop3A_1261 = tpu.vector_load %arg5[%parallel_loop3A_1259, %parallel_loop3A_1260] {strides = array<i32>} : memref<64x1024xf32, #tpu.memory_space<vmem>>, vector<1x16xf32>,
      %parallel_loop3A_1262 = vector.shape_cast %parallel_loop3A_1261 : vector<1x16xf32> to vector<16xf32>
      %parallel_loop3A_1263 = arith.constant 3.125000e-02 : f32
      %parallel_loop3A_1264 = vector.broadcast %parallel_loop3A_1263 : f32 to vector<16xf32>
      %parallel_loop3A_1265 = arith.mulf %parallel_loop3A_1262, %parallel_loop3A_1264 : vector<16xf32>
      %parallel_loop3A_1266 = arith.addf %parallel_loop3A_1256, %parallel_loop3A_1265 : vector<16xf32>
      %parallel_loop3A_1267 = arith.constant 0 : i32
      %parallel_loop3A_1268 = arith.index_cast %parallel_loop3A_1267 : i32 to index
      %parallel_loop3A_1269 = arith.index_cast %parallel_loop3A_1232 : i32 to index
      %parallel_loop3A_1270 = arith.index_cast %parallel_loop3A_1250 : i32 to index
      %parallel_loop3A_1271 = tpu.vector_load %arg6[%parallel_loop3A_1268, %parallel_loop3A_1269, %parallel_loop3A_1270] {strides = array<i32>} : memref<3x16x1024xf32, #tpu.memory_space<vmem>>, vector<1x1x16xf32>,
      %parallel_loop3A_1272 = vector.shape_cast %parallel_loop3A_1271 : vector<1x1x16xf32> to vector<16xf32>
      %parallel_loop3A_1273 = vector.shape_cast %parallel_loop3A_1266 : vector<16xf32> to vector<1x1x16xf32>
      tpu.vector_store %arg6[%parallel_loop3A_1268, %parallel_loop3A_1269, %parallel_loop3A_1270], %parallel_loop3A_1273 {strides = array<i32>} : memref<3x16x1024xf32, #tpu.memory_space<vmem>>, vector<1x1x16xf32>,
    } {sc.loop_unroll_factor = 8 : i64, sc.parallel_access}
    %add3A_272 = arith.constant 48 : i32
    %add3A_273 = arith.addi %mul3A_2, %add3A_272 : i32
    %dma_start3A_274 = arith.constant 0 : i32
    %dma_start3A_275 = arith.constant 0 : i32
    %dma_start3A_276 = arith.constant 0 : i32
    %dma_start3A_277 = arith.constant 0 : i32
    %dma_start3A_278 = tpu.memref_slice %arg6[%dma_start3A_274, %dma_start3A_276, %dma_start3A_277] : memref<3x16x1024xf32, #tpu.memory_space<vmem>> -> memref<1x16x1024xf32, #tpu.memory_space<vmem>>
    %dma_start3A_279 = tpu.memref_squeeze %dma_start3A_278 : memref<1x16x1024xf32, #tpu.memory_space<vmem>> -> memref<16x1024xf32, #tpu.memory_space<vmem>>
    %dma_start3A_280 = arith.constant 0 : i32
    %dma_start3A_281 = tpu.memref_slice %arg4[%dma_start3A_275, %add3A_273, %dma_start3A_280] : memref<4x2048x1024xf32, #tpu.memory_space<hbm>> -> memref<1x16x1024xf32, #tpu.memory_space<hbm>>
    %dma_start3A_282 = tpu.memref_squeeze %dma_start3A_281 : memref<1x16x1024xf32, #tpu.memory_space<hbm>> -> memref<16x1024xf32, #tpu.memory_space<hbm>>
    %dma_start3A_283 = arith.constant 0 : i32
    %dma_start3A_284 = tpu.memref_slice %arg4[%dma_start3A_275, %add3A_273, %dma_start3A_283] : memref<4x2048x1024xf32, #tpu.memory_space<hbm>> -> memref<1x16x1024xf32, #tpu.memory_space<hbm>>
    %dma_start3A_285 = tpu.memref_squeeze %dma_start3A_284 : memref<1x16x1024xf32, #tpu.memory_space<hbm>> -> memref<16x1024xf32, #tpu.memory_space<hbm>>
    %dma_start3A_286 = arith.constant 0 : i32
    %dma_start3A_287 = arith.constant 0 : i32
    %dma_start3A_288 = tpu.memref_slice %arg6[%dma_start3A_274, %dma_start3A_286, %dma_start3A_287] : memref<3x16x1024xf32, #tpu.memory_space<vmem>> -> memref<1x16x1024xf32, #tpu.memory_space<vmem>>
    %dma_start3A_289 = tpu.memref_squeeze %dma_start3A_288 : memref<1x16x1024xf32, #tpu.memory_space<vmem>> -> memref<16x1024xf32, #tpu.memory_space<vmem>>
    tpu.enqueue_dma source(%dma_start3A_289 : memref<16x1024xf32, #tpu.memory_space<vmem>>) target(%dma_start3A_285 : memref<16x1024xf32, #tpu.memory_space<hbm>>) target_semaphore(%arg11 : memref<!tpu.dma_semaphore, #tpu.memory_space<semaphore_mem>>)
    %add3A_290 = arith.constant 32 : i32
    %add3A_291 = arith.addi %mul3A_2, %add3A_290 : i32
    %dma_wait3A_292 = arith.constant 2 : i32
    %dma_wait3A_293 = arith.constant 0 : i32
    %dma_wait3A_294 = arith.constant 0 : i32
    %dma_wait3A_295 = arith.constant 0 : i32
    %dma_wait3A_296 = tpu.memref_slice %arg6[%dma_wait3A_292, %dma_wait3A_294, %dma_wait3A_295] : memref<3x16x1024xf32, #tpu.memory_space<vmem>> -> memref<1x16x1024xf32, #tpu.memory_space<vmem>>
    %dma_wait3A_297 = tpu.memref_squeeze %dma_wait3A_296 : memref<1x16x1024xf32, #tpu.memory_space<vmem>> -> memref<16x1024xf32, #tpu.memory_space<vmem>>
    %dma_wait3A_298 = arith.constant 0 : i32
    %dma_wait3A_299 = tpu.memref_slice %arg4[%dma_wait3A_293, %add3A_291, %dma_wait3A_298] : memref<4x2048x1024xf32, #tpu.memory_space<hbm>> -> memref<1x16x1024xf32, #tpu.memory_space<hbm>>
    %dma_wait3A_300 = tpu.memref_squeeze %dma_wait3A_299 : memref<1x16x1024xf32, #tpu.memory_space<hbm>> -> memref<16x1024xf32, #tpu.memory_space<hbm>>
    %dma_wait3A_301 = arith.constant 0 : i32
    %dma_wait3A_302 = tpu.memref_slice %arg4[%dma_wait3A_293, %add3A_291, %dma_wait3A_301] : memref<4x2048x1024xf32, #tpu.memory_space<hbm>> -> memref<1x16x1024xf32, #tpu.memory_space<hbm>>
    %dma_wait3A_303 = tpu.memref_squeeze %dma_wait3A_302 : memref<1x16x1024xf32, #tpu.memory_space<hbm>> -> memref<16x1024xf32, #tpu.memory_space<hbm>>
    %dma_wait3A_304 = arith.constant 0 : i32
    %dma_wait3A_305 = arith.constant 0 : i32
    %dma_wait3A_306 = tpu.memref_slice %arg6[%dma_wait3A_292, %dma_wait3A_304, %dma_wait3A_305] : memref<3x16x1024xf32, #tpu.memory_space<vmem>> -> memref<1x16x1024xf32, #tpu.memory_space<vmem>>
    %dma_wait3A_307 = tpu.memref_squeeze %dma_wait3A_306 : memref<1x16x1024xf32, #tpu.memory_space<vmem>> -> memref<16x1024xf32, #tpu.memory_space<vmem>>
    tpu.wait_dma2 semaphore(%arg13 : memref<!tpu.dma_semaphore, #tpu.memory_space<semaphore_mem>>) src(%dma_wait3A_307 : memref<16x1024xf32, #tpu.memory_space<vmem>>) dst(%dma_wait3A_303 : memref<16x1024xf32, #tpu.memory_space<hbm>>)
    %add3A_308 = arith.constant 16 : i32
    %add3A_309 = arith.addi %mul3A_2, %add3A_308 : i32
    %dma_start3A_310 = arith.constant 1 : i32
    %dma_start3A_311 = arith.constant 2 : i32
    %dma_start3A_312 = arith.constant 0 : i32
    %dma_start3A_313 = arith.constant 0 : i32
    %dma_start3A_314 = tpu.memref_slice %arg6[%dma_start3A_311, %dma_start3A_312, %dma_start3A_313] : memref<3x16x1024xf32, #tpu.memory_space<vmem>> -> memref<1x16x1024xf32, #tpu.memory_space<vmem>>
    %dma_start3A_315 = tpu.memref_squeeze %dma_start3A_314 : memref<1x16x1024xf32, #tpu.memory_space<vmem>> -> memref<16x1024xf32, #tpu.memory_space<vmem>>
    %dma_start3A_316 = arith.constant 0 : i32
    %dma_start3A_317 = tpu.memref_slice %arg2[%dma_start3A_310, %add3A_309, %dma_start3A_316] : memref<4x2048x1024xf32, #tpu.memory_space<hbm>> -> memref<1x16x1024xf32, #tpu.memory_space<hbm>>
    %dma_start3A_318 = tpu.memref_squeeze %dma_start3A_317 : memref<1x16x1024xf32, #tpu.memory_space<hbm>> -> memref<16x1024xf32, #tpu.memory_space<hbm>>
    %dma_start3A_319 = arith.constant 0 : i32
    %dma_start3A_320 = arith.constant 0 : i32
    %dma_start3A_321 = tpu.memref_slice %arg6[%dma_start3A_311, %dma_start3A_319, %dma_start3A_320] : memref<3x16x1024xf32, #tpu.memory_space<vmem>> -> memref<1x16x1024xf32, #tpu.memory_space<vmem>>
    %dma_start3A_322 = tpu.memref_squeeze %dma_start3A_321 : memref<1x16x1024xf32, #tpu.memory_space<vmem>> -> memref<16x1024xf32, #tpu.memory_space<vmem>>
    %dma_start3A_323 = arith.constant 0 : i32
    %dma_start3A_324 = tpu.memref_slice %arg2[%dma_start3A_310, %add3A_309, %dma_start3A_323] : memref<4x2048x1024xf32, #tpu.memory_space<hbm>> -> memref<1x16x1024xf32, #tpu.memory_space<hbm>>
    %dma_start3A_325 = tpu.memref_squeeze %dma_start3A_324 : memref<1x16x1024xf32, #tpu.memory_space<hbm>> -> memref<16x1024xf32, #tpu.memory_space<hbm>>
    tpu.enqueue_dma source(%dma_start3A_325 : memref<16x1024xf32, #tpu.memory_space<hbm>>) target(%dma_start3A_322 : memref<16x1024xf32, #tpu.memory_space<vmem>>) target_semaphore(%arg10 : memref<!tpu.dma_semaphore, #tpu.memory_space<semaphore_mem>>)
    %add3A_326 = arith.constant 0 : i32
    %add3A_327 = arith.addi %mul3A_2, %add3A_326 : i32
    %dma_wait3A_328 = arith.constant 1 : i32
    %dma_wait3A_329 = arith.constant 1 : i32
    %dma_wait3A_330 = arith.constant 0 : i32
    %dma_wait3A_331 = arith.constant 0 : i32
    %dma_wait3A_332 = tpu.memref_slice %arg6[%dma_wait3A_329, %dma_wait3A_330, %dma_wait3A_331] : memref<3x16x1024xf32, #tpu.memory_space<vmem>> -> memref<1x16x1024xf32, #tpu.memory_space<vmem>>
    %dma_wait3A_333 = tpu.memref_squeeze %dma_wait3A_332 : memref<1x16x1024xf32, #tpu.memory_space<vmem>> -> memref<16x1024xf32, #tpu.memory_space<vmem>>
    %dma_wait3A_334 = arith.constant 0 : i32
    %dma_wait3A_335 = tpu.memref_slice %arg2[%dma_wait3A_328, %add3A_327, %dma_wait3A_334] : memref<4x2048x1024xf32, #tpu.memory_space<hbm>> -> memref<1x16x1024xf32, #tpu.memory_space<hbm>>
    %dma_wait3A_336 = tpu.memref_squeeze %dma_wait3A_335 : memref<1x16x1024xf32, #tpu.memory_space<hbm>> -> memref<16x1024xf32, #tpu.memory_space<hbm>>
    %dma_wait3A_337 = arith.constant 0 : i32
    %dma_wait3A_338 = arith.constant 0 : i32
    %dma_wait3A_339 = tpu.memref_slice %arg6[%dma_wait3A_329, %dma_wait3A_337, %dma_wait3A_338] : memref<3x16x1024xf32, #tpu.memory_space<vmem>> -> memref<1x16x1024xf32, #tpu.memory_space<vmem>>
    %dma_wait3A_340 = tpu.memref_squeeze %dma_wait3A_339 : memref<1x16x1024xf32, #tpu.memory_space<vmem>> -> memref<16x1024xf32, #tpu.memory_space<vmem>>
    %dma_wait3A_341 = arith.constant 0 : i32
    %dma_wait3A_342 = tpu.memref_slice %arg2[%dma_wait3A_328, %add3A_327, %dma_wait3A_341] : memref<4x2048x1024xf32, #tpu.memory_space<hbm>> -> memref<1x16x1024xf32, #tpu.memory_space<hbm>>
    %dma_wait3A_343 = tpu.memref_squeeze %dma_wait3A_342 : memref<1x16x1024xf32, #tpu.memory_space<hbm>> -> memref<16x1024xf32, #tpu.memory_space<hbm>>
    tpu.wait_dma2 semaphore(%arg9 : memref<!tpu.dma_semaphore, #tpu.memory_space<semaphore_mem>>) src(%dma_wait3A_343 : memref<16x1024xf32, #tpu.memory_space<hbm>>) dst(%dma_wait3A_340 : memref<16x1024xf32, #tpu.memory_space<vmem>>)
    %parallel_loop3A_344 = arith.constant 0 : i32
    %parallel_loop3A_345 = arith.constant 1024 : i32
    %parallel_loop3A_346 = arith.constant 1 : i32
    scf.for %parallel_loop3A_1208 = %parallel_loop3A_344 to %parallel_loop3A_345 step %parallel_loop3A_346  : i32 {
      %parallel_loop3A_1209 = arith.constant 64 : i32
      %parallel_loop3A_1210 = arith.divsi %parallel_loop3A_1208, %parallel_loop3A_1209 : i32
      %parallel_loop3A_1211 = arith.constant 0 : i32
      %parallel_loop3A_1212 = arith.cmpi sgt, %parallel_loop3A_1208, %parallel_loop3A_1211 : i32
      %parallel_loop3A_1213 = arith.extui %parallel_loop3A_1212 : i1 to i32
      %parallel_loop3A_1214 = arith.constant 0 : i32
      %parallel_loop3A_1215 = arith.cmpi slt, %parallel_loop3A_1208, %parallel_loop3A_1214 : i32
      %parallel_loop3A_1216 = arith.extui %parallel_loop3A_1215 : i1 to i32
      %parallel_loop3A_1217 = arith.subi %parallel_loop3A_1213, %parallel_loop3A_1216 : i32
      %parallel_loop3A_1218 = arith.constant 0 : i32
      %parallel_loop3A_1219 = arith.cmpi sgt, %parallel_loop3A_1209, %parallel_loop3A_1218 : i32
      %parallel_loop3A_1220 = arith.extui %parallel_loop3A_1219 : i1 to i32
      %parallel_loop3A_1221 = arith.constant 0 : i32
      %parallel_loop3A_1222 = arith.cmpi slt, %parallel_loop3A_1209, %parallel_loop3A_1221 : i32
      %parallel_loop3A_1223 = arith.extui %parallel_loop3A_1222 : i1 to i32
      %parallel_loop3A_1224 = arith.subi %parallel_loop3A_1220, %parallel_loop3A_1223 : i32
      %parallel_loop3A_1225 = arith.cmpi ne, %parallel_loop3A_1217, %parallel_loop3A_1224 : i32
      %parallel_loop3A_1226 = arith.remsi %parallel_loop3A_1208, %parallel_loop3A_1209 : i32
      %parallel_loop3A_1227 = arith.constant 0 : i32
      %parallel_loop3A_1228 = arith.cmpi ne, %parallel_loop3A_1226, %parallel_loop3A_1227 : i32
      %parallel_loop3A_1229 = arith.andi %parallel_loop3A_1225, %parallel_loop3A_1228 : i1
      %parallel_loop3A_1230 = arith.constant 1 : i32
      %parallel_loop3A_1231 = arith.subi %parallel_loop3A_1210, %parallel_loop3A_1230 : i32
      %parallel_loop3A_1232 = arith.select %parallel_loop3A_1229, %parallel_loop3A_1231, %parallel_loop3A_1210 : i32
      %parallel_loop3A_1233 = arith.constant 64 : i32
      %parallel_loop3A_1234 = arith.constant 0 : i32
      %parallel_loop3A_1235 = arith.cmpi eq, %parallel_loop3A_1233, %parallel_loop3A_1234 : i32
      %parallel_loop3A_1236 = arith.constant 1 : i32
      %parallel_loop3A_1237 = arith.select %parallel_loop3A_1235, %parallel_loop3A_1236, %parallel_loop3A_1233 : i32
      %parallel_loop3A_1238 = arith.remsi %parallel_loop3A_1208, %parallel_loop3A_1237 : i32
      %parallel_loop3A_1239 = arith.constant 0 : i32
      %parallel_loop3A_1240 = arith.cmpi ne, %parallel_loop3A_1238, %parallel_loop3A_1239 : i32
      %parallel_loop3A_1241 = arith.constant 0 : i32
      %parallel_loop3A_1242 = arith.cmpi slt, %parallel_loop3A_1238, %parallel_loop3A_1241 : i32
      %parallel_loop3A_1243 = arith.constant 0 : i32
      %parallel_loop3A_1244 = arith.cmpi slt, %parallel_loop3A_1237, %parallel_loop3A_1243 : i32
      %parallel_loop3A_1245 = arith.xori %parallel_loop3A_1242, %parallel_loop3A_1244 : i1
      %parallel_loop3A_1246 = arith.andi %parallel_loop3A_1245, %parallel_loop3A_1240 : i1
      %parallel_loop3A_1247 = arith.addi %parallel_loop3A_1238, %parallel_loop3A_1237 : i32
      %parallel_loop3A_1248 = arith.select %parallel_loop3A_1246, %parallel_loop3A_1247, %parallel_loop3A_1238 : i32
      %parallel_loop3A_1249 = arith.constant 16 : i32
      %parallel_loop3A_1250 = arith.muli %parallel_loop3A_1248, %parallel_loop3A_1249 : i32
      %parallel_loop3A_1251 = arith.constant 1 : i32
      %parallel_loop3A_1252 = arith.index_cast %parallel_loop3A_1251 : i32 to index
      %parallel_loop3A_1253 = arith.index_cast %parallel_loop3A_1232 : i32 to index
      %parallel_loop3A_1254 = arith.index_cast %parallel_loop3A_1250 : i32 to index
      %parallel_loop3A_1255 = tpu.vector_load %arg6[%parallel_loop3A_1252, %parallel_loop3A_1253, %parallel_loop3A_1254] {strides = array<i32>} : memref<3x16x1024xf32, #tpu.memory_space<vmem>>, vector<1x1x16xf32>,
      %parallel_loop3A_1256 = vector.shape_cast %parallel_loop3A_1255 : vector<1x1x16xf32> to vector<16xf32>
      %parallel_loop3A_1257 = arith.constant 0 : i32
      %parallel_loop3A_1258 = arith.addi %parallel_loop3A_1257, %parallel_loop3A_1232 : i32
      %parallel_loop3A_1259 = arith.index_cast %parallel_loop3A_1258 : i32 to index
      %parallel_loop3A_1260 = arith.index_cast %parallel_loop3A_1250 : i32 to index
      %parallel_loop3A_1261 = tpu.vector_load %arg5[%parallel_loop3A_1259, %parallel_loop3A_1260] {strides = array<i32>} : memref<64x1024xf32, #tpu.memory_space<vmem>>, vector<1x16xf32>,
      %parallel_loop3A_1262 = vector.shape_cast %parallel_loop3A_1261 : vector<1x16xf32> to vector<16xf32>
      %parallel_loop3A_1263 = arith.constant 3.125000e-02 : f32
      %parallel_loop3A_1264 = vector.broadcast %parallel_loop3A_1263 : f32 to vector<16xf32>
      %parallel_loop3A_1265 = arith.mulf %parallel_loop3A_1262, %parallel_loop3A_1264 : vector<16xf32>
      %parallel_loop3A_1266 = arith.addf %parallel_loop3A_1256, %parallel_loop3A_1265 : vector<16xf32>
      %parallel_loop3A_1267 = arith.constant 1 : i32
      %parallel_loop3A_1268 = arith.index_cast %parallel_loop3A_1267 : i32 to index
      %parallel_loop3A_1269 = arith.index_cast %parallel_loop3A_1232 : i32 to index
      %parallel_loop3A_1270 = arith.index_cast %parallel_loop3A_1250 : i32 to index
      %parallel_loop3A_1271 = tpu.vector_load %arg6[%parallel_loop3A_1268, %parallel_loop3A_1269, %parallel_loop3A_1270] {strides = array<i32>} : memref<3x16x1024xf32, #tpu.memory_space<vmem>>, vector<1x1x16xf32>,
      %parallel_loop3A_1272 = vector.shape_cast %parallel_loop3A_1271 : vector<1x1x16xf32> to vector<16xf32>
      %parallel_loop3A_1273 = vector.shape_cast %parallel_loop3A_1266 : vector<16xf32> to vector<1x1x16xf32>
      tpu.vector_store %arg6[%parallel_loop3A_1268, %parallel_loop3A_1269, %parallel_loop3A_1270], %parallel_loop3A_1273 {strides = array<i32>} : memref<3x16x1024xf32, #tpu.memory_space<vmem>>, vector<1x1x16xf32>,
    } {sc.loop_unroll_factor = 8 : i64, sc.parallel_access}
    %add3A_347 = arith.constant 0 : i32
    %add3A_348 = arith.addi %mul3A_2, %add3A_347 : i32
    %dma_start3A_349 = arith.constant 1 : i32
    %dma_start3A_350 = arith.constant 1 : i32
    %dma_start3A_351 = arith.constant 0 : i32
    %dma_start3A_352 = arith.constant 0 : i32
    %dma_start3A_353 = tpu.memref_slice %arg6[%dma_start3A_349, %dma_start3A_351, %dma_start3A_352] : memref<3x16x1024xf32, #tpu.memory_space<vmem>> -> memref<1x16x1024xf32, #tpu.memory_space<vmem>>
    %dma_start3A_354 = tpu.memref_squeeze %dma_start3A_353 : memref<1x16x1024xf32, #tpu.memory_space<vmem>> -> memref<16x1024xf32, #tpu.memory_space<vmem>>
    %dma_start3A_355 = arith.constant 0 : i32
    %dma_start3A_356 = tpu.memref_slice %arg4[%dma_start3A_350, %add3A_348, %dma_start3A_355] : memref<4x2048x1024xf32, #tpu.memory_space<hbm>> -> memref<1x16x1024xf32, #tpu.memory_space<hbm>>
    %dma_start3A_357 = tpu.memref_squeeze %dma_start3A_356 : memref<1x16x1024xf32, #tpu.memory_space<hbm>> -> memref<16x1024xf32, #tpu.memory_space<hbm>>
    %dma_start3A_358 = arith.constant 0 : i32
    %dma_start3A_359 = tpu.memref_slice %arg4[%dma_start3A_350, %add3A_348, %dma_start3A_358] : memref<4x2048x1024xf32, #tpu.memory_space<hbm>> -> memref<1x16x1024xf32, #tpu.memory_space<hbm>>
    %dma_start3A_360 = tpu.memref_squeeze %dma_start3A_359 : memref<1x16x1024xf32, #tpu.memory_space<hbm>> -> memref<16x1024xf32, #tpu.memory_space<hbm>>
    %dma_start3A_361 = arith.constant 0 : i32
    %dma_start3A_362 = arith.constant 0 : i32
    %dma_start3A_363 = tpu.memref_slice %arg6[%dma_start3A_349, %dma_start3A_361, %dma_start3A_362] : memref<3x16x1024xf32, #tpu.memory_space<vmem>> -> memref<1x16x1024xf32, #tpu.memory_space<vmem>>
    %dma_start3A_364 = tpu.memref_squeeze %dma_start3A_363 : memref<1x16x1024xf32, #tpu.memory_space<vmem>> -> memref<16x1024xf32, #tpu.memory_space<vmem>>
    tpu.enqueue_dma source(%dma_start3A_364 : memref<16x1024xf32, #tpu.memory_space<vmem>>) target(%dma_start3A_360 : memref<16x1024xf32, #tpu.memory_space<hbm>>) target_semaphore(%arg12 : memref<!tpu.dma_semaphore, #tpu.memory_space<semaphore_mem>>)
    %add3A_365 = arith.constant 48 : i32
    %add3A_366 = arith.addi %mul3A_2, %add3A_365 : i32
    %dma_wait3A_367 = arith.constant 0 : i32
    %dma_wait3A_368 = arith.constant 0 : i32
    %dma_wait3A_369 = arith.constant 0 : i32
    %dma_wait3A_370 = arith.constant 0 : i32
    %dma_wait3A_371 = tpu.memref_slice %arg6[%dma_wait3A_367, %dma_wait3A_369, %dma_wait3A_370] : memref<3x16x1024xf32, #tpu.memory_space<vmem>> -> memref<1x16x1024xf32, #tpu.memory_space<vmem>>
    %dma_wait3A_372 = tpu.memref_squeeze %dma_wait3A_371 : memref<1x16x1024xf32, #tpu.memory_space<vmem>> -> memref<16x1024xf32, #tpu.memory_space<vmem>>
    %dma_wait3A_373 = arith.constant 0 : i32
    %dma_wait3A_374 = tpu.memref_slice %arg4[%dma_wait3A_368, %add3A_366, %dma_wait3A_373] : memref<4x2048x1024xf32, #tpu.memory_space<hbm>> -> memref<1x16x1024xf32, #tpu.memory_space<hbm>>
    %dma_wait3A_375 = tpu.memref_squeeze %dma_wait3A_374 : memref<1x16x1024xf32, #tpu.memory_space<hbm>> -> memref<16x1024xf32, #tpu.memory_space<hbm>>
    %dma_wait3A_376 = arith.constant 0 : i32
    %dma_wait3A_377 = tpu.memref_slice %arg4[%dma_wait3A_368, %add3A_366, %dma_wait3A_376] : memref<4x2048x1024xf32, #tpu.memory_space<hbm>> -> memref<1x16x1024xf32, #tpu.memory_space<hbm>>
    %dma_wait3A_378 = tpu.memref_squeeze %dma_wait3A_377 : memref<1x16x1024xf32, #tpu.memory_space<hbm>> -> memref<16x1024xf32, #tpu.memory_space<hbm>>
    %dma_wait3A_379 = arith.constant 0 : i32
    %dma_wait3A_380 = arith.constant 0 : i32
    %dma_wait3A_381 = tpu.memref_slice %arg6[%dma_wait3A_367, %dma_wait3A_379, %dma_wait3A_380] : memref<3x16x1024xf32, #tpu.memory_space<vmem>> -> memref<1x16x1024xf32, #tpu.memory_space<vmem>>
    %dma_wait3A_382 = tpu.memref_squeeze %dma_wait3A_381 : memref<1x16x1024xf32, #tpu.memory_space<vmem>> -> memref<16x1024xf32, #tpu.memory_space<vmem>>
    tpu.wait_dma2 semaphore(%arg11 : memref<!tpu.dma_semaphore, #tpu.memory_space<semaphore_mem>>) src(%dma_wait3A_382 : memref<16x1024xf32, #tpu.memory_space<vmem>>) dst(%dma_wait3A_378 : memref<16x1024xf32, #tpu.memory_space<hbm>>)
    %add3A_383 = arith.constant 32 : i32
    %add3A_384 = arith.addi %mul3A_2, %add3A_383 : i32
    %dma_start3A_385 = arith.constant 1 : i32
    %dma_start3A_386 = arith.constant 0 : i32
    %dma_start3A_387 = arith.constant 0 : i32
    %dma_start3A_388 = arith.constant 0 : i32
    %dma_start3A_389 = tpu.memref_slice %arg6[%dma_start3A_386, %dma_start3A_387, %dma_start3A_388] : memref<3x16x1024xf32, #tpu.memory_space<vmem>> -> memref<1x16x1024xf32, #tpu.memory_space<vmem>>
    %dma_start3A_390 = tpu.memref_squeeze %dma_start3A_389 : memref<1x16x1024xf32, #tpu.memory_space<vmem>> -> memref<16x1024xf32, #tpu.memory_space<vmem>>
    %dma_start3A_391 = arith.constant 0 : i32
    %dma_start3A_392 = tpu.memref_slice %arg2[%dma_start3A_385, %add3A_384, %dma_start3A_391] : memref<4x2048x1024xf32, #tpu.memory_space<hbm>> -> memref<1x16x1024xf32, #tpu.memory_space<hbm>>
    %dma_start3A_393 = tpu.memref_squeeze %dma_start3A_392 : memref<1x16x1024xf32, #tpu.memory_space<hbm>> -> memref<16x1024xf32, #tpu.memory_space<hbm>>
    %dma_start3A_394 = arith.constant 0 : i32
    %dma_start3A_395 = arith.constant 0 : i32
    %dma_start3A_396 = tpu.memref_slice %arg6[%dma_start3A_386, %dma_start3A_394, %dma_start3A_395] : memref<3x16x1024xf32, #tpu.memory_space<vmem>> -> memref<1x16x1024xf32, #tpu.memory_space<vmem>>
    %dma_start3A_397 = tpu.memref_squeeze %dma_start3A_396 : memref<1x16x1024xf32, #tpu.memory_space<vmem>> -> memref<16x1024xf32, #tpu.memory_space<vmem>>
    %dma_start3A_398 = arith.constant 0 : i32
    %dma_start3A_399 = tpu.memref_slice %arg2[%dma_start3A_385, %add3A_384, %dma_start3A_398] : memref<4x2048x1024xf32, #tpu.memory_space<hbm>> -> memref<1x16x1024xf32, #tpu.memory_space<hbm>>
    %dma_start3A_400 = tpu.memref_squeeze %dma_start3A_399 : memref<1x16x1024xf32, #tpu.memory_space<hbm>> -> memref<16x1024xf32, #tpu.memory_space<hbm>>
    tpu.enqueue_dma source(%dma_start3A_400 : memref<16x1024xf32, #tpu.memory_space<hbm>>) target(%dma_start3A_397 : memref<16x1024xf32, #tpu.memory_space<vmem>>) target_semaphore(%arg8 : memref<!tpu.dma_semaphore, #tpu.memory_space<semaphore_mem>>)
    %add3A_401 = arith.constant 16 : i32
    %add3A_402 = arith.addi %mul3A_2, %add3A_401 : i32
    %dma_wait3A_403 = arith.constant 1 : i32
    %dma_wait3A_404 = arith.constant 2 : i32
    %dma_wait3A_405 = arith.constant 0 : i32
    %dma_wait3A_406 = arith.constant 0 : i32
    %dma_wait3A_407 = tpu.memref_slice %arg6[%dma_wait3A_404, %dma_wait3A_405, %dma_wait3A_406] : memref<3x16x1024xf32, #tpu.memory_space<vmem>> -> memref<1x16x1024xf32, #tpu.memory_space<vmem>>
    %dma_wait3A_408 = tpu.memref_squeeze %dma_wait3A_407 : memref<1x16x1024xf32, #tpu.memory_space<vmem>> -> memref<16x1024xf32, #tpu.memory_space<vmem>>
    %dma_wait3A_409 = arith.constant 0 : i32
    %dma_wait3A_410 = tpu.memref_slice %arg2[%dma_wait3A_403, %add3A_402, %dma_wait3A_409] : memref<4x2048x1024xf32, #tpu.memory_space<hbm>> -> memref<1x16x1024xf32, #tpu.memory_space<hbm>>
    %dma_wait3A_411 = tpu.memref_squeeze %dma_wait3A_410 : memref<1x16x1024xf32, #tpu.memory_space<hbm>> -> memref<16x1024xf32, #tpu.memory_space<hbm>>
    %dma_wait3A_412 = arith.constant 0 : i32
    %dma_wait3A_413 = arith.constant 0 : i32
    %dma_wait3A_414 = tpu.memref_slice %arg6[%dma_wait3A_404, %dma_wait3A_412, %dma_wait3A_413] : memref<3x16x1024xf32, #tpu.memory_space<vmem>> -> memref<1x16x1024xf32, #tpu.memory_space<vmem>>
    %dma_wait3A_415 = tpu.memref_squeeze %dma_wait3A_414 : memref<1x16x1024xf32, #tpu.memory_space<vmem>> -> memref<16x1024xf32, #tpu.memory_space<vmem>>
    %dma_wait3A_416 = arith.constant 0 : i32
    %dma_wait3A_417 = tpu.memref_slice %arg2[%dma_wait3A_403, %add3A_402, %dma_wait3A_416] : memref<4x2048x1024xf32, #tpu.memory_space<hbm>> -> memref<1x16x1024xf32, #tpu.memory_space<hbm>>
    %dma_wait3A_418 = tpu.memref_squeeze %dma_wait3A_417 : memref<1x16x1024xf32, #tpu.memory_space<hbm>> -> memref<16x1024xf32, #tpu.memory_space<hbm>>
    tpu.wait_dma2 semaphore(%arg10 : memref<!tpu.dma_semaphore, #tpu.memory_space<semaphore_mem>>) src(%dma_wait3A_418 : memref<16x1024xf32, #tpu.memory_space<hbm>>) dst(%dma_wait3A_415 : memref<16x1024xf32, #tpu.memory_space<vmem>>)
    %parallel_loop3A_419 = arith.constant 0 : i32
    %parallel_loop3A_420 = arith.constant 1024 : i32
    %parallel_loop3A_421 = arith.constant 1 : i32
    scf.for %parallel_loop3A_1208 = %parallel_loop3A_419 to %parallel_loop3A_420 step %parallel_loop3A_421  : i32 {
      %parallel_loop3A_1209 = arith.constant 64 : i32
      %parallel_loop3A_1210 = arith.divsi %parallel_loop3A_1208, %parallel_loop3A_1209 : i32
      %parallel_loop3A_1211 = arith.constant 0 : i32
      %parallel_loop3A_1212 = arith.cmpi sgt, %parallel_loop3A_1208, %parallel_loop3A_1211 : i32
      %parallel_loop3A_1213 = arith.extui %parallel_loop3A_1212 : i1 to i32
      %parallel_loop3A_1214 = arith.constant 0 : i32
      %parallel_loop3A_1215 = arith.cmpi slt, %parallel_loop3A_1208, %parallel_loop3A_1214 : i32
      %parallel_loop3A_1216 = arith.extui %parallel_loop3A_1215 : i1 to i32
      %parallel_loop3A_1217 = arith.subi %parallel_loop3A_1213, %parallel_loop3A_1216 : i32
      %parallel_loop3A_1218 = arith.constant 0 : i32
      %parallel_loop3A_1219 = arith.cmpi sgt, %parallel_loop3A_1209, %parallel_loop3A_1218 : i32
      %parallel_loop3A_1220 = arith.extui %parallel_loop3A_1219 : i1 to i32
      %parallel_loop3A_1221 = arith.constant 0 : i32
      %parallel_loop3A_1222 = arith.cmpi slt, %parallel_loop3A_1209, %parallel_loop3A_1221 : i32
      %parallel_loop3A_1223 = arith.extui %parallel_loop3A_1222 : i1 to i32
      %parallel_loop3A_1224 = arith.subi %parallel_loop3A_1220, %parallel_loop3A_1223 : i32
      %parallel_loop3A_1225 = arith.cmpi ne, %parallel_loop3A_1217, %parallel_loop3A_1224 : i32
      %parallel_loop3A_1226 = arith.remsi %parallel_loop3A_1208, %parallel_loop3A_1209 : i32
      %parallel_loop3A_1227 = arith.constant 0 : i32
      %parallel_loop3A_1228 = arith.cmpi ne, %parallel_loop3A_1226, %parallel_loop3A_1227 : i32
      %parallel_loop3A_1229 = arith.andi %parallel_loop3A_1225, %parallel_loop3A_1228 : i1
      %parallel_loop3A_1230 = arith.constant 1 : i32
      %parallel_loop3A_1231 = arith.subi %parallel_loop3A_1210, %parallel_loop3A_1230 : i32
      %parallel_loop3A_1232 = arith.select %parallel_loop3A_1229, %parallel_loop3A_1231, %parallel_loop3A_1210 : i32
      %parallel_loop3A_1233 = arith.constant 64 : i32
      %parallel_loop3A_1234 = arith.constant 0 : i32
      %parallel_loop3A_1235 = arith.cmpi eq, %parallel_loop3A_1233, %parallel_loop3A_1234 : i32
      %parallel_loop3A_1236 = arith.constant 1 : i32
      %parallel_loop3A_1237 = arith.select %parallel_loop3A_1235, %parallel_loop3A_1236, %parallel_loop3A_1233 : i32
      %parallel_loop3A_1238 = arith.remsi %parallel_loop3A_1208, %parallel_loop3A_1237 : i32
      %parallel_loop3A_1239 = arith.constant 0 : i32
      %parallel_loop3A_1240 = arith.cmpi ne, %parallel_loop3A_1238, %parallel_loop3A_1239 : i32
      %parallel_loop3A_1241 = arith.constant 0 : i32
      %parallel_loop3A_1242 = arith.cmpi slt, %parallel_loop3A_1238, %parallel_loop3A_1241 : i32
      %parallel_loop3A_1243 = arith.constant 0 : i32
      %parallel_loop3A_1244 = arith.cmpi slt, %parallel_loop3A_1237, %parallel_loop3A_1243 : i32
      %parallel_loop3A_1245 = arith.xori %parallel_loop3A_1242, %parallel_loop3A_1244 : i1
      %parallel_loop3A_1246 = arith.andi %parallel_loop3A_1245, %parallel_loop3A_1240 : i1
      %parallel_loop3A_1247 = arith.addi %parallel_loop3A_1238, %parallel_loop3A_1237 : i32
      %parallel_loop3A_1248 = arith.select %parallel_loop3A_1246, %parallel_loop3A_1247, %parallel_loop3A_1238 : i32
      %parallel_loop3A_1249 = arith.constant 16 : i32
      %parallel_loop3A_1250 = arith.muli %parallel_loop3A_1248, %parallel_loop3A_1249 : i32
      %parallel_loop3A_1251 = arith.constant 2 : i32
      %parallel_loop3A_1252 = arith.index_cast %parallel_loop3A_1251 : i32 to index
      %parallel_loop3A_1253 = arith.index_cast %parallel_loop3A_1232 : i32 to index
      %parallel_loop3A_1254 = arith.index_cast %parallel_loop3A_1250 : i32 to index
      %parallel_loop3A_1255 = tpu.vector_load %arg6[%parallel_loop3A_1252, %parallel_loop3A_1253, %parallel_loop3A_1254] {strides = array<i32>} : memref<3x16x1024xf32, #tpu.memory_space<vmem>>, vector<1x1x16xf32>,
      %parallel_loop3A_1256 = vector.shape_cast %parallel_loop3A_1255 : vector<1x1x16xf32> to vector<16xf32>
      %parallel_loop3A_1257 = arith.constant 16 : i32
      %parallel_loop3A_1258 = arith.addi %parallel_loop3A_1257, %parallel_loop3A_1232 : i32
      %parallel_loop3A_1259 = arith.index_cast %parallel_loop3A_1258 : i32 to index
      %parallel_loop3A_1260 = arith.index_cast %parallel_loop3A_1250 : i32 to index
      %parallel_loop3A_1261 = tpu.vector_load %arg5[%parallel_loop3A_1259, %parallel_loop3A_1260] {strides = array<i32>} : memref<64x1024xf32, #tpu.memory_space<vmem>>, vector<1x16xf32>,
      %parallel_loop3A_1262 = vector.shape_cast %parallel_loop3A_1261 : vector<1x16xf32> to vector<16xf32>
      %parallel_loop3A_1263 = arith.constant 3.125000e-02 : f32
      %parallel_loop3A_1264 = vector.broadcast %parallel_loop3A_1263 : f32 to vector<16xf32>
      %parallel_loop3A_1265 = arith.mulf %parallel_loop3A_1262, %parallel_loop3A_1264 : vector<16xf32>
      %parallel_loop3A_1266 = arith.addf %parallel_loop3A_1256, %parallel_loop3A_1265 : vector<16xf32>
      %parallel_loop3A_1267 = arith.constant 2 : i32
      %parallel_loop3A_1268 = arith.index_cast %parallel_loop3A_1267 : i32 to index
      %parallel_loop3A_1269 = arith.index_cast %parallel_loop3A_1232 : i32 to index
      %parallel_loop3A_1270 = arith.index_cast %parallel_loop3A_1250 : i32 to index
      %parallel_loop3A_1271 = tpu.vector_load %arg6[%parallel_loop3A_1268, %parallel_loop3A_1269, %parallel_loop3A_1270] {strides = array<i32>} : memref<3x16x1024xf32, #tpu.memory_space<vmem>>, vector<1x1x16xf32>,
      %parallel_loop3A_1272 = vector.shape_cast %parallel_loop3A_1271 : vector<1x1x16xf32> to vector<16xf32>
      %parallel_loop3A_1273 = vector.shape_cast %parallel_loop3A_1266 : vector<16xf32> to vector<1x1x16xf32>
      tpu.vector_store %arg6[%parallel_loop3A_1268, %parallel_loop3A_1269, %parallel_loop3A_1270], %parallel_loop3A_1273 {strides = array<i32>} : memref<3x16x1024xf32, #tpu.memory_space<vmem>>, vector<1x1x16xf32>,
    } {sc.loop_unroll_factor = 8 : i64, sc.parallel_access}
    %add3A_422 = arith.constant 16 : i32
    %add3A_423 = arith.addi %mul3A_2, %add3A_422 : i32
    %dma_start3A_424 = arith.constant 2 : i32
    %dma_start3A_425 = arith.constant 1 : i32
    %dma_start3A_426 = arith.constant 0 : i32
    %dma_start3A_427 = arith.constant 0 : i32
    %dma_start3A_428 = tpu.memref_slice %arg6[%dma_start3A_424, %dma_start3A_426, %dma_start3A_427] : memref<3x16x1024xf32, #tpu.memory_space<vmem>> -> memref<1x16x1024xf32, #tpu.memory_space<vmem>>
    %dma_start3A_429 = tpu.memref_squeeze %dma_start3A_428 : memref<1x16x1024xf32, #tpu.memory_space<vmem>> -> memref<16x1024xf32, #tpu.memory_space<vmem>>
    %dma_start3A_430 = arith.constant 0 : i32
    %dma_start3A_431 = tpu.memref_slice %arg4[%dma_start3A_425, %add3A_423, %dma_start3A_430] : memref<4x2048x1024xf32, #tpu.memory_space<hbm>> -> memref<1x16x1024xf32, #tpu.memory_space<hbm>>
    %dma_start3A_432 = tpu.memref_squeeze %dma_start3A_431 : memref<1x16x1024xf32, #tpu.memory_space<hbm>> -> memref<16x1024xf32, #tpu.memory_space<hbm>>
    %dma_start3A_433 = arith.constant 0 : i32
    %dma_start3A_434 = tpu.memref_slice %arg4[%dma_start3A_425, %add3A_423, %dma_start3A_433] : memref<4x2048x1024xf32, #tpu.memory_space<hbm>> -> memref<1x16x1024xf32, #tpu.memory_space<hbm>>
    %dma_start3A_435 = tpu.memref_squeeze %dma_start3A_434 : memref<1x16x1024xf32, #tpu.memory_space<hbm>> -> memref<16x1024xf32, #tpu.memory_space<hbm>>
    %dma_start3A_436 = arith.constant 0 : i32
    %dma_start3A_437 = arith.constant 0 : i32
    %dma_start3A_438 = tpu.memref_slice %arg6[%dma_start3A_424, %dma_start3A_436, %dma_start3A_437] : memref<3x16x1024xf32, #tpu.memory_space<vmem>> -> memref<1x16x1024xf32, #tpu.memory_space<vmem>>
    %dma_start3A_439 = tpu.memref_squeeze %dma_start3A_438 : memref<1x16x1024xf32, #tpu.memory_space<vmem>> -> memref<16x1024xf32, #tpu.memory_space<vmem>>
    tpu.enqueue_dma source(%dma_start3A_439 : memref<16x1024xf32, #tpu.memory_space<vmem>>) target(%dma_start3A_435 : memref<16x1024xf32, #tpu.memory_space<hbm>>) target_semaphore(%arg13 : memref<!tpu.dma_semaphore, #tpu.memory_space<semaphore_mem>>)
    %add3A_440 = arith.constant 0 : i32
    %add3A_441 = arith.addi %mul3A_2, %add3A_440 : i32
    %dma_wait3A_442 = arith.constant 1 : i32
    %dma_wait3A_443 = arith.constant 1 : i32
    %dma_wait3A_444 = arith.constant 0 : i32
    %dma_wait3A_445 = arith.constant 0 : i32
    %dma_wait3A_446 = tpu.memref_slice %arg6[%dma_wait3A_442, %dma_wait3A_444, %dma_wait3A_445] : memref<3x16x1024xf32, #tpu.memory_space<vmem>> -> memref<1x16x1024xf32, #tpu.memory_space<vmem>>
    %dma_wait3A_447 = tpu.memref_squeeze %dma_wait3A_446 : memref<1x16x1024xf32, #tpu.memory_space<vmem>> -> memref<16x1024xf32, #tpu.memory_space<vmem>>
    %dma_wait3A_448 = arith.constant 0 : i32
    %dma_wait3A_449 = tpu.memref_slice %arg4[%dma_wait3A_443, %add3A_441, %dma_wait3A_448] : memref<4x2048x1024xf32, #tpu.memory_space<hbm>> -> memref<1x16x1024xf32, #tpu.memory_space<hbm>>
    %dma_wait3A_450 = tpu.memref_squeeze %dma_wait3A_449 : memref<1x16x1024xf32, #tpu.memory_space<hbm>> -> memref<16x1024xf32, #tpu.memory_space<hbm>>
    %dma_wait3A_451 = arith.constant 0 : i32
    %dma_wait3A_452 = tpu.memref_slice %arg4[%dma_wait3A_443, %add3A_441, %dma_wait3A_451] : memref<4x2048x1024xf32, #tpu.memory_space<hbm>> -> memref<1x16x1024xf32, #tpu.memory_space<hbm>>
    %dma_wait3A_453 = tpu.memref_squeeze %dma_wait3A_452 : memref<1x16x1024xf32, #tpu.memory_space<hbm>> -> memref<16x1024xf32, #tpu.memory_space<hbm>>
    %dma_wait3A_454 = arith.constant 0 : i32
    %dma_wait3A_455 = arith.constant 0 : i32
    %dma_wait3A_456 = tpu.memref_slice %arg6[%dma_wait3A_442, %dma_wait3A_454, %dma_wait3A_455] : memref<3x16x1024xf32, #tpu.memory_space<vmem>> -> memref<1x16x1024xf32, #tpu.memory_space<vmem>>
    %dma_wait3A_457 = tpu.memref_squeeze %dma_wait3A_456 : memref<1x16x1024xf32, #tpu.memory_space<vmem>> -> memref<16x1024xf32, #tpu.memory_space<vmem>>
    tpu.wait_dma2 semaphore(%arg12 : memref<!tpu.dma_semaphore, #tpu.memory_space<semaphore_mem>>) src(%dma_wait3A_457 : memref<16x1024xf32, #tpu.memory_space<vmem>>) dst(%dma_wait3A_453 : memref<16x1024xf32, #tpu.memory_space<hbm>>)
    %add3A_458 = arith.constant 48 : i32
    %add3A_459 = arith.addi %mul3A_2, %add3A_458 : i32
    %dma_start3A_460 = arith.constant 1 : i32
    %dma_start3A_461 = arith.constant 1 : i32
    %dma_start3A_462 = arith.constant 0 : i32
    %dma_start3A_463 = arith.constant 0 : i32
    %dma_start3A_464 = tpu.memref_slice %arg6[%dma_start3A_461, %dma_start3A_462, %dma_start3A_463] : memref<3x16x1024xf32, #tpu.memory_space<vmem>> -> memref<1x16x1024xf32, #tpu.memory_space<vmem>>
    %dma_start3A_465 = tpu.memref_squeeze %dma_start3A_464 : memref<1x16x1024xf32, #tpu.memory_space<vmem>> -> memref<16x1024xf32, #tpu.memory_space<vmem>>
    %dma_start3A_466 = arith.constant 0 : i32
    %dma_start3A_467 = tpu.memref_slice %arg2[%dma_start3A_460, %add3A_459, %dma_start3A_466] : memref<4x2048x1024xf32, #tpu.memory_space<hbm>> -> memref<1x16x1024xf32, #tpu.memory_space<hbm>>
    %dma_start3A_468 = tpu.memref_squeeze %dma_start3A_467 : memref<1x16x1024xf32, #tpu.memory_space<hbm>> -> memref<16x1024xf32, #tpu.memory_space<hbm>>
    %dma_start3A_469 = arith.constant 0 : i32
    %dma_start3A_470 = arith.constant 0 : i32
    %dma_start3A_471 = tpu.memref_slice %arg6[%dma_start3A_461, %dma_start3A_469, %dma_start3A_470] : memref<3x16x1024xf32, #tpu.memory_space<vmem>> -> memref<1x16x1024xf32, #tpu.memory_space<vmem>>
    %dma_start3A_472 = tpu.memref_squeeze %dma_start3A_471 : memref<1x16x1024xf32, #tpu.memory_space<vmem>> -> memref<16x1024xf32, #tpu.memory_space<vmem>>
    %dma_start3A_473 = arith.constant 0 : i32
    %dma_start3A_474 = tpu.memref_slice %arg2[%dma_start3A_460, %add3A_459, %dma_start3A_473] : memref<4x2048x1024xf32, #tpu.memory_space<hbm>> -> memref<1x16x1024xf32, #tpu.memory_space<hbm>>
    %dma_start3A_475 = tpu.memref_squeeze %dma_start3A_474 : memref<1x16x1024xf32, #tpu.memory_space<hbm>> -> memref<16x1024xf32, #tpu.memory_space<hbm>>
    tpu.enqueue_dma source(%dma_start3A_475 : memref<16x1024xf32, #tpu.memory_space<hbm>>) target(%dma_start3A_472 : memref<16x1024xf32, #tpu.memory_space<vmem>>) target_semaphore(%arg9 : memref<!tpu.dma_semaphore, #tpu.memory_space<semaphore_mem>>)
    %add3A_476 = arith.constant 32 : i32
    %add3A_477 = arith.addi %mul3A_2, %add3A_476 : i32
    %dma_wait3A_478 = arith.constant 1 : i32
    %dma_wait3A_479 = arith.constant 0 : i32
    %dma_wait3A_480 = arith.constant 0 : i32
    %dma_wait3A_481 = arith.constant 0 : i32
    %dma_wait3A_482 = tpu.memref_slice %arg6[%dma_wait3A_479, %dma_wait3A_480, %dma_wait3A_481] : memref<3x16x1024xf32, #tpu.memory_space<vmem>> -> memref<1x16x1024xf32, #tpu.memory_space<vmem>>
    %dma_wait3A_483 = tpu.memref_squeeze %dma_wait3A_482 : memref<1x16x1024xf32, #tpu.memory_space<vmem>> -> memref<16x1024xf32, #tpu.memory_space<vmem>>
    %dma_wait3A_484 = arith.constant 0 : i32
    %dma_wait3A_485 = tpu.memref_slice %arg2[%dma_wait3A_478, %add3A_477, %dma_wait3A_484] : memref<4x2048x1024xf32, #tpu.memory_space<hbm>> -> memref<1x16x1024xf32, #tpu.memory_space<hbm>>
    %dma_wait3A_486 = tpu.memref_squeeze %dma_wait3A_485 : memref<1x16x1024xf32, #tpu.memory_space<hbm>> -> memref<16x1024xf32, #tpu.memory_space<hbm>>
    %dma_wait3A_487 = arith.constant 0 : i32
    %dma_wait3A_488 = arith.constant 0 : i32
    %dma_wait3A_489 = tpu.memref_slice %arg6[%dma_wait3A_479, %dma_wait3A_487, %dma_wait3A_488] : memref<3x16x1024xf32, #tpu.memory_space<vmem>> -> memref<1x16x1024xf32, #tpu.memory_space<vmem>>
    %dma_wait3A_490 = tpu.memref_squeeze %dma_wait3A_489 : memref<1x16x1024xf32, #tpu.memory_space<vmem>> -> memref<16x1024xf32, #tpu.memory_space<vmem>>
    %dma_wait3A_491 = arith.constant 0 : i32
    %dma_wait3A_492 = tpu.memref_slice %arg2[%dma_wait3A_478, %add3A_477, %dma_wait3A_491] : memref<4x2048x1024xf32, #tpu.memory_space<hbm>> -> memref<1x16x1024xf32, #tpu.memory_space<hbm>>
    %dma_wait3A_493 = tpu.memref_squeeze %dma_wait3A_492 : memref<1x16x1024xf32, #tpu.memory_space<hbm>> -> memref<16x1024xf32, #tpu.memory_space<hbm>>
    tpu.wait_dma2 semaphore(%arg8 : memref<!tpu.dma_semaphore, #tpu.memory_space<semaphore_mem>>) src(%dma_wait3A_493 : memref<16x1024xf32, #tpu.memory_space<hbm>>) dst(%dma_wait3A_490 : memref<16x1024xf32, #tpu.memory_space<vmem>>)
    %parallel_loop3A_494 = arith.constant 0 : i32
    %parallel_loop3A_495 = arith.constant 1024 : i32
    %parallel_loop3A_496 = arith.constant 1 : i32
    scf.for %parallel_loop3A_1208 = %parallel_loop3A_494 to %parallel_loop3A_495 step %parallel_loop3A_496  : i32 {
      %parallel_loop3A_1209 = arith.constant 64 : i32
      %parallel_loop3A_1210 = arith.divsi %parallel_loop3A_1208, %parallel_loop3A_1209 : i32
      %parallel_loop3A_1211 = arith.constant 0 : i32
      %parallel_loop3A_1212 = arith.cmpi sgt, %parallel_loop3A_1208, %parallel_loop3A_1211 : i32
      %parallel_loop3A_1213 = arith.extui %parallel_loop3A_1212 : i1 to i32
      %parallel_loop3A_1214 = arith.constant 0 : i32
      %parallel_loop3A_1215 = arith.cmpi slt, %parallel_loop3A_1208, %parallel_loop3A_1214 : i32
      %parallel_loop3A_1216 = arith.extui %parallel_loop3A_1215 : i1 to i32
      %parallel_loop3A_1217 = arith.subi %parallel_loop3A_1213, %parallel_loop3A_1216 : i32
      %parallel_loop3A_1218 = arith.constant 0 : i32
      %parallel_loop3A_1219 = arith.cmpi sgt, %parallel_loop3A_1209, %parallel_loop3A_1218 : i32
      %parallel_loop3A_1220 = arith.extui %parallel_loop3A_1219 : i1 to i32
      %parallel_loop3A_1221 = arith.constant 0 : i32
      %parallel_loop3A_1222 = arith.cmpi slt, %parallel_loop3A_1209, %parallel_loop3A_1221 : i32
      %parallel_loop3A_1223 = arith.extui %parallel_loop3A_1222 : i1 to i32
      %parallel_loop3A_1224 = arith.subi %parallel_loop3A_1220, %parallel_loop3A_1223 : i32
      %parallel_loop3A_1225 = arith.cmpi ne, %parallel_loop3A_1217, %parallel_loop3A_1224 : i32
      %parallel_loop3A_1226 = arith.remsi %parallel_loop3A_1208, %parallel_loop3A_1209 : i32
      %parallel_loop3A_1227 = arith.constant 0 : i32
      %parallel_loop3A_1228 = arith.cmpi ne, %parallel_loop3A_1226, %parallel_loop3A_1227 : i32
      %parallel_loop3A_1229 = arith.andi %parallel_loop3A_1225, %parallel_loop3A_1228 : i1
      %parallel_loop3A_1230 = arith.constant 1 : i32
      %parallel_loop3A_1231 = arith.subi %parallel_loop3A_1210, %parallel_loop3A_1230 : i32
      %parallel_loop3A_1232 = arith.select %parallel_loop3A_1229, %parallel_loop3A_1231, %parallel_loop3A_1210 : i32
      %parallel_loop3A_1233 = arith.constant 64 : i32
      %parallel_loop3A_1234 = arith.constant 0 : i32
      %parallel_loop3A_1235 = arith.cmpi eq, %parallel_loop3A_1233, %parallel_loop3A_1234 : i32
      %parallel_loop3A_1236 = arith.constant 1 : i32
      %parallel_loop3A_1237 = arith.select %parallel_loop3A_1235, %parallel_loop3A_1236, %parallel_loop3A_1233 : i32
      %parallel_loop3A_1238 = arith.remsi %parallel_loop3A_1208, %parallel_loop3A_1237 : i32
      %parallel_loop3A_1239 = arith.constant 0 : i32
      %parallel_loop3A_1240 = arith.cmpi ne, %parallel_loop3A_1238, %parallel_loop3A_1239 : i32
      %parallel_loop3A_1241 = arith.constant 0 : i32
      %parallel_loop3A_1242 = arith.cmpi slt, %parallel_loop3A_1238, %parallel_loop3A_1241 : i32
      %parallel_loop3A_1243 = arith.constant 0 : i32
      %parallel_loop3A_1244 = arith.cmpi slt, %parallel_loop3A_1237, %parallel_loop3A_1243 : i32
      %parallel_loop3A_1245 = arith.xori %parallel_loop3A_1242, %parallel_loop3A_1244 : i1
      %parallel_loop3A_1246 = arith.andi %parallel_loop3A_1245, %parallel_loop3A_1240 : i1
      %parallel_loop3A_1247 = arith.addi %parallel_loop3A_1238, %parallel_loop3A_1237 : i32
      %parallel_loop3A_1248 = arith.select %parallel_loop3A_1246, %parallel_loop3A_1247, %parallel_loop3A_1238 : i32
      %parallel_loop3A_1249 = arith.constant 16 : i32
      %parallel_loop3A_1250 = arith.muli %parallel_loop3A_1248, %parallel_loop3A_1249 : i32
      %parallel_loop3A_1251 = arith.constant 0 : i32
      %parallel_loop3A_1252 = arith.index_cast %parallel_loop3A_1251 : i32 to index
      %parallel_loop3A_1253 = arith.index_cast %parallel_loop3A_1232 : i32 to index
      %parallel_loop3A_1254 = arith.index_cast %parallel_loop3A_1250 : i32 to index
      %parallel_loop3A_1255 = tpu.vector_load %arg6[%parallel_loop3A_1252, %parallel_loop3A_1253, %parallel_loop3A_1254] {strides = array<i32>} : memref<3x16x1024xf32, #tpu.memory_space<vmem>>, vector<1x1x16xf32>,
      %parallel_loop3A_1256 = vector.shape_cast %parallel_loop3A_1255 : vector<1x1x16xf32> to vector<16xf32>
      %parallel_loop3A_1257 = arith.constant 32 : i32
      %parallel_loop3A_1258 = arith.addi %parallel_loop3A_1257, %parallel_loop3A_1232 : i32
      %parallel_loop3A_1259 = arith.index_cast %parallel_loop3A_1258 : i32 to index
      %parallel_loop3A_1260 = arith.index_cast %parallel_loop3A_1250 : i32 to index
      %parallel_loop3A_1261 = tpu.vector_load %arg5[%parallel_loop3A_1259, %parallel_loop3A_1260] {strides = array<i32>} : memref<64x1024xf32, #tpu.memory_space<vmem>>, vector<1x16xf32>,
      %parallel_loop3A_1262 = vector.shape_cast %parallel_loop3A_1261 : vector<1x16xf32> to vector<16xf32>
      %parallel_loop3A_1263 = arith.constant 3.125000e-02 : f32
      %parallel_loop3A_1264 = vector.broadcast %parallel_loop3A_1263 : f32 to vector<16xf32>
      %parallel_loop3A_1265 = arith.mulf %parallel_loop3A_1262, %parallel_loop3A_1264 : vector<16xf32>
      %parallel_loop3A_1266 = arith.addf %parallel_loop3A_1256, %parallel_loop3A_1265 : vector<16xf32>
      %parallel_loop3A_1267 = arith.constant 0 : i32
      %parallel_loop3A_1268 = arith.index_cast %parallel_loop3A_1267 : i32 to index
      %parallel_loop3A_1269 = arith.index_cast %parallel_loop3A_1232 : i32 to index
      %parallel_loop3A_1270 = arith.index_cast %parallel_loop3A_1250 : i32 to index
      %parallel_loop3A_1271 = tpu.vector_load %arg6[%parallel_loop3A_1268, %parallel_loop3A_1269, %parallel_loop3A_1270] {strides = array<i32>} : memref<3x16x1024xf32, #tpu.memory_space<vmem>>, vector<1x1x16xf32>,
      %parallel_loop3A_1272 = vector.shape_cast %parallel_loop3A_1271 : vector<1x1x16xf32> to vector<16xf32>
      %parallel_loop3A_1273 = vector.shape_cast %parallel_loop3A_1266 : vector<16xf32> to vector<1x1x16xf32>
      tpu.vector_store %arg6[%parallel_loop3A_1268, %parallel_loop3A_1269, %parallel_loop3A_1270], %parallel_loop3A_1273 {strides = array<i32>} : memref<3x16x1024xf32, #tpu.memory_space<vmem>>, vector<1x1x16xf32>,
    } {sc.loop_unroll_factor = 8 : i64, sc.parallel_access}
    %add3A_497 = arith.constant 32 : i32
    %add3A_498 = arith.addi %mul3A_2, %add3A_497 : i32
    %dma_start3A_499 = arith.constant 0 : i32
    %dma_start3A_500 = arith.constant 1 : i32
    %dma_start3A_501 = arith.constant 0 : i32
    %dma_start3A_502 = arith.constant 0 : i32
    %dma_start3A_503 = tpu.memref_slice %arg6[%dma_start3A_499, %dma_start3A_501, %dma_start3A_502] : memref<3x16x1024xf32, #tpu.memory_space<vmem>> -> memref<1x16x1024xf32, #tpu.memory_space<vmem>>
    %dma_start3A_504 = tpu.memref_squeeze %dma_start3A_503 : memref<1x16x1024xf32, #tpu.memory_space<vmem>> -> memref<16x1024xf32, #tpu.memory_space<vmem>>
    %dma_start3A_505 = arith.constant 0 : i32
    %dma_start3A_506 = tpu.memref_slice %arg4[%dma_start3A_500, %add3A_498, %dma_start3A_505] : memref<4x2048x1024xf32, #tpu.memory_space<hbm>> -> memref<1x16x1024xf32, #tpu.memory_space<hbm>>
    %dma_start3A_507 = tpu.memref_squeeze %dma_start3A_506 : memref<1x16x1024xf32, #tpu.memory_space<hbm>> -> memref<16x1024xf32, #tpu.memory_space<hbm>>
    %dma_start3A_508 = arith.constant 0 : i32
    %dma_start3A_509 = tpu.memref_slice %arg4[%dma_start3A_500, %add3A_498, %dma_start3A_508] : memref<4x2048x1024xf32, #tpu.memory_space<hbm>> -> memref<1x16x1024xf32, #tpu.memory_space<hbm>>
    %dma_start3A_510 = tpu.memref_squeeze %dma_start3A_509 : memref<1x16x1024xf32, #tpu.memory_space<hbm>> -> memref<16x1024xf32, #tpu.memory_space<hbm>>
    %dma_start3A_511 = arith.constant 0 : i32
    %dma_start3A_512 = arith.constant 0 : i32
    %dma_start3A_513 = tpu.memref_slice %arg6[%dma_start3A_499, %dma_start3A_511, %dma_start3A_512] : memref<3x16x1024xf32, #tpu.memory_space<vmem>> -> memref<1x16x1024xf32, #tpu.memory_space<vmem>>
    %dma_start3A_514 = tpu.memref_squeeze %dma_start3A_513 : memref<1x16x1024xf32, #tpu.memory_space<vmem>> -> memref<16x1024xf32, #tpu.memory_space<vmem>>
    tpu.enqueue_dma source(%dma_start3A_514 : memref<16x1024xf32, #tpu.memory_space<vmem>>) target(%dma_start3A_510 : memref<16x1024xf32, #tpu.memory_space<hbm>>) target_semaphore(%arg11 : memref<!tpu.dma_semaphore, #tpu.memory_space<semaphore_mem>>)
    %add3A_515 = arith.constant 16 : i32
    %add3A_516 = arith.addi %mul3A_2, %add3A_515 : i32
    %dma_wait3A_517 = arith.constant 2 : i32
    %dma_wait3A_518 = arith.constant 1 : i32
    %dma_wait3A_519 = arith.constant 0 : i32
    %dma_wait3A_520 = arith.constant 0 : i32
    %dma_wait3A_521 = tpu.memref_slice %arg6[%dma_wait3A_517, %dma_wait3A_519, %dma_wait3A_520] : memref<3x16x1024xf32, #tpu.memory_space<vmem>> -> memref<1x16x1024xf32, #tpu.memory_space<vmem>>
    %dma_wait3A_522 = tpu.memref_squeeze %dma_wait3A_521 : memref<1x16x1024xf32, #tpu.memory_space<vmem>> -> memref<16x1024xf32, #tpu.memory_space<vmem>>
    %dma_wait3A_523 = arith.constant 0 : i32
    %dma_wait3A_524 = tpu.memref_slice %arg4[%dma_wait3A_518, %add3A_516, %dma_wait3A_523] : memref<4x2048x1024xf32, #tpu.memory_space<hbm>> -> memref<1x16x1024xf32, #tpu.memory_space<hbm>>
    %dma_wait3A_525 = tpu.memref_squeeze %dma_wait3A_524 : memref<1x16x1024xf32, #tpu.memory_space<hbm>> -> memref<16x1024xf32, #tpu.memory_space<hbm>>
    %dma_wait3A_526 = arith.constant 0 : i32
    %dma_wait3A_527 = tpu.memref_slice %arg4[%dma_wait3A_518, %add3A_516, %dma_wait3A_526] : memref<4x2048x1024xf32, #tpu.memory_space<hbm>> -> memref<1x16x1024xf32, #tpu.memory_space<hbm>>
    %dma_wait3A_528 = tpu.memref_squeeze %dma_wait3A_527 : memref<1x16x1024xf32, #tpu.memory_space<hbm>> -> memref<16x1024xf32, #tpu.memory_space<hbm>>
    %dma_wait3A_529 = arith.constant 0 : i32
    %dma_wait3A_530 = arith.constant 0 : i32
    %dma_wait3A_531 = tpu.memref_slice %arg6[%dma_wait3A_517, %dma_wait3A_529, %dma_wait3A_530] : memref<3x16x1024xf32, #tpu.memory_space<vmem>> -> memref<1x16x1024xf32, #tpu.memory_space<vmem>>
    %dma_wait3A_532 = tpu.memref_squeeze %dma_wait3A_531 : memref<1x16x1024xf32, #tpu.memory_space<vmem>> -> memref<16x1024xf32, #tpu.memory_space<vmem>>
    tpu.wait_dma2 semaphore(%arg13 : memref<!tpu.dma_semaphore, #tpu.memory_space<semaphore_mem>>) src(%dma_wait3A_532 : memref<16x1024xf32, #tpu.memory_space<vmem>>) dst(%dma_wait3A_528 : memref<16x1024xf32, #tpu.memory_space<hbm>>)
    %add3A_533 = arith.constant 0 : i32
    %add3A_534 = arith.addi %mul3A_2, %add3A_533 : i32
    %dma_start3A_535 = arith.constant 2 : i32
    %dma_start3A_536 = arith.constant 2 : i32
    %dma_start3A_537 = arith.constant 0 : i32
    %dma_start3A_538 = arith.constant 0 : i32
    %dma_start3A_539 = tpu.memref_slice %arg6[%dma_start3A_536, %dma_start3A_537, %dma_start3A_538] : memref<3x16x1024xf32, #tpu.memory_space<vmem>> -> memref<1x16x1024xf32, #tpu.memory_space<vmem>>
    %dma_start3A_540 = tpu.memref_squeeze %dma_start3A_539 : memref<1x16x1024xf32, #tpu.memory_space<vmem>> -> memref<16x1024xf32, #tpu.memory_space<vmem>>
    %dma_start3A_541 = arith.constant 0 : i32
    %dma_start3A_542 = tpu.memref_slice %arg2[%dma_start3A_535, %add3A_534, %dma_start3A_541] : memref<4x2048x1024xf32, #tpu.memory_space<hbm>> -> memref<1x16x1024xf32, #tpu.memory_space<hbm>>
    %dma_start3A_543 = tpu.memref_squeeze %dma_start3A_542 : memref<1x16x1024xf32, #tpu.memory_space<hbm>> -> memref<16x1024xf32, #tpu.memory_space<hbm>>
    %dma_start3A_544 = arith.constant 0 : i32
    %dma_start3A_545 = arith.constant 0 : i32
    %dma_start3A_546 = tpu.memref_slice %arg6[%dma_start3A_536, %dma_start3A_544, %dma_start3A_545] : memref<3x16x1024xf32, #tpu.memory_space<vmem>> -> memref<1x16x1024xf32, #tpu.memory_space<vmem>>
    %dma_start3A_547 = tpu.memref_squeeze %dma_start3A_546 : memref<1x16x1024xf32, #tpu.memory_space<vmem>> -> memref<16x1024xf32, #tpu.memory_space<vmem>>
    %dma_start3A_548 = arith.constant 0 : i32
    %dma_start3A_549 = tpu.memref_slice %arg2[%dma_start3A_535, %add3A_534, %dma_start3A_548] : memref<4x2048x1024xf32, #tpu.memory_space<hbm>> -> memref<1x16x1024xf32, #tpu.memory_space<hbm>>
    %dma_start3A_550 = tpu.memref_squeeze %dma_start3A_549 : memref<1x16x1024xf32, #tpu.memory_space<hbm>> -> memref<16x1024xf32, #tpu.memory_space<hbm>>
    tpu.enqueue_dma source(%dma_start3A_550 : memref<16x1024xf32, #tpu.memory_space<hbm>>) target(%dma_start3A_547 : memref<16x1024xf32, #tpu.memory_space<vmem>>) target_semaphore(%arg10 : memref<!tpu.dma_semaphore, #tpu.memory_space<semaphore_mem>>)
    %add3A_551 = arith.constant 48 : i32
    %add3A_552 = arith.addi %mul3A_2, %add3A_551 : i32
    %dma_wait3A_553 = arith.constant 1 : i32
    %dma_wait3A_554 = arith.constant 1 : i32
    %dma_wait3A_555 = arith.constant 0 : i32
    %dma_wait3A_556 = arith.constant 0 : i32
    %dma_wait3A_557 = tpu.memref_slice %arg6[%dma_wait3A_554, %dma_wait3A_555, %dma_wait3A_556] : memref<3x16x1024xf32, #tpu.memory_space<vmem>> -> memref<1x16x1024xf32, #tpu.memory_space<vmem>>
    %dma_wait3A_558 = tpu.memref_squeeze %dma_wait3A_557 : memref<1x16x1024xf32, #tpu.memory_space<vmem>> -> memref<16x1024xf32, #tpu.memory_space<vmem>>
    %dma_wait3A_559 = arith.constant 0 : i32
    %dma_wait3A_560 = tpu.memref_slice %arg2[%dma_wait3A_553, %add3A_552, %dma_wait3A_559] : memref<4x2048x1024xf32, #tpu.memory_space<hbm>> -> memref<1x16x1024xf32, #tpu.memory_space<hbm>>
    %dma_wait3A_561 = tpu.memref_squeeze %dma_wait3A_560 : memref<1x16x1024xf32, #tpu.memory_space<hbm>> -> memref<16x1024xf32, #tpu.memory_space<hbm>>
    %dma_wait3A_562 = arith.constant 0 : i32
    %dma_wait3A_563 = arith.constant 0 : i32
    %dma_wait3A_564 = tpu.memref_slice %arg6[%dma_wait3A_554, %dma_wait3A_562, %dma_wait3A_563] : memref<3x16x1024xf32, #tpu.memory_space<vmem>> -> memref<1x16x1024xf32, #tpu.memory_space<vmem>>
    %dma_wait3A_565 = tpu.memref_squeeze %dma_wait3A_564 : memref<1x16x1024xf32, #tpu.memory_space<vmem>> -> memref<16x1024xf32, #tpu.memory_space<vmem>>
    %dma_wait3A_566 = arith.constant 0 : i32
    %dma_wait3A_567 = tpu.memref_slice %arg2[%dma_wait3A_553, %add3A_552, %dma_wait3A_566] : memref<4x2048x1024xf32, #tpu.memory_space<hbm>> -> memref<1x16x1024xf32, #tpu.memory_space<hbm>>
    %dma_wait3A_568 = tpu.memref_squeeze %dma_wait3A_567 : memref<1x16x1024xf32, #tpu.memory_space<hbm>> -> memref<16x1024xf32, #tpu.memory_space<hbm>>
    tpu.wait_dma2 semaphore(%arg9 : memref<!tpu.dma_semaphore, #tpu.memory_space<semaphore_mem>>) src(%dma_wait3A_568 : memref<16x1024xf32, #tpu.memory_space<hbm>>) dst(%dma_wait3A_565 : memref<16x1024xf32, #tpu.memory_space<vmem>>)
    %parallel_loop3A_569 = arith.constant 0 : i32
    %parallel_loop3A_570 = arith.constant 1024 : i32
    %parallel_loop3A_571 = arith.constant 1 : i32
    scf.for %parallel_loop3A_1208 = %parallel_loop3A_569 to %parallel_loop3A_570 step %parallel_loop3A_571  : i32 {
      %parallel_loop3A_1209 = arith.constant 64 : i32
      %parallel_loop3A_1210 = arith.divsi %parallel_loop3A_1208, %parallel_loop3A_1209 : i32
      %parallel_loop3A_1211 = arith.constant 0 : i32
      %parallel_loop3A_1212 = arith.cmpi sgt, %parallel_loop3A_1208, %parallel_loop3A_1211 : i32
      %parallel_loop3A_1213 = arith.extui %parallel_loop3A_1212 : i1 to i32
      %parallel_loop3A_1214 = arith.constant 0 : i32
      %parallel_loop3A_1215 = arith.cmpi slt, %parallel_loop3A_1208, %parallel_loop3A_1214 : i32
      %parallel_loop3A_1216 = arith.extui %parallel_loop3A_1215 : i1 to i32
      %parallel_loop3A_1217 = arith.subi %parallel_loop3A_1213, %parallel_loop3A_1216 : i32
      %parallel_loop3A_1218 = arith.constant 0 : i32
      %parallel_loop3A_1219 = arith.cmpi sgt, %parallel_loop3A_1209, %parallel_loop3A_1218 : i32
      %parallel_loop3A_1220 = arith.extui %parallel_loop3A_1219 : i1 to i32
      %parallel_loop3A_1221 = arith.constant 0 : i32
      %parallel_loop3A_1222 = arith.cmpi slt, %parallel_loop3A_1209, %parallel_loop3A_1221 : i32
      %parallel_loop3A_1223 = arith.extui %parallel_loop3A_1222 : i1 to i32
      %parallel_loop3A_1224 = arith.subi %parallel_loop3A_1220, %parallel_loop3A_1223 : i32
      %parallel_loop3A_1225 = arith.cmpi ne, %parallel_loop3A_1217, %parallel_loop3A_1224 : i32
      %parallel_loop3A_1226 = arith.remsi %parallel_loop3A_1208, %parallel_loop3A_1209 : i32
      %parallel_loop3A_1227 = arith.constant 0 : i32
      %parallel_loop3A_1228 = arith.cmpi ne, %parallel_loop3A_1226, %parallel_loop3A_1227 : i32
      %parallel_loop3A_1229 = arith.andi %parallel_loop3A_1225, %parallel_loop3A_1228 : i1
      %parallel_loop3A_1230 = arith.constant 1 : i32
      %parallel_loop3A_1231 = arith.subi %parallel_loop3A_1210, %parallel_loop3A_1230 : i32
      %parallel_loop3A_1232 = arith.select %parallel_loop3A_1229, %parallel_loop3A_1231, %parallel_loop3A_1210 : i32
      %parallel_loop3A_1233 = arith.constant 64 : i32
      %parallel_loop3A_1234 = arith.constant 0 : i32
      %parallel_loop3A_1235 = arith.cmpi eq, %parallel_loop3A_1233, %parallel_loop3A_1234 : i32
      %parallel_loop3A_1236 = arith.constant 1 : i32
      %parallel_loop3A_1237 = arith.select %parallel_loop3A_1235, %parallel_loop3A_1236, %parallel_loop3A_1233 : i32
      %parallel_loop3A_1238 = arith.remsi %parallel_loop3A_1208, %parallel_loop3A_1237 : i32
      %parallel_loop3A_1239 = arith.constant 0 : i32
      %parallel_loop3A_1240 = arith.cmpi ne, %parallel_loop3A_1238, %parallel_loop3A_1239 : i32
      %parallel_loop3A_1241 = arith.constant 0 : i32
      %parallel_loop3A_1242 = arith.cmpi slt, %parallel_loop3A_1238, %parallel_loop3A_1241 : i32
      %parallel_loop3A_1243 = arith.constant 0 : i32
      %parallel_loop3A_1244 = arith.cmpi slt, %parallel_loop3A_1237, %parallel_loop3A_1243 : i32
      %parallel_loop3A_1245 = arith.xori %parallel_loop3A_1242, %parallel_loop3A_1244 : i1
      %parallel_loop3A_1246 = arith.andi %parallel_loop3A_1245, %parallel_loop3A_1240 : i1
      %parallel_loop3A_1247 = arith.addi %parallel_loop3A_1238, %parallel_loop3A_1237 : i32
      %parallel_loop3A_1248 = arith.select %parallel_loop3A_1246, %parallel_loop3A_1247, %parallel_loop3A_1238 : i32
      %parallel_loop3A_1249 = arith.constant 16 : i32
      %parallel_loop3A_1250 = arith.muli %parallel_loop3A_1248, %parallel_loop3A_1249 : i32
      %parallel_loop3A_1251 = arith.constant 1 : i32
      %parallel_loop3A_1252 = arith.index_cast %parallel_loop3A_1251 : i32 to index
      %parallel_loop3A_1253 = arith.index_cast %parallel_loop3A_1232 : i32 to index
      %parallel_loop3A_1254 = arith.index_cast %parallel_loop3A_1250 : i32 to index
      %parallel_loop3A_1255 = tpu.vector_load %arg6[%parallel_loop3A_1252, %parallel_loop3A_1253, %parallel_loop3A_1254] {strides = array<i32>} : memref<3x16x1024xf32, #tpu.memory_space<vmem>>, vector<1x1x16xf32>,
      %parallel_loop3A_1256 = vector.shape_cast %parallel_loop3A_1255 : vector<1x1x16xf32> to vector<16xf32>
      %parallel_loop3A_1257 = arith.constant 48 : i32
      %parallel_loop3A_1258 = arith.addi %parallel_loop3A_1257, %parallel_loop3A_1232 : i32
      %parallel_loop3A_1259 = arith.index_cast %parallel_loop3A_1258 : i32 to index
      %parallel_loop3A_1260 = arith.index_cast %parallel_loop3A_1250 : i32 to index
      %parallel_loop3A_1261 = tpu.vector_load %arg5[%parallel_loop3A_1259, %parallel_loop3A_1260] {strides = array<i32>} : memref<64x1024xf32, #tpu.memory_space<vmem>>, vector<1x16xf32>,
      %parallel_loop3A_1262 = vector.shape_cast %parallel_loop3A_1261 : vector<1x16xf32> to vector<16xf32>
      %parallel_loop3A_1263 = arith.constant 3.125000e-02 : f32
      %parallel_loop3A_1264 = vector.broadcast %parallel_loop3A_1263 : f32 to vector<16xf32>
      %parallel_loop3A_1265 = arith.mulf %parallel_loop3A_1262, %parallel_loop3A_1264 : vector<16xf32>
      %parallel_loop3A_1266 = arith.addf %parallel_loop3A_1256, %parallel_loop3A_1265 : vector<16xf32>
      %parallel_loop3A_1267 = arith.constant 1 : i32
      %parallel_loop3A_1268 = arith.index_cast %parallel_loop3A_1267 : i32 to index
      %parallel_loop3A_1269 = arith.index_cast %parallel_loop3A_1232 : i32 to index
      %parallel_loop3A_1270 = arith.index_cast %parallel_loop3A_1250 : i32 to index
      %parallel_loop3A_1271 = tpu.vector_load %arg6[%parallel_loop3A_1268, %parallel_loop3A_1269, %parallel_loop3A_1270] {strides = array<i32>} : memref<3x16x1024xf32, #tpu.memory_space<vmem>>, vector<1x1x16xf32>,
      %parallel_loop3A_1272 = vector.shape_cast %parallel_loop3A_1271 : vector<1x1x16xf32> to vector<16xf32>
      %parallel_loop3A_1273 = vector.shape_cast %parallel_loop3A_1266 : vector<16xf32> to vector<1x1x16xf32>
      tpu.vector_store %arg6[%parallel_loop3A_1268, %parallel_loop3A_1269, %parallel_loop3A_1270], %parallel_loop3A_1273 {strides = array<i32>} : memref<3x16x1024xf32, #tpu.memory_space<vmem>>, vector<1x1x16xf32>,
    } {sc.loop_unroll_factor = 8 : i64, sc.parallel_access}
    %add3A_572 = arith.constant 48 : i32
    %add3A_573 = arith.addi %mul3A_2, %add3A_572 : i32
    %dma_start3A_574 = arith.constant 1 : i32
    %dma_start3A_575 = arith.constant 1 : i32
    %dma_start3A_576 = arith.constant 0 : i32
    %dma_start3A_577 = arith.constant 0 : i32
    %dma_start3A_578 = tpu.memref_slice %arg6[%dma_start3A_574, %dma_start3A_576, %dma_start3A_577] : memref<3x16x1024xf32, #tpu.memory_space<vmem>> -> memref<1x16x1024xf32, #tpu.memory_space<vmem>>
    %dma_start3A_579 = tpu.memref_squeeze %dma_start3A_578 : memref<1x16x1024xf32, #tpu.memory_space<vmem>> -> memref<16x1024xf32, #tpu.memory_space<vmem>>
    %dma_start3A_580 = arith.constant 0 : i32
    %dma_start3A_581 = tpu.memref_slice %arg4[%dma_start3A_575, %add3A_573, %dma_start3A_580] : memref<4x2048x1024xf32, #tpu.memory_space<hbm>> -> memref<1x16x1024xf32, #tpu.memory_space<hbm>>
    %dma_start3A_582 = tpu.memref_squeeze %dma_start3A_581 : memref<1x16x1024xf32, #tpu.memory_space<hbm>> -> memref<16x1024xf32, #tpu.memory_space<hbm>>
    %dma_start3A_583 = arith.constant 0 : i32
    %dma_start3A_584 = tpu.memref_slice %arg4[%dma_start3A_575, %add3A_573, %dma_start3A_583] : memref<4x2048x1024xf32, #tpu.memory_space<hbm>> -> memref<1x16x1024xf32, #tpu.memory_space<hbm>>
    %dma_start3A_585 = tpu.memref_squeeze %dma_start3A_584 : memref<1x16x1024xf32, #tpu.memory_space<hbm>> -> memref<16x1024xf32, #tpu.memory_space<hbm>>
    %dma_start3A_586 = arith.constant 0 : i32
    %dma_start3A_587 = arith.constant 0 : i32
    %dma_start3A_588 = tpu.memref_slice %arg6[%dma_start3A_574, %dma_start3A_586, %dma_start3A_587] : memref<3x16x1024xf32, #tpu.memory_space<vmem>> -> memref<1x16x1024xf32, #tpu.memory_space<vmem>>
    %dma_start3A_589 = tpu.memref_squeeze %dma_start3A_588 : memref<1x16x1024xf32, #tpu.memory_space<vmem>> -> memref<16x1024xf32, #tpu.memory_space<vmem>>
    tpu.enqueue_dma source(%dma_start3A_589 : memref<16x1024xf32, #tpu.memory_space<vmem>>) target(%dma_start3A_585 : memref<16x1024xf32, #tpu.memory_space<hbm>>) target_semaphore(%arg12 : memref<!tpu.dma_semaphore, #tpu.memory_space<semaphore_mem>>)
    %add3A_590 = arith.constant 32 : i32
    %add3A_591 = arith.addi %mul3A_2, %add3A_590 : i32
    %dma_wait3A_592 = arith.constant 0 : i32
    %dma_wait3A_593 = arith.constant 1 : i32
    %dma_wait3A_594 = arith.constant 0 : i32
    %dma_wait3A_595 = arith.constant 0 : i32
    %dma_wait3A_596 = tpu.memref_slice %arg6[%dma_wait3A_592, %dma_wait3A_594, %dma_wait3A_595] : memref<3x16x1024xf32, #tpu.memory_space<vmem>> -> memref<1x16x1024xf32, #tpu.memory_space<vmem>>
    %dma_wait3A_597 = tpu.memref_squeeze %dma_wait3A_596 : memref<1x16x1024xf32, #tpu.memory_space<vmem>> -> memref<16x1024xf32, #tpu.memory_space<vmem>>
    %dma_wait3A_598 = arith.constant 0 : i32
    %dma_wait3A_599 = tpu.memref_slice %arg4[%dma_wait3A_593, %add3A_591, %dma_wait3A_598] : memref<4x2048x1024xf32, #tpu.memory_space<hbm>> -> memref<1x16x1024xf32, #tpu.memory_space<hbm>>
    %dma_wait3A_600 = tpu.memref_squeeze %dma_wait3A_599 : memref<1x16x1024xf32, #tpu.memory_space<hbm>> -> memref<16x1024xf32, #tpu.memory_space<hbm>>
    %dma_wait3A_601 = arith.constant 0 : i32
    %dma_wait3A_602 = tpu.memref_slice %arg4[%dma_wait3A_593, %add3A_591, %dma_wait3A_601] : memref<4x2048x1024xf32, #tpu.memory_space<hbm>> -> memref<1x16x1024xf32, #tpu.memory_space<hbm>>
    %dma_wait3A_603 = tpu.memref_squeeze %dma_wait3A_602 : memref<1x16x1024xf32, #tpu.memory_space<hbm>> -> memref<16x1024xf32, #tpu.memory_space<hbm>>
    %dma_wait3A_604 = arith.constant 0 : i32
    %dma_wait3A_605 = arith.constant 0 : i32
    %dma_wait3A_606 = tpu.memref_slice %arg6[%dma_wait3A_592, %dma_wait3A_604, %dma_wait3A_605] : memref<3x16x1024xf32, #tpu.memory_space<vmem>> -> memref<1x16x1024xf32, #tpu.memory_space<vmem>>
    %dma_wait3A_607 = tpu.memref_squeeze %dma_wait3A_606 : memref<1x16x1024xf32, #tpu.memory_space<vmem>> -> memref<16x1024xf32, #tpu.memory_space<vmem>>
    tpu.wait_dma2 semaphore(%arg11 : memref<!tpu.dma_semaphore, #tpu.memory_space<semaphore_mem>>) src(%dma_wait3A_607 : memref<16x1024xf32, #tpu.memory_space<vmem>>) dst(%dma_wait3A_603 : memref<16x1024xf32, #tpu.memory_space<hbm>>)
    %add3A_608 = arith.constant 16 : i32
    %add3A_609 = arith.addi %mul3A_2, %add3A_608 : i32
    %dma_start3A_610 = arith.constant 2 : i32
    %dma_start3A_611 = arith.constant 0 : i32
    %dma_start3A_612 = arith.constant 0 : i32
    %dma_start3A_613 = arith.constant 0 : i32
    %dma_start3A_614 = tpu.memref_slice %arg6[%dma_start3A_611, %dma_start3A_612, %dma_start3A_613] : memref<3x16x1024xf32, #tpu.memory_space<vmem>> -> memref<1x16x1024xf32, #tpu.memory_space<vmem>>
    %dma_start3A_615 = tpu.memref_squeeze %dma_start3A_614 : memref<1x16x1024xf32, #tpu.memory_space<vmem>> -> memref<16x1024xf32, #tpu.memory_space<vmem>>
    %dma_start3A_616 = arith.constant 0 : i32
    %dma_start3A_617 = tpu.memref_slice %arg2[%dma_start3A_610, %add3A_609, %dma_start3A_616] : memref<4x2048x1024xf32, #tpu.memory_space<hbm>> -> memref<1x16x1024xf32, #tpu.memory_space<hbm>>
    %dma_start3A_618 = tpu.memref_squeeze %dma_start3A_617 : memref<1x16x1024xf32, #tpu.memory_space<hbm>> -> memref<16x1024xf32, #tpu.memory_space<hbm>>
    %dma_start3A_619 = arith.constant 0 : i32
    %dma_start3A_620 = arith.constant 0 : i32
    %dma_start3A_621 = tpu.memref_slice %arg6[%dma_start3A_611, %dma_start3A_619, %dma_start3A_620] : memref<3x16x1024xf32, #tpu.memory_space<vmem>> -> memref<1x16x1024xf32, #tpu.memory_space<vmem>>
    %dma_start3A_622 = tpu.memref_squeeze %dma_start3A_621 : memref<1x16x1024xf32, #tpu.memory_space<vmem>> -> memref<16x1024xf32, #tpu.memory_space<vmem>>
    %dma_start3A_623 = arith.constant 0 : i32
    %dma_start3A_624 = tpu.memref_slice %arg2[%dma_start3A_610, %add3A_609, %dma_start3A_623] : memref<4x2048x1024xf32, #tpu.memory_space<hbm>> -> memref<1x16x1024xf32, #tpu.memory_space<hbm>>
    %dma_start3A_625 = tpu.memref_squeeze %dma_start3A_624 : memref<1x16x1024xf32, #tpu.memory_space<hbm>> -> memref<16x1024xf32, #tpu.memory_space<hbm>>
    tpu.enqueue_dma source(%dma_start3A_625 : memref<16x1024xf32, #tpu.memory_space<hbm>>) target(%dma_start3A_622 : memref<16x1024xf32, #tpu.memory_space<vmem>>) target_semaphore(%arg8 : memref<!tpu.dma_semaphore, #tpu.memory_space<semaphore_mem>>)
    %add3A_626 = arith.constant 0 : i32
    %add3A_627 = arith.addi %mul3A_2, %add3A_626 : i32
    %dma_wait3A_628 = arith.constant 2 : i32
    %dma_wait3A_629 = arith.constant 2 : i32
    %dma_wait3A_630 = arith.constant 0 : i32
    %dma_wait3A_631 = arith.constant 0 : i32
    %dma_wait3A_632 = tpu.memref_slice %arg6[%dma_wait3A_629, %dma_wait3A_630, %dma_wait3A_631] : memref<3x16x1024xf32, #tpu.memory_space<vmem>> -> memref<1x16x1024xf32, #tpu.memory_space<vmem>>
    %dma_wait3A_633 = tpu.memref_squeeze %dma_wait3A_632 : memref<1x16x1024xf32, #tpu.memory_space<vmem>> -> memref<16x1024xf32, #tpu.memory_space<vmem>>
    %dma_wait3A_634 = arith.constant 0 : i32
    %dma_wait3A_635 = tpu.memref_slice %arg2[%dma_wait3A_628, %add3A_627, %dma_wait3A_634] : memref<4x2048x1024xf32, #tpu.memory_space<hbm>> -> memref<1x16x1024xf32, #tpu.memory_space<hbm>>
    %dma_wait3A_636 = tpu.memref_squeeze %dma_wait3A_635 : memref<1x16x1024xf32, #tpu.memory_space<hbm>> -> memref<16x1024xf32, #tpu.memory_space<hbm>>
    %dma_wait3A_637 = arith.constant 0 : i32
    %dma_wait3A_638 = arith.constant 0 : i32
    %dma_wait3A_639 = tpu.memref_slice %arg6[%dma_wait3A_629, %dma_wait3A_637, %dma_wait3A_638] : memref<3x16x1024xf32, #tpu.memory_space<vmem>> -> memref<1x16x1024xf32, #tpu.memory_space<vmem>>
    %dma_wait3A_640 = tpu.memref_squeeze %dma_wait3A_639 : memref<1x16x1024xf32, #tpu.memory_space<vmem>> -> memref<16x1024xf32, #tpu.memory_space<vmem>>
    %dma_wait3A_641 = arith.constant 0 : i32
    %dma_wait3A_642 = tpu.memref_slice %arg2[%dma_wait3A_628, %add3A_627, %dma_wait3A_641] : memref<4x2048x1024xf32, #tpu.memory_space<hbm>> -> memref<1x16x1024xf32, #tpu.memory_space<hbm>>
    %dma_wait3A_643 = tpu.memref_squeeze %dma_wait3A_642 : memref<1x16x1024xf32, #tpu.memory_space<hbm>> -> memref<16x1024xf32, #tpu.memory_space<hbm>>
    tpu.wait_dma2 semaphore(%arg10 : memref<!tpu.dma_semaphore, #tpu.memory_space<semaphore_mem>>) src(%dma_wait3A_643 : memref<16x1024xf32, #tpu.memory_space<hbm>>) dst(%dma_wait3A_640 : memref<16x1024xf32, #tpu.memory_space<vmem>>)
    %parallel_loop3A_644 = arith.constant 0 : i32
    %parallel_loop3A_645 = arith.constant 1024 : i32
    %parallel_loop3A_646 = arith.constant 1 : i32
    scf.for %parallel_loop3A_1208 = %parallel_loop3A_644 to %parallel_loop3A_645 step %parallel_loop3A_646  : i32 {
      %parallel_loop3A_1209 = arith.constant 64 : i32
      %parallel_loop3A_1210 = arith.divsi %parallel_loop3A_1208, %parallel_loop3A_1209 : i32
      %parallel_loop3A_1211 = arith.constant 0 : i32
      %parallel_loop3A_1212 = arith.cmpi sgt, %parallel_loop3A_1208, %parallel_loop3A_1211 : i32
      %parallel_loop3A_1213 = arith.extui %parallel_loop3A_1212 : i1 to i32
      %parallel_loop3A_1214 = arith.constant 0 : i32
      %parallel_loop3A_1215 = arith.cmpi slt, %parallel_loop3A_1208, %parallel_loop3A_1214 : i32
      %parallel_loop3A_1216 = arith.extui %parallel_loop3A_1215 : i1 to i32
      %parallel_loop3A_1217 = arith.subi %parallel_loop3A_1213, %parallel_loop3A_1216 : i32
      %parallel_loop3A_1218 = arith.constant 0 : i32
      %parallel_loop3A_1219 = arith.cmpi sgt, %parallel_loop3A_1209, %parallel_loop3A_1218 : i32
      %parallel_loop3A_1220 = arith.extui %parallel_loop3A_1219 : i1 to i32
      %parallel_loop3A_1221 = arith.constant 0 : i32
      %parallel_loop3A_1222 = arith.cmpi slt, %parallel_loop3A_1209, %parallel_loop3A_1221 : i32
      %parallel_loop3A_1223 = arith.extui %parallel_loop3A_1222 : i1 to i32
      %parallel_loop3A_1224 = arith.subi %parallel_loop3A_1220, %parallel_loop3A_1223 : i32
      %parallel_loop3A_1225 = arith.cmpi ne, %parallel_loop3A_1217, %parallel_loop3A_1224 : i32
      %parallel_loop3A_1226 = arith.remsi %parallel_loop3A_1208, %parallel_loop3A_1209 : i32
      %parallel_loop3A_1227 = arith.constant 0 : i32
      %parallel_loop3A_1228 = arith.cmpi ne, %parallel_loop3A_1226, %parallel_loop3A_1227 : i32
      %parallel_loop3A_1229 = arith.andi %parallel_loop3A_1225, %parallel_loop3A_1228 : i1
      %parallel_loop3A_1230 = arith.constant 1 : i32
      %parallel_loop3A_1231 = arith.subi %parallel_loop3A_1210, %parallel_loop3A_1230 : i32
      %parallel_loop3A_1232 = arith.select %parallel_loop3A_1229, %parallel_loop3A_1231, %parallel_loop3A_1210 : i32
      %parallel_loop3A_1233 = arith.constant 64 : i32
      %parallel_loop3A_1234 = arith.constant 0 : i32
      %parallel_loop3A_1235 = arith.cmpi eq, %parallel_loop3A_1233, %parallel_loop3A_1234 : i32
      %parallel_loop3A_1236 = arith.constant 1 : i32
      %parallel_loop3A_1237 = arith.select %parallel_loop3A_1235, %parallel_loop3A_1236, %parallel_loop3A_1233 : i32
      %parallel_loop3A_1238 = arith.remsi %parallel_loop3A_1208, %parallel_loop3A_1237 : i32
      %parallel_loop3A_1239 = arith.constant 0 : i32
      %parallel_loop3A_1240 = arith.cmpi ne, %parallel_loop3A_1238, %parallel_loop3A_1239 : i32
      %parallel_loop3A_1241 = arith.constant 0 : i32
      %parallel_loop3A_1242 = arith.cmpi slt, %parallel_loop3A_1238, %parallel_loop3A_1241 : i32
      %parallel_loop3A_1243 = arith.constant 0 : i32
      %parallel_loop3A_1244 = arith.cmpi slt, %parallel_loop3A_1237, %parallel_loop3A_1243 : i32
      %parallel_loop3A_1245 = arith.xori %parallel_loop3A_1242, %parallel_loop3A_1244 : i1
      %parallel_loop3A_1246 = arith.andi %parallel_loop3A_1245, %parallel_loop3A_1240 : i1
      %parallel_loop3A_1247 = arith.addi %parallel_loop3A_1238, %parallel_loop3A_1237 : i32
      %parallel_loop3A_1248 = arith.select %parallel_loop3A_1246, %parallel_loop3A_1247, %parallel_loop3A_1238 : i32
      %parallel_loop3A_1249 = arith.constant 16 : i32
      %parallel_loop3A_1250 = arith.muli %parallel_loop3A_1248, %parallel_loop3A_1249 : i32
      %parallel_loop3A_1251 = arith.constant 2 : i32
      %parallel_loop3A_1252 = arith.index_cast %parallel_loop3A_1251 : i32 to index
      %parallel_loop3A_1253 = arith.index_cast %parallel_loop3A_1232 : i32 to index
      %parallel_loop3A_1254 = arith.index_cast %parallel_loop3A_1250 : i32 to index
      %parallel_loop3A_1255 = tpu.vector_load %arg6[%parallel_loop3A_1252, %parallel_loop3A_1253, %parallel_loop3A_1254] {strides = array<i32>} : memref<3x16x1024xf32, #tpu.memory_space<vmem>>, vector<1x1x16xf32>,
      %parallel_loop3A_1256 = vector.shape_cast %parallel_loop3A_1255 : vector<1x1x16xf32> to vector<16xf32>
      %parallel_loop3A_1257 = arith.constant 0 : i32
      %parallel_loop3A_1258 = arith.addi %parallel_loop3A_1257, %parallel_loop3A_1232 : i32
      %parallel_loop3A_1259 = arith.index_cast %parallel_loop3A_1258 : i32 to index
      %parallel_loop3A_1260 = arith.index_cast %parallel_loop3A_1250 : i32 to index
      %parallel_loop3A_1261 = tpu.vector_load %arg5[%parallel_loop3A_1259, %parallel_loop3A_1260] {strides = array<i32>} : memref<64x1024xf32, #tpu.memory_space<vmem>>, vector<1x16xf32>,
      %parallel_loop3A_1262 = vector.shape_cast %parallel_loop3A_1261 : vector<1x16xf32> to vector<16xf32>
      %parallel_loop3A_1263 = arith.constant 3.125000e-02 : f32
      %parallel_loop3A_1264 = vector.broadcast %parallel_loop3A_1263 : f32 to vector<16xf32>
      %parallel_loop3A_1265 = arith.mulf %parallel_loop3A_1262, %parallel_loop3A_1264 : vector<16xf32>
      %parallel_loop3A_1266 = arith.addf %parallel_loop3A_1256, %parallel_loop3A_1265 : vector<16xf32>
      %parallel_loop3A_1267 = arith.constant 2 : i32
      %parallel_loop3A_1268 = arith.index_cast %parallel_loop3A_1267 : i32 to index
      %parallel_loop3A_1269 = arith.index_cast %parallel_loop3A_1232 : i32 to index
      %parallel_loop3A_1270 = arith.index_cast %parallel_loop3A_1250 : i32 to index
      %parallel_loop3A_1271 = tpu.vector_load %arg6[%parallel_loop3A_1268, %parallel_loop3A_1269, %parallel_loop3A_1270] {strides = array<i32>} : memref<3x16x1024xf32, #tpu.memory_space<vmem>>, vector<1x1x16xf32>,
      %parallel_loop3A_1272 = vector.shape_cast %parallel_loop3A_1271 : vector<1x1x16xf32> to vector<16xf32>
      %parallel_loop3A_1273 = vector.shape_cast %parallel_loop3A_1266 : vector<16xf32> to vector<1x1x16xf32>
      tpu.vector_store %arg6[%parallel_loop3A_1268, %parallel_loop3A_1269, %parallel_loop3A_1270], %parallel_loop3A_1273 {strides = array<i32>} : memref<3x16x1024xf32, #tpu.memory_space<vmem>>, vector<1x1x16xf32>,
    } {sc.loop_unroll_factor = 8 : i64, sc.parallel_access}
    %add3A_647 = arith.constant 0 : i32
    %add3A_648 = arith.addi %mul3A_2, %add3A_647 : i32
    %dma_start3A_649 = arith.constant 2 : i32
    %dma_start3A_650 = arith.constant 2 : i32
    %dma_start3A_651 = arith.constant 0 : i32
    %dma_start3A_652 = arith.constant 0 : i32
    %dma_start3A_653 = tpu.memref_slice %arg6[%dma_start3A_649, %dma_start3A_651, %dma_start3A_652] : memref<3x16x1024xf32, #tpu.memory_space<vmem>> -> memref<1x16x1024xf32, #tpu.memory_space<vmem>>
    %dma_start3A_654 = tpu.memref_squeeze %dma_start3A_653 : memref<1x16x1024xf32, #tpu.memory_space<vmem>> -> memref<16x1024xf32, #tpu.memory_space<vmem>>
    %dma_start3A_655 = arith.constant 0 : i32
    %dma_start3A_656 = tpu.memref_slice %arg4[%dma_start3A_650, %add3A_648, %dma_start3A_655] : memref<4x2048x1024xf32, #tpu.memory_space<hbm>> -> memref<1x16x1024xf32, #tpu.memory_space<hbm>>
    %dma_start3A_657 = tpu.memref_squeeze %dma_start3A_656 : memref<1x16x1024xf32, #tpu.memory_space<hbm>> -> memref<16x1024xf32, #tpu.memory_space<hbm>>
    %dma_start3A_658 = arith.constant 0 : i32
    %dma_start3A_659 = tpu.memref_slice %arg4[%dma_start3A_650, %add3A_648, %dma_start3A_658] : memref<4x2048x1024xf32, #tpu.memory_space<hbm>> -> memref<1x16x1024xf32, #tpu.memory_space<hbm>>
    %dma_start3A_660 = tpu.memref_squeeze %dma_start3A_659 : memref<1x16x1024xf32, #tpu.memory_space<hbm>> -> memref<16x1024xf32, #tpu.memory_space<hbm>>
    %dma_start3A_661 = arith.constant 0 : i32
    %dma_start3A_662 = arith.constant 0 : i32
    %dma_start3A_663 = tpu.memref_slice %arg6[%dma_start3A_649, %dma_start3A_661, %dma_start3A_662] : memref<3x16x1024xf32, #tpu.memory_space<vmem>> -> memref<1x16x1024xf32, #tpu.memory_space<vmem>>
    %dma_start3A_664 = tpu.memref_squeeze %dma_start3A_663 : memref<1x16x1024xf32, #tpu.memory_space<vmem>> -> memref<16x1024xf32, #tpu.memory_space<vmem>>
    tpu.enqueue_dma source(%dma_start3A_664 : memref<16x1024xf32, #tpu.memory_space<vmem>>) target(%dma_start3A_660 : memref<16x1024xf32, #tpu.memory_space<hbm>>) target_semaphore(%arg13 : memref<!tpu.dma_semaphore, #tpu.memory_space<semaphore_mem>>)
    %add3A_665 = arith.constant 48 : i32
    %add3A_666 = arith.addi %mul3A_2, %add3A_665 : i32
    %dma_wait3A_667 = arith.constant 1 : i32
    %dma_wait3A_668 = arith.constant 1 : i32
    %dma_wait3A_669 = arith.constant 0 : i32
    %dma_wait3A_670 = arith.constant 0 : i32
    %dma_wait3A_671 = tpu.memref_slice %arg6[%dma_wait3A_667, %dma_wait3A_669, %dma_wait3A_670] : memref<3x16x1024xf32, #tpu.memory_space<vmem>> -> memref<1x16x1024xf32, #tpu.memory_space<vmem>>
    %dma_wait3A_672 = tpu.memref_squeeze %dma_wait3A_671 : memref<1x16x1024xf32, #tpu.memory_space<vmem>> -> memref<16x1024xf32, #tpu.memory_space<vmem>>
    %dma_wait3A_673 = arith.constant 0 : i32
    %dma_wait3A_674 = tpu.memref_slice %arg4[%dma_wait3A_668, %add3A_666, %dma_wait3A_673] : memref<4x2048x1024xf32, #tpu.memory_space<hbm>> -> memref<1x16x1024xf32, #tpu.memory_space<hbm>>
    %dma_wait3A_675 = tpu.memref_squeeze %dma_wait3A_674 : memref<1x16x1024xf32, #tpu.memory_space<hbm>> -> memref<16x1024xf32, #tpu.memory_space<hbm>>
    %dma_wait3A_676 = arith.constant 0 : i32
    %dma_wait3A_677 = tpu.memref_slice %arg4[%dma_wait3A_668, %add3A_666, %dma_wait3A_676] : memref<4x2048x1024xf32, #tpu.memory_space<hbm>> -> memref<1x16x1024xf32, #tpu.memory_space<hbm>>
    %dma_wait3A_678 = tpu.memref_squeeze %dma_wait3A_677 : memref<1x16x1024xf32, #tpu.memory_space<hbm>> -> memref<16x1024xf32, #tpu.memory_space<hbm>>
    %dma_wait3A_679 = arith.constant 0 : i32
    %dma_wait3A_680 = arith.constant 0 : i32
    %dma_wait3A_681 = tpu.memref_slice %arg6[%dma_wait3A_667, %dma_wait3A_679, %dma_wait3A_680] : memref<3x16x1024xf32, #tpu.memory_space<vmem>> -> memref<1x16x1024xf32, #tpu.memory_space<vmem>>
    %dma_wait3A_682 = tpu.memref_squeeze %dma_wait3A_681 : memref<1x16x1024xf32, #tpu.memory_space<vmem>> -> memref<16x1024xf32, #tpu.memory_space<vmem>>
    tpu.wait_dma2 semaphore(%arg12 : memref<!tpu.dma_semaphore, #tpu.memory_space<semaphore_mem>>) src(%dma_wait3A_682 : memref<16x1024xf32, #tpu.memory_space<vmem>>) dst(%dma_wait3A_678 : memref<16x1024xf32, #tpu.memory_space<hbm>>)
    %add3A_683 = arith.constant 32 : i32
    %add3A_684 = arith.addi %mul3A_2, %add3A_683 : i32
    %dma_start3A_685 = arith.constant 2 : i32
    %dma_start3A_686 = arith.constant 1 : i32
    %dma_start3A_687 = arith.constant 0 : i32
    %dma_start3A_688 = arith.constant 0 : i32
    %dma_start3A_689 = tpu.memref_slice %arg6[%dma_start3A_686, %dma_start3A_687, %dma_start3A_688] : memref<3x16x1024xf32, #tpu.memory_space<vmem>> -> memref<1x16x1024xf32, #tpu.memory_space<vmem>>
    %dma_start3A_690 = tpu.memref_squeeze %dma_start3A_689 : memref<1x16x1024xf32, #tpu.memory_space<vmem>> -> memref<16x1024xf32, #tpu.memory_space<vmem>>
    %dma_start3A_691 = arith.constant 0 : i32
    %dma_start3A_692 = tpu.memref_slice %arg2[%dma_start3A_685, %add3A_684, %dma_start3A_691] : memref<4x2048x1024xf32, #tpu.memory_space<hbm>> -> memref<1x16x1024xf32, #tpu.memory_space<hbm>>
    %dma_start3A_693 = tpu.memref_squeeze %dma_start3A_692 : memref<1x16x1024xf32, #tpu.memory_space<hbm>> -> memref<16x1024xf32, #tpu.memory_space<hbm>>
    %dma_start3A_694 = arith.constant 0 : i32
    %dma_start3A_695 = arith.constant 0 : i32
    %dma_start3A_696 = tpu.memref_slice %arg6[%dma_start3A_686, %dma_start3A_694, %dma_start3A_695] : memref<3x16x1024xf32, #tpu.memory_space<vmem>> -> memref<1x16x1024xf32, #tpu.memory_space<vmem>>
    %dma_start3A_697 = tpu.memref_squeeze %dma_start3A_696 : memref<1x16x1024xf32, #tpu.memory_space<vmem>> -> memref<16x1024xf32, #tpu.memory_space<vmem>>
    %dma_start3A_698 = arith.constant 0 : i32
    %dma_start3A_699 = tpu.memref_slice %arg2[%dma_start3A_685, %add3A_684, %dma_start3A_698] : memref<4x2048x1024xf32, #tpu.memory_space<hbm>> -> memref<1x16x1024xf32, #tpu.memory_space<hbm>>
    %dma_start3A_700 = tpu.memref_squeeze %dma_start3A_699 : memref<1x16x1024xf32, #tpu.memory_space<hbm>> -> memref<16x1024xf32, #tpu.memory_space<hbm>>
    tpu.enqueue_dma source(%dma_start3A_700 : memref<16x1024xf32, #tpu.memory_space<hbm>>) target(%dma_start3A_697 : memref<16x1024xf32, #tpu.memory_space<vmem>>) target_semaphore(%arg9 : memref<!tpu.dma_semaphore, #tpu.memory_space<semaphore_mem>>)
    %add3A_701 = arith.constant 16 : i32
    %add3A_702 = arith.addi %mul3A_2, %add3A_701 : i32
    %dma_wait3A_703 = arith.constant 2 : i32
    %dma_wait3A_704 = arith.constant 0 : i32
    %dma_wait3A_705 = arith.constant 0 : i32
    %dma_wait3A_706 = arith.constant 0 : i32
    %dma_wait3A_707 = tpu.memref_slice %arg6[%dma_wait3A_704, %dma_wait3A_705, %dma_wait3A_706] : memref<3x16x1024xf32, #tpu.memory_space<vmem>> -> memref<1x16x1024xf32, #tpu.memory_space<vmem>>
    %dma_wait3A_708 = tpu.memref_squeeze %dma_wait3A_707 : memref<1x16x1024xf32, #tpu.memory_space<vmem>> -> memref<16x1024xf32, #tpu.memory_space<vmem>>
    %dma_wait3A_709 = arith.constant 0 : i32
    %dma_wait3A_710 = tpu.memref_slice %arg2[%dma_wait3A_703, %add3A_702, %dma_wait3A_709] : memref<4x2048x1024xf32, #tpu.memory_space<hbm>> -> memref<1x16x1024xf32, #tpu.memory_space<hbm>>
    %dma_wait3A_711 = tpu.memref_squeeze %dma_wait3A_710 : memref<1x16x1024xf32, #tpu.memory_space<hbm>> -> memref<16x1024xf32, #tpu.memory_space<hbm>>
    %dma_wait3A_712 = arith.constant 0 : i32
    %dma_wait3A_713 = arith.constant 0 : i32
    %dma_wait3A_714 = tpu.memref_slice %arg6[%dma_wait3A_704, %dma_wait3A_712, %dma_wait3A_713] : memref<3x16x1024xf32, #tpu.memory_space<vmem>> -> memref<1x16x1024xf32, #tpu.memory_space<vmem>>
    %dma_wait3A_715 = tpu.memref_squeeze %dma_wait3A_714 : memref<1x16x1024xf32, #tpu.memory_space<vmem>> -> memref<16x1024xf32, #tpu.memory_space<vmem>>
    %dma_wait3A_716 = arith.constant 0 : i32
    %dma_wait3A_717 = tpu.memref_slice %arg2[%dma_wait3A_703, %add3A_702, %dma_wait3A_716] : memref<4x2048x1024xf32, #tpu.memory_space<hbm>> -> memref<1x16x1024xf32, #tpu.memory_space<hbm>>
    %dma_wait3A_718 = tpu.memref_squeeze %dma_wait3A_717 : memref<1x16x1024xf32, #tpu.memory_space<hbm>> -> memref<16x1024xf32, #tpu.memory_space<hbm>>
    tpu.wait_dma2 semaphore(%arg8 : memref<!tpu.dma_semaphore, #tpu.memory_space<semaphore_mem>>) src(%dma_wait3A_718 : memref<16x1024xf32, #tpu.memory_space<hbm>>) dst(%dma_wait3A_715 : memref<16x1024xf32, #tpu.memory_space<vmem>>)
    %parallel_loop3A_719 = arith.constant 0 : i32
    %parallel_loop3A_720 = arith.constant 1024 : i32
    %parallel_loop3A_721 = arith.constant 1 : i32
    scf.for %parallel_loop3A_1208 = %parallel_loop3A_719 to %parallel_loop3A_720 step %parallel_loop3A_721  : i32 {
      %parallel_loop3A_1209 = arith.constant 64 : i32
      %parallel_loop3A_1210 = arith.divsi %parallel_loop3A_1208, %parallel_loop3A_1209 : i32
      %parallel_loop3A_1211 = arith.constant 0 : i32
      %parallel_loop3A_1212 = arith.cmpi sgt, %parallel_loop3A_1208, %parallel_loop3A_1211 : i32
      %parallel_loop3A_1213 = arith.extui %parallel_loop3A_1212 : i1 to i32
      %parallel_loop3A_1214 = arith.constant 0 : i32
      %parallel_loop3A_1215 = arith.cmpi slt, %parallel_loop3A_1208, %parallel_loop3A_1214 : i32
      %parallel_loop3A_1216 = arith.extui %parallel_loop3A_1215 : i1 to i32
      %parallel_loop3A_1217 = arith.subi %parallel_loop3A_1213, %parallel_loop3A_1216 : i32
      %parallel_loop3A_1218 = arith.constant 0 : i32
      %parallel_loop3A_1219 = arith.cmpi sgt, %parallel_loop3A_1209, %parallel_loop3A_1218 : i32
      %parallel_loop3A_1220 = arith.extui %parallel_loop3A_1219 : i1 to i32
      %parallel_loop3A_1221 = arith.constant 0 : i32
      %parallel_loop3A_1222 = arith.cmpi slt, %parallel_loop3A_1209, %parallel_loop3A_1221 : i32
      %parallel_loop3A_1223 = arith.extui %parallel_loop3A_1222 : i1 to i32
      %parallel_loop3A_1224 = arith.subi %parallel_loop3A_1220, %parallel_loop3A_1223 : i32
      %parallel_loop3A_1225 = arith.cmpi ne, %parallel_loop3A_1217, %parallel_loop3A_1224 : i32
      %parallel_loop3A_1226 = arith.remsi %parallel_loop3A_1208, %parallel_loop3A_1209 : i32
      %parallel_loop3A_1227 = arith.constant 0 : i32
      %parallel_loop3A_1228 = arith.cmpi ne, %parallel_loop3A_1226, %parallel_loop3A_1227 : i32
      %parallel_loop3A_1229 = arith.andi %parallel_loop3A_1225, %parallel_loop3A_1228 : i1
      %parallel_loop3A_1230 = arith.constant 1 : i32
      %parallel_loop3A_1231 = arith.subi %parallel_loop3A_1210, %parallel_loop3A_1230 : i32
      %parallel_loop3A_1232 = arith.select %parallel_loop3A_1229, %parallel_loop3A_1231, %parallel_loop3A_1210 : i32
      %parallel_loop3A_1233 = arith.constant 64 : i32
      %parallel_loop3A_1234 = arith.constant 0 : i32
      %parallel_loop3A_1235 = arith.cmpi eq, %parallel_loop3A_1233, %parallel_loop3A_1234 : i32
      %parallel_loop3A_1236 = arith.constant 1 : i32
      %parallel_loop3A_1237 = arith.select %parallel_loop3A_1235, %parallel_loop3A_1236, %parallel_loop3A_1233 : i32
      %parallel_loop3A_1238 = arith.remsi %parallel_loop3A_1208, %parallel_loop3A_1237 : i32
      %parallel_loop3A_1239 = arith.constant 0 : i32
      %parallel_loop3A_1240 = arith.cmpi ne, %parallel_loop3A_1238, %parallel_loop3A_1239 : i32
      %parallel_loop3A_1241 = arith.constant 0 : i32
      %parallel_loop3A_1242 = arith.cmpi slt, %parallel_loop3A_1238, %parallel_loop3A_1241 : i32
      %parallel_loop3A_1243 = arith.constant 0 : i32
      %parallel_loop3A_1244 = arith.cmpi slt, %parallel_loop3A_1237, %parallel_loop3A_1243 : i32
      %parallel_loop3A_1245 = arith.xori %parallel_loop3A_1242, %parallel_loop3A_1244 : i1
      %parallel_loop3A_1246 = arith.andi %parallel_loop3A_1245, %parallel_loop3A_1240 : i1
      %parallel_loop3A_1247 = arith.addi %parallel_loop3A_1238, %parallel_loop3A_1237 : i32
      %parallel_loop3A_1248 = arith.select %parallel_loop3A_1246, %parallel_loop3A_1247, %parallel_loop3A_1238 : i32
      %parallel_loop3A_1249 = arith.constant 16 : i32
      %parallel_loop3A_1250 = arith.muli %parallel_loop3A_1248, %parallel_loop3A_1249 : i32
      %parallel_loop3A_1251 = arith.constant 0 : i32
      %parallel_loop3A_1252 = arith.index_cast %parallel_loop3A_1251 : i32 to index
      %parallel_loop3A_1253 = arith.index_cast %parallel_loop3A_1232 : i32 to index
      %parallel_loop3A_1254 = arith.index_cast %parallel_loop3A_1250 : i32 to index
      %parallel_loop3A_1255 = tpu.vector_load %arg6[%parallel_loop3A_1252, %parallel_loop3A_1253, %parallel_loop3A_1254] {strides = array<i32>} : memref<3x16x1024xf32, #tpu.memory_space<vmem>>, vector<1x1x16xf32>,
      %parallel_loop3A_1256 = vector.shape_cast %parallel_loop3A_1255 : vector<1x1x16xf32> to vector<16xf32>
      %parallel_loop3A_1257 = arith.constant 16 : i32
      %parallel_loop3A_1258 = arith.addi %parallel_loop3A_1257, %parallel_loop3A_1232 : i32
      %parallel_loop3A_1259 = arith.index_cast %parallel_loop3A_1258 : i32 to index
      %parallel_loop3A_1260 = arith.index_cast %parallel_loop3A_1250 : i32 to index
      %parallel_loop3A_1261 = tpu.vector_load %arg5[%parallel_loop3A_1259, %parallel_loop3A_1260] {strides = array<i32>} : memref<64x1024xf32, #tpu.memory_space<vmem>>, vector<1x16xf32>,
      %parallel_loop3A_1262 = vector.shape_cast %parallel_loop3A_1261 : vector<1x16xf32> to vector<16xf32>
      %parallel_loop3A_1263 = arith.constant 3.125000e-02 : f32
      %parallel_loop3A_1264 = vector.broadcast %parallel_loop3A_1263 : f32 to vector<16xf32>
      %parallel_loop3A_1265 = arith.mulf %parallel_loop3A_1262, %parallel_loop3A_1264 : vector<16xf32>
      %parallel_loop3A_1266 = arith.addf %parallel_loop3A_1256, %parallel_loop3A_1265 : vector<16xf32>
      %parallel_loop3A_1267 = arith.constant 0 : i32
      %parallel_loop3A_1268 = arith.index_cast %parallel_loop3A_1267 : i32 to index
      %parallel_loop3A_1269 = arith.index_cast %parallel_loop3A_1232 : i32 to index
      %parallel_loop3A_1270 = arith.index_cast %parallel_loop3A_1250 : i32 to index
      %parallel_loop3A_1271 = tpu.vector_load %arg6[%parallel_loop3A_1268, %parallel_loop3A_1269, %parallel_loop3A_1270] {strides = array<i32>} : memref<3x16x1024xf32, #tpu.memory_space<vmem>>, vector<1x1x16xf32>,
      %parallel_loop3A_1272 = vector.shape_cast %parallel_loop3A_1271 : vector<1x1x16xf32> to vector<16xf32>
      %parallel_loop3A_1273 = vector.shape_cast %parallel_loop3A_1266 : vector<16xf32> to vector<1x1x16xf32>
      tpu.vector_store %arg6[%parallel_loop3A_1268, %parallel_loop3A_1269, %parallel_loop3A_1270], %parallel_loop3A_1273 {strides = array<i32>} : memref<3x16x1024xf32, #tpu.memory_space<vmem>>, vector<1x1x16xf32>,
    } {sc.loop_unroll_factor = 8 : i64, sc.parallel_access}
    %add3A_722 = arith.constant 16 : i32
    %add3A_723 = arith.addi %mul3A_2, %add3A_722 : i32
    %dma_start3A_724 = arith.constant 0 : i32
    %dma_start3A_725 = arith.constant 2 : i32
    %dma_start3A_726 = arith.constant 0 : i32
    %dma_start3A_727 = arith.constant 0 : i32
    %dma_start3A_728 = tpu.memref_slice %arg6[%dma_start3A_724, %dma_start3A_726, %dma_start3A_727] : memref<3x16x1024xf32, #tpu.memory_space<vmem>> -> memref<1x16x1024xf32, #tpu.memory_space<vmem>>
    %dma_start3A_729 = tpu.memref_squeeze %dma_start3A_728 : memref<1x16x1024xf32, #tpu.memory_space<vmem>> -> memref<16x1024xf32, #tpu.memory_space<vmem>>
    %dma_start3A_730 = arith.constant 0 : i32
    %dma_start3A_731 = tpu.memref_slice %arg4[%dma_start3A_725, %add3A_723, %dma_start3A_730] : memref<4x2048x1024xf32, #tpu.memory_space<hbm>> -> memref<1x16x1024xf32, #tpu.memory_space<hbm>>
    %dma_start3A_732 = tpu.memref_squeeze %dma_start3A_731 : memref<1x16x1024xf32, #tpu.memory_space<hbm>> -> memref<16x1024xf32, #tpu.memory_space<hbm>>
    %dma_start3A_733 = arith.constant 0 : i32
    %dma_start3A_734 = tpu.memref_slice %arg4[%dma_start3A_725, %add3A_723, %dma_start3A_733] : memref<4x2048x1024xf32, #tpu.memory_space<hbm>> -> memref<1x16x1024xf32, #tpu.memory_space<hbm>>
    %dma_start3A_735 = tpu.memref_squeeze %dma_start3A_734 : memref<1x16x1024xf32, #tpu.memory_space<hbm>> -> memref<16x1024xf32, #tpu.memory_space<hbm>>
    %dma_start3A_736 = arith.constant 0 : i32
    %dma_start3A_737 = arith.constant 0 : i32
    %dma_start3A_738 = tpu.memref_slice %arg6[%dma_start3A_724, %dma_start3A_736, %dma_start3A_737] : memref<3x16x1024xf32, #tpu.memory_space<vmem>> -> memref<1x16x1024xf32, #tpu.memory_space<vmem>>
    %dma_start3A_739 = tpu.memref_squeeze %dma_start3A_738 : memref<1x16x1024xf32, #tpu.memory_space<vmem>> -> memref<16x1024xf32, #tpu.memory_space<vmem>>
    tpu.enqueue_dma source(%dma_start3A_739 : memref<16x1024xf32, #tpu.memory_space<vmem>>) target(%dma_start3A_735 : memref<16x1024xf32, #tpu.memory_space<hbm>>) target_semaphore(%arg11 : memref<!tpu.dma_semaphore, #tpu.memory_space<semaphore_mem>>)
    %add3A_740 = arith.constant 0 : i32
    %add3A_741 = arith.addi %mul3A_2, %add3A_740 : i32
    %dma_wait3A_742 = arith.constant 2 : i32
    %dma_wait3A_743 = arith.constant 2 : i32
    %dma_wait3A_744 = arith.constant 0 : i32
    %dma_wait3A_745 = arith.constant 0 : i32
    %dma_wait3A_746 = tpu.memref_slice %arg6[%dma_wait3A_742, %dma_wait3A_744, %dma_wait3A_745] : memref<3x16x1024xf32, #tpu.memory_space<vmem>> -> memref<1x16x1024xf32, #tpu.memory_space<vmem>>
    %dma_wait3A_747 = tpu.memref_squeeze %dma_wait3A_746 : memref<1x16x1024xf32, #tpu.memory_space<vmem>> -> memref<16x1024xf32, #tpu.memory_space<vmem>>
    %dma_wait3A_748 = arith.constant 0 : i32
    %dma_wait3A_749 = tpu.memref_slice %arg4[%dma_wait3A_743, %add3A_741, %dma_wait3A_748] : memref<4x2048x1024xf32, #tpu.memory_space<hbm>> -> memref<1x16x1024xf32, #tpu.memory_space<hbm>>
    %dma_wait3A_750 = tpu.memref_squeeze %dma_wait3A_749 : memref<1x16x1024xf32, #tpu.memory_space<hbm>> -> memref<16x1024xf32, #tpu.memory_space<hbm>>
    %dma_wait3A_751 = arith.constant 0 : i32
    %dma_wait3A_752 = tpu.memref_slice %arg4[%dma_wait3A_743, %add3A_741, %dma_wait3A_751] : memref<4x2048x1024xf32, #tpu.memory_space<hbm>> -> memref<1x16x1024xf32, #tpu.memory_space<hbm>>
    %dma_wait3A_753 = tpu.memref_squeeze %dma_wait3A_752 : memref<1x16x1024xf32, #tpu.memory_space<hbm>> -> memref<16x1024xf32, #tpu.memory_space<hbm>>
    %dma_wait3A_754 = arith.constant 0 : i32
    %dma_wait3A_755 = arith.constant 0 : i32
    %dma_wait3A_756 = tpu.memref_slice %arg6[%dma_wait3A_742, %dma_wait3A_754, %dma_wait3A_755] : memref<3x16x1024xf32, #tpu.memory_space<vmem>> -> memref<1x16x1024xf32, #tpu.memory_space<vmem>>
    %dma_wait3A_757 = tpu.memref_squeeze %dma_wait3A_756 : memref<1x16x1024xf32, #tpu.memory_space<vmem>> -> memref<16x1024xf32, #tpu.memory_space<vmem>>
    tpu.wait_dma2 semaphore(%arg13 : memref<!tpu.dma_semaphore, #tpu.memory_space<semaphore_mem>>) src(%dma_wait3A_757 : memref<16x1024xf32, #tpu.memory_space<vmem>>) dst(%dma_wait3A_753 : memref<16x1024xf32, #tpu.memory_space<hbm>>)
    %add3A_758 = arith.constant 48 : i32
    %add3A_759 = arith.addi %mul3A_2, %add3A_758 : i32
    %dma_start3A_760 = arith.constant 2 : i32
    %dma_start3A_761 = arith.constant 2 : i32
    %dma_start3A_762 = arith.constant 0 : i32
    %dma_start3A_763 = arith.constant 0 : i32
    %dma_start3A_764 = tpu.memref_slice %arg6[%dma_start3A_761, %dma_start3A_762, %dma_start3A_763] : memref<3x16x1024xf32, #tpu.memory_space<vmem>> -> memref<1x16x1024xf32, #tpu.memory_space<vmem>>
    %dma_start3A_765 = tpu.memref_squeeze %dma_start3A_764 : memref<1x16x1024xf32, #tpu.memory_space<vmem>> -> memref<16x1024xf32, #tpu.memory_space<vmem>>
    %dma_start3A_766 = arith.constant 0 : i32
    %dma_start3A_767 = tpu.memref_slice %arg2[%dma_start3A_760, %add3A_759, %dma_start3A_766] : memref<4x2048x1024xf32, #tpu.memory_space<hbm>> -> memref<1x16x1024xf32, #tpu.memory_space<hbm>>
    %dma_start3A_768 = tpu.memref_squeeze %dma_start3A_767 : memref<1x16x1024xf32, #tpu.memory_space<hbm>> -> memref<16x1024xf32, #tpu.memory_space<hbm>>
    %dma_start3A_769 = arith.constant 0 : i32
    %dma_start3A_770 = arith.constant 0 : i32
    %dma_start3A_771 = tpu.memref_slice %arg6[%dma_start3A_761, %dma_start3A_769, %dma_start3A_770] : memref<3x16x1024xf32, #tpu.memory_space<vmem>> -> memref<1x16x1024xf32, #tpu.memory_space<vmem>>
    %dma_start3A_772 = tpu.memref_squeeze %dma_start3A_771 : memref<1x16x1024xf32, #tpu.memory_space<vmem>> -> memref<16x1024xf32, #tpu.memory_space<vmem>>
    %dma_start3A_773 = arith.constant 0 : i32
    %dma_start3A_774 = tpu.memref_slice %arg2[%dma_start3A_760, %add3A_759, %dma_start3A_773] : memref<4x2048x1024xf32, #tpu.memory_space<hbm>> -> memref<1x16x1024xf32, #tpu.memory_space<hbm>>
    %dma_start3A_775 = tpu.memref_squeeze %dma_start3A_774 : memref<1x16x1024xf32, #tpu.memory_space<hbm>> -> memref<16x1024xf32, #tpu.memory_space<hbm>>
    tpu.enqueue_dma source(%dma_start3A_775 : memref<16x1024xf32, #tpu.memory_space<hbm>>) target(%dma_start3A_772 : memref<16x1024xf32, #tpu.memory_space<vmem>>) target_semaphore(%arg10 : memref<!tpu.dma_semaphore, #tpu.memory_space<semaphore_mem>>)
    %add3A_776 = arith.constant 32 : i32
    %add3A_777 = arith.addi %mul3A_2, %add3A_776 : i32
    %dma_wait3A_778 = arith.constant 2 : i32
    %dma_wait3A_779 = arith.constant 1 : i32
    %dma_wait3A_780 = arith.constant 0 : i32
    %dma_wait3A_781 = arith.constant 0 : i32
    %dma_wait3A_782 = tpu.memref_slice %arg6[%dma_wait3A_779, %dma_wait3A_780, %dma_wait3A_781] : memref<3x16x1024xf32, #tpu.memory_space<vmem>> -> memref<1x16x1024xf32, #tpu.memory_space<vmem>>
    %dma_wait3A_783 = tpu.memref_squeeze %dma_wait3A_782 : memref<1x16x1024xf32, #tpu.memory_space<vmem>> -> memref<16x1024xf32, #tpu.memory_space<vmem>>
    %dma_wait3A_784 = arith.constant 0 : i32
    %dma_wait3A_785 = tpu.memref_slice %arg2[%dma_wait3A_778, %add3A_777, %dma_wait3A_784] : memref<4x2048x1024xf32, #tpu.memory_space<hbm>> -> memref<1x16x1024xf32, #tpu.memory_space<hbm>>
    %dma_wait3A_786 = tpu.memref_squeeze %dma_wait3A_785 : memref<1x16x1024xf32, #tpu.memory_space<hbm>> -> memref<16x1024xf32, #tpu.memory_space<hbm>>
    %dma_wait3A_787 = arith.constant 0 : i32
    %dma_wait3A_788 = arith.constant 0 : i32
    %dma_wait3A_789 = tpu.memref_slice %arg6[%dma_wait3A_779, %dma_wait3A_787, %dma_wait3A_788] : memref<3x16x1024xf32, #tpu.memory_space<vmem>> -> memref<1x16x1024xf32, #tpu.memory_space<vmem>>
    %dma_wait3A_790 = tpu.memref_squeeze %dma_wait3A_789 : memref<1x16x1024xf32, #tpu.memory_space<vmem>> -> memref<16x1024xf32, #tpu.memory_space<vmem>>
    %dma_wait3A_791 = arith.constant 0 : i32
    %dma_wait3A_792 = tpu.memref_slice %arg2[%dma_wait3A_778, %add3A_777, %dma_wait3A_791] : memref<4x2048x1024xf32, #tpu.memory_space<hbm>> -> memref<1x16x1024xf32, #tpu.memory_space<hbm>>
    %dma_wait3A_793 = tpu.memref_squeeze %dma_wait3A_792 : memref<1x16x1024xf32, #tpu.memory_space<hbm>> -> memref<16x1024xf32, #tpu.memory_space<hbm>>
    tpu.wait_dma2 semaphore(%arg9 : memref<!tpu.dma_semaphore, #tpu.memory_space<semaphore_mem>>) src(%dma_wait3A_793 : memref<16x1024xf32, #tpu.memory_space<hbm>>) dst(%dma_wait3A_790 : memref<16x1024xf32, #tpu.memory_space<vmem>>)
    %parallel_loop3A_794 = arith.constant 0 : i32
    %parallel_loop3A_795 = arith.constant 1024 : i32
    %parallel_loop3A_796 = arith.constant 1 : i32
    scf.for %parallel_loop3A_1208 = %parallel_loop3A_794 to %parallel_loop3A_795 step %parallel_loop3A_796  : i32 {
      %parallel_loop3A_1209 = arith.constant 64 : i32
      %parallel_loop3A_1210 = arith.divsi %parallel_loop3A_1208, %parallel_loop3A_1209 : i32
      %parallel_loop3A_1211 = arith.constant 0 : i32
      %parallel_loop3A_1212 = arith.cmpi sgt, %parallel_loop3A_1208, %parallel_loop3A_1211 : i32
      %parallel_loop3A_1213 = arith.extui %parallel_loop3A_1212 : i1 to i32
      %parallel_loop3A_1214 = arith.constant 0 : i32
      %parallel_loop3A_1215 = arith.cmpi slt, %parallel_loop3A_1208, %parallel_loop3A_1214 : i32
      %parallel_loop3A_1216 = arith.extui %parallel_loop3A_1215 : i1 to i32
      %parallel_loop3A_1217 = arith.subi %parallel_loop3A_1213, %parallel_loop3A_1216 : i32
      %parallel_loop3A_1218 = arith.constant 0 : i32
      %parallel_loop3A_1219 = arith.cmpi sgt, %parallel_loop3A_1209, %parallel_loop3A_1218 : i32
      %parallel_loop3A_1220 = arith.extui %parallel_loop3A_1219 : i1 to i32
      %parallel_loop3A_1221 = arith.constant 0 : i32
      %parallel_loop3A_1222 = arith.cmpi slt, %parallel_loop3A_1209, %parallel_loop3A_1221 : i32
      %parallel_loop3A_1223 = arith.extui %parallel_loop3A_1222 : i1 to i32
      %parallel_loop3A_1224 = arith.subi %parallel_loop3A_1220, %parallel_loop3A_1223 : i32
      %parallel_loop3A_1225 = arith.cmpi ne, %parallel_loop3A_1217, %parallel_loop3A_1224 : i32
      %parallel_loop3A_1226 = arith.remsi %parallel_loop3A_1208, %parallel_loop3A_1209 : i32
      %parallel_loop3A_1227 = arith.constant 0 : i32
      %parallel_loop3A_1228 = arith.cmpi ne, %parallel_loop3A_1226, %parallel_loop3A_1227 : i32
      %parallel_loop3A_1229 = arith.andi %parallel_loop3A_1225, %parallel_loop3A_1228 : i1
      %parallel_loop3A_1230 = arith.constant 1 : i32
      %parallel_loop3A_1231 = arith.subi %parallel_loop3A_1210, %parallel_loop3A_1230 : i32
      %parallel_loop3A_1232 = arith.select %parallel_loop3A_1229, %parallel_loop3A_1231, %parallel_loop3A_1210 : i32
      %parallel_loop3A_1233 = arith.constant 64 : i32
      %parallel_loop3A_1234 = arith.constant 0 : i32
      %parallel_loop3A_1235 = arith.cmpi eq, %parallel_loop3A_1233, %parallel_loop3A_1234 : i32
      %parallel_loop3A_1236 = arith.constant 1 : i32
      %parallel_loop3A_1237 = arith.select %parallel_loop3A_1235, %parallel_loop3A_1236, %parallel_loop3A_1233 : i32
      %parallel_loop3A_1238 = arith.remsi %parallel_loop3A_1208, %parallel_loop3A_1237 : i32
      %parallel_loop3A_1239 = arith.constant 0 : i32
      %parallel_loop3A_1240 = arith.cmpi ne, %parallel_loop3A_1238, %parallel_loop3A_1239 : i32
      %parallel_loop3A_1241 = arith.constant 0 : i32
      %parallel_loop3A_1242 = arith.cmpi slt, %parallel_loop3A_1238, %parallel_loop3A_1241 : i32
      %parallel_loop3A_1243 = arith.constant 0 : i32
      %parallel_loop3A_1244 = arith.cmpi slt, %parallel_loop3A_1237, %parallel_loop3A_1243 : i32
      %parallel_loop3A_1245 = arith.xori %parallel_loop3A_1242, %parallel_loop3A_1244 : i1
      %parallel_loop3A_1246 = arith.andi %parallel_loop3A_1245, %parallel_loop3A_1240 : i1
      %parallel_loop3A_1247 = arith.addi %parallel_loop3A_1238, %parallel_loop3A_1237 : i32
      %parallel_loop3A_1248 = arith.select %parallel_loop3A_1246, %parallel_loop3A_1247, %parallel_loop3A_1238 : i32
      %parallel_loop3A_1249 = arith.constant 16 : i32
      %parallel_loop3A_1250 = arith.muli %parallel_loop3A_1248, %parallel_loop3A_1249 : i32
      %parallel_loop3A_1251 = arith.constant 1 : i32
      %parallel_loop3A_1252 = arith.index_cast %parallel_loop3A_1251 : i32 to index
      %parallel_loop3A_1253 = arith.index_cast %parallel_loop3A_1232 : i32 to index
      %parallel_loop3A_1254 = arith.index_cast %parallel_loop3A_1250 : i32 to index
      %parallel_loop3A_1255 = tpu.vector_load %arg6[%parallel_loop3A_1252, %parallel_loop3A_1253, %parallel_loop3A_1254] {strides = array<i32>} : memref<3x16x1024xf32, #tpu.memory_space<vmem>>, vector<1x1x16xf32>,
      %parallel_loop3A_1256 = vector.shape_cast %parallel_loop3A_1255 : vector<1x1x16xf32> to vector<16xf32>
      %parallel_loop3A_1257 = arith.constant 32 : i32
      %parallel_loop3A_1258 = arith.addi %parallel_loop3A_1257, %parallel_loop3A_1232 : i32
      %parallel_loop3A_1259 = arith.index_cast %parallel_loop3A_1258 : i32 to index
      %parallel_loop3A_1260 = arith.index_cast %parallel_loop3A_1250 : i32 to index
      %parallel_loop3A_1261 = tpu.vector_load %arg5[%parallel_loop3A_1259, %parallel_loop3A_1260] {strides = array<i32>} : memref<64x1024xf32, #tpu.memory_space<vmem>>, vector<1x16xf32>,
      %parallel_loop3A_1262 = vector.shape_cast %parallel_loop3A_1261 : vector<1x16xf32> to vector<16xf32>
      %parallel_loop3A_1263 = arith.constant 3.125000e-02 : f32
      %parallel_loop3A_1264 = vector.broadcast %parallel_loop3A_1263 : f32 to vector<16xf32>
      %parallel_loop3A_1265 = arith.mulf %parallel_loop3A_1262, %parallel_loop3A_1264 : vector<16xf32>
      %parallel_loop3A_1266 = arith.addf %parallel_loop3A_1256, %parallel_loop3A_1265 : vector<16xf32>
      %parallel_loop3A_1267 = arith.constant 1 : i32
      %parallel_loop3A_1268 = arith.index_cast %parallel_loop3A_1267 : i32 to index
      %parallel_loop3A_1269 = arith.index_cast %parallel_loop3A_1232 : i32 to index
      %parallel_loop3A_1270 = arith.index_cast %parallel_loop3A_1250 : i32 to index
      %parallel_loop3A_1271 = tpu.vector_load %arg6[%parallel_loop3A_1268, %parallel_loop3A_1269, %parallel_loop3A_1270] {strides = array<i32>} : memref<3x16x1024xf32, #tpu.memory_space<vmem>>, vector<1x1x16xf32>,
      %parallel_loop3A_1272 = vector.shape_cast %parallel_loop3A_1271 : vector<1x1x16xf32> to vector<16xf32>
      %parallel_loop3A_1273 = vector.shape_cast %parallel_loop3A_1266 : vector<16xf32> to vector<1x1x16xf32>
      tpu.vector_store %arg6[%parallel_loop3A_1268, %parallel_loop3A_1269, %parallel_loop3A_1270], %parallel_loop3A_1273 {strides = array<i32>} : memref<3x16x1024xf32, #tpu.memory_space<vmem>>, vector<1x1x16xf32>,
    } {sc.loop_unroll_factor = 8 : i64, sc.parallel_access}
    %add3A_797 = arith.constant 32 : i32
    %add3A_798 = arith.addi %mul3A_2, %add3A_797 : i32
    %dma_start3A_799 = arith.constant 1 : i32
    %dma_start3A_800 = arith.constant 2 : i32
    %dma_start3A_801 = arith.constant 0 : i32
    %dma_start3A_802 = arith.constant 0 : i32
    %dma_start3A_803 = tpu.memref_slice %arg6[%dma_start3A_799, %dma_start3A_801, %dma_start3A_802] : memref<3x16x1024xf32, #tpu.memory_space<vmem>> -> memref<1x16x1024xf32, #tpu.memory_space<vmem>>
    %dma_start3A_804 = tpu.memref_squeeze %dma_start3A_803 : memref<1x16x1024xf32, #tpu.memory_space<vmem>> -> memref<16x1024xf32, #tpu.memory_space<vmem>>
    %dma_start3A_805 = arith.constant 0 : i32
    %dma_start3A_806 = tpu.memref_slice %arg4[%dma_start3A_800, %add3A_798, %dma_start3A_805] : memref<4x2048x1024xf32, #tpu.memory_space<hbm>> -> memref<1x16x1024xf32, #tpu.memory_space<hbm>>
    %dma_start3A_807 = tpu.memref_squeeze %dma_start3A_806 : memref<1x16x1024xf32, #tpu.memory_space<hbm>> -> memref<16x1024xf32, #tpu.memory_space<hbm>>
    %dma_start3A_808 = arith.constant 0 : i32
    %dma_start3A_809 = tpu.memref_slice %arg4[%dma_start3A_800, %add3A_798, %dma_start3A_808] : memref<4x2048x1024xf32, #tpu.memory_space<hbm>> -> memref<1x16x1024xf32, #tpu.memory_space<hbm>>
    %dma_start3A_810 = tpu.memref_squeeze %dma_start3A_809 : memref<1x16x1024xf32, #tpu.memory_space<hbm>> -> memref<16x1024xf32, #tpu.memory_space<hbm>>
    %dma_start3A_811 = arith.constant 0 : i32
    %dma_start3A_812 = arith.constant 0 : i32
    %dma_start3A_813 = tpu.memref_slice %arg6[%dma_start3A_799, %dma_start3A_811, %dma_start3A_812] : memref<3x16x1024xf32, #tpu.memory_space<vmem>> -> memref<1x16x1024xf32, #tpu.memory_space<vmem>>
    %dma_start3A_814 = tpu.memref_squeeze %dma_start3A_813 : memref<1x16x1024xf32, #tpu.memory_space<vmem>> -> memref<16x1024xf32, #tpu.memory_space<vmem>>
    tpu.enqueue_dma source(%dma_start3A_814 : memref<16x1024xf32, #tpu.memory_space<vmem>>) target(%dma_start3A_810 : memref<16x1024xf32, #tpu.memory_space<hbm>>) target_semaphore(%arg12 : memref<!tpu.dma_semaphore, #tpu.memory_space<semaphore_mem>>)
    %add3A_815 = arith.constant 16 : i32
    %add3A_816 = arith.addi %mul3A_2, %add3A_815 : i32
    %dma_wait3A_817 = arith.constant 0 : i32
    %dma_wait3A_818 = arith.constant 2 : i32
    %dma_wait3A_819 = arith.constant 0 : i32
    %dma_wait3A_820 = arith.constant 0 : i32
    %dma_wait3A_821 = tpu.memref_slice %arg6[%dma_wait3A_817, %dma_wait3A_819, %dma_wait3A_820] : memref<3x16x1024xf32, #tpu.memory_space<vmem>> -> memref<1x16x1024xf32, #tpu.memory_space<vmem>>
    %dma_wait3A_822 = tpu.memref_squeeze %dma_wait3A_821 : memref<1x16x1024xf32, #tpu.memory_space<vmem>> -> memref<16x1024xf32, #tpu.memory_space<vmem>>
    %dma_wait3A_823 = arith.constant 0 : i32
    %dma_wait3A_824 = tpu.memref_slice %arg4[%dma_wait3A_818, %add3A_816, %dma_wait3A_823] : memref<4x2048x1024xf32, #tpu.memory_space<hbm>> -> memref<1x16x1024xf32, #tpu.memory_space<hbm>>
    %dma_wait3A_825 = tpu.memref_squeeze %dma_wait3A_824 : memref<1x16x1024xf32, #tpu.memory_space<hbm>> -> memref<16x1024xf32, #tpu.memory_space<hbm>>
    %dma_wait3A_826 = arith.constant 0 : i32
    %dma_wait3A_827 = tpu.memref_slice %arg4[%dma_wait3A_818, %add3A_816, %dma_wait3A_826] : memref<4x2048x1024xf32, #tpu.memory_space<hbm>> -> memref<1x16x1024xf32, #tpu.memory_space<hbm>>
    %dma_wait3A_828 = tpu.memref_squeeze %dma_wait3A_827 : memref<1x16x1024xf32, #tpu.memory_space<hbm>> -> memref<16x1024xf32, #tpu.memory_space<hbm>>
    %dma_wait3A_829 = arith.constant 0 : i32
    %dma_wait3A_830 = arith.constant 0 : i32
    %dma_wait3A_831 = tpu.memref_slice %arg6[%dma_wait3A_817, %dma_wait3A_829, %dma_wait3A_830] : memref<3x16x1024xf32, #tpu.memory_space<vmem>> -> memref<1x16x1024xf32, #tpu.memory_space<vmem>>
    %dma_wait3A_832 = tpu.memref_squeeze %dma_wait3A_831 : memref<1x16x1024xf32, #tpu.memory_space<vmem>> -> memref<16x1024xf32, #tpu.memory_space<vmem>>
    tpu.wait_dma2 semaphore(%arg11 : memref<!tpu.dma_semaphore, #tpu.memory_space<semaphore_mem>>) src(%dma_wait3A_832 : memref<16x1024xf32, #tpu.memory_space<vmem>>) dst(%dma_wait3A_828 : memref<16x1024xf32, #tpu.memory_space<hbm>>)
    %add3A_833 = arith.constant 0 : i32
    %add3A_834 = arith.addi %mul3A_2, %add3A_833 : i32
    %dma_start3A_835 = arith.constant 3 : i32
    %dma_start3A_836 = arith.constant 0 : i32
    %dma_start3A_837 = arith.constant 0 : i32
    %dma_start3A_838 = arith.constant 0 : i32
    %dma_start3A_839 = tpu.memref_slice %arg6[%dma_start3A_836, %dma_start3A_837, %dma_start3A_838] : memref<3x16x1024xf32, #tpu.memory_space<vmem>> -> memref<1x16x1024xf32, #tpu.memory_space<vmem>>
    %dma_start3A_840 = tpu.memref_squeeze %dma_start3A_839 : memref<1x16x1024xf32, #tpu.memory_space<vmem>> -> memref<16x1024xf32, #tpu.memory_space<vmem>>
    %dma_start3A_841 = arith.constant 0 : i32
    %dma_start3A_842 = tpu.memref_slice %arg2[%dma_start3A_835, %add3A_834, %dma_start3A_841] : memref<4x2048x1024xf32, #tpu.memory_space<hbm>> -> memref<1x16x1024xf32, #tpu.memory_space<hbm>>
    %dma_start3A_843 = tpu.memref_squeeze %dma_start3A_842 : memref<1x16x1024xf32, #tpu.memory_space<hbm>> -> memref<16x1024xf32, #tpu.memory_space<hbm>>
    %dma_start3A_844 = arith.constant 0 : i32
    %dma_start3A_845 = arith.constant 0 : i32
    %dma_start3A_846 = tpu.memref_slice %arg6[%dma_start3A_836, %dma_start3A_844, %dma_start3A_845] : memref<3x16x1024xf32, #tpu.memory_space<vmem>> -> memref<1x16x1024xf32, #tpu.memory_space<vmem>>
    %dma_start3A_847 = tpu.memref_squeeze %dma_start3A_846 : memref<1x16x1024xf32, #tpu.memory_space<vmem>> -> memref<16x1024xf32, #tpu.memory_space<vmem>>
    %dma_start3A_848 = arith.constant 0 : i32
    %dma_start3A_849 = tpu.memref_slice %arg2[%dma_start3A_835, %add3A_834, %dma_start3A_848] : memref<4x2048x1024xf32, #tpu.memory_space<hbm>> -> memref<1x16x1024xf32, #tpu.memory_space<hbm>>
    %dma_start3A_850 = tpu.memref_squeeze %dma_start3A_849 : memref<1x16x1024xf32, #tpu.memory_space<hbm>> -> memref<16x1024xf32, #tpu.memory_space<hbm>>
    tpu.enqueue_dma source(%dma_start3A_850 : memref<16x1024xf32, #tpu.memory_space<hbm>>) target(%dma_start3A_847 : memref<16x1024xf32, #tpu.memory_space<vmem>>) target_semaphore(%arg8 : memref<!tpu.dma_semaphore, #tpu.memory_space<semaphore_mem>>)
    %add3A_851 = arith.constant 48 : i32
    %add3A_852 = arith.addi %mul3A_2, %add3A_851 : i32
    %dma_wait3A_853 = arith.constant 2 : i32
    %dma_wait3A_854 = arith.constant 2 : i32
    %dma_wait3A_855 = arith.constant 0 : i32
    %dma_wait3A_856 = arith.constant 0 : i32
    %dma_wait3A_857 = tpu.memref_slice %arg6[%dma_wait3A_854, %dma_wait3A_855, %dma_wait3A_856] : memref<3x16x1024xf32, #tpu.memory_space<vmem>> -> memref<1x16x1024xf32, #tpu.memory_space<vmem>>
    %dma_wait3A_858 = tpu.memref_squeeze %dma_wait3A_857 : memref<1x16x1024xf32, #tpu.memory_space<vmem>> -> memref<16x1024xf32, #tpu.memory_space<vmem>>
    %dma_wait3A_859 = arith.constant 0 : i32
    %dma_wait3A_860 = tpu.memref_slice %arg2[%dma_wait3A_853, %add3A_852, %dma_wait3A_859] : memref<4x2048x1024xf32, #tpu.memory_space<hbm>> -> memref<1x16x1024xf32, #tpu.memory_space<hbm>>
    %dma_wait3A_861 = tpu.memref_squeeze %dma_wait3A_860 : memref<1x16x1024xf32, #tpu.memory_space<hbm>> -> memref<16x1024xf32, #tpu.memory_space<hbm>>
    %dma_wait3A_862 = arith.constant 0 : i32
    %dma_wait3A_863 = arith.constant 0 : i32
    %dma_wait3A_864 = tpu.memref_slice %arg6[%dma_wait3A_854, %dma_wait3A_862, %dma_wait3A_863] : memref<3x16x1024xf32, #tpu.memory_space<vmem>> -> memref<1x16x1024xf32, #tpu.memory_space<vmem>>
    %dma_wait3A_865 = tpu.memref_squeeze %dma_wait3A_864 : memref<1x16x1024xf32, #tpu.memory_space<vmem>> -> memref<16x1024xf32, #tpu.memory_space<vmem>>
    %dma_wait3A_866 = arith.constant 0 : i32
    %dma_wait3A_867 = tpu.memref_slice %arg2[%dma_wait3A_853, %add3A_852, %dma_wait3A_866] : memref<4x2048x1024xf32, #tpu.memory_space<hbm>> -> memref<1x16x1024xf32, #tpu.memory_space<hbm>>
    %dma_wait3A_868 = tpu.memref_squeeze %dma_wait3A_867 : memref<1x16x1024xf32, #tpu.memory_space<hbm>> -> memref<16x1024xf32, #tpu.memory_space<hbm>>
    tpu.wait_dma2 semaphore(%arg10 : memref<!tpu.dma_semaphore, #tpu.memory_space<semaphore_mem>>) src(%dma_wait3A_868 : memref<16x1024xf32, #tpu.memory_space<hbm>>) dst(%dma_wait3A_865 : memref<16x1024xf32, #tpu.memory_space<vmem>>)
    %parallel_loop3A_869 = arith.constant 0 : i32
    %parallel_loop3A_870 = arith.constant 1024 : i32
    %parallel_loop3A_871 = arith.constant 1 : i32
    scf.for %parallel_loop3A_1208 = %parallel_loop3A_869 to %parallel_loop3A_870 step %parallel_loop3A_871  : i32 {
      %parallel_loop3A_1209 = arith.constant 64 : i32
      %parallel_loop3A_1210 = arith.divsi %parallel_loop3A_1208, %parallel_loop3A_1209 : i32
      %parallel_loop3A_1211 = arith.constant 0 : i32
      %parallel_loop3A_1212 = arith.cmpi sgt, %parallel_loop3A_1208, %parallel_loop3A_1211 : i32
      %parallel_loop3A_1213 = arith.extui %parallel_loop3A_1212 : i1 to i32
      %parallel_loop3A_1214 = arith.constant 0 : i32
      %parallel_loop3A_1215 = arith.cmpi slt, %parallel_loop3A_1208, %parallel_loop3A_1214 : i32
      %parallel_loop3A_1216 = arith.extui %parallel_loop3A_1215 : i1 to i32
      %parallel_loop3A_1217 = arith.subi %parallel_loop3A_1213, %parallel_loop3A_1216 : i32
      %parallel_loop3A_1218 = arith.constant 0 : i32
      %parallel_loop3A_1219 = arith.cmpi sgt, %parallel_loop3A_1209, %parallel_loop3A_1218 : i32
      %parallel_loop3A_1220 = arith.extui %parallel_loop3A_1219 : i1 to i32
      %parallel_loop3A_1221 = arith.constant 0 : i32
      %parallel_loop3A_1222 = arith.cmpi slt, %parallel_loop3A_1209, %parallel_loop3A_1221 : i32
      %parallel_loop3A_1223 = arith.extui %parallel_loop3A_1222 : i1 to i32
      %parallel_loop3A_1224 = arith.subi %parallel_loop3A_1220, %parallel_loop3A_1223 : i32
      %parallel_loop3A_1225 = arith.cmpi ne, %parallel_loop3A_1217, %parallel_loop3A_1224 : i32
      %parallel_loop3A_1226 = arith.remsi %parallel_loop3A_1208, %parallel_loop3A_1209 : i32
      %parallel_loop3A_1227 = arith.constant 0 : i32
      %parallel_loop3A_1228 = arith.cmpi ne, %parallel_loop3A_1226, %parallel_loop3A_1227 : i32
      %parallel_loop3A_1229 = arith.andi %parallel_loop3A_1225, %parallel_loop3A_1228 : i1
      %parallel_loop3A_1230 = arith.constant 1 : i32
      %parallel_loop3A_1231 = arith.subi %parallel_loop3A_1210, %parallel_loop3A_1230 : i32
      %parallel_loop3A_1232 = arith.select %parallel_loop3A_1229, %parallel_loop3A_1231, %parallel_loop3A_1210 : i32
      %parallel_loop3A_1233 = arith.constant 64 : i32
      %parallel_loop3A_1234 = arith.constant 0 : i32
      %parallel_loop3A_1235 = arith.cmpi eq, %parallel_loop3A_1233, %parallel_loop3A_1234 : i32
      %parallel_loop3A_1236 = arith.constant 1 : i32
      %parallel_loop3A_1237 = arith.select %parallel_loop3A_1235, %parallel_loop3A_1236, %parallel_loop3A_1233 : i32
      %parallel_loop3A_1238 = arith.remsi %parallel_loop3A_1208, %parallel_loop3A_1237 : i32
      %parallel_loop3A_1239 = arith.constant 0 : i32
      %parallel_loop3A_1240 = arith.cmpi ne, %parallel_loop3A_1238, %parallel_loop3A_1239 : i32
      %parallel_loop3A_1241 = arith.constant 0 : i32
      %parallel_loop3A_1242 = arith.cmpi slt, %parallel_loop3A_1238, %parallel_loop3A_1241 : i32
      %parallel_loop3A_1243 = arith.constant 0 : i32
      %parallel_loop3A_1244 = arith.cmpi slt, %parallel_loop3A_1237, %parallel_loop3A_1243 : i32
      %parallel_loop3A_1245 = arith.xori %parallel_loop3A_1242, %parallel_loop3A_1244 : i1
      %parallel_loop3A_1246 = arith.andi %parallel_loop3A_1245, %parallel_loop3A_1240 : i1
      %parallel_loop3A_1247 = arith.addi %parallel_loop3A_1238, %parallel_loop3A_1237 : i32
      %parallel_loop3A_1248 = arith.select %parallel_loop3A_1246, %parallel_loop3A_1247, %parallel_loop3A_1238 : i32
      %parallel_loop3A_1249 = arith.constant 16 : i32
      %parallel_loop3A_1250 = arith.muli %parallel_loop3A_1248, %parallel_loop3A_1249 : i32
      %parallel_loop3A_1251 = arith.constant 2 : i32
      %parallel_loop3A_1252 = arith.index_cast %parallel_loop3A_1251 : i32 to index
      %parallel_loop3A_1253 = arith.index_cast %parallel_loop3A_1232 : i32 to index
      %parallel_loop3A_1254 = arith.index_cast %parallel_loop3A_1250 : i32 to index
      %parallel_loop3A_1255 = tpu.vector_load %arg6[%parallel_loop3A_1252, %parallel_loop3A_1253, %parallel_loop3A_1254] {strides = array<i32>} : memref<3x16x1024xf32, #tpu.memory_space<vmem>>, vector<1x1x16xf32>,
      %parallel_loop3A_1256 = vector.shape_cast %parallel_loop3A_1255 : vector<1x1x16xf32> to vector<16xf32>
      %parallel_loop3A_1257 = arith.constant 48 : i32
      %parallel_loop3A_1258 = arith.addi %parallel_loop3A_1257, %parallel_loop3A_1232 : i32
      %parallel_loop3A_1259 = arith.index_cast %parallel_loop3A_1258 : i32 to index
      %parallel_loop3A_1260 = arith.index_cast %parallel_loop3A_1250 : i32 to index
      %parallel_loop3A_1261 = tpu.vector_load %arg5[%parallel_loop3A_1259, %parallel_loop3A_1260] {strides = array<i32>} : memref<64x1024xf32, #tpu.memory_space<vmem>>, vector<1x16xf32>,
      %parallel_loop3A_1262 = vector.shape_cast %parallel_loop3A_1261 : vector<1x16xf32> to vector<16xf32>
      %parallel_loop3A_1263 = arith.constant 3.125000e-02 : f32
      %parallel_loop3A_1264 = vector.broadcast %parallel_loop3A_1263 : f32 to vector<16xf32>
      %parallel_loop3A_1265 = arith.mulf %parallel_loop3A_1262, %parallel_loop3A_1264 : vector<16xf32>
      %parallel_loop3A_1266 = arith.addf %parallel_loop3A_1256, %parallel_loop3A_1265 : vector<16xf32>
      %parallel_loop3A_1267 = arith.constant 2 : i32
      %parallel_loop3A_1268 = arith.index_cast %parallel_loop3A_1267 : i32 to index
      %parallel_loop3A_1269 = arith.index_cast %parallel_loop3A_1232 : i32 to index
      %parallel_loop3A_1270 = arith.index_cast %parallel_loop3A_1250 : i32 to index
      %parallel_loop3A_1271 = tpu.vector_load %arg6[%parallel_loop3A_1268, %parallel_loop3A_1269, %parallel_loop3A_1270] {strides = array<i32>} : memref<3x16x1024xf32, #tpu.memory_space<vmem>>, vector<1x1x16xf32>,
      %parallel_loop3A_1272 = vector.shape_cast %parallel_loop3A_1271 : vector<1x1x16xf32> to vector<16xf32>
      %parallel_loop3A_1273 = vector.shape_cast %parallel_loop3A_1266 : vector<16xf32> to vector<1x1x16xf32>
      tpu.vector_store %arg6[%parallel_loop3A_1268, %parallel_loop3A_1269, %parallel_loop3A_1270], %parallel_loop3A_1273 {strides = array<i32>} : memref<3x16x1024xf32, #tpu.memory_space<vmem>>, vector<1x1x16xf32>,
    } {sc.loop_unroll_factor = 8 : i64, sc.parallel_access}
    %add3A_872 = arith.constant 48 : i32
    %add3A_873 = arith.addi %mul3A_2, %add3A_872 : i32
    %dma_start3A_874 = arith.constant 2 : i32
    %dma_start3A_875 = arith.constant 2 : i32
    %dma_start3A_876 = arith.constant 0 : i32
    %dma_start3A_877 = arith.constant 0 : i32
    %dma_start3A_878 = tpu.memref_slice %arg6[%dma_start3A_874, %dma_start3A_876, %dma_start3A_877] : memref<3x16x1024xf32, #tpu.memory_space<vmem>> -> memref<1x16x1024xf32, #tpu.memory_space<vmem>>
    %dma_start3A_879 = tpu.memref_squeeze %dma_start3A_878 : memref<1x16x1024xf32, #tpu.memory_space<vmem>> -> memref<16x1024xf32, #tpu.memory_space<vmem>>
    %dma_start3A_880 = arith.constant 0 : i32
    %dma_start3A_881 = tpu.memref_slice %arg4[%dma_start3A_875, %add3A_873, %dma_start3A_880] : memref<4x2048x1024xf32, #tpu.memory_space<hbm>> -> memref<1x16x1024xf32, #tpu.memory_space<hbm>>
    %dma_start3A_882 = tpu.memref_squeeze %dma_start3A_881 : memref<1x16x1024xf32, #tpu.memory_space<hbm>> -> memref<16x1024xf32, #tpu.memory_space<hbm>>
    %dma_start3A_883 = arith.constant 0 : i32
    %dma_start3A_884 = tpu.memref_slice %arg4[%dma_start3A_875, %add3A_873, %dma_start3A_883] : memref<4x2048x1024xf32, #tpu.memory_space<hbm>> -> memref<1x16x1024xf32, #tpu.memory_space<hbm>>
    %dma_start3A_885 = tpu.memref_squeeze %dma_start3A_884 : memref<1x16x1024xf32, #tpu.memory_space<hbm>> -> memref<16x1024xf32, #tpu.memory_space<hbm>>
    %dma_start3A_886 = arith.constant 0 : i32
    %dma_start3A_887 = arith.constant 0 : i32
    %dma_start3A_888 = tpu.memref_slice %arg6[%dma_start3A_874, %dma_start3A_886, %dma_start3A_887] : memref<3x16x1024xf32, #tpu.memory_space<vmem>> -> memref<1x16x1024xf32, #tpu.memory_space<vmem>>
    %dma_start3A_889 = tpu.memref_squeeze %dma_start3A_888 : memref<1x16x1024xf32, #tpu.memory_space<vmem>> -> memref<16x1024xf32, #tpu.memory_space<vmem>>
    tpu.enqueue_dma source(%dma_start3A_889 : memref<16x1024xf32, #tpu.memory_space<vmem>>) target(%dma_start3A_885 : memref<16x1024xf32, #tpu.memory_space<hbm>>) target_semaphore(%arg13 : memref<!tpu.dma_semaphore, #tpu.memory_space<semaphore_mem>>)
    %add3A_890 = arith.constant 32 : i32
    %add3A_891 = arith.addi %mul3A_2, %add3A_890 : i32
    %dma_wait3A_892 = arith.constant 1 : i32
    %dma_wait3A_893 = arith.constant 2 : i32
    %dma_wait3A_894 = arith.constant 0 : i32
    %dma_wait3A_895 = arith.constant 0 : i32
    %dma_wait3A_896 = tpu.memref_slice %arg6[%dma_wait3A_892, %dma_wait3A_894, %dma_wait3A_895] : memref<3x16x1024xf32, #tpu.memory_space<vmem>> -> memref<1x16x1024xf32, #tpu.memory_space<vmem>>
    %dma_wait3A_897 = tpu.memref_squeeze %dma_wait3A_896 : memref<1x16x1024xf32, #tpu.memory_space<vmem>> -> memref<16x1024xf32, #tpu.memory_space<vmem>>
    %dma_wait3A_898 = arith.constant 0 : i32
    %dma_wait3A_899 = tpu.memref_slice %arg4[%dma_wait3A_893, %add3A_891, %dma_wait3A_898] : memref<4x2048x1024xf32, #tpu.memory_space<hbm>> -> memref<1x16x1024xf32, #tpu.memory_space<hbm>>
    %dma_wait3A_900 = tpu.memref_squeeze %dma_wait3A_899 : memref<1x16x1024xf32, #tpu.memory_space<hbm>> -> memref<16x1024xf32, #tpu.memory_space<hbm>>
    %dma_wait3A_901 = arith.constant 0 : i32
    %dma_wait3A_902 = tpu.memref_slice %arg4[%dma_wait3A_893, %add3A_891, %dma_wait3A_901] : memref<4x2048x1024xf32, #tpu.memory_space<hbm>> -> memref<1x16x1024xf32, #tpu.memory_space<hbm>>
    %dma_wait3A_903 = tpu.memref_squeeze %dma_wait3A_902 : memref<1x16x1024xf32, #tpu.memory_space<hbm>> -> memref<16x1024xf32, #tpu.memory_space<hbm>>
    %dma_wait3A_904 = arith.constant 0 : i32
    %dma_wait3A_905 = arith.constant 0 : i32
    %dma_wait3A_906 = tpu.memref_slice %arg6[%dma_wait3A_892, %dma_wait3A_904, %dma_wait3A_905] : memref<3x16x1024xf32, #tpu.memory_space<vmem>> -> memref<1x16x1024xf32, #tpu.memory_space<vmem>>
    %dma_wait3A_907 = tpu.memref_squeeze %dma_wait3A_906 : memref<1x16x1024xf32, #tpu.memory_space<vmem>> -> memref<16x1024xf32, #tpu.memory_space<vmem>>
    tpu.wait_dma2 semaphore(%arg12 : memref<!tpu.dma_semaphore, #tpu.memory_space<semaphore_mem>>) src(%dma_wait3A_907 : memref<16x1024xf32, #tpu.memory_space<vmem>>) dst(%dma_wait3A_903 : memref<16x1024xf32, #tpu.memory_space<hbm>>)
    %add3A_908 = arith.constant 16 : i32
    %add3A_909 = arith.addi %mul3A_2, %add3A_908 : i32
    %dma_start3A_910 = arith.constant 3 : i32
    %dma_start3A_911 = arith.constant 1 : i32
    %dma_start3A_912 = arith.constant 0 : i32
    %dma_start3A_913 = arith.constant 0 : i32
    %dma_start3A_914 = tpu.memref_slice %arg6[%dma_start3A_911, %dma_start3A_912, %dma_start3A_913] : memref<3x16x1024xf32, #tpu.memory_space<vmem>> -> memref<1x16x1024xf32, #tpu.memory_space<vmem>>
    %dma_start3A_915 = tpu.memref_squeeze %dma_start3A_914 : memref<1x16x1024xf32, #tpu.memory_space<vmem>> -> memref<16x1024xf32, #tpu.memory_space<vmem>>
    %dma_start3A_916 = arith.constant 0 : i32
    %dma_start3A_917 = tpu.memref_slice %arg2[%dma_start3A_910, %add3A_909, %dma_start3A_916] : memref<4x2048x1024xf32, #tpu.memory_space<hbm>> -> memref<1x16x1024xf32, #tpu.memory_space<hbm>>
    %dma_start3A_918 = tpu.memref_squeeze %dma_start3A_917 : memref<1x16x1024xf32, #tpu.memory_space<hbm>> -> memref<16x1024xf32, #tpu.memory_space<hbm>>
    %dma_start3A_919 = arith.constant 0 : i32
    %dma_start3A_920 = arith.constant 0 : i32
    %dma_start3A_921 = tpu.memref_slice %arg6[%dma_start3A_911, %dma_start3A_919, %dma_start3A_920] : memref<3x16x1024xf32, #tpu.memory_space<vmem>> -> memref<1x16x1024xf32, #tpu.memory_space<vmem>>
    %dma_start3A_922 = tpu.memref_squeeze %dma_start3A_921 : memref<1x16x1024xf32, #tpu.memory_space<vmem>> -> memref<16x1024xf32, #tpu.memory_space<vmem>>
    %dma_start3A_923 = arith.constant 0 : i32
    %dma_start3A_924 = tpu.memref_slice %arg2[%dma_start3A_910, %add3A_909, %dma_start3A_923] : memref<4x2048x1024xf32, #tpu.memory_space<hbm>> -> memref<1x16x1024xf32, #tpu.memory_space<hbm>>
    %dma_start3A_925 = tpu.memref_squeeze %dma_start3A_924 : memref<1x16x1024xf32, #tpu.memory_space<hbm>> -> memref<16x1024xf32, #tpu.memory_space<hbm>>
    tpu.enqueue_dma source(%dma_start3A_925 : memref<16x1024xf32, #tpu.memory_space<hbm>>) target(%dma_start3A_922 : memref<16x1024xf32, #tpu.memory_space<vmem>>) target_semaphore(%arg9 : memref<!tpu.dma_semaphore, #tpu.memory_space<semaphore_mem>>)
    %add3A_926 = arith.constant 0 : i32
    %add3A_927 = arith.addi %mul3A_2, %add3A_926 : i32
    %dma_wait3A_928 = arith.constant 3 : i32
    %dma_wait3A_929 = arith.constant 0 : i32
    %dma_wait3A_930 = arith.constant 0 : i32
    %dma_wait3A_931 = arith.constant 0 : i32
    %dma_wait3A_932 = tpu.memref_slice %arg6[%dma_wait3A_929, %dma_wait3A_930, %dma_wait3A_931] : memref<3x16x1024xf32, #tpu.memory_space<vmem>> -> memref<1x16x1024xf32, #tpu.memory_space<vmem>>
    %dma_wait3A_933 = tpu.memref_squeeze %dma_wait3A_932 : memref<1x16x1024xf32, #tpu.memory_space<vmem>> -> memref<16x1024xf32, #tpu.memory_space<vmem>>
    %dma_wait3A_934 = arith.constant 0 : i32
    %dma_wait3A_935 = tpu.memref_slice %arg2[%dma_wait3A_928, %add3A_927, %dma_wait3A_934] : memref<4x2048x1024xf32, #tpu.memory_space<hbm>> -> memref<1x16x1024xf32, #tpu.memory_space<hbm>>
    %dma_wait3A_936 = tpu.memref_squeeze %dma_wait3A_935 : memref<1x16x1024xf32, #tpu.memory_space<hbm>> -> memref<16x1024xf32, #tpu.memory_space<hbm>>
    %dma_wait3A_937 = arith.constant 0 : i32
    %dma_wait3A_938 = arith.constant 0 : i32
    %dma_wait3A_939 = tpu.memref_slice %arg6[%dma_wait3A_929, %dma_wait3A_937, %dma_wait3A_938] : memref<3x16x1024xf32, #tpu.memory_space<vmem>> -> memref<1x16x1024xf32, #tpu.memory_space<vmem>>
    %dma_wait3A_940 = tpu.memref_squeeze %dma_wait3A_939 : memref<1x16x1024xf32, #tpu.memory_space<vmem>> -> memref<16x1024xf32, #tpu.memory_space<vmem>>
    %dma_wait3A_941 = arith.constant 0 : i32
    %dma_wait3A_942 = tpu.memref_slice %arg2[%dma_wait3A_928, %add3A_927, %dma_wait3A_941] : memref<4x2048x1024xf32, #tpu.memory_space<hbm>> -> memref<1x16x1024xf32, #tpu.memory_space<hbm>>
    %dma_wait3A_943 = tpu.memref_squeeze %dma_wait3A_942 : memref<1x16x1024xf32, #tpu.memory_space<hbm>> -> memref<16x1024xf32, #tpu.memory_space<hbm>>
    tpu.wait_dma2 semaphore(%arg8 : memref<!tpu.dma_semaphore, #tpu.memory_space<semaphore_mem>>) src(%dma_wait3A_943 : memref<16x1024xf32, #tpu.memory_space<hbm>>) dst(%dma_wait3A_940 : memref<16x1024xf32, #tpu.memory_space<vmem>>)
    %parallel_loop3A_944 = arith.constant 0 : i32
    %parallel_loop3A_945 = arith.constant 1024 : i32
    %parallel_loop3A_946 = arith.constant 1 : i32
    scf.for %parallel_loop3A_1208 = %parallel_loop3A_944 to %parallel_loop3A_945 step %parallel_loop3A_946  : i32 {
      %parallel_loop3A_1209 = arith.constant 64 : i32
      %parallel_loop3A_1210 = arith.divsi %parallel_loop3A_1208, %parallel_loop3A_1209 : i32
      %parallel_loop3A_1211 = arith.constant 0 : i32
      %parallel_loop3A_1212 = arith.cmpi sgt, %parallel_loop3A_1208, %parallel_loop3A_1211 : i32
      %parallel_loop3A_1213 = arith.extui %parallel_loop3A_1212 : i1 to i32
      %parallel_loop3A_1214 = arith.constant 0 : i32
      %parallel_loop3A_1215 = arith.cmpi slt, %parallel_loop3A_1208, %parallel_loop3A_1214 : i32
      %parallel_loop3A_1216 = arith.extui %parallel_loop3A_1215 : i1 to i32
      %parallel_loop3A_1217 = arith.subi %parallel_loop3A_1213, %parallel_loop3A_1216 : i32
      %parallel_loop3A_1218 = arith.constant 0 : i32
      %parallel_loop3A_1219 = arith.cmpi sgt, %parallel_loop3A_1209, %parallel_loop3A_1218 : i32
      %parallel_loop3A_1220 = arith.extui %parallel_loop3A_1219 : i1 to i32
      %parallel_loop3A_1221 = arith.constant 0 : i32
      %parallel_loop3A_1222 = arith.cmpi slt, %parallel_loop3A_1209, %parallel_loop3A_1221 : i32
      %parallel_loop3A_1223 = arith.extui %parallel_loop3A_1222 : i1 to i32
      %parallel_loop3A_1224 = arith.subi %parallel_loop3A_1220, %parallel_loop3A_1223 : i32
      %parallel_loop3A_1225 = arith.cmpi ne, %parallel_loop3A_1217, %parallel_loop3A_1224 : i32
      %parallel_loop3A_1226 = arith.remsi %parallel_loop3A_1208, %parallel_loop3A_1209 : i32
      %parallel_loop3A_1227 = arith.constant 0 : i32
      %parallel_loop3A_1228 = arith.cmpi ne, %parallel_loop3A_1226, %parallel_loop3A_1227 : i32
      %parallel_loop3A_1229 = arith.andi %parallel_loop3A_1225, %parallel_loop3A_1228 : i1
      %parallel_loop3A_1230 = arith.constant 1 : i32
      %parallel_loop3A_1231 = arith.subi %parallel_loop3A_1210, %parallel_loop3A_1230 : i32
      %parallel_loop3A_1232 = arith.select %parallel_loop3A_1229, %parallel_loop3A_1231, %parallel_loop3A_1210 : i32
      %parallel_loop3A_1233 = arith.constant 64 : i32
      %parallel_loop3A_1234 = arith.constant 0 : i32
      %parallel_loop3A_1235 = arith.cmpi eq, %parallel_loop3A_1233, %parallel_loop3A_1234 : i32
      %parallel_loop3A_1236 = arith.constant 1 : i32
      %parallel_loop3A_1237 = arith.select %parallel_loop3A_1235, %parallel_loop3A_1236, %parallel_loop3A_1233 : i32
      %parallel_loop3A_1238 = arith.remsi %parallel_loop3A_1208, %parallel_loop3A_1237 : i32
      %parallel_loop3A_1239 = arith.constant 0 : i32
      %parallel_loop3A_1240 = arith.cmpi ne, %parallel_loop3A_1238, %parallel_loop3A_1239 : i32
      %parallel_loop3A_1241 = arith.constant 0 : i32
      %parallel_loop3A_1242 = arith.cmpi slt, %parallel_loop3A_1238, %parallel_loop3A_1241 : i32
      %parallel_loop3A_1243 = arith.constant 0 : i32
      %parallel_loop3A_1244 = arith.cmpi slt, %parallel_loop3A_1237, %parallel_loop3A_1243 : i32
      %parallel_loop3A_1245 = arith.xori %parallel_loop3A_1242, %parallel_loop3A_1244 : i1
      %parallel_loop3A_1246 = arith.andi %parallel_loop3A_1245, %parallel_loop3A_1240 : i1
      %parallel_loop3A_1247 = arith.addi %parallel_loop3A_1238, %parallel_loop3A_1237 : i32
      %parallel_loop3A_1248 = arith.select %parallel_loop3A_1246, %parallel_loop3A_1247, %parallel_loop3A_1238 : i32
      %parallel_loop3A_1249 = arith.constant 16 : i32
      %parallel_loop3A_1250 = arith.muli %parallel_loop3A_1248, %parallel_loop3A_1249 : i32
      %parallel_loop3A_1251 = arith.constant 0 : i32
      %parallel_loop3A_1252 = arith.index_cast %parallel_loop3A_1251 : i32 to index
      %parallel_loop3A_1253 = arith.index_cast %parallel_loop3A_1232 : i32 to index
      %parallel_loop3A_1254 = arith.index_cast %parallel_loop3A_1250 : i32 to index
      %parallel_loop3A_1255 = tpu.vector_load %arg6[%parallel_loop3A_1252, %parallel_loop3A_1253, %parallel_loop3A_1254] {strides = array<i32>} : memref<3x16x1024xf32, #tpu.memory_space<vmem>>, vector<1x1x16xf32>,
      %parallel_loop3A_1256 = vector.shape_cast %parallel_loop3A_1255 : vector<1x1x16xf32> to vector<16xf32>
      %parallel_loop3A_1257 = arith.constant 0 : i32
      %parallel_loop3A_1258 = arith.addi %parallel_loop3A_1257, %parallel_loop3A_1232 : i32
      %parallel_loop3A_1259 = arith.index_cast %parallel_loop3A_1258 : i32 to index
      %parallel_loop3A_1260 = arith.index_cast %parallel_loop3A_1250 : i32 to index
      %parallel_loop3A_1261 = tpu.vector_load %arg5[%parallel_loop3A_1259, %parallel_loop3A_1260] {strides = array<i32>} : memref<64x1024xf32, #tpu.memory_space<vmem>>, vector<1x16xf32>,
      %parallel_loop3A_1262 = vector.shape_cast %parallel_loop3A_1261 : vector<1x16xf32> to vector<16xf32>
      %parallel_loop3A_1263 = arith.constant 3.125000e-02 : f32
      %parallel_loop3A_1264 = vector.broadcast %parallel_loop3A_1263 : f32 to vector<16xf32>
      %parallel_loop3A_1265 = arith.mulf %parallel_loop3A_1262, %parallel_loop3A_1264 : vector<16xf32>
      %parallel_loop3A_1266 = arith.addf %parallel_loop3A_1256, %parallel_loop3A_1265 : vector<16xf32>
      %parallel_loop3A_1267 = arith.constant 0 : i32
      %parallel_loop3A_1268 = arith.index_cast %parallel_loop3A_1267 : i32 to index
      %parallel_loop3A_1269 = arith.index_cast %parallel_loop3A_1232 : i32 to index
      %parallel_loop3A_1270 = arith.index_cast %parallel_loop3A_1250 : i32 to index
      %parallel_loop3A_1271 = tpu.vector_load %arg6[%parallel_loop3A_1268, %parallel_loop3A_1269, %parallel_loop3A_1270] {strides = array<i32>} : memref<3x16x1024xf32, #tpu.memory_space<vmem>>, vector<1x1x16xf32>,
      %parallel_loop3A_1272 = vector.shape_cast %parallel_loop3A_1271 : vector<1x1x16xf32> to vector<16xf32>
      %parallel_loop3A_1273 = vector.shape_cast %parallel_loop3A_1266 : vector<16xf32> to vector<1x1x16xf32>
      tpu.vector_store %arg6[%parallel_loop3A_1268, %parallel_loop3A_1269, %parallel_loop3A_1270], %parallel_loop3A_1273 {strides = array<i32>} : memref<3x16x1024xf32, #tpu.memory_space<vmem>>, vector<1x1x16xf32>,
    } {sc.loop_unroll_factor = 8 : i64, sc.parallel_access}
    %add3A_947 = arith.constant 0 : i32
    %add3A_948 = arith.addi %mul3A_2, %add3A_947 : i32
    %dma_start3A_949 = arith.constant 0 : i32
    %dma_start3A_950 = arith.constant 3 : i32
    %dma_start3A_951 = arith.constant 0 : i32
    %dma_start3A_952 = arith.constant 0 : i32
    %dma_start3A_953 = tpu.memref_slice %arg6[%dma_start3A_949, %dma_start3A_951, %dma_start3A_952] : memref<3x16x1024xf32, #tpu.memory_space<vmem>> -> memref<1x16x1024xf32, #tpu.memory_space<vmem>>
    %dma_start3A_954 = tpu.memref_squeeze %dma_start3A_953 : memref<1x16x1024xf32, #tpu.memory_space<vmem>> -> memref<16x1024xf32, #tpu.memory_space<vmem>>
    %dma_start3A_955 = arith.constant 0 : i32
    %dma_start3A_956 = tpu.memref_slice %arg4[%dma_start3A_950, %add3A_948, %dma_start3A_955] : memref<4x2048x1024xf32, #tpu.memory_space<hbm>> -> memref<1x16x1024xf32, #tpu.memory_space<hbm>>
    %dma_start3A_957 = tpu.memref_squeeze %dma_start3A_956 : memref<1x16x1024xf32, #tpu.memory_space<hbm>> -> memref<16x1024xf32, #tpu.memory_space<hbm>>
    %dma_start3A_958 = arith.constant 0 : i32
    %dma_start3A_959 = tpu.memref_slice %arg4[%dma_start3A_950, %add3A_948, %dma_start3A_958] : memref<4x2048x1024xf32, #tpu.memory_space<hbm>> -> memref<1x16x1024xf32, #tpu.memory_space<hbm>>
    %dma_start3A_960 = tpu.memref_squeeze %dma_start3A_959 : memref<1x16x1024xf32, #tpu.memory_space<hbm>> -> memref<16x1024xf32, #tpu.memory_space<hbm>>
    %dma_start3A_961 = arith.constant 0 : i32
    %dma_start3A_962 = arith.constant 0 : i32
    %dma_start3A_963 = tpu.memref_slice %arg6[%dma_start3A_949, %dma_start3A_961, %dma_start3A_962] : memref<3x16x1024xf32, #tpu.memory_space<vmem>> -> memref<1x16x1024xf32, #tpu.memory_space<vmem>>
    %dma_start3A_964 = tpu.memref_squeeze %dma_start3A_963 : memref<1x16x1024xf32, #tpu.memory_space<vmem>> -> memref<16x1024xf32, #tpu.memory_space<vmem>>
    tpu.enqueue_dma source(%dma_start3A_964 : memref<16x1024xf32, #tpu.memory_space<vmem>>) target(%dma_start3A_960 : memref<16x1024xf32, #tpu.memory_space<hbm>>) target_semaphore(%arg11 : memref<!tpu.dma_semaphore, #tpu.memory_space<semaphore_mem>>)
    %add3A_965 = arith.constant 48 : i32
    %add3A_966 = arith.addi %mul3A_2, %add3A_965 : i32
    %dma_wait3A_967 = arith.constant 2 : i32
    %dma_wait3A_968 = arith.constant 2 : i32
    %dma_wait3A_969 = arith.constant 0 : i32
    %dma_wait3A_970 = arith.constant 0 : i32
    %dma_wait3A_971 = tpu.memref_slice %arg6[%dma_wait3A_967, %dma_wait3A_969, %dma_wait3A_970] : memref<3x16x1024xf32, #tpu.memory_space<vmem>> -> memref<1x16x1024xf32, #tpu.memory_space<vmem>>
    %dma_wait3A_972 = tpu.memref_squeeze %dma_wait3A_971 : memref<1x16x1024xf32, #tpu.memory_space<vmem>> -> memref<16x1024xf32, #tpu.memory_space<vmem>>
    %dma_wait3A_973 = arith.constant 0 : i32
    %dma_wait3A_974 = tpu.memref_slice %arg4[%dma_wait3A_968, %add3A_966, %dma_wait3A_973] : memref<4x2048x1024xf32, #tpu.memory_space<hbm>> -> memref<1x16x1024xf32, #tpu.memory_space<hbm>>
    %dma_wait3A_975 = tpu.memref_squeeze %dma_wait3A_974 : memref<1x16x1024xf32, #tpu.memory_space<hbm>> -> memref<16x1024xf32, #tpu.memory_space<hbm>>
    %dma_wait3A_976 = arith.constant 0 : i32
    %dma_wait3A_977 = tpu.memref_slice %arg4[%dma_wait3A_968, %add3A_966, %dma_wait3A_976] : memref<4x2048x1024xf32, #tpu.memory_space<hbm>> -> memref<1x16x1024xf32, #tpu.memory_space<hbm>>
    %dma_wait3A_978 = tpu.memref_squeeze %dma_wait3A_977 : memref<1x16x1024xf32, #tpu.memory_space<hbm>> -> memref<16x1024xf32, #tpu.memory_space<hbm>>
    %dma_wait3A_979 = arith.constant 0 : i32
    %dma_wait3A_980 = arith.constant 0 : i32
    %dma_wait3A_981 = tpu.memref_slice %arg6[%dma_wait3A_967, %dma_wait3A_979, %dma_wait3A_980] : memref<3x16x1024xf32, #tpu.memory_space<vmem>> -> memref<1x16x1024xf32, #tpu.memory_space<vmem>>
    %dma_wait3A_982 = tpu.memref_squeeze %dma_wait3A_981 : memref<1x16x1024xf32, #tpu.memory_space<vmem>> -> memref<16x1024xf32, #tpu.memory_space<vmem>>
    tpu.wait_dma2 semaphore(%arg13 : memref<!tpu.dma_semaphore, #tpu.memory_space<semaphore_mem>>) src(%dma_wait3A_982 : memref<16x1024xf32, #tpu.memory_space<vmem>>) dst(%dma_wait3A_978 : memref<16x1024xf32, #tpu.memory_space<hbm>>)
    %add3A_983 = arith.constant 32 : i32
    %add3A_984 = arith.addi %mul3A_2, %add3A_983 : i32
    %dma_start3A_985 = arith.constant 3 : i32
    %dma_start3A_986 = arith.constant 2 : i32
    %dma_start3A_987 = arith.constant 0 : i32
    %dma_start3A_988 = arith.constant 0 : i32
    %dma_start3A_989 = tpu.memref_slice %arg6[%dma_start3A_986, %dma_start3A_987, %dma_start3A_988] : memref<3x16x1024xf32, #tpu.memory_space<vmem>> -> memref<1x16x1024xf32, #tpu.memory_space<vmem>>
    %dma_start3A_990 = tpu.memref_squeeze %dma_start3A_989 : memref<1x16x1024xf32, #tpu.memory_space<vmem>> -> memref<16x1024xf32, #tpu.memory_space<vmem>>
    %dma_start3A_991 = arith.constant 0 : i32
    %dma_start3A_992 = tpu.memref_slice %arg2[%dma_start3A_985, %add3A_984, %dma_start3A_991] : memref<4x2048x1024xf32, #tpu.memory_space<hbm>> -> memref<1x16x1024xf32, #tpu.memory_space<hbm>>
    %dma_start3A_993 = tpu.memref_squeeze %dma_start3A_992 : memref<1x16x1024xf32, #tpu.memory_space<hbm>> -> memref<16x1024xf32, #tpu.memory_space<hbm>>
    %dma_start3A_994 = arith.constant 0 : i32
    %dma_start3A_995 = arith.constant 0 : i32
    %dma_start3A_996 = tpu.memref_slice %arg6[%dma_start3A_986, %dma_start3A_994, %dma_start3A_995] : memref<3x16x1024xf32, #tpu.memory_space<vmem>> -> memref<1x16x1024xf32, #tpu.memory_space<vmem>>
    %dma_start3A_997 = tpu.memref_squeeze %dma_start3A_996 : memref<1x16x1024xf32, #tpu.memory_space<vmem>> -> memref<16x1024xf32, #tpu.memory_space<vmem>>
    %dma_start3A_998 = arith.constant 0 : i32
    %dma_start3A_999 = tpu.memref_slice %arg2[%dma_start3A_985, %add3A_984, %dma_start3A_998] : memref<4x2048x1024xf32, #tpu.memory_space<hbm>> -> memref<1x16x1024xf32, #tpu.memory_space<hbm>>
    %dma_start3A_1000 = tpu.memref_squeeze %dma_start3A_999 : memref<1x16x1024xf32, #tpu.memory_space<hbm>> -> memref<16x1024xf32, #tpu.memory_space<hbm>>
    tpu.enqueue_dma source(%dma_start3A_1000 : memref<16x1024xf32, #tpu.memory_space<hbm>>) target(%dma_start3A_997 : memref<16x1024xf32, #tpu.memory_space<vmem>>) target_semaphore(%arg10 : memref<!tpu.dma_semaphore, #tpu.memory_space<semaphore_mem>>)
    %add3A_1001 = arith.constant 16 : i32
    %add3A_1002 = arith.addi %mul3A_2, %add3A_1001 : i32
    %dma_wait3A_1003 = arith.constant 3 : i32
    %dma_wait3A_1004 = arith.constant 1 : i32
    %dma_wait3A_1005 = arith.constant 0 : i32
    %dma_wait3A_1006 = arith.constant 0 : i32
    %dma_wait3A_1007 = tpu.memref_slice %arg6[%dma_wait3A_1004, %dma_wait3A_1005, %dma_wait3A_1006] : memref<3x16x1024xf32, #tpu.memory_space<vmem>> -> memref<1x16x1024xf32, #tpu.memory_space<vmem>>
    %dma_wait3A_1008 = tpu.memref_squeeze %dma_wait3A_1007 : memref<1x16x1024xf32, #tpu.memory_space<vmem>> -> memref<16x1024xf32, #tpu.memory_space<vmem>>
    %dma_wait3A_1009 = arith.constant 0 : i32
    %dma_wait3A_1010 = tpu.memref_slice %arg2[%dma_wait3A_1003, %add3A_1002, %dma_wait3A_1009] : memref<4x2048x1024xf32, #tpu.memory_space<hbm>> -> memref<1x16x1024xf32, #tpu.memory_space<hbm>>
    %dma_wait3A_1011 = tpu.memref_squeeze %dma_wait3A_1010 : memref<1x16x1024xf32, #tpu.memory_space<hbm>> -> memref<16x1024xf32, #tpu.memory_space<hbm>>
    %dma_wait3A_1012 = arith.constant 0 : i32
    %dma_wait3A_1013 = arith.constant 0 : i32
    %dma_wait3A_1014 = tpu.memref_slice %arg6[%dma_wait3A_1004, %dma_wait3A_1012, %dma_wait3A_1013] : memref<3x16x1024xf32, #tpu.memory_space<vmem>> -> memref<1x16x1024xf32, #tpu.memory_space<vmem>>
    %dma_wait3A_1015 = tpu.memref_squeeze %dma_wait3A_1014 : memref<1x16x1024xf32, #tpu.memory_space<vmem>> -> memref<16x1024xf32, #tpu.memory_space<vmem>>
    %dma_wait3A_1016 = arith.constant 0 : i32
    %dma_wait3A_1017 = tpu.memref_slice %arg2[%dma_wait3A_1003, %add3A_1002, %dma_wait3A_1016] : memref<4x2048x1024xf32, #tpu.memory_space<hbm>> -> memref<1x16x1024xf32, #tpu.memory_space<hbm>>
    %dma_wait3A_1018 = tpu.memref_squeeze %dma_wait3A_1017 : memref<1x16x1024xf32, #tpu.memory_space<hbm>> -> memref<16x1024xf32, #tpu.memory_space<hbm>>
    tpu.wait_dma2 semaphore(%arg9 : memref<!tpu.dma_semaphore, #tpu.memory_space<semaphore_mem>>) src(%dma_wait3A_1018 : memref<16x1024xf32, #tpu.memory_space<hbm>>) dst(%dma_wait3A_1015 : memref<16x1024xf32, #tpu.memory_space<vmem>>)
    %parallel_loop3A_1019 = arith.constant 0 : i32
    %parallel_loop3A_1020 = arith.constant 1024 : i32
    %parallel_loop3A_1021 = arith.constant 1 : i32
    scf.for %parallel_loop3A_1208 = %parallel_loop3A_1019 to %parallel_loop3A_1020 step %parallel_loop3A_1021  : i32 {
      %parallel_loop3A_1209 = arith.constant 64 : i32
      %parallel_loop3A_1210 = arith.divsi %parallel_loop3A_1208, %parallel_loop3A_1209 : i32
      %parallel_loop3A_1211 = arith.constant 0 : i32
      %parallel_loop3A_1212 = arith.cmpi sgt, %parallel_loop3A_1208, %parallel_loop3A_1211 : i32
      %parallel_loop3A_1213 = arith.extui %parallel_loop3A_1212 : i1 to i32
      %parallel_loop3A_1214 = arith.constant 0 : i32
      %parallel_loop3A_1215 = arith.cmpi slt, %parallel_loop3A_1208, %parallel_loop3A_1214 : i32
      %parallel_loop3A_1216 = arith.extui %parallel_loop3A_1215 : i1 to i32
      %parallel_loop3A_1217 = arith.subi %parallel_loop3A_1213, %parallel_loop3A_1216 : i32
      %parallel_loop3A_1218 = arith.constant 0 : i32
      %parallel_loop3A_1219 = arith.cmpi sgt, %parallel_loop3A_1209, %parallel_loop3A_1218 : i32
      %parallel_loop3A_1220 = arith.extui %parallel_loop3A_1219 : i1 to i32
      %parallel_loop3A_1221 = arith.constant 0 : i32
      %parallel_loop3A_1222 = arith.cmpi slt, %parallel_loop3A_1209, %parallel_loop3A_1221 : i32
      %parallel_loop3A_1223 = arith.extui %parallel_loop3A_1222 : i1 to i32
      %parallel_loop3A_1224 = arith.subi %parallel_loop3A_1220, %parallel_loop3A_1223 : i32
      %parallel_loop3A_1225 = arith.cmpi ne, %parallel_loop3A_1217, %parallel_loop3A_1224 : i32
      %parallel_loop3A_1226 = arith.remsi %parallel_loop3A_1208, %parallel_loop3A_1209 : i32
      %parallel_loop3A_1227 = arith.constant 0 : i32
      %parallel_loop3A_1228 = arith.cmpi ne, %parallel_loop3A_1226, %parallel_loop3A_1227 : i32
      %parallel_loop3A_1229 = arith.andi %parallel_loop3A_1225, %parallel_loop3A_1228 : i1
      %parallel_loop3A_1230 = arith.constant 1 : i32
      %parallel_loop3A_1231 = arith.subi %parallel_loop3A_1210, %parallel_loop3A_1230 : i32
      %parallel_loop3A_1232 = arith.select %parallel_loop3A_1229, %parallel_loop3A_1231, %parallel_loop3A_1210 : i32
      %parallel_loop3A_1233 = arith.constant 64 : i32
      %parallel_loop3A_1234 = arith.constant 0 : i32
      %parallel_loop3A_1235 = arith.cmpi eq, %parallel_loop3A_1233, %parallel_loop3A_1234 : i32
      %parallel_loop3A_1236 = arith.constant 1 : i32
      %parallel_loop3A_1237 = arith.select %parallel_loop3A_1235, %parallel_loop3A_1236, %parallel_loop3A_1233 : i32
      %parallel_loop3A_1238 = arith.remsi %parallel_loop3A_1208, %parallel_loop3A_1237 : i32
      %parallel_loop3A_1239 = arith.constant 0 : i32
      %parallel_loop3A_1240 = arith.cmpi ne, %parallel_loop3A_1238, %parallel_loop3A_1239 : i32
      %parallel_loop3A_1241 = arith.constant 0 : i32
      %parallel_loop3A_1242 = arith.cmpi slt, %parallel_loop3A_1238, %parallel_loop3A_1241 : i32
      %parallel_loop3A_1243 = arith.constant 0 : i32
      %parallel_loop3A_1244 = arith.cmpi slt, %parallel_loop3A_1237, %parallel_loop3A_1243 : i32
      %parallel_loop3A_1245 = arith.xori %parallel_loop3A_1242, %parallel_loop3A_1244 : i1
      %parallel_loop3A_1246 = arith.andi %parallel_loop3A_1245, %parallel_loop3A_1240 : i1
      %parallel_loop3A_1247 = arith.addi %parallel_loop3A_1238, %parallel_loop3A_1237 : i32
      %parallel_loop3A_1248 = arith.select %parallel_loop3A_1246, %parallel_loop3A_1247, %parallel_loop3A_1238 : i32
      %parallel_loop3A_1249 = arith.constant 16 : i32
      %parallel_loop3A_1250 = arith.muli %parallel_loop3A_1248, %parallel_loop3A_1249 : i32
      %parallel_loop3A_1251 = arith.constant 1 : i32
      %parallel_loop3A_1252 = arith.index_cast %parallel_loop3A_1251 : i32 to index
      %parallel_loop3A_1253 = arith.index_cast %parallel_loop3A_1232 : i32 to index
      %parallel_loop3A_1254 = arith.index_cast %parallel_loop3A_1250 : i32 to index
      %parallel_loop3A_1255 = tpu.vector_load %arg6[%parallel_loop3A_1252, %parallel_loop3A_1253, %parallel_loop3A_1254] {strides = array<i32>} : memref<3x16x1024xf32, #tpu.memory_space<vmem>>, vector<1x1x16xf32>,
      %parallel_loop3A_1256 = vector.shape_cast %parallel_loop3A_1255 : vector<1x1x16xf32> to vector<16xf32>
      %parallel_loop3A_1257 = arith.constant 16 : i32
      %parallel_loop3A_1258 = arith.addi %parallel_loop3A_1257, %parallel_loop3A_1232 : i32
      %parallel_loop3A_1259 = arith.index_cast %parallel_loop3A_1258 : i32 to index
      %parallel_loop3A_1260 = arith.index_cast %parallel_loop3A_1250 : i32 to index
      %parallel_loop3A_1261 = tpu.vector_load %arg5[%parallel_loop3A_1259, %parallel_loop3A_1260] {strides = array<i32>} : memref<64x1024xf32, #tpu.memory_space<vmem>>, vector<1x16xf32>,
      %parallel_loop3A_1262 = vector.shape_cast %parallel_loop3A_1261 : vector<1x16xf32> to vector<16xf32>
      %parallel_loop3A_1263 = arith.constant 3.125000e-02 : f32
      %parallel_loop3A_1264 = vector.broadcast %parallel_loop3A_1263 : f32 to vector<16xf32>
      %parallel_loop3A_1265 = arith.mulf %parallel_loop3A_1262, %parallel_loop3A_1264 : vector<16xf32>
      %parallel_loop3A_1266 = arith.addf %parallel_loop3A_1256, %parallel_loop3A_1265 : vector<16xf32>
      %parallel_loop3A_1267 = arith.constant 1 : i32
      %parallel_loop3A_1268 = arith.index_cast %parallel_loop3A_1267 : i32 to index
      %parallel_loop3A_1269 = arith.index_cast %parallel_loop3A_1232 : i32 to index
      %parallel_loop3A_1270 = arith.index_cast %parallel_loop3A_1250 : i32 to index
      %parallel_loop3A_1271 = tpu.vector_load %arg6[%parallel_loop3A_1268, %parallel_loop3A_1269, %parallel_loop3A_1270] {strides = array<i32>} : memref<3x16x1024xf32, #tpu.memory_space<vmem>>, vector<1x1x16xf32>,
      %parallel_loop3A_1272 = vector.shape_cast %parallel_loop3A_1271 : vector<1x1x16xf32> to vector<16xf32>
      %parallel_loop3A_1273 = vector.shape_cast %parallel_loop3A_1266 : vector<16xf32> to vector<1x1x16xf32>
      tpu.vector_store %arg6[%parallel_loop3A_1268, %parallel_loop3A_1269, %parallel_loop3A_1270], %parallel_loop3A_1273 {strides = array<i32>} : memref<3x16x1024xf32, #tpu.memory_space<vmem>>, vector<1x1x16xf32>,
    } {sc.loop_unroll_factor = 8 : i64, sc.parallel_access}
    %add3A_1022 = arith.constant 16 : i32
    %add3A_1023 = arith.addi %mul3A_2, %add3A_1022 : i32
    %dma_start3A_1024 = arith.constant 1 : i32
    %dma_start3A_1025 = arith.constant 3 : i32
    %dma_start3A_1026 = arith.constant 0 : i32
    %dma_start3A_1027 = arith.constant 0 : i32
    %dma_start3A_1028 = tpu.memref_slice %arg6[%dma_start3A_1024, %dma_start3A_1026, %dma_start3A_1027] : memref<3x16x1024xf32, #tpu.memory_space<vmem>> -> memref<1x16x1024xf32, #tpu.memory_space<vmem>>
    %dma_start3A_1029 = tpu.memref_squeeze %dma_start3A_1028 : memref<1x16x1024xf32, #tpu.memory_space<vmem>> -> memref<16x1024xf32, #tpu.memory_space<vmem>>
    %dma_start3A_1030 = arith.constant 0 : i32
    %dma_start3A_1031 = tpu.memref_slice %arg4[%dma_start3A_1025, %add3A_1023, %dma_start3A_1030] : memref<4x2048x1024xf32, #tpu.memory_space<hbm>> -> memref<1x16x1024xf32, #tpu.memory_space<hbm>>
    %dma_start3A_1032 = tpu.memref_squeeze %dma_start3A_1031 : memref<1x16x1024xf32, #tpu.memory_space<hbm>> -> memref<16x1024xf32, #tpu.memory_space<hbm>>
    %dma_start3A_1033 = arith.constant 0 : i32
    %dma_start3A_1034 = tpu.memref_slice %arg4[%dma_start3A_1025, %add3A_1023, %dma_start3A_1033] : memref<4x2048x1024xf32, #tpu.memory_space<hbm>> -> memref<1x16x1024xf32, #tpu.memory_space<hbm>>
    %dma_start3A_1035 = tpu.memref_squeeze %dma_start3A_1034 : memref<1x16x1024xf32, #tpu.memory_space<hbm>> -> memref<16x1024xf32, #tpu.memory_space<hbm>>
    %dma_start3A_1036 = arith.constant 0 : i32
    %dma_start3A_1037 = arith.constant 0 : i32
    %dma_start3A_1038 = tpu.memref_slice %arg6[%dma_start3A_1024, %dma_start3A_1036, %dma_start3A_1037] : memref<3x16x1024xf32, #tpu.memory_space<vmem>> -> memref<1x16x1024xf32, #tpu.memory_space<vmem>>
    %dma_start3A_1039 = tpu.memref_squeeze %dma_start3A_1038 : memref<1x16x1024xf32, #tpu.memory_space<vmem>> -> memref<16x1024xf32, #tpu.memory_space<vmem>>
    tpu.enqueue_dma source(%dma_start3A_1039 : memref<16x1024xf32, #tpu.memory_space<vmem>>) target(%dma_start3A_1035 : memref<16x1024xf32, #tpu.memory_space<hbm>>) target_semaphore(%arg12 : memref<!tpu.dma_semaphore, #tpu.memory_space<semaphore_mem>>)
    %add3A_1040 = arith.constant 0 : i32
    %add3A_1041 = arith.addi %mul3A_2, %add3A_1040 : i32
    %dma_wait3A_1042 = arith.constant 0 : i32
    %dma_wait3A_1043 = arith.constant 3 : i32
    %dma_wait3A_1044 = arith.constant 0 : i32
    %dma_wait3A_1045 = arith.constant 0 : i32
    %dma_wait3A_1046 = tpu.memref_slice %arg6[%dma_wait3A_1042, %dma_wait3A_1044, %dma_wait3A_1045] : memref<3x16x1024xf32, #tpu.memory_space<vmem>> -> memref<1x16x1024xf32, #tpu.memory_space<vmem>>
    %dma_wait3A_1047 = tpu.memref_squeeze %dma_wait3A_1046 : memref<1x16x1024xf32, #tpu.memory_space<vmem>> -> memref<16x1024xf32, #tpu.memory_space<vmem>>
    %dma_wait3A_1048 = arith.constant 0 : i32
    %dma_wait3A_1049 = tpu.memref_slice %arg4[%dma_wait3A_1043, %add3A_1041, %dma_wait3A_1048] : memref<4x2048x1024xf32, #tpu.memory_space<hbm>> -> memref<1x16x1024xf32, #tpu.memory_space<hbm>>
    %dma_wait3A_1050 = tpu.memref_squeeze %dma_wait3A_1049 : memref<1x16x1024xf32, #tpu.memory_space<hbm>> -> memref<16x1024xf32, #tpu.memory_space<hbm>>
    %dma_wait3A_1051 = arith.constant 0 : i32
    %dma_wait3A_1052 = tpu.memref_slice %arg4[%dma_wait3A_1043, %add3A_1041, %dma_wait3A_1051] : memref<4x2048x1024xf32, #tpu.memory_space<hbm>> -> memref<1x16x1024xf32, #tpu.memory_space<hbm>>
    %dma_wait3A_1053 = tpu.memref_squeeze %dma_wait3A_1052 : memref<1x16x1024xf32, #tpu.memory_space<hbm>> -> memref<16x1024xf32, #tpu.memory_space<hbm>>
    %dma_wait3A_1054 = arith.constant 0 : i32
    %dma_wait3A_1055 = arith.constant 0 : i32
    %dma_wait3A_1056 = tpu.memref_slice %arg6[%dma_wait3A_1042, %dma_wait3A_1054, %dma_wait3A_1055] : memref<3x16x1024xf32, #tpu.memory_space<vmem>> -> memref<1x16x1024xf32, #tpu.memory_space<vmem>>
    %dma_wait3A_1057 = tpu.memref_squeeze %dma_wait3A_1056 : memref<1x16x1024xf32, #tpu.memory_space<vmem>> -> memref<16x1024xf32, #tpu.memory_space<vmem>>
    tpu.wait_dma2 semaphore(%arg11 : memref<!tpu.dma_semaphore, #tpu.memory_space<semaphore_mem>>) src(%dma_wait3A_1057 : memref<16x1024xf32, #tpu.memory_space<vmem>>) dst(%dma_wait3A_1053 : memref<16x1024xf32, #tpu.memory_space<hbm>>)
    %add3A_1058 = arith.constant 48 : i32
    %add3A_1059 = arith.addi %mul3A_2, %add3A_1058 : i32
    %dma_start3A_1060 = arith.constant 3 : i32
    %dma_start3A_1061 = arith.constant 0 : i32
    %dma_start3A_1062 = arith.constant 0 : i32
    %dma_start3A_1063 = arith.constant 0 : i32
    %dma_start3A_1064 = tpu.memref_slice %arg6[%dma_start3A_1061, %dma_start3A_1062, %dma_start3A_1063] : memref<3x16x1024xf32, #tpu.memory_space<vmem>> -> memref<1x16x1024xf32, #tpu.memory_space<vmem>>
    %dma_start3A_1065 = tpu.memref_squeeze %dma_start3A_1064 : memref<1x16x1024xf32, #tpu.memory_space<vmem>> -> memref<16x1024xf32, #tpu.memory_space<vmem>>
    %dma_start3A_1066 = arith.constant 0 : i32
    %dma_start3A_1067 = tpu.memref_slice %arg2[%dma_start3A_1060, %add3A_1059, %dma_start3A_1066] : memref<4x2048x1024xf32, #tpu.memory_space<hbm>> -> memref<1x16x1024xf32, #tpu.memory_space<hbm>>
    %dma_start3A_1068 = tpu.memref_squeeze %dma_start3A_1067 : memref<1x16x1024xf32, #tpu.memory_space<hbm>> -> memref<16x1024xf32, #tpu.memory_space<hbm>>
    %dma_start3A_1069 = arith.constant 0 : i32
    %dma_start3A_1070 = arith.constant 0 : i32
    %dma_start3A_1071 = tpu.memref_slice %arg6[%dma_start3A_1061, %dma_start3A_1069, %dma_start3A_1070] : memref<3x16x1024xf32, #tpu.memory_space<vmem>> -> memref<1x16x1024xf32, #tpu.memory_space<vmem>>
    %dma_start3A_1072 = tpu.memref_squeeze %dma_start3A_1071 : memref<1x16x1024xf32, #tpu.memory_space<vmem>> -> memref<16x1024xf32, #tpu.memory_space<vmem>>
    %dma_start3A_1073 = arith.constant 0 : i32
    %dma_start3A_1074 = tpu.memref_slice %arg2[%dma_start3A_1060, %add3A_1059, %dma_start3A_1073] : memref<4x2048x1024xf32, #tpu.memory_space<hbm>> -> memref<1x16x1024xf32, #tpu.memory_space<hbm>>
    %dma_start3A_1075 = tpu.memref_squeeze %dma_start3A_1074 : memref<1x16x1024xf32, #tpu.memory_space<hbm>> -> memref<16x1024xf32, #tpu.memory_space<hbm>>
    tpu.enqueue_dma source(%dma_start3A_1075 : memref<16x1024xf32, #tpu.memory_space<hbm>>) target(%dma_start3A_1072 : memref<16x1024xf32, #tpu.memory_space<vmem>>) target_semaphore(%arg8 : memref<!tpu.dma_semaphore, #tpu.memory_space<semaphore_mem>>)
    %add3A_1076 = arith.constant 32 : i32
    %add3A_1077 = arith.addi %mul3A_2, %add3A_1076 : i32
    %dma_wait3A_1078 = arith.constant 3 : i32
    %dma_wait3A_1079 = arith.constant 2 : i32
    %dma_wait3A_1080 = arith.constant 0 : i32
    %dma_wait3A_1081 = arith.constant 0 : i32
    %dma_wait3A_1082 = tpu.memref_slice %arg6[%dma_wait3A_1079, %dma_wait3A_1080, %dma_wait3A_1081] : memref<3x16x1024xf32, #tpu.memory_space<vmem>> -> memref<1x16x1024xf32, #tpu.memory_space<vmem>>
    %dma_wait3A_1083 = tpu.memref_squeeze %dma_wait3A_1082 : memref<1x16x1024xf32, #tpu.memory_space<vmem>> -> memref<16x1024xf32, #tpu.memory_space<vmem>>
    %dma_wait3A_1084 = arith.constant 0 : i32
    %dma_wait3A_1085 = tpu.memref_slice %arg2[%dma_wait3A_1078, %add3A_1077, %dma_wait3A_1084] : memref<4x2048x1024xf32, #tpu.memory_space<hbm>> -> memref<1x16x1024xf32, #tpu.memory_space<hbm>>
    %dma_wait3A_1086 = tpu.memref_squeeze %dma_wait3A_1085 : memref<1x16x1024xf32, #tpu.memory_space<hbm>> -> memref<16x1024xf32, #tpu.memory_space<hbm>>
    %dma_wait3A_1087 = arith.constant 0 : i32
    %dma_wait3A_1088 = arith.constant 0 : i32
    %dma_wait3A_1089 = tpu.memref_slice %arg6[%dma_wait3A_1079, %dma_wait3A_1087, %dma_wait3A_1088] : memref<3x16x1024xf32, #tpu.memory_space<vmem>> -> memref<1x16x1024xf32, #tpu.memory_space<vmem>>
    %dma_wait3A_1090 = tpu.memref_squeeze %dma_wait3A_1089 : memref<1x16x1024xf32, #tpu.memory_space<vmem>> -> memref<16x1024xf32, #tpu.memory_space<vmem>>
    %dma_wait3A_1091 = arith.constant 0 : i32
    %dma_wait3A_1092 = tpu.memref_slice %arg2[%dma_wait3A_1078, %add3A_1077, %dma_wait3A_1091] : memref<4x2048x1024xf32, #tpu.memory_space<hbm>> -> memref<1x16x1024xf32, #tpu.memory_space<hbm>>
    %dma_wait3A_1093 = tpu.memref_squeeze %dma_wait3A_1092 : memref<1x16x1024xf32, #tpu.memory_space<hbm>> -> memref<16x1024xf32, #tpu.memory_space<hbm>>
    tpu.wait_dma2 semaphore(%arg10 : memref<!tpu.dma_semaphore, #tpu.memory_space<semaphore_mem>>) src(%dma_wait3A_1093 : memref<16x1024xf32, #tpu.memory_space<hbm>>) dst(%dma_wait3A_1090 : memref<16x1024xf32, #tpu.memory_space<vmem>>)
    %parallel_loop3A_1094 = arith.constant 0 : i32
    %parallel_loop3A_1095 = arith.constant 1024 : i32
    %parallel_loop3A_1096 = arith.constant 1 : i32
    scf.for %parallel_loop3A_1208 = %parallel_loop3A_1094 to %parallel_loop3A_1095 step %parallel_loop3A_1096  : i32 {
      %parallel_loop3A_1209 = arith.constant 64 : i32
      %parallel_loop3A_1210 = arith.divsi %parallel_loop3A_1208, %parallel_loop3A_1209 : i32
      %parallel_loop3A_1211 = arith.constant 0 : i32
      %parallel_loop3A_1212 = arith.cmpi sgt, %parallel_loop3A_1208, %parallel_loop3A_1211 : i32
      %parallel_loop3A_1213 = arith.extui %parallel_loop3A_1212 : i1 to i32
      %parallel_loop3A_1214 = arith.constant 0 : i32
      %parallel_loop3A_1215 = arith.cmpi slt, %parallel_loop3A_1208, %parallel_loop3A_1214 : i32
      %parallel_loop3A_1216 = arith.extui %parallel_loop3A_1215 : i1 to i32
      %parallel_loop3A_1217 = arith.subi %parallel_loop3A_1213, %parallel_loop3A_1216 : i32
      %parallel_loop3A_1218 = arith.constant 0 : i32
      %parallel_loop3A_1219 = arith.cmpi sgt, %parallel_loop3A_1209, %parallel_loop3A_1218 : i32
      %parallel_loop3A_1220 = arith.extui %parallel_loop3A_1219 : i1 to i32
      %parallel_loop3A_1221 = arith.constant 0 : i32
      %parallel_loop3A_1222 = arith.cmpi slt, %parallel_loop3A_1209, %parallel_loop3A_1221 : i32
      %parallel_loop3A_1223 = arith.extui %parallel_loop3A_1222 : i1 to i32
      %parallel_loop3A_1224 = arith.subi %parallel_loop3A_1220, %parallel_loop3A_1223 : i32
      %parallel_loop3A_1225 = arith.cmpi ne, %parallel_loop3A_1217, %parallel_loop3A_1224 : i32
      %parallel_loop3A_1226 = arith.remsi %parallel_loop3A_1208, %parallel_loop3A_1209 : i32
      %parallel_loop3A_1227 = arith.constant 0 : i32
      %parallel_loop3A_1228 = arith.cmpi ne, %parallel_loop3A_1226, %parallel_loop3A_1227 : i32
      %parallel_loop3A_1229 = arith.andi %parallel_loop3A_1225, %parallel_loop3A_1228 : i1
      %parallel_loop3A_1230 = arith.constant 1 : i32
      %parallel_loop3A_1231 = arith.subi %parallel_loop3A_1210, %parallel_loop3A_1230 : i32
      %parallel_loop3A_1232 = arith.select %parallel_loop3A_1229, %parallel_loop3A_1231, %parallel_loop3A_1210 : i32
      %parallel_loop3A_1233 = arith.constant 64 : i32
      %parallel_loop3A_1234 = arith.constant 0 : i32
      %parallel_loop3A_1235 = arith.cmpi eq, %parallel_loop3A_1233, %parallel_loop3A_1234 : i32
      %parallel_loop3A_1236 = arith.constant 1 : i32
      %parallel_loop3A_1237 = arith.select %parallel_loop3A_1235, %parallel_loop3A_1236, %parallel_loop3A_1233 : i32
      %parallel_loop3A_1238 = arith.remsi %parallel_loop3A_1208, %parallel_loop3A_1237 : i32
      %parallel_loop3A_1239 = arith.constant 0 : i32
      %parallel_loop3A_1240 = arith.cmpi ne, %parallel_loop3A_1238, %parallel_loop3A_1239 : i32
      %parallel_loop3A_1241 = arith.constant 0 : i32
      %parallel_loop3A_1242 = arith.cmpi slt, %parallel_loop3A_1238, %parallel_loop3A_1241 : i32
      %parallel_loop3A_1243 = arith.constant 0 : i32
      %parallel_loop3A_1244 = arith.cmpi slt, %parallel_loop3A_1237, %parallel_loop3A_1243 : i32
      %parallel_loop3A_1245 = arith.xori %parallel_loop3A_1242, %parallel_loop3A_1244 : i1
      %parallel_loop3A_1246 = arith.andi %parallel_loop3A_1245, %parallel_loop3A_1240 : i1
      %parallel_loop3A_1247 = arith.addi %parallel_loop3A_1238, %parallel_loop3A_1237 : i32
      %parallel_loop3A_1248 = arith.select %parallel_loop3A_1246, %parallel_loop3A_1247, %parallel_loop3A_1238 : i32
      %parallel_loop3A_1249 = arith.constant 16 : i32
      %parallel_loop3A_1250 = arith.muli %parallel_loop3A_1248, %parallel_loop3A_1249 : i32
      %parallel_loop3A_1251 = arith.constant 2 : i32
      %parallel_loop3A_1252 = arith.index_cast %parallel_loop3A_1251 : i32 to index
      %parallel_loop3A_1253 = arith.index_cast %parallel_loop3A_1232 : i32 to index
      %parallel_loop3A_1254 = arith.index_cast %parallel_loop3A_1250 : i32 to index
      %parallel_loop3A_1255 = tpu.vector_load %arg6[%parallel_loop3A_1252, %parallel_loop3A_1253, %parallel_loop3A_1254] {strides = array<i32>} : memref<3x16x1024xf32, #tpu.memory_space<vmem>>, vector<1x1x16xf32>,
      %parallel_loop3A_1256 = vector.shape_cast %parallel_loop3A_1255 : vector<1x1x16xf32> to vector<16xf32>
      %parallel_loop3A_1257 = arith.constant 32 : i32
      %parallel_loop3A_1258 = arith.addi %parallel_loop3A_1257, %parallel_loop3A_1232 : i32
      %parallel_loop3A_1259 = arith.index_cast %parallel_loop3A_1258 : i32 to index
      %parallel_loop3A_1260 = arith.index_cast %parallel_loop3A_1250 : i32 to index
      %parallel_loop3A_1261 = tpu.vector_load %arg5[%parallel_loop3A_1259, %parallel_loop3A_1260] {strides = array<i32>} : memref<64x1024xf32, #tpu.memory_space<vmem>>, vector<1x16xf32>,
      %parallel_loop3A_1262 = vector.shape_cast %parallel_loop3A_1261 : vector<1x16xf32> to vector<16xf32>
      %parallel_loop3A_1263 = arith.constant 3.125000e-02 : f32
      %parallel_loop3A_1264 = vector.broadcast %parallel_loop3A_1263 : f32 to vector<16xf32>
      %parallel_loop3A_1265 = arith.mulf %parallel_loop3A_1262, %parallel_loop3A_1264 : vector<16xf32>
      %parallel_loop3A_1266 = arith.addf %parallel_loop3A_1256, %parallel_loop3A_1265 : vector<16xf32>
      %parallel_loop3A_1267 = arith.constant 2 : i32
      %parallel_loop3A_1268 = arith.index_cast %parallel_loop3A_1267 : i32 to index
      %parallel_loop3A_1269 = arith.index_cast %parallel_loop3A_1232 : i32 to index
      %parallel_loop3A_1270 = arith.index_cast %parallel_loop3A_1250 : i32 to index
      %parallel_loop3A_1271 = tpu.vector_load %arg6[%parallel_loop3A_1268, %parallel_loop3A_1269, %parallel_loop3A_1270] {strides = array<i32>} : memref<3x16x1024xf32, #tpu.memory_space<vmem>>, vector<1x1x16xf32>,
      %parallel_loop3A_1272 = vector.shape_cast %parallel_loop3A_1271 : vector<1x1x16xf32> to vector<16xf32>
      %parallel_loop3A_1273 = vector.shape_cast %parallel_loop3A_1266 : vector<16xf32> to vector<1x1x16xf32>
      tpu.vector_store %arg6[%parallel_loop3A_1268, %parallel_loop3A_1269, %parallel_loop3A_1270], %parallel_loop3A_1273 {strides = array<i32>} : memref<3x16x1024xf32, #tpu.memory_space<vmem>>, vector<1x1x16xf32>,
    } {sc.loop_unroll_factor = 8 : i64, sc.parallel_access}
    %add3A_1097 = arith.constant 32 : i32
    %add3A_1098 = arith.addi %mul3A_2, %add3A_1097 : i32
    %dma_start3A_1099 = arith.constant 2 : i32
    %dma_start3A_1100 = arith.constant 3 : i32
    %dma_start3A_1101 = arith.constant 0 : i32
    %dma_start3A_1102 = arith.constant 0 : i32
    %dma_start3A_1103 = tpu.memref_slice %arg6[%dma_start3A_1099, %dma_start3A_1101, %dma_start3A_1102] : memref<3x16x1024xf32, #tpu.memory_space<vmem>> -> memref<1x16x1024xf32, #tpu.memory_space<vmem>>
    %dma_start3A_1104 = tpu.memref_squeeze %dma_start3A_1103 : memref<1x16x1024xf32, #tpu.memory_space<vmem>> -> memref<16x1024xf32, #tpu.memory_space<vmem>>
    %dma_start3A_1105 = arith.constant 0 : i32
    %dma_start3A_1106 = tpu.memref_slice %arg4[%dma_start3A_1100, %add3A_1098, %dma_start3A_1105] : memref<4x2048x1024xf32, #tpu.memory_space<hbm>> -> memref<1x16x1024xf32, #tpu.memory_space<hbm>>
    %dma_start3A_1107 = tpu.memref_squeeze %dma_start3A_1106 : memref<1x16x1024xf32, #tpu.memory_space<hbm>> -> memref<16x1024xf32, #tpu.memory_space<hbm>>
    %dma_start3A_1108 = arith.constant 0 : i32
    %dma_start3A_1109 = tpu.memref_slice %arg4[%dma_start3A_1100, %add3A_1098, %dma_start3A_1108] : memref<4x2048x1024xf32, #tpu.memory_space<hbm>> -> memref<1x16x1024xf32, #tpu.memory_space<hbm>>
    %dma_start3A_1110 = tpu.memref_squeeze %dma_start3A_1109 : memref<1x16x1024xf32, #tpu.memory_space<hbm>> -> memref<16x1024xf32, #tpu.memory_space<hbm>>
    %dma_start3A_1111 = arith.constant 0 : i32
    %dma_start3A_1112 = arith.constant 0 : i32
    %dma_start3A_1113 = tpu.memref_slice %arg6[%dma_start3A_1099, %dma_start3A_1111, %dma_start3A_1112] : memref<3x16x1024xf32, #tpu.memory_space<vmem>> -> memref<1x16x1024xf32, #tpu.memory_space<vmem>>
    %dma_start3A_1114 = tpu.memref_squeeze %dma_start3A_1113 : memref<1x16x1024xf32, #tpu.memory_space<vmem>> -> memref<16x1024xf32, #tpu.memory_space<vmem>>
    tpu.enqueue_dma source(%dma_start3A_1114 : memref<16x1024xf32, #tpu.memory_space<vmem>>) target(%dma_start3A_1110 : memref<16x1024xf32, #tpu.memory_space<hbm>>) target_semaphore(%arg13 : memref<!tpu.dma_semaphore, #tpu.memory_space<semaphore_mem>>)
    %add3A_1115 = arith.constant 48 : i32
    %add3A_1116 = arith.addi %mul3A_2, %add3A_1115 : i32
    %dma_wait3A_1117 = arith.constant 3 : i32
    %dma_wait3A_1118 = arith.constant 0 : i32
    %dma_wait3A_1119 = arith.constant 0 : i32
    %dma_wait3A_1120 = arith.constant 0 : i32
    %dma_wait3A_1121 = tpu.memref_slice %arg6[%dma_wait3A_1118, %dma_wait3A_1119, %dma_wait3A_1120] : memref<3x16x1024xf32, #tpu.memory_space<vmem>> -> memref<1x16x1024xf32, #tpu.memory_space<vmem>>
    %dma_wait3A_1122 = tpu.memref_squeeze %dma_wait3A_1121 : memref<1x16x1024xf32, #tpu.memory_space<vmem>> -> memref<16x1024xf32, #tpu.memory_space<vmem>>
    %dma_wait3A_1123 = arith.constant 0 : i32
    %dma_wait3A_1124 = tpu.memref_slice %arg2[%dma_wait3A_1117, %add3A_1116, %dma_wait3A_1123] : memref<4x2048x1024xf32, #tpu.memory_space<hbm>> -> memref<1x16x1024xf32, #tpu.memory_space<hbm>>
    %dma_wait3A_1125 = tpu.memref_squeeze %dma_wait3A_1124 : memref<1x16x1024xf32, #tpu.memory_space<hbm>> -> memref<16x1024xf32, #tpu.memory_space<hbm>>
    %dma_wait3A_1126 = arith.constant 0 : i32
    %dma_wait3A_1127 = arith.constant 0 : i32
    %dma_wait3A_1128 = tpu.memref_slice %arg6[%dma_wait3A_1118, %dma_wait3A_1126, %dma_wait3A_1127] : memref<3x16x1024xf32, #tpu.memory_space<vmem>> -> memref<1x16x1024xf32, #tpu.memory_space<vmem>>
    %dma_wait3A_1129 = tpu.memref_squeeze %dma_wait3A_1128 : memref<1x16x1024xf32, #tpu.memory_space<vmem>> -> memref<16x1024xf32, #tpu.memory_space<vmem>>
    %dma_wait3A_1130 = arith.constant 0 : i32
    %dma_wait3A_1131 = tpu.memref_slice %arg2[%dma_wait3A_1117, %add3A_1116, %dma_wait3A_1130] : memref<4x2048x1024xf32, #tpu.memory_space<hbm>> -> memref<1x16x1024xf32, #tpu.memory_space<hbm>>
    %dma_wait3A_1132 = tpu.memref_squeeze %dma_wait3A_1131 : memref<1x16x1024xf32, #tpu.memory_space<hbm>> -> memref<16x1024xf32, #tpu.memory_space<hbm>>
    tpu.wait_dma2 semaphore(%arg8 : memref<!tpu.dma_semaphore, #tpu.memory_space<semaphore_mem>>) src(%dma_wait3A_1132 : memref<16x1024xf32, #tpu.memory_space<hbm>>) dst(%dma_wait3A_1129 : memref<16x1024xf32, #tpu.memory_space<vmem>>)
    %parallel_loop3A_1133 = arith.constant 0 : i32
    %parallel_loop3A_1134 = arith.constant 1024 : i32
    %parallel_loop3A_1135 = arith.constant 1 : i32
    scf.for %parallel_loop3A_1208 = %parallel_loop3A_1133 to %parallel_loop3A_1134 step %parallel_loop3A_1135  : i32 {
      %parallel_loop3A_1209 = arith.constant 64 : i32
      %parallel_loop3A_1210 = arith.divsi %parallel_loop3A_1208, %parallel_loop3A_1209 : i32
      %parallel_loop3A_1211 = arith.constant 0 : i32
      %parallel_loop3A_1212 = arith.cmpi sgt, %parallel_loop3A_1208, %parallel_loop3A_1211 : i32
      %parallel_loop3A_1213 = arith.extui %parallel_loop3A_1212 : i1 to i32
      %parallel_loop3A_1214 = arith.constant 0 : i32
      %parallel_loop3A_1215 = arith.cmpi slt, %parallel_loop3A_1208, %parallel_loop3A_1214 : i32
      %parallel_loop3A_1216 = arith.extui %parallel_loop3A_1215 : i1 to i32
      %parallel_loop3A_1217 = arith.subi %parallel_loop3A_1213, %parallel_loop3A_1216 : i32
      %parallel_loop3A_1218 = arith.constant 0 : i32
      %parallel_loop3A_1219 = arith.cmpi sgt, %parallel_loop3A_1209, %parallel_loop3A_1218 : i32
      %parallel_loop3A_1220 = arith.extui %parallel_loop3A_1219 : i1 to i32
      %parallel_loop3A_1221 = arith.constant 0 : i32
      %parallel_loop3A_1222 = arith.cmpi slt, %parallel_loop3A_1209, %parallel_loop3A_1221 : i32
      %parallel_loop3A_1223 = arith.extui %parallel_loop3A_1222 : i1 to i32
      %parallel_loop3A_1224 = arith.subi %parallel_loop3A_1220, %parallel_loop3A_1223 : i32
      %parallel_loop3A_1225 = arith.cmpi ne, %parallel_loop3A_1217, %parallel_loop3A_1224 : i32
      %parallel_loop3A_1226 = arith.remsi %parallel_loop3A_1208, %parallel_loop3A_1209 : i32
      %parallel_loop3A_1227 = arith.constant 0 : i32
      %parallel_loop3A_1228 = arith.cmpi ne, %parallel_loop3A_1226, %parallel_loop3A_1227 : i32
      %parallel_loop3A_1229 = arith.andi %parallel_loop3A_1225, %parallel_loop3A_1228 : i1
      %parallel_loop3A_1230 = arith.constant 1 : i32
      %parallel_loop3A_1231 = arith.subi %parallel_loop3A_1210, %parallel_loop3A_1230 : i32
      %parallel_loop3A_1232 = arith.select %parallel_loop3A_1229, %parallel_loop3A_1231, %parallel_loop3A_1210 : i32
      %parallel_loop3A_1233 = arith.constant 64 : i32
      %parallel_loop3A_1234 = arith.constant 0 : i32
      %parallel_loop3A_1235 = arith.cmpi eq, %parallel_loop3A_1233, %parallel_loop3A_1234 : i32
      %parallel_loop3A_1236 = arith.constant 1 : i32
      %parallel_loop3A_1237 = arith.select %parallel_loop3A_1235, %parallel_loop3A_1236, %parallel_loop3A_1233 : i32
      %parallel_loop3A_1238 = arith.remsi %parallel_loop3A_1208, %parallel_loop3A_1237 : i32
      %parallel_loop3A_1239 = arith.constant 0 : i32
      %parallel_loop3A_1240 = arith.cmpi ne, %parallel_loop3A_1238, %parallel_loop3A_1239 : i32
      %parallel_loop3A_1241 = arith.constant 0 : i32
      %parallel_loop3A_1242 = arith.cmpi slt, %parallel_loop3A_1238, %parallel_loop3A_1241 : i32
      %parallel_loop3A_1243 = arith.constant 0 : i32
      %parallel_loop3A_1244 = arith.cmpi slt, %parallel_loop3A_1237, %parallel_loop3A_1243 : i32
      %parallel_loop3A_1245 = arith.xori %parallel_loop3A_1242, %parallel_loop3A_1244 : i1
      %parallel_loop3A_1246 = arith.andi %parallel_loop3A_1245, %parallel_loop3A_1240 : i1
      %parallel_loop3A_1247 = arith.addi %parallel_loop3A_1238, %parallel_loop3A_1237 : i32
      %parallel_loop3A_1248 = arith.select %parallel_loop3A_1246, %parallel_loop3A_1247, %parallel_loop3A_1238 : i32
      %parallel_loop3A_1249 = arith.constant 16 : i32
      %parallel_loop3A_1250 = arith.muli %parallel_loop3A_1248, %parallel_loop3A_1249 : i32
      %parallel_loop3A_1251 = arith.constant 0 : i32
      %parallel_loop3A_1252 = arith.index_cast %parallel_loop3A_1251 : i32 to index
      %parallel_loop3A_1253 = arith.index_cast %parallel_loop3A_1232 : i32 to index
      %parallel_loop3A_1254 = arith.index_cast %parallel_loop3A_1250 : i32 to index
      %parallel_loop3A_1255 = tpu.vector_load %arg6[%parallel_loop3A_1252, %parallel_loop3A_1253, %parallel_loop3A_1254] {strides = array<i32>} : memref<3x16x1024xf32, #tpu.memory_space<vmem>>, vector<1x1x16xf32>,
      %parallel_loop3A_1256 = vector.shape_cast %parallel_loop3A_1255 : vector<1x1x16xf32> to vector<16xf32>
      %parallel_loop3A_1257 = arith.constant 48 : i32
      %parallel_loop3A_1258 = arith.addi %parallel_loop3A_1257, %parallel_loop3A_1232 : i32
      %parallel_loop3A_1259 = arith.index_cast %parallel_loop3A_1258 : i32 to index
      %parallel_loop3A_1260 = arith.index_cast %parallel_loop3A_1250 : i32 to index
      %parallel_loop3A_1261 = tpu.vector_load %arg5[%parallel_loop3A_1259, %parallel_loop3A_1260] {strides = array<i32>} : memref<64x1024xf32, #tpu.memory_space<vmem>>, vector<1x16xf32>,
      %parallel_loop3A_1262 = vector.shape_cast %parallel_loop3A_1261 : vector<1x16xf32> to vector<16xf32>
      %parallel_loop3A_1263 = arith.constant 3.125000e-02 : f32
      %parallel_loop3A_1264 = vector.broadcast %parallel_loop3A_1263 : f32 to vector<16xf32>
      %parallel_loop3A_1265 = arith.mulf %parallel_loop3A_1262, %parallel_loop3A_1264 : vector<16xf32>
      %parallel_loop3A_1266 = arith.addf %parallel_loop3A_1256, %parallel_loop3A_1265 : vector<16xf32>
      %parallel_loop3A_1267 = arith.constant 0 : i32
      %parallel_loop3A_1268 = arith.index_cast %parallel_loop3A_1267 : i32 to index
      %parallel_loop3A_1269 = arith.index_cast %parallel_loop3A_1232 : i32 to index
      %parallel_loop3A_1270 = arith.index_cast %parallel_loop3A_1250 : i32 to index
      %parallel_loop3A_1271 = tpu.vector_load %arg6[%parallel_loop3A_1268, %parallel_loop3A_1269, %parallel_loop3A_1270] {strides = array<i32>} : memref<3x16x1024xf32, #tpu.memory_space<vmem>>, vector<1x1x16xf32>,
      %parallel_loop3A_1272 = vector.shape_cast %parallel_loop3A_1271 : vector<1x1x16xf32> to vector<16xf32>
      %parallel_loop3A_1273 = vector.shape_cast %parallel_loop3A_1266 : vector<16xf32> to vector<1x1x16xf32>
      tpu.vector_store %arg6[%parallel_loop3A_1268, %parallel_loop3A_1269, %parallel_loop3A_1270], %parallel_loop3A_1273 {strides = array<i32>} : memref<3x16x1024xf32, #tpu.memory_space<vmem>>, vector<1x1x16xf32>,
    } {sc.loop_unroll_factor = 8 : i64, sc.parallel_access}
    %add3A_1136 = arith.constant 48 : i32
    %add3A_1137 = arith.addi %mul3A_2, %add3A_1136 : i32
    %dma_start3A_1138 = arith.constant 0 : i32
    %dma_start3A_1139 = arith.constant 3 : i32
    %dma_start3A_1140 = arith.constant 0 : i32
    %dma_start3A_1141 = arith.constant 0 : i32
    %dma_start3A_1142 = tpu.memref_slice %arg6[%dma_start3A_1138, %dma_start3A_1140, %dma_start3A_1141] : memref<3x16x1024xf32, #tpu.memory_space<vmem>> -> memref<1x16x1024xf32, #tpu.memory_space<vmem>>
    %dma_start3A_1143 = tpu.memref_squeeze %dma_start3A_1142 : memref<1x16x1024xf32, #tpu.memory_space<vmem>> -> memref<16x1024xf32, #tpu.memory_space<vmem>>
    %dma_start3A_1144 = arith.constant 0 : i32
    %dma_start3A_1145 = tpu.memref_slice %arg4[%dma_start3A_1139, %add3A_1137, %dma_start3A_1144] : memref<4x2048x1024xf32, #tpu.memory_space<hbm>> -> memref<1x16x1024xf32, #tpu.memory_space<hbm>>
    %dma_start3A_1146 = tpu.memref_squeeze %dma_start3A_1145 : memref<1x16x1024xf32, #tpu.memory_space<hbm>> -> memref<16x1024xf32, #tpu.memory_space<hbm>>
    %dma_start3A_1147 = arith.constant 0 : i32
    %dma_start3A_1148 = tpu.memref_slice %arg4[%dma_start3A_1139, %add3A_1137, %dma_start3A_1147] : memref<4x2048x1024xf32, #tpu.memory_space<hbm>> -> memref<1x16x1024xf32, #tpu.memory_space<hbm>>
    %dma_start3A_1149 = tpu.memref_squeeze %dma_start3A_1148 : memref<1x16x1024xf32, #tpu.memory_space<hbm>> -> memref<16x1024xf32, #tpu.memory_space<hbm>>
    %dma_start3A_1150 = arith.constant 0 : i32
    %dma_start3A_1151 = arith.constant 0 : i32
    %dma_start3A_1152 = tpu.memref_slice %arg6[%dma_start3A_1138, %dma_start3A_1150, %dma_start3A_1151] : memref<3x16x1024xf32, #tpu.memory_space<vmem>> -> memref<1x16x1024xf32, #tpu.memory_space<vmem>>
    %dma_start3A_1153 = tpu.memref_squeeze %dma_start3A_1152 : memref<1x16x1024xf32, #tpu.memory_space<vmem>> -> memref<16x1024xf32, #tpu.memory_space<vmem>>
    tpu.enqueue_dma source(%dma_start3A_1153 : memref<16x1024xf32, #tpu.memory_space<vmem>>) target(%dma_start3A_1149 : memref<16x1024xf32, #tpu.memory_space<hbm>>) target_semaphore(%arg11 : memref<!tpu.dma_semaphore, #tpu.memory_space<semaphore_mem>>)
    %add3A_1154 = arith.constant 16 : i32
    %add3A_1155 = arith.addi %mul3A_2, %add3A_1154 : i32
    %dma_wait3A_1156 = arith.constant 1 : i32
    %dma_wait3A_1157 = arith.constant 3 : i32
    %dma_wait3A_1158 = arith.constant 0 : i32
    %dma_wait3A_1159 = arith.constant 0 : i32
    %dma_wait3A_1160 = tpu.memref_slice %arg6[%dma_wait3A_1156, %dma_wait3A_1158, %dma_wait3A_1159] : memref<3x16x1024xf32, #tpu.memory_space<vmem>> -> memref<1x16x1024xf32, #tpu.memory_space<vmem>>
    %dma_wait3A_1161 = tpu.memref_squeeze %dma_wait3A_1160 : memref<1x16x1024xf32, #tpu.memory_space<vmem>> -> memref<16x1024xf32, #tpu.memory_space<vmem>>
    %dma_wait3A_1162 = arith.constant 0 : i32
    %dma_wait3A_1163 = tpu.memref_slice %arg4[%dma_wait3A_1157, %add3A_1155, %dma_wait3A_1162] : memref<4x2048x1024xf32, #tpu.memory_space<hbm>> -> memref<1x16x1024xf32, #tpu.memory_space<hbm>>
    %dma_wait3A_1164 = tpu.memref_squeeze %dma_wait3A_1163 : memref<1x16x1024xf32, #tpu.memory_space<hbm>> -> memref<16x1024xf32, #tpu.memory_space<hbm>>
    %dma_wait3A_1165 = arith.constant 0 : i32
    %dma_wait3A_1166 = tpu.memref_slice %arg4[%dma_wait3A_1157, %add3A_1155, %dma_wait3A_1165] : memref<4x2048x1024xf32, #tpu.memory_space<hbm>> -> memref<1x16x1024xf32, #tpu.memory_space<hbm>>
    %dma_wait3A_1167 = tpu.memref_squeeze %dma_wait3A_1166 : memref<1x16x1024xf32, #tpu.memory_space<hbm>> -> memref<16x1024xf32, #tpu.memory_space<hbm>>
    %dma_wait3A_1168 = arith.constant 0 : i32
    %dma_wait3A_1169 = arith.constant 0 : i32
    %dma_wait3A_1170 = tpu.memref_slice %arg6[%dma_wait3A_1156, %dma_wait3A_1168, %dma_wait3A_1169] : memref<3x16x1024xf32, #tpu.memory_space<vmem>> -> memref<1x16x1024xf32, #tpu.memory_space<vmem>>
    %dma_wait3A_1171 = tpu.memref_squeeze %dma_wait3A_1170 : memref<1x16x1024xf32, #tpu.memory_space<vmem>> -> memref<16x1024xf32, #tpu.memory_space<vmem>>
    tpu.wait_dma2 semaphore(%arg12 : memref<!tpu.dma_semaphore, #tpu.memory_space<semaphore_mem>>) src(%dma_wait3A_1171 : memref<16x1024xf32, #tpu.memory_space<vmem>>) dst(%dma_wait3A_1167 : memref<16x1024xf32, #tpu.memory_space<hbm>>)
    %add3A_1172 = arith.constant 32 : i32
    %add3A_1173 = arith.addi %mul3A_2, %add3A_1172 : i32
    %dma_wait3A_1174 = arith.constant 2 : i32
    %dma_wait3A_1175 = arith.constant 3 : i32
    %dma_wait3A_1176 = arith.constant 0 : i32
    %dma_wait3A_1177 = arith.constant 0 : i32
    %dma_wait3A_1178 = tpu.memref_slice %arg6[%dma_wait3A_1174, %dma_wait3A_1176, %dma_wait3A_1177] : memref<3x16x1024xf32, #tpu.memory_space<vmem>> -> memref<1x16x1024xf32, #tpu.memory_space<vmem>>
    %dma_wait3A_1179 = tpu.memref_squeeze %dma_wait3A_1178 : memref<1x16x1024xf32, #tpu.memory_space<vmem>> -> memref<16x1024xf32, #tpu.memory_space<vmem>>
    %dma_wait3A_1180 = arith.constant 0 : i32
    %dma_wait3A_1181 = tpu.memref_slice %arg4[%dma_wait3A_1175, %add3A_1173, %dma_wait3A_1180] : memref<4x2048x1024xf32, #tpu.memory_space<hbm>> -> memref<1x16x1024xf32, #tpu.memory_space<hbm>>
    %dma_wait3A_1182 = tpu.memref_squeeze %dma_wait3A_1181 : memref<1x16x1024xf32, #tpu.memory_space<hbm>> -> memref<16x1024xf32, #tpu.memory_space<hbm>>
    %dma_wait3A_1183 = arith.constant 0 : i32
    %dma_wait3A_1184 = tpu.memref_slice %arg4[%dma_wait3A_1175, %add3A_1173, %dma_wait3A_1183] : memref<4x2048x1024xf32, #tpu.memory_space<hbm>> -> memref<1x16x1024xf32, #tpu.memory_space<hbm>>
    %dma_wait3A_1185 = tpu.memref_squeeze %dma_wait3A_1184 : memref<1x16x1024xf32, #tpu.memory_space<hbm>> -> memref<16x1024xf32, #tpu.memory_space<hbm>>
    %dma_wait3A_1186 = arith.constant 0 : i32
    %dma_wait3A_1187 = arith.constant 0 : i32
    %dma_wait3A_1188 = tpu.memref_slice %arg6[%dma_wait3A_1174, %dma_wait3A_1186, %dma_wait3A_1187] : memref<3x16x1024xf32, #tpu.memory_space<vmem>> -> memref<1x16x1024xf32, #tpu.memory_space<vmem>>
    %dma_wait3A_1189 = tpu.memref_squeeze %dma_wait3A_1188 : memref<1x16x1024xf32, #tpu.memory_space<vmem>> -> memref<16x1024xf32, #tpu.memory_space<vmem>>
    tpu.wait_dma2 semaphore(%arg13 : memref<!tpu.dma_semaphore, #tpu.memory_space<semaphore_mem>>) src(%dma_wait3A_1189 : memref<16x1024xf32, #tpu.memory_space<vmem>>) dst(%dma_wait3A_1185 : memref<16x1024xf32, #tpu.memory_space<hbm>>)
    %add3A_1190 = arith.constant 48 : i32
    %add3A_1191 = arith.addi %mul3A_2, %add3A_1190 : i32
    %dma_wait3A_1192 = arith.constant 0 : i32
    %dma_wait3A_1193 = arith.constant 3 : i32
    %dma_wait3A_1194 = arith.constant 0 : i32
    %dma_wait3A_1195 = arith.constant 0 : i32
    %dma_wait3A_1196 = tpu.memref_slice %arg6[%dma_wait3A_1192, %dma_wait3A_1194, %dma_wait3A_1195] : memref<3x16x1024xf32, #tpu.memory_space<vmem>> -> memref<1x16x1024xf32, #tpu.memory_space<vmem>>
    %dma_wait3A_1197 = tpu.memref_squeeze %dma_wait3A_1196 : memref<1x16x1024xf32, #tpu.memory_space<vmem>> -> memref<16x1024xf32, #tpu.memory_space<vmem>>
    %dma_wait3A_1198 = arith.constant 0 : i32
    %dma_wait3A_1199 = tpu.memref_slice %arg4[%dma_wait3A_1193, %add3A_1191, %dma_wait3A_1198] : memref<4x2048x1024xf32, #tpu.memory_space<hbm>> -> memref<1x16x1024xf32, #tpu.memory_space<hbm>>
    %dma_wait3A_1200 = tpu.memref_squeeze %dma_wait3A_1199 : memref<1x16x1024xf32, #tpu.memory_space<hbm>> -> memref<16x1024xf32, #tpu.memory_space<hbm>>
    %dma_wait3A_1201 = arith.constant 0 : i32
    %dma_wait3A_1202 = tpu.memref_slice %arg4[%dma_wait3A_1193, %add3A_1191, %dma_wait3A_1201] : memref<4x2048x1024xf32, #tpu.memory_space<hbm>> -> memref<1x16x1024xf32, #tpu.memory_space<hbm>>
    %dma_wait3A_1203 = tpu.memref_squeeze %dma_wait3A_1202 : memref<1x16x1024xf32, #tpu.memory_space<hbm>> -> memref<16x1024xf32, #tpu.memory_space<hbm>>
    %dma_wait3A_1204 = arith.constant 0 : i32
    %dma_wait3A_1205 = arith.constant 0 : i32
    %dma_wait3A_1206 = tpu.memref_slice %arg6[%dma_wait3A_1192, %dma_wait3A_1204, %dma_wait3A_1205] : memref<3x16x1024xf32, #tpu.memory_space<vmem>> -> memref<1x16x1024xf32, #tpu.memory_space<vmem>>
    %dma_wait3A_1207 = tpu.memref_squeeze %dma_wait3A_1206 : memref<1x16x1024xf32, #tpu.memory_space<vmem>> -> memref<16x1024xf32, #tpu.memory_space<vmem>>
    tpu.wait_dma2 semaphore(%arg11 : memref<!tpu.dma_semaphore, #tpu.memory_space<semaphore_mem>>) src(%dma_wait3A_1207 : memref<16x1024xf32, #tpu.memory_space<vmem>>) dst(%dma_wait3A_1203 : memref<16x1024xf32, #tpu.memory_space<hbm>>)
    return
  }
}

</mosaic_0001>

<sc_bundles>
// kernel: kernel.3.cloned.1.call-start
scs
__scs_entry_jumppad:
0x0: {  	(pc) =	sbr.rel $0x88, $3  }
0x1: {  	(tag) =	ssettag $0x0;
	lr =	simm.s32 $0x1  }
0x2: {  	[smem:$0x3F9F] =	sst lr;
	_ =	strace $0xD0000000  }
0x3: {  	_ = 	snop  }
0x4: {  	_ = 	snop  }
0x5: {  	_ = 	snop  }
0x6: {  	_ = 	snop  }
0x7: {  	_ = 	snop  }
__scs_overlays_trampoline_lowered:
0x8: {  	[smem:$0x3FAE] =	sst s0  }
0x9: {  	[smem:$0x3FAF] =	sst s1  }
0xa: {  	[smem:$0x3FB0] =	sst s2  }
0xb: {  	[smem:$0x3FB1] =	sst s3  }
0xc: {  	[smem:$0x3FB2] =	sst s4  }
0xd: {  	[smem:$0x3FB3] =	sst s5  }
0xe: {  	[smem:$0x3FB4] =	sst s6  }
0xf: {  	[smem:$0x3FB5] =	sst s7  }
0x10: {  	[smem:$0x3FB6] =	sst s8  }
0x11: {  	[smem:$0x3FB7] =	sst s9;
	s0 =	simm.s32 @!p0 $0x0  }
0x12: {  	s1 =	sld [smem:$0x3F9D];
	s0 =	simm.s32 @p0 $0x1  }
0x13: {  	[smem:$0x3FB8] =	sst s0;
	s0 =	simm.s32 @!p1 $0x0  }
0x14: {  	s2 =	sld [smem:$0x3F9C];
	s0 =	simm.s32 @p1 $0x1  }
0x15: {  	[smem:$0x3FB9] =	sst s0;
	s0 =	simm.s32 @!p2 $0x0  }
0x16: {  	s3 =	sld [smem:$0x3FDB];
	s0 =	simm.s32 @p2 $0x1  }
0x17: {  	s4 =	simm.s32 $0x1BF5;
	[smem:$0x3FBB] =	sst s0  }
0x18: {  	s0 =	sld [smem:$0x3F9E];
	_ =	swait.ge [sflag:s4], $0x0  }
0x19: {  	s7 =	sld [smem:$0x3F9F]  }
0x1a: {  	s8 =	sadd.s32 $0xFFFFE003, lr  }
0x1b: {  	s9 =	sadd.s32 $0xFFFFFEF7, lr;
	s5 =	simm.s32 $0xFFFFFFFF;
	p2 =	slt.u32 s8, $0xFFFFF086  }
0x1c: {  	p1 =	slt.u32 s9, $0xF7A;
	s5 =	simm.s32 @!p2 $0x0  }
0x1d: {  	s5 =	simm.s32 @p1 $0x1;
	p0 =	seq.s32 s7, s2  }
0x1e: {  	s7 =	smul.u32 @!p0 $0xF7A, s2;
	p2 =	seq.s32 @!p0 s5, $0x0  }
0x1f: {  	s9 =	smul.u32 $0xF7A, s1;
	s8 =	simm.s32 @!p0 $0x1BF5;
	p2 =	por !p2, p0  }
0x20: {  	[sflag:s8] =	ssyncset.s32 @!p0 $0xFFFFF086;
	s6 =	sadd.s32 @!p0 s3, s7;
	s7 =	simm.s32 @!p0 $0x108  }
0x21: {  	s3 =	sadd.s32 s3, s9;
	s6 =	sadd.s32 @!p0 $0x88, s6;
	s7 =	simm.s32 @p2 $0x1082  }
0x22: {  	[simem:s7], [sflag:s8] =	dma.local @!p0 [hbm:s6], $0xF7A  }
0x23: {  	s9 =	sor.u32 $0xD0000000, s2;
	s6 =	simm.s32 $0x108;
	_ =	swait.ge @!p0 [sflag:s8], $0x0  }
0x24: {  	s3 =	sadd.s32 $0x88, s3;
	s6 =	simm.s32 @!p1 $0x1082;
	[sflag:s4] =	ssyncset.s32 $0xFFFFF086  }
0x25: {  	[simem:s6], [sflag:s4] =	dma.local [hbm:s3], $0xF7A  }
0x26: {  	[smem:$0x3F9F] =	sst s1;
	(tag) =	ssettag s2;
	_ =	strace s9  }
0x27: {  	s1 =	sld [smem:$0x3FAF]  }
0x28: {  	s2 =	sld [smem:$0x3FB0]  }
0x29: {  	s4 =	sld [smem:$0x3FB2]  }
0x2a: {  	p0 =	seq.s32 s5, $0x0;
	s5 =	sld [smem:$0x3FB3]  }
0x2b: {  	s6 =	sld [smem:$0x3FB4]  }
0x2c: {  	s7 =	sld [smem:$0x3FB5]  }
0x2d: {  	s3 =	simm.s32 $0x108;
	s8 =	sld [smem:$0x3FB6]  }
0x2e: {  	s3 =	simm.s32 @!p0 $0x1082;
	s9 =	sld [smem:$0x3FB7]  }
0x2f: {  	lr =	sadd.s32 s0, s3;
	s0 =	sld [smem:$0x3FAE]  }
0x30: {  	s3 =	sld [smem:$0x3FB1]  }
0x31: {  	[smem:$0x3FBA] =	sst s10  }
0x32: {  	s10 =	sld [smem:$0x3FB8];
	_ =	sdelay $0x3  }
0x33: {  	p0 =	seq.s32 s10, $0x1;
	s10 =	sld [smem:$0x3FBA];
	_ =	sdelay $0x3  }
0x34: {  	[smem:$0x3FBA] =	sst s10  }
0x35: {  	s10 =	sld [smem:$0x3FB9];
	_ =	sdelay $0x3  }
0x36: {  	p1 =	seq.s32 s10, $0x1;
	s10 =	sld [smem:$0x3FBA];
	_ =	sdelay $0x3  }
0x37: {  	[smem:$0x3FBA] =	sst s10  }
0x38: {  	s10 =	sld [smem:$0x3FBB]  }
0x39: {  	_ = 	snop;
	(pc) =	sbr.ind lr, $3  }
0x3a: {  	_ = 	snop  }
0x3b: {  	_ = 	snop  }
0x3c: {  	p2 =	seq.s32 s10, $0x1;
	s10 =	sld [smem:$0x3FBA]  }
0x3d: {  	_ =	shalt  }
0x3e: {  	_ =	shalt  }
0x3f: {  	_ =	shalt  }
0x40: {  	_ =	shalt  }
0x41: {  	_ =	shalt  }
0x42: {  	_ =	shalt  }
0x43: {  	_ =	shalt  }
0x44: {  	_ =	shalt  }
0x45: {  	_ =	shalt  }
0x46: {  	_ =	shalt  }
0x47: {  	_ =	shalt  }
0x48: {  	_ =	shalt  }
0x49: {  	_ =	shalt  }
0x4a: {  	_ =	shalt  }
0x4b: {  	_ =	shalt  }
0x4c: {  	_ =	shalt  }
0x4d: {  	_ =	shalt  }
0x4e: {  	_ =	shalt  }
0x4f: {  	_ =	shalt  }
0x50: {  	_ =	shalt  }
0x51: {  	_ =	shalt  }
0x52: {  	_ =	shalt  }
0x53: {  	_ =	shalt  }
0x54: {  	_ =	shalt  }
0x55: {  	_ =	shalt  }
0x56: {  	_ =	shalt  }
0x57: {  	_ =	shalt  }
0x58: {  	_ =	shalt  }
0x59: {  	_ =	shalt  }
0x5a: {  	_ =	shalt  }
0x5b: {  	_ =	shalt  }
0x5c: {  	_ =	shalt  }
0x5d: {  	_ =	shalt  }
0x5e: {  	_ =	shalt  }
0x5f: {  	_ =	shalt  }
0x60: {  	_ =	shalt  }
0x61: {  	_ =	shalt  }
0x62: {  	_ =	shalt  }
0x63: {  	_ =	shalt  }
0x64: {  	_ =	shalt  }
0x65: {  	_ =	shalt  }
0x66: {  	_ =	shalt  }
0x67: {  	_ =	shalt  }
0x68: {  	_ =	shalt  }
0x69: {  	_ =	shalt  }
0x6a: {  	_ =	shalt  }
0x6b: {  	_ =	shalt  }
0x6c: {  	_ =	shalt  }
0x6d: {  	_ =	shalt  }
0x6e: {  	_ =	shalt  }
0x6f: {  	_ =	shalt  }
0x70: {  	_ =	shalt  }
0x71: {  	_ =	shalt  }
0x72: {  	_ =	shalt  }
0x73: {  	_ =	shalt  }
0x74: {  	_ =	shalt  }
0x75: {  	_ =	shalt  }
0x76: {  	_ =	shalt  }
0x77: {  	_ =	shalt  }
0x78: {  	_ =	shalt  }
0x79: {  	_ =	shalt  }
0x7a: {  	_ =	shalt  }
0x7b: {  	_ =	shalt  }
0x7c: {  	_ =	shalt  }
0x7d: {  	_ =	shalt  }
0x7e: {  	_ =	shalt  }
0x7f: {  	_ =	shalt  }
0x80: {  	_ =	shalt  }
0x81: {  	_ =	shalt  }
0x82: {  	_ =	shalt  }
0x83: {  	_ =	shalt  }
0x84: {  	_ =	shalt  }
0x85: {  	_ =	shalt  }
0x86: {  	_ =	shalt  }
0x87: {  	_ =	shalt  }
.Lfunc_end0:
.L_simem_size_0:
called_computation_lowered:
.L_overlay_start_0:
0x88: {  	s2 =	sld [smem:$0x3FD9]  }
0x89: {  	s3 =	sld [smem:$0x3FFE];
	_ =	sdelay $0x1  }
0x8a: {  	s1 =	srdreg.scid  }
0x8b: {  	s0 =	sand.u32 $0x1, s1  }
0x8c: {  	s18 =	sshll.u32 s0, $0xA;
	s2 =	sadd.s32 s3, s2  }
0x8d: {  	s2 =	sadd.s32 s2, s18  }
0x8e: {  	[smem:$0x3FC6] =	sst s2  }
0x8f: {  	_ = 	snop  }
0x90: {  	s2 =	sld [smem:$0x3FC9]  }
0x91: {  	s19 =	sld [smem:$0x3FC8]  }
0x92: {  	s4 =	sld [smem:$0x3FD0];
	(tm) =	ssettm $0x1  }
0x93: {  	s5 =	sld [smem:$0x3FFB];
	_ =	sdelay $0x3  }
0x94: {  	_ =	strace s5  }
0x95: {  	s5 =	sld [smem:$0x3FFC];
	_ =	sdelay $0x3  }
0x96: {  	_ =	strace s5  }
0x97: {  	s5 =	sld [smem:$0x3FFD];
	_ =	sdelay $0x3  }
0x98: {  	_ =	strace s5  }
0x99: {  	_ =	strace $0x8FFFFFFF  }
0x9a: {  	s20 =	sld [smem:$0x3FDB];
	_ =	sdelay $0x1  }
0x9b: {  	s6 =	simm.s32 $_scs_section_size  }
0x9c: {  	s7 =	simm.s32 $_size__tile_overlayer_lowered;
	s8 =	simm.s32 $_tile_overlayer_lowered  }
0x9d: {  	s23 =	simm.s32 $0x1BFF;
	s22 =	sshll.u32 s8, $0x1;
	s5 =	sadd.s32 s6, s20  }
0x9e: {  	s9 =	simm.s32 $0x0;
	s21 =	sshll.u32 s7, $0x1;
	s7 =	sadd.s32 s22, s5  }
0x9f: {  	[timem:s9], [sflag:s23] =	dma.local [hbm:s7], s21  }
0xa0: {  	_ =	swait.ge [sflag:s23], s21  }
0xa1: {  	s6 =	ssub.s32 $0x0, s21;
	[sflag:s23] =	ssyncset.done $0x0  }
0xa2: {  	[sflag:s23] =	ssyncadd.s32 s6;
	_ =	sdelay $0x1  }
0xa3: {  	s24 =	simm.s32 $0x1B8B  }
0xa4: {  	_ =	swait.ge [sflag:s24], $0x1  }
0xa5: {  	[sflag:s24] =	ssyncset.done $0x0  }
0xa6: {  	s25 =	simm.s32 $0x1B8E;
	[sflag:s24] =	ssyncadd.s32 $0xFFFFFFFF  }
0xa7: {  	s26 =	simm.s32 $execute0_lowered;
	[smem:$0x3FD2] =	sst s25  }
0xa8: {  	s6 =	sshll.u32 s26, $0x1;
	_ =	strace $0x80000046;
	[dreg:$0x1] =	wrdreg $0xFFFFFFFF  }
0xa9: {  	s28 =	simm.s32 $_size_execute0_lowered;
	s5 =	sadd.s32 s5, s6;
	[dreg:$0x0] =	wrdreg $0x0  }
0xaa: {  	s6 =	sshll.u32 s28, $0x1;
	[dreg:$0x2] =	wrdreg s5  }
0xab: {  	[dreg:$0x3] =	wrdreg s6  }
0xac: {  	[dreg:$0x4] =	wrdreg $0xC0  }
0xad: {  	_ =	task [dreg:s9], $0x5FFFF  }
0xae: {  	[dreg:$0x1] =	wrdreg $0xFFFFFFFF  }
0xaf: {  	[dreg:$0x0] =	wrdreg $0x60  }
0xb0: {  	[dreg:$0x2] =	wrdreg s2  }
0xb1: {  	[dreg:$0x3] =	wrdreg s19  }
0xb2: {  	[dreg:$0x4] =	wrdreg s4  }
0xb3: {  	[dreg:$0x5] =	wrdreg $0x9  }
0xb4: {  	_ =	task.clear_ibuf [dreg:s9], $0x6FFFF;
	_ =	strace $0x90000046  }
0xb5: {  	s29 =	simm.s32 $0x9;
	_ =	strace $0x80000048  }
0xb6: {  	_ =	swait.ge [sflag:s29], $0x1  }
0xb7: {  	[sflag:s29] =	ssyncadd.s32 $0xFFFFFFFF  }
0xb8: {  	_ =	strace $0x90000048  }
0xb9: {  	_ =	sfence  }
0xba: {  	s30 =	sld [smem:$0x0];
	_ =	sdelay $0x2  }
0xbb: {  	s31 =	sshll.u32 s1, $0xD;
	s1 =	sshrl.u32 s1, $0x2  }
0xbc: {  	s3 =	sand.u32 $0x4000, s31;
	s1 =	sadd.s32 s1, s30  }
0xbd: {  	s0 =	sor.u32 s3, s0;
	s1 =	sshll.u32 s1, $0x11  }
0xbe: {  	s0 =	sor.u32 s1, s0  }
0xbf: {  	s0 =	sadd.s32 $0x8F2B, s0  }
0xc0: {  	[sflag:s0] =	ssyncadd.remote.s32 $0x1  }
0xc1: {  	_ =	sfence.sel $0xFFFF  }
0xc2: {  	[dreg:$0x0] =	wrdreg $0xFFFFFFFF;
	(pc) =	sbr.abs _section_cstart, $3  }
0xc3: {  	[dreg:$0x1] =	wrdreg $0xFFFFFFFF  }
0xc4: {  	_ =	task.clear_ibuf [dreg:s9], $0x2FFFF;
	_ =	strace $0x9FFFFFFF  }
0xc5: {  	(tm) =	ssettm $0x7FFFFFFF  }
tec
execute0_lowered:
.L_overlay_start_1:
0x0: {  	(tag) =	ssettag $0x1  }
0x1: {  	s2 =	rddreg [dreg:$0x0]  }
0x2: {  	s0 =	rddreg [dreg:$0x1];
	s3 =	srdreg.scid  }
0x3: {  	s4 =	rddreg [dreg:$0x2];
	s6 =	stileid.u32;
	s3 =	sand.u32 $0x1, s3  }
0x4: {  	s6 =	sshll.u32 s6, $0xE;
	s5 =	ssub.s32 $0x2, s3;
	s3 =	sshll.u32 s3, $0xD  }
0x5: {  	s1 =	simm.s32 $0x0;
	s7 =	sshrl.u32 s5, $0x1;
	s3 =	sor.u32 s3, s6  }
0x6: {  	[smem:$0x7FF] =	sst s1;
	s5 =	ssub.s32 s5, s7;
	s0 =	sadd.s32 s0, s3  }
0x7: {  	s17 =	sor.u32 $0x800, s3;
	s19 =	sor.u32 $0x1000, s3;
	s20 =	sor.u32 $0x1800, s3  }
0x8: {  	s23 =	sor.u32 $0x40000, s3;
	[dreg:$0x4] =	wrdreg s0;
	s18 =	sadd.s32 s2, s17  }
0x9: {  	s24 =	sor.u32 $0x40800, s3;
	s8 =	sadd.s32 s2, s19;
	[dreg:$0x5] =	wrdreg s18  }
0xa: {  	s9 =	sor.u32 $0x41800, s3;
	s0 =	sadd.s32 s4, s17;
	[dreg:$0x6] =	wrdreg s8  }
0xb: {  	s12 =	sor.u32 $0x80000, s3;
	s21 =	sadd.s32 s2, s20;
	[dreg:$0x7] =	wrdreg s0  }
0xc: {  	s13 =	sor.u32 $0x80800, s3;
	s22 =	sadd.s32 s4, s19;
	[dreg:$0x8] =	wrdreg s21  }
0xd: {  	s16 =	sor.u32 $0x81000, s3;
	s25 =	sadd.s32 s2, s23;
	[dreg:$0x9] =	wrdreg s22  }
0xe: {  	s31 =	sadd.s32 s2, s3;
	s7 =	sadd.s32 s4, s20;
	[dreg:$0xa] =	wrdreg s25  }
0xf: {  	s30 =	sadd.s32 s4, s3;
	s26 =	sadd.s32 s2, s24;
	[dreg:$0xb] =	wrdreg s7  }
0x10: {  	s6 =	sadd.s32 s4, s24;
	s11 =	sadd.s32 s2, s9;
	[dreg:$0xc] =	wrdreg s26  }
0x11: {  	s14 =	sadd.s32 s2, s12;
	s15 =	sadd.s32 s2, s13;
	[dreg:$0xf] =	wrdreg s6  }
0x12: {  	s17 =	sadd.s32 s2, s16;
	s19 =	sor.u32 $0xC0000, s3;
	[dreg:$0x10] =	wrdreg s11  }
0x13: {  	s20 =	sor.u32 $0xC0800, s3;
	s5 =	smax.u32 s5, $0x1;
	[dreg:$0x12] =	wrdreg s14  }
0x14: {  	s0 =	sadd.s32 s4, s23;
	s7 =	sor.u32 $0x41000, s3;
	[dreg:$0x14] =	wrdreg s15  }
0x15: {  	s6 =	sadd.s32 s4, s13;
	[dreg:$0x17] =	wrdreg s17;
	s18 =	sor.u32 $0x81800, s3  }
0x16: {  	s25 =	sadd.s32 s2, s19;
	s26 =	sadd.s32 s4, s19;
	s28 =	sadd.s32 s2, s20  }
0x17: {  	s29 =	sadd.s32 s4, s20;
	s21 =	sor.u32 $0xC1000, s3;
	s22 =	sor.u32 $0xC1800, s3  }
0x18: {  	s8 =	simm.s32 $0x18000;
	s11 =	simm.s32 $0x3;
	s13 =	simm.s32 $0x4  }
0x19: {  	s14 =	simm.s32 $0x6;
	s15 =	simm.s32 $0x7;
	[dreg:$0xd] =	wrdreg s0  }
0x1a: {  	s10 =	sadd.s32 s2, s7;
	s0 =	sadd.s32 s4, s7;
	[dreg:$0x16] =	wrdreg s6  }
0x1b: {  	s7 =	sadd.s32 s4, s9;
	s23 =	sadd.s32 s2, s18;
	[dreg:$0xe] =	wrdreg s10  }
0x1c: {  	s24 =	sadd.s32 s4, s18;
	s3 =	sadd.s32 s4, s21;
	[dreg:$0x11] =	wrdreg s0  }
0x1d: {  	s6 =	simm.s32 $0x10000;
	s9 =	simm.s32 $0x1;
	[dreg:$0x13] =	wrdreg s7  }
0x1e: {  	s0 =	sadd.s32 s4, s12;
	s7 =	simm.s32 $0x14000;
	s10 =	simm.s32 $0x2  }
0x1f: {  	s12 =	simm.s32 $0x5;
	[dreg:$0x15] =	wrdreg s0;
	s0 =	sadd.s32 s4, s16  }
0x20: {  	s4 =	sadd.s32 s4, s22;
	s16 =	simm.s32 $0x0;
	[dreg:$0x18] =	wrdreg s0  }
0x21: {  	s0 =	sadd.s32 s2, s21;
	s2 =	sadd.s32 s2, s22;
	_ =	strace $0x80000047  }
.LBB2_1:
0x22: {  	s17 =	rddreg [dreg:$0x4]  }
0x23: {  	[tilespmem:s1], [sflag:$0x1] =	stream.linear.gather [hbm4b:s17+s1], $0x10000, $0x38;
	[tilespmem:$0x1C000] =	vst v63  }
0x24: {  	_ = 	snop  }
0x25: {  	[tilespmem:s6], [sflag:$0x2] =	stream.linear.gather [hbm4b:s31+s1], $0x4000, $0x38;
	[tilespmem:$0x1C000] =	vst v63  }
0x26: {  	s19 =	rddreg [dreg:$0x5]  }
0x27: {  	[tilespmem:s7], [sflag:$0x3] =	stream.linear.gather [hbm4b:s19+s1], $0x4000, $0x38;
	[tilespmem:$0x1C000] =	vst v63  }
0x28: {  	s20 =	rddreg [dreg:$0x6]  }
0x29: {  	[tilespmem:s8], [sflag:$0x4] =	stream.linear.gather [hbm4b:s20+s1], $0x4000, $0x38;
	[tilespmem:$0x1C000] =	vst v63  }
0x2a: {  	_ =	swait.ge [sflag:s9], $0x10000  }
0x2b: {  	[sflag:s9] =	ssyncset.done $0x0  }
0x2c: {  	s21 =	simm.s32 $0x0;
	s18 =	sand.u32 $0x1C00, s1;
	[sflag:s9] =	ssyncadd.s32 $0xFFFF0000  }
0x2d: {  	s17 =	sand.u32 $0x2000, s21;
	s19 =	simm.s32 $0x0;
	_ =	swait.ge [sflag:s10], $0x4000  }
0x2e: {  	s17 =	sor.u32 s18, s17;
	s22 =	sand.u32 $0x380, s19;
	[sflag:s10] =	ssyncset.done $0x0  }
0x2f: {  	s17 =	sor.u32 s22, s17;
	[sflag:s10] =	ssyncadd.s32 $0xFFFFC000  }
0x30: {  	v0 =	vld [tilespmem:s17+$0x70]  }
0x31: {  	v1 =	vld [tilespmem:s17+$0x0]  }
0x32: {  	v2 =	vld [tilespmem:s17+$0x10070]  }
0x33: {  	v4 =	vld [tilespmem:s17+$0x10]  }
0x34: {  	v8 =	vld [tilespmem:s17+$0x20]  }
0x35: {  	v9 =	vld [tilespmem:s17+$0x30]  }
0x36: {  	v6 =	vld [tilespmem:s17+$0x40];
	v0 =	vmul.f32 $3.125000000e-02, v0  }
0x37: {  	v5 =	vld [tilespmem:s17+$0x50]  }
0x38: {  	v3 =	vld [tilespmem:s17+$0x60];
	v2 =	vadd.f32 v0, v2  }
0x39: {  	v7 =	vld [tilespmem:s17+$0x10000];
	v4 =	vmul.f32 $3.125000000e-02, v4;
	v0 =	vmul.f32 $3.125000000e-02, v1  }
0x3a: {  	s18 =	simm.s32 $0x0;
	s19 =	simm.s32 $0x0;
	v1 =	vmul.f32 $3.125000000e-02, v8;
	v8 =	vld [tilespmem:s17+$0x10010];
	[tilespmem:s17+$0x10070] =	vst v2;
	v2 =	vmul.f32 $3.125000000e-02, v9  }
.LBB2_2:
0x3b: {  	s18 =	sadd.s32 $0x8, s18;
	v9 =	vld [tilespmem:s17+$0x10020];
	v6 =	vmul.f32 $3.125000000e-02, v6  }
0x3c: {  	s19 =	sadd.s32 $0x400, s19;
	s20 =	sshll.u32 s18, $0x4;
	p0 =	slt.u32 s18, $0x3F8;
	v10 =	vld [tilespmem:s17+$0x10030];
	v5 =	vmul.f32 $3.125000000e-02, v5  }
0x3d: {  	s21 =	sand.u32 $0x1C00, s19;
	s22 =	sshll.u32 s18, $0x1;
	s20 =	sand.u32 $0x2000, s20;
	v11 =	vld [tilespmem:s17+$0x10040];
	v3 =	vmul.f32 $3.125000000e-02, v3  }
0x3e: {  	s20 =	sor.u32 s21, s20;
	s21 =	sand.u32 $0x380, s22;
	v0 =	vadd.f32 v0, v7;
	v7 =	vld [tilespmem:s17+$0x10050]  }
0x3f: {  	s20 =	sor.u32 s21, s20;
	v4 =	vadd.f32 v4, v8;
	v8 =	vld [tilespmem:s17+$0x10060]  }
0x40: {  	v12 =	vld [tilespmem:s20+$0x70];
	[tilespmem:s17+$0x10000] =	vst v0;
	v0 =	vadd.f32 v1, v9  }
0x41: {  	v1 =	vld [tilespmem:s20+$0x0];
	[tilespmem:s17+$0x10010] =	vst v4;
	v2 =	vadd.f32 v2, v10  }
0x42: {  	v4 =	vld [tilespmem:s20+$0x10070];
	[tilespmem:s17+$0x10020] =	vst v0;
	v0 =	vadd.f32 v6, v11  }
0x43: {  	v9 =	vld [tilespmem:s20+$0x10];
	[tilespmem:s17+$0x10030] =	vst v2;
	v2 =	vadd.f32 v5, v7  }
0x44: {  	v10 =	vld [tilespmem:s20+$0x20];
	[tilespmem:s17+$0x10040] =	vst v0;
	v3 =	vadd.f32 v3, v8  }
0x45: {  	v11 =	vld [tilespmem:s20+$0x30];
	v7 =	vmul.f32 $3.125000000e-02, v12;
	[tilespmem:s17+$0x10050] =	vst v2  }
.Ltmp0:
0x46: {  	v0 =	vmul.f32 $3.125000000e-02, v1;
	v6 =	vld [tilespmem:s20+$0x40];
	[tilespmem:s17+$0x10060] =	vst v3;
	s17 =	smov.u32 s20;
	(pc) =	sbr.rel @p0 .LBB2_2-.Ltmp0, $4  }
0x47: {  	v5 =	vld [tilespmem:s17+$0x50];
	v2 =	vadd.f32 v7, v4  }
0x48: {  	v4 =	vmul.f32 $3.125000000e-02, v9;
	v3 =	vld [tilespmem:s17+$0x60]  }
0x49: {  	v7 =	vld [tilespmem:s17+$0x10000];
	v1 =	vmul.f32 $3.125000000e-02, v10;
	[tilespmem:s17+$0x10070] =	vst v2  }
0x4a: {  	v8 =	vld [tilespmem:s17+$0x10010];
	v2 =	vmul.f32 $3.125000000e-02, v11  }
0x4b: {  	v9 =	vld [tilespmem:s17+$0x10020]  }
0x4c: {  	v10 =	vld [tilespmem:s17+$0x10030]  }
0x4d: {  	v11 =	vld [tilespmem:s17+$0x10040]  }
0x4e: {  	v0 =	vadd.f32 v0, v7;
	v7 =	vld [tilespmem:s17+$0x10050]  }
0x4f: {  	v4 =	vadd.f32 v4, v8;
	v8 =	vld [tilespmem:s17+$0x10060]  }
0x50: {  	v6 =	vmul.f32 $3.125000000e-02, v6;
	[tilespmem:s17+$0x10000] =	vst v0;
	v0 =	vadd.f32 v1, v9  }
0x51: {  	v1 =	vmul.f32 $3.125000000e-02, v5;
	v2 =	vadd.f32 v2, v10;
	[tilespmem:s17+$0x10010] =	vst v4  }
0x52: {  	v3 =	vmul.f32 $3.125000000e-02, v3;
	[tilespmem:s17+$0x10020] =	vst v0;
	v0 =	vadd.f32 v6, v11  }
0x53: {  	[tilespmem:s17+$0x10030] =	vst v2;
	v1 =	vadd.f32 v1, v7  }
0x54: {  	[tilespmem:s17+$0x10040] =	vst v0;
	v0 =	vadd.f32 v3, v8  }
0x55: {  	[tilespmem:s17+$0x10050] =	vst v1  }
0x56: {  	s18 =	simm.s32 $0x0;
	s22 =	simm.s32 $0x0;
	s19 =	simm.s32 $0x0;
	[tilespmem:s17+$0x10060] =	vst v0  }
0x57: {  	[hbm4b:s30+s18] =	stream.linear.scatter [tilespmem:s6], [sflag:$0x5], $0x4000, $0x38;
	[tilespmem:$0x1C000] =	vst v63  }
0x58: {  	s19 =	sand.u32 $0x380, s19;
	s17 =	sand.u32 $0x2000, s22;
	_ =	swait.ge [sflag:s11], $0x4000  }
0x59: {  	s20 =	sand.u32 $0x1C00, s18;
	s17 =	sor.u32 s19, s17;
	[sflag:s11] =	ssyncset.done $0x0  }
0x5a: {  	s17 =	sor.u32 s20, s17;
	[sflag:s11] =	ssyncadd.s32 $0xFFFFC000  }
0x5b: {  	v0 =	vld [tilespmem:s17+$0x4070]  }
0x5c: {  	v1 =	vld [tilespmem:s17+$0x4000]  }
0x5d: {  	v2 =	vld [tilespmem:s17+$0x14070]  }
0x5e: {  	v4 =	vld [tilespmem:s17+$0x4010]  }
0x5f: {  	v8 =	vld [tilespmem:s17+$0x4020]  }
0x60: {  	v9 =	vld [tilespmem:s17+$0x4030]  }
0x61: {  	v6 =	vld [tilespmem:s17+$0x4040];
	v0 =	vmul.f32 $3.125000000e-02, v0  }
0x62: {  	v5 =	vld [tilespmem:s17+$0x4050]  }
0x63: {  	v3 =	vld [tilespmem:s17+$0x4060];
	v2 =	vadd.f32 v0, v2  }
0x64: {  	v7 =	vld [tilespmem:s17+$0x14000];
	v4 =	vmul.f32 $3.125000000e-02, v4;
	v0 =	vmul.f32 $3.125000000e-02, v1  }
0x65: {  	s19 =	simm.s32 $0x0;
	v1 =	vmul.f32 $3.125000000e-02, v8;
	v8 =	vld [tilespmem:s17+$0x14010];
	[tilespmem:s17+$0x14070] =	vst v2;
	v2 =	vmul.f32 $3.125000000e-02, v9  }
.LBB2_4:
0x66: {  	s19 =	sadd.s32 $0x8, s19;
	v9 =	vld [tilespmem:s17+$0x14020];
	v6 =	vmul.f32 $3.125000000e-02, v6  }
0x67: {  	s20 =	sshll.u32 s19, $0x4;
	s21 =	sshll.u32 s19, $0x1;
	p0 =	slt.u32 s19, $0x3F8;
	v10 =	vld [tilespmem:s17+$0x14030];
	v5 =	vmul.f32 $3.125000000e-02, v5  }
0x68: {  	s18 =	sadd.s32 $0x400, s18;
	s20 =	sand.u32 $0x2000, s20;
	s21 =	sand.u32 $0x380, s21;
	v11 =	vld [tilespmem:s17+$0x14040];
	v3 =	vmul.f32 $3.125000000e-02, v3  }
0x69: {  	s22 =	sand.u32 $0x1C00, s18;
	s20 =	sor.u32 s21, s20;
	v0 =	vadd.f32 v0, v7;
	v7 =	vld [tilespmem:s17+$0x14050]  }
0x6a: {  	s20 =	sor.u32 s22, s20;
	v4 =	vadd.f32 v4, v8;
	v8 =	vld [tilespmem:s17+$0x14060]  }
0x6b: {  	v12 =	vld [tilespmem:s20+$0x4070];
	[tilespmem:s17+$0x14000] =	vst v0;
	v0 =	vadd.f32 v1, v9  }
0x6c: {  	v1 =	vld [tilespmem:s20+$0x4000];
	[tilespmem:s17+$0x14010] =	vst v4;
	v2 =	vadd.f32 v2, v10  }
0x6d: {  	v4 =	vld [tilespmem:s20+$0x14070];
	[tilespmem:s17+$0x14020] =	vst v0;
	v0 =	vadd.f32 v6, v11  }
0x6e: {  	v9 =	vld [tilespmem:s20+$0x4010];
	[tilespmem:s17+$0x14030] =	vst v2;
	v2 =	vadd.f32 v5, v7  }
0x6f: {  	v10 =	vld [tilespmem:s20+$0x4020];
	[tilespmem:s17+$0x14040] =	vst v0;
	v3 =	vadd.f32 v3, v8  }
0x70: {  	v11 =	vld [tilespmem:s20+$0x4030];
	v7 =	vmul.f32 $3.125000000e-02, v12;
	[tilespmem:s17+$0x14050] =	vst v2  }
.Ltmp1:
0x71: {  	v0 =	vmul.f32 $3.125000000e-02, v1;
	v6 =	vld [tilespmem:s20+$0x4040];
	[tilespmem:s17+$0x14060] =	vst v3;
	s17 =	smov.u32 s20;
	(pc) =	sbr.rel @p0 .LBB2_4-.Ltmp1, $4  }
0x72: {  	v5 =	vld [tilespmem:s17+$0x4050];
	v2 =	vadd.f32 v7, v4  }
0x73: {  	v4 =	vmul.f32 $3.125000000e-02, v9;
	v3 =	vld [tilespmem:s17+$0x4060]  }
0x74: {  	v7 =	vld [tilespmem:s17+$0x14000];
	v1 =	vmul.f32 $3.125000000e-02, v10;
	[tilespmem:s17+$0x14070] =	vst v2  }
0x75: {  	v8 =	vld [tilespmem:s17+$0x14010];
	v2 =	vmul.f32 $3.125000000e-02, v11  }
0x76: {  	v9 =	vld [tilespmem:s17+$0x14020]  }
0x77: {  	v10 =	vld [tilespmem:s17+$0x14030]  }
0x78: {  	v11 =	vld [tilespmem:s17+$0x14040]  }
0x79: {  	v0 =	vadd.f32 v0, v7;
	v7 =	vld [tilespmem:s17+$0x14050]  }
0x7a: {  	v4 =	vadd.f32 v4, v8;
	v8 =	vld [tilespmem:s17+$0x14060]  }
0x7b: {  	v6 =	vmul.f32 $3.125000000e-02, v6;
	[tilespmem:s17+$0x14000] =	vst v0;
	v0 =	vadd.f32 v1, v9  }
0x7c: {  	v1 =	vmul.f32 $3.125000000e-02, v5;
	v2 =	vadd.f32 v2, v10;
	[tilespmem:s17+$0x14010] =	vst v4  }
0x7d: {  	v3 =	vmul.f32 $3.125000000e-02, v3;
	[tilespmem:s17+$0x14020] =	vst v0;
	v0 =	vadd.f32 v6, v11  }
0x7e: {  	[tilespmem:s17+$0x14030] =	vst v2;
	v1 =	vadd.f32 v1, v7  }
0x7f: {  	[tilespmem:s17+$0x14040] =	vst v0;
	v0 =	vadd.f32 v3, v8  }
0x80: {  	[tilespmem:s17+$0x14050] =	vst v1  }
0x81: {  	[tilespmem:s17+$0x14060] =	vst v0  }
0x82: {  	s18 =	simm.s32 $0x0;
	s17 =	rddreg [dreg:$0x7]  }
0x83: {  	[hbm4b:s17+s18] =	stream.linear.scatter [tilespmem:s7], [sflag:$0x6], $0x4000, $0x38;
	[tilespmem:$0x1C000] =	vst v63  }
0x84: {  	_ =	swait.ge [sflag:s12], $0x4000  }
0x85: {  	s22 =	simm.s32 $0x0;
	[sflag:s12] =	ssyncset.done $0x0  }
0x86: {  	s19 =	simm.s32 $0x0;
	s21 =	rddreg [dreg:$0x8];
	[sflag:s12] =	ssyncadd.s32 $0xFFFFC000  }
0x87: {  	[tilespmem:s6], [sflag:$0x2] =	stream.linear.gather [hbm4b:s21+s18], $0x4000, $0x38;
	[tilespmem:$0x1C000] =	vst v63  }
0x88: {  	s19 =	sand.u32 $0x380, s19;
	s17 =	sand.u32 $0x2000, s22;
	_ =	swait.ge [sflag:s13], $0x4000  }
0x89: {  	s20 =	sand.u32 $0x1C00, s18;
	s17 =	sor.u32 s19, s17;
	[sflag:s13] =	ssyncset.done $0x0  }
0x8a: {  	s17 =	sor.u32 s20, s17;
	[sflag:s13] =	ssyncadd.s32 $0xFFFFC000  }
0x8b: {  	v0 =	vld [tilespmem:s17+$0x8070]  }
0x8c: {  	v1 =	vld [tilespmem:s17+$0x8000]  }
0x8d: {  	v2 =	vld [tilespmem:s17+$0x18070]  }
0x8e: {  	v4 =	vld [tilespmem:s17+$0x8010]  }
0x8f: {  	v8 =	vld [tilespmem:s17+$0x8020]  }
0x90: {  	v9 =	vld [tilespmem:s17+$0x8030]  }
0x91: {  	v6 =	vld [tilespmem:s17+$0x8040];
	v0 =	vmul.f32 $3.125000000e-02, v0  }
0x92: {  	v5 =	vld [tilespmem:s17+$0x8050]  }
0x93: {  	v3 =	vld [tilespmem:s17+$0x8060];
	v2 =	vadd.f32 v0, v2  }
0x94: {  	v7 =	vld [tilespmem:s17+$0x18000];
	v4 =	vmul.f32 $3.125000000e-02, v4;
	v0 =	vmul.f32 $3.125000000e-02, v1  }
0x95: {  	s19 =	simm.s32 $0x0;
	v1 =	vmul.f32 $3.125000000e-02, v8;
	v8 =	vld [tilespmem:s17+$0x18010];
	[tilespmem:s17+$0x18070] =	vst v2;
	v2 =	vmul.f32 $3.125000000e-02, v9  }
.LBB2_6:
0x96: {  	s19 =	sadd.s32 $0x8, s19;
	v9 =	vld [tilespmem:s17+$0x18020];
	v6 =	vmul.f32 $3.125000000e-02, v6  }
0x97: {  	s20 =	sshll.u32 s19, $0x4;
	s21 =	sshll.u32 s19, $0x1;
	p0 =	slt.u32 s19, $0x3F8;
	v10 =	vld [tilespmem:s17+$0x18030];
	v5 =	vmul.f32 $3.125000000e-02, v5  }
0x98: {  	s18 =	sadd.s32 $0x400, s18;
	s20 =	sand.u32 $0x2000, s20;
	s21 =	sand.u32 $0x380, s21;
	v11 =	vld [tilespmem:s17+$0x18040];
	v3 =	vmul.f32 $3.125000000e-02, v3  }
0x99: {  	s22 =	sand.u32 $0x1C00, s18;
	s20 =	sor.u32 s21, s20;
	v0 =	vadd.f32 v0, v7;
	v7 =	vld [tilespmem:s17+$0x18050]  }
0x9a: {  	s20 =	sor.u32 s22, s20;
	v4 =	vadd.f32 v4, v8;
	v8 =	vld [tilespmem:s17+$0x18060]  }
0x9b: {  	v12 =	vld [tilespmem:s20+$0x8070];
	[tilespmem:s17+$0x18000] =	vst v0;
	v0 =	vadd.f32 v1, v9  }
0x9c: {  	v1 =	vld [tilespmem:s20+$0x8000];
	[tilespmem:s17+$0x18010] =	vst v4;
	v2 =	vadd.f32 v2, v10  }
0x9d: {  	v4 =	vld [tilespmem:s20+$0x18070];
	[tilespmem:s17+$0x18020] =	vst v0;
	v0 =	vadd.f32 v6, v11  }
0x9e: {  	v9 =	vld [tilespmem:s20+$0x8010];
	[tilespmem:s17+$0x18030] =	vst v2;
	v2 =	vadd.f32 v5, v7  }
0x9f: {  	v10 =	vld [tilespmem:s20+$0x8020];
	[tilespmem:s17+$0x18040] =	vst v0;
	v3 =	vadd.f32 v3, v8  }
0xa0: {  	v11 =	vld [tilespmem:s20+$0x8030];
	v7 =	vmul.f32 $3.125000000e-02, v12;
	[tilespmem:s17+$0x18050] =	vst v2  }
.Ltmp2:
0xa1: {  	v0 =	vmul.f32 $3.125000000e-02, v1;
	v6 =	vld [tilespmem:s20+$0x8040];
	[tilespmem:s17+$0x18060] =	vst v3;
	s17 =	smov.u32 s20;
	(pc) =	sbr.rel @p0 .LBB2_6-.Ltmp2, $4  }
0xa2: {  	v5 =	vld [tilespmem:s17+$0x8050];
	v2 =	vadd.f32 v7, v4  }
0xa3: {  	v4 =	vmul.f32 $3.125000000e-02, v9;
	v3 =	vld [tilespmem:s17+$0x8060]  }
0xa4: {  	v7 =	vld [tilespmem:s17+$0x18000];
	v1 =	vmul.f32 $3.125000000e-02, v10;
	[tilespmem:s17+$0x18070] =	vst v2  }
0xa5: {  	v8 =	vld [tilespmem:s17+$0x18010];
	v2 =	vmul.f32 $3.125000000e-02, v11  }
0xa6: {  	v9 =	vld [tilespmem:s17+$0x18020]  }
0xa7: {  	v10 =	vld [tilespmem:s17+$0x18030]  }
0xa8: {  	v11 =	vld [tilespmem:s17+$0x18040]  }
0xa9: {  	v0 =	vadd.f32 v0, v7;
	v7 =	vld [tilespmem:s17+$0x18050]  }
0xaa: {  	v4 =	vadd.f32 v4, v8;
	v8 =	vld [tilespmem:s17+$0x18060]  }
0xab: {  	v6 =	vmul.f32 $3.125000000e-02, v6;
	[tilespmem:s17+$0x18000] =	vst v0;
	v0 =	vadd.f32 v1, v9  }
0xac: {  	v1 =	vmul.f32 $3.125000000e-02, v5;
	v2 =	vadd.f32 v2, v10;
	[tilespmem:s17+$0x18010] =	vst v4  }
0xad: {  	v3 =	vmul.f32 $3.125000000e-02, v3;
	[tilespmem:s17+$0x18020] =	vst v0;
	v0 =	vadd.f32 v6, v11  }
0xae: {  	[tilespmem:s17+$0x18030] =	vst v2;
	v1 =	vadd.f32 v1, v7  }
0xaf: {  	[tilespmem:s17+$0x18040] =	vst v0;
	v0 =	vadd.f32 v3, v8  }
0xb0: {  	[tilespmem:s17+$0x18050] =	vst v1  }
0xb1: {  	[tilespmem:s17+$0x18060] =	vst v0  }
0xb2: {  	s18 =	simm.s32 $0x0;
	s17 =	rddreg [dreg:$0x9]  }
0xb3: {  	[hbm4b:s17+s18] =	stream.linear.scatter [tilespmem:s8], [sflag:$0x7], $0x4000, $0x38;
	[tilespmem:$0x1C000] =	vst v63  }
0xb4: {  	_ =	swait.ge [sflag:s14], $0x4000  }
0xb5: {  	s22 =	simm.s32 $0x0;
	[sflag:s14] =	ssyncset.done $0x0  }
0xb6: {  	s19 =	simm.s32 $0x0;
	s21 =	rddreg [dreg:$0xa];
	[sflag:s14] =	ssyncadd.s32 $0xFFFFC000  }
0xb7: {  	[tilespmem:s7], [sflag:$0x3] =	stream.linear.gather [hbm4b:s21+s18], $0x4000, $0x38;
	[tilespmem:$0x1C000] =	vst v63  }
0xb8: {  	s19 =	sand.u32 $0x380, s19;
	s17 =	sand.u32 $0x2000, s22;
	_ =	swait.ge [sflag:s10], $0x4000  }
0xb9: {  	s20 =	sand.u32 $0x1C00, s18;
	s17 =	sor.u32 s19, s17;
	[sflag:s10] =	ssyncset.done $0x0  }
0xba: {  	s17 =	sor.u32 s20, s17;
	[sflag:s10] =	ssyncadd.s32 $0xFFFFC000  }
0xbb: {  	v0 =	vld [tilespmem:s17+$0xC070]  }
0xbc: {  	v1 =	vld [tilespmem:s17+$0xC000]  }
0xbd: {  	v2 =	vld [tilespmem:s17+$0x10070]  }
0xbe: {  	v4 =	vld [tilespmem:s17+$0xC010]  }
0xbf: {  	v8 =	vld [tilespmem:s17+$0xC020]  }
0xc0: {  	v9 =	vld [tilespmem:s17+$0xC030]  }
0xc1: {  	v6 =	vld [tilespmem:s17+$0xC040];
	v0 =	vmul.f32 $3.125000000e-02, v0  }
0xc2: {  	v5 =	vld [tilespmem:s17+$0xC050]  }
0xc3: {  	v3 =	vld [tilespmem:s17+$0xC060];
	v2 =	vadd.f32 v0, v2  }
0xc4: {  	v7 =	vld [tilespmem:s17+$0x10000];
	v4 =	vmul.f32 $3.125000000e-02, v4;
	v0 =	vmul.f32 $3.125000000e-02, v1  }
0xc5: {  	s19 =	simm.s32 $0x0;
	v1 =	vmul.f32 $3.125000000e-02, v8;
	v8 =	vld [tilespmem:s17+$0x10010];
	[tilespmem:s17+$0x10070] =	vst v2;
	v2 =	vmul.f32 $3.125000000e-02, v9  }
.LBB2_8:
0xc6: {  	s19 =	sadd.s32 $0x8, s19;
	v9 =	vld [tilespmem:s17+$0x10020];
	v6 =	vmul.f32 $3.125000000e-02, v6  }
0xc7: {  	s20 =	sshll.u32 s19, $0x4;
	s21 =	sshll.u32 s19, $0x1;
	p0 =	slt.u32 s19, $0x3F8;
	v10 =	vld [tilespmem:s17+$0x10030];
	v5 =	vmul.f32 $3.125000000e-02, v5  }
0xc8: {  	s18 =	sadd.s32 $0x400, s18;
	s20 =	sand.u32 $0x2000, s20;
	s21 =	sand.u32 $0x380, s21;
	v11 =	vld [tilespmem:s17+$0x10040];
	v3 =	vmul.f32 $3.125000000e-02, v3  }
0xc9: {  	s22 =	sand.u32 $0x1C00, s18;
	s20 =	sor.u32 s21, s20;
	v0 =	vadd.f32 v0, v7;
	v7 =	vld [tilespmem:s17+$0x10050]  }
0xca: {  	s20 =	sor.u32 s22, s20;
	v4 =	vadd.f32 v4, v8;
	v8 =	vld [tilespmem:s17+$0x10060]  }
0xcb: {  	v12 =	vld [tilespmem:s20+$0xC070];
	[tilespmem:s17+$0x10000] =	vst v0;
	v0 =	vadd.f32 v1, v9  }
0xcc: {  	v1 =	vld [tilespmem:s20+$0xC000];
	[tilespmem:s17+$0x10010] =	vst v4;
	v2 =	vadd.f32 v2, v10  }
0xcd: {  	v4 =	vld [tilespmem:s20+$0x10070];
	[tilespmem:s17+$0x10020] =	vst v0;
	v0 =	vadd.f32 v6, v11  }
0xce: {  	v9 =	vld [tilespmem:s20+$0xC010];
	[tilespmem:s17+$0x10030] =	vst v2;
	v2 =	vadd.f32 v5, v7  }
0xcf: {  	v10 =	vld [tilespmem:s20+$0xC020];
	[tilespmem:s17+$0x10040] =	vst v0;
	v3 =	vadd.f32 v3, v8  }
0xd0: {  	v11 =	vld [tilespmem:s20+$0xC030];
	v7 =	vmul.f32 $3.125000000e-02, v12;
	[tilespmem:s17+$0x10050] =	vst v2  }
.Ltmp3:
0xd1: {  	v0 =	vmul.f32 $3.125000000e-02, v1;
	v6 =	vld [tilespmem:s20+$0xC040];
	[tilespmem:s17+$0x10060] =	vst v3;
	s17 =	smov.u32 s20;
	(pc) =	sbr.rel @p0 .LBB2_8-.Ltmp3, $4  }
0xd2: {  	v5 =	vld [tilespmem:s17+$0xC050];
	v2 =	vadd.f32 v7, v4  }
0xd3: {  	v4 =	vmul.f32 $3.125000000e-02, v9;
	v3 =	vld [tilespmem:s17+$0xC060]  }
0xd4: {  	v7 =	vld [tilespmem:s17+$0x10000];
	v1 =	vmul.f32 $3.125000000e-02, v10;
	[tilespmem:s17+$0x10070] =	vst v2  }
0xd5: {  	v8 =	vld [tilespmem:s17+$0x10010];
	v2 =	vmul.f32 $3.125000000e-02, v11  }
0xd6: {  	v9 =	vld [tilespmem:s17+$0x10020]  }
0xd7: {  	v10 =	vld [tilespmem:s17+$0x10030]  }
0xd8: {  	v11 =	vld [tilespmem:s17+$0x10040]  }
0xd9: {  	v0 =	vadd.f32 v0, v7;
	v7 =	vld [tilespmem:s17+$0x10050]  }
0xda: {  	v4 =	vadd.f32 v4, v8;
	v8 =	vld [tilespmem:s17+$0x10060]  }
0xdb: {  	v6 =	vmul.f32 $3.125000000e-02, v6;
	[tilespmem:s17+$0x10000] =	vst v0;
	v0 =	vadd.f32 v1, v9  }
0xdc: {  	v1 =	vmul.f32 $3.125000000e-02, v5;
	v2 =	vadd.f32 v2, v10;
	[tilespmem:s17+$0x10010] =	vst v4  }
0xdd: {  	v3 =	vmul.f32 $3.125000000e-02, v3;
	[tilespmem:s17+$0x10020] =	vst v0;
	v0 =	vadd.f32 v6, v11  }
0xde: {  	[tilespmem:s17+$0x10030] =	vst v2;
	v1 =	vadd.f32 v1, v7  }
0xdf: {  	[tilespmem:s17+$0x10040] =	vst v0;
	v0 =	vadd.f32 v3, v8  }
0xe0: {  	[tilespmem:s17+$0x10050] =	vst v1  }
0xe1: {  	[tilespmem:s17+$0x10060] =	vst v0  }
0xe2: {  	s18 =	simm.s32 $0x0;
	s17 =	rddreg [dreg:$0xb]  }
0xe3: {  	[hbm4b:s17+s18] =	stream.linear.scatter [tilespmem:s6], [sflag:$0x5], $0x4000, $0x38;
	[tilespmem:$0x1C000] =	vst v63  }
0xe4: {  	_ =	swait.ge [sflag:s15], $0x4000  }
0xe5: {  	s22 =	simm.s32 $0x0;
	[sflag:s15] =	ssyncset.done $0x0  }
0xe6: {  	s20 =	simm.s32 $0x0;
	s21 =	rddreg [dreg:$0xc];
	[sflag:s15] =	ssyncadd.s32 $0xFFFFC000  }
0xe7: {  	[tilespmem:s8], [sflag:$0x4] =	stream.linear.gather [hbm4b:s21+s18], $0x4000, $0x38;
	[tilespmem:$0x1C000] =	vst v63  }
0xe8: {  	s19 =	sand.u32 $0x1C00, s18;
	s17 =	sand.u32 $0x2000, s22;
	_ =	swait.ge [sflag:s11], $0x4000  }
0xe9: {  	s20 =	sand.u32 $0x380, s20;
	s17 =	sor.u32 s19, s17;
	[sflag:s11] =	ssyncset.done $0x0  }
0xea: {  	s17 =	sor.u32 s20, s17;
	[sflag:s11] =	ssyncadd.s32 $0xFFFFC000  }
0xeb: {  	v0 =	vld [tilespmem:s17+$0x70]  }
0xec: {  	v1 =	vld [tilespmem:s17+$0x0]  }
0xed: {  	v2 =	vld [tilespmem:s17+$0x14070]  }
0xee: {  	v4 =	vld [tilespmem:s17+$0x10]  }
0xef: {  	v8 =	vld [tilespmem:s17+$0x20]  }
0xf0: {  	v9 =	vld [tilespmem:s17+$0x30]  }
0xf1: {  	v6 =	vld [tilespmem:s17+$0x40];
	v0 =	vmul.f32 $3.125000000e-02, v0  }
0xf2: {  	v5 =	vld [tilespmem:s17+$0x50]  }
0xf3: {  	v3 =	vld [tilespmem:s17+$0x60];
	v2 =	vadd.f32 v0, v2  }
0xf4: {  	v7 =	vld [tilespmem:s17+$0x14000];
	v4 =	vmul.f32 $3.125000000e-02, v4;
	v0 =	vmul.f32 $3.125000000e-02, v1  }
0xf5: {  	s19 =	simm.s32 $0x0;
	v1 =	vmul.f32 $3.125000000e-02, v8;
	v8 =	vld [tilespmem:s17+$0x14010];
	[tilespmem:s17+$0x14070] =	vst v2;
	v2 =	vmul.f32 $3.125000000e-02, v9  }
.LBB2_10:
0xf6: {  	s19 =	sadd.s32 $0x8, s19;
	v9 =	vld [tilespmem:s17+$0x14020];
	v6 =	vmul.f32 $3.125000000e-02, v6  }
0xf7: {  	s18 =	sadd.s32 $0x400, s18;
	s20 =	sshll.u32 s19, $0x4;
	p0 =	slt.u32 s19, $0x3F8;
	v10 =	vld [tilespmem:s17+$0x14030];
	v5 =	vmul.f32 $3.125000000e-02, v5  }
0xf8: {  	s21 =	sand.u32 $0x1C00, s18;
	s22 =	sshll.u32 s19, $0x1;
	s20 =	sand.u32 $0x2000, s20;
	v11 =	vld [tilespmem:s17+$0x14040];
	v3 =	vmul.f32 $3.125000000e-02, v3  }
0xf9: {  	s22 =	sand.u32 $0x380, s22;
	s20 =	sor.u32 s21, s20;
	v0 =	vadd.f32 v0, v7;
	v7 =	vld [tilespmem:s17+$0x14050]  }
0xfa: {  	s20 =	sor.u32 s22, s20;
	v4 =	vadd.f32 v4, v8;
	v8 =	vld [tilespmem:s17+$0x14060]  }
0xfb: {  	v12 =	vld [tilespmem:s20+$0x70];
	[tilespmem:s17+$0x14000] =	vst v0;
	v0 =	vadd.f32 v1, v9  }
0xfc: {  	v1 =	vld [tilespmem:s20+$0x0];
	[tilespmem:s17+$0x14010] =	vst v4;
	v2 =	vadd.f32 v2, v10  }
0xfd: {  	v4 =	vld [tilespmem:s20+$0x14070];
	[tilespmem:s17+$0x14020] =	vst v0;
	v0 =	vadd.f32 v6, v11  }
0xfe: {  	v9 =	vld [tilespmem:s20+$0x10];
	[tilespmem:s17+$0x14030] =	vst v2;
	v2 =	vadd.f32 v5, v7  }
0xff: {  	v10 =	vld [tilespmem:s20+$0x20];
	[tilespmem:s17+$0x14040] =	vst v0;
	v3 =	vadd.f32 v3, v8  }
0x100: {  	v11 =	vld [tilespmem:s20+$0x30];
	v7 =	vmul.f32 $3.125000000e-02, v12;
	[tilespmem:s17+$0x14050] =	vst v2  }
.Ltmp4:
0x101: {  	v0 =	vmul.f32 $3.125000000e-02, v1;
	v6 =	vld [tilespmem:s20+$0x40];
	[tilespmem:s17+$0x14060] =	vst v3;
	s17 =	smov.u32 s20;
	(pc) =	sbr.rel @p0 .LBB2_10-.Ltmp4, $4  }
0x102: {  	v5 =	vld [tilespmem:s17+$0x50];
	v2 =	vadd.f32 v7, v4  }
0x103: {  	v4 =	vmul.f32 $3.125000000e-02, v9;
	v3 =	vld [tilespmem:s17+$0x60]  }
0x104: {  	v7 =	vld [tilespmem:s17+$0x14000];
	v1 =	vmul.f32 $3.125000000e-02, v10;
	[tilespmem:s17+$0x14070] =	vst v2  }
0x105: {  	v8 =	vld [tilespmem:s17+$0x14010];
	v2 =	vmul.f32 $3.125000000e-02, v11  }
0x106: {  	v9 =	vld [tilespmem:s17+$0x14020]  }
0x107: {  	v10 =	vld [tilespmem:s17+$0x14030]  }
0x108: {  	v11 =	vld [tilespmem:s17+$0x14040]  }
0x109: {  	v0 =	vadd.f32 v0, v7;
	v7 =	vld [tilespmem:s17+$0x14050]  }
0x10a: {  	v4 =	vadd.f32 v4, v8;
	v8 =	vld [tilespmem:s17+$0x14060]  }
0x10b: {  	v6 =	vmul.f32 $3.125000000e-02, v6;
	[tilespmem:s17+$0x14000] =	vst v0;
	v0 =	vadd.f32 v1, v9  }
0x10c: {  	v1 =	vmul.f32 $3.125000000e-02, v5;
	v2 =	vadd.f32 v2, v10;
	[tilespmem:s17+$0x14010] =	vst v4  }
0x10d: {  	v3 =	vmul.f32 $3.125000000e-02, v3;
	[tilespmem:s17+$0x14020] =	vst v0;
	v0 =	vadd.f32 v6, v11  }
0x10e: {  	[tilespmem:s17+$0x14030] =	vst v2;
	v1 =	vadd.f32 v1, v7  }
0x10f: {  	[tilespmem:s17+$0x14040] =	vst v0;
	v0 =	vadd.f32 v3, v8  }
0x110: {  	[tilespmem:s17+$0x14050] =	vst v1  }
0x111: {  	[tilespmem:s17+$0x14060] =	vst v0  }
0x112: {  	s18 =	simm.s32 $0x0;
	s17 =	rddreg [dreg:$0xd]  }
0x113: {  	[hbm4b:s17+s18] =	stream.linear.scatter [tilespmem:s7], [sflag:$0x6], $0x4000, $0x38;
	[tilespmem:$0x1C000] =	vst v63  }
0x114: {  	_ =	swait.ge [sflag:s12], $0x4000  }
0x115: {  	s22 =	simm.s32 $0x0;
	[sflag:s12] =	ssyncset.done $0x0  }
0x116: {  	s19 =	simm.s32 $0x0;
	s21 =	rddreg [dreg:$0xe];
	[sflag:s12] =	ssyncadd.s32 $0xFFFFC000  }
0x117: {  	[tilespmem:s6], [sflag:$0x2] =	stream.linear.gather [hbm4b:s21+s18], $0x4000, $0x38;
	[tilespmem:$0x1C000] =	vst v63  }
0x118: {  	s19 =	sand.u32 $0x380, s19;
	s17 =	sand.u32 $0x2000, s22;
	_ =	swait.ge [sflag:s13], $0x4000  }
0x119: {  	s20 =	sand.u32 $0x1C00, s18;
	s17 =	sor.u32 s19, s17;
	[sflag:s13] =	ssyncset.done $0x0  }
0x11a: {  	s17 =	sor.u32 s20, s17;
	[sflag:s13] =	ssyncadd.s32 $0xFFFFC000  }
0x11b: {  	v0 =	vld [tilespmem:s17+$0x4070]  }
0x11c: {  	v1 =	vld [tilespmem:s17+$0x4000]  }
0x11d: {  	v2 =	vld [tilespmem:s17+$0x18070]  }
0x11e: {  	v4 =	vld [tilespmem:s17+$0x4010]  }
0x11f: {  	v8 =	vld [tilespmem:s17+$0x4020]  }
0x120: {  	v9 =	vld [tilespmem:s17+$0x4030]  }
0x121: {  	v6 =	vld [tilespmem:s17+$0x4040];
	v0 =	vmul.f32 $3.125000000e-02, v0  }
0x122: {  	v5 =	vld [tilespmem:s17+$0x4050]  }
0x123: {  	v3 =	vld [tilespmem:s17+$0x4060];
	v2 =	vadd.f32 v0, v2  }
0x124: {  	v7 =	vld [tilespmem:s17+$0x18000];
	v4 =	vmul.f32 $3.125000000e-02, v4;
	v0 =	vmul.f32 $3.125000000e-02, v1  }
0x125: {  	s19 =	simm.s32 $0x0;
	v1 =	vmul.f32 $3.125000000e-02, v8;
	v8 =	vld [tilespmem:s17+$0x18010];
	[tilespmem:s17+$0x18070] =	vst v2;
	v2 =	vmul.f32 $3.125000000e-02, v9  }
.LBB2_12:
0x126: {  	s19 =	sadd.s32 $0x8, s19;
	v9 =	vld [tilespmem:s17+$0x18020];
	v6 =	vmul.f32 $3.125000000e-02, v6  }
0x127: {  	s20 =	sshll.u32 s19, $0x4;
	s21 =	sshll.u32 s19, $0x1;
	p0 =	slt.u32 s19, $0x3F8;
	v10 =	vld [tilespmem:s17+$0x18030];
	v5 =	vmul.f32 $3.125000000e-02, v5  }
0x128: {  	s18 =	sadd.s32 $0x400, s18;
	s20 =	sand.u32 $0x2000, s20;
	s21 =	sand.u32 $0x380, s21;
	v11 =	vld [tilespmem:s17+$0x18040];
	v3 =	vmul.f32 $3.125000000e-02, v3  }
0x129: {  	s22 =	sand.u32 $0x1C00, s18;
	s20 =	sor.u32 s21, s20;
	v0 =	vadd.f32 v0, v7;
	v7 =	vld [tilespmem:s17+$0x18050]  }
0x12a: {  	s20 =	sor.u32 s22, s20;
	v4 =	vadd.f32 v4, v8;
	v8 =	vld [tilespmem:s17+$0x18060]  }
0x12b: {  	v12 =	vld [tilespmem:s20+$0x4070];
	[tilespmem:s17+$0x18000] =	vst v0;
	v0 =	vadd.f32 v1, v9  }
0x12c: {  	v1 =	vld [tilespmem:s20+$0x4000];
	[tilespmem:s17+$0x18010] =	vst v4;
	v2 =	vadd.f32 v2, v10  }
0x12d: {  	v4 =	vld [tilespmem:s20+$0x18070];
	[tilespmem:s17+$0x18020] =	vst v0;
	v0 =	vadd.f32 v6, v11  }
0x12e: {  	v9 =	vld [tilespmem:s20+$0x4010];
	[tilespmem:s17+$0x18030] =	vst v2;
	v2 =	vadd.f32 v5, v7  }
0x12f: {  	v10 =	vld [tilespmem:s20+$0x4020];
	[tilespmem:s17+$0x18040] =	vst v0;
	v3 =	vadd.f32 v3, v8  }
0x130: {  	v11 =	vld [tilespmem:s20+$0x4030];
	v7 =	vmul.f32 $3.125000000e-02, v12;
	[tilespmem:s17+$0x18050] =	vst v2  }
.Ltmp5:
0x131: {  	v0 =	vmul.f32 $3.125000000e-02, v1;
	v6 =	vld [tilespmem:s20+$0x4040];
	[tilespmem:s17+$0x18060] =	vst v3;
	s17 =	smov.u32 s20;
	(pc) =	sbr.rel @p0 .LBB2_12-.Ltmp5, $4  }
0x132: {  	v5 =	vld [tilespmem:s17+$0x4050];
	v2 =	vadd.f32 v7, v4  }
0x133: {  	v4 =	vmul.f32 $3.125000000e-02, v9;
	v3 =	vld [tilespmem:s17+$0x4060]  }
0x134: {  	v7 =	vld [tilespmem:s17+$0x18000];
	v1 =	vmul.f32 $3.125000000e-02, v10;
	[tilespmem:s17+$0x18070] =	vst v2  }
0x135: {  	v8 =	vld [tilespmem:s17+$0x18010];
	v2 =	vmul.f32 $3.125000000e-02, v11  }
0x136: {  	v9 =	vld [tilespmem:s17+$0x18020]  }
0x137: {  	v10 =	vld [tilespmem:s17+$0x18030]  }
0x138: {  	v11 =	vld [tilespmem:s17+$0x18040]  }
0x139: {  	v0 =	vadd.f32 v0, v7;
	v7 =	vld [tilespmem:s17+$0x18050]  }
0x13a: {  	v4 =	vadd.f32 v4, v8;
	v8 =	vld [tilespmem:s17+$0x18060]  }
0x13b: {  	v6 =	vmul.f32 $3.125000000e-02, v6;
	[tilespmem:s17+$0x18000] =	vst v0;
	v0 =	vadd.f32 v1, v9  }
0x13c: {  	v1 =	vmul.f32 $3.125000000e-02, v5;
	v2 =	vadd.f32 v2, v10;
	[tilespmem:s17+$0x18010] =	vst v4  }
0x13d: {  	v3 =	vmul.f32 $3.125000000e-02, v3;
	[tilespmem:s17+$0x18020] =	vst v0;
	v0 =	vadd.f32 v6, v11  }
0x13e: {  	[tilespmem:s17+$0x18030] =	vst v2;
	v1 =	vadd.f32 v1, v7  }
0x13f: {  	[tilespmem:s17+$0x18040] =	vst v0;
	v0 =	vadd.f32 v3, v8  }
0x140: {  	[tilespmem:s17+$0x18050] =	vst v1  }
0x141: {  	[tilespmem:s17+$0x18060] =	vst v0  }
0x142: {  	s18 =	simm.s32 $0x0;
	s17 =	rddreg [dreg:$0xf]  }
0x143: {  	[hbm4b:s17+s18] =	stream.linear.scatter [tilespmem:s8], [sflag:$0x7], $0x4000, $0x38;
	[tilespmem:$0x1C000] =	vst v63  }
0x144: {  	_ =	swait.ge [sflag:s14], $0x4000  }
0x145: {  	s22 =	simm.s32 $0x0;
	[sflag:s14] =	ssyncset.done $0x0  }
0x146: {  	s19 =	simm.s32 $0x0;
	s21 =	rddreg [dreg:$0x10];
	[sflag:s14] =	ssyncadd.s32 $0xFFFFC000  }
0x147: {  	[tilespmem:s7], [sflag:$0x3] =	stream.linear.gather [hbm4b:s21+s18], $0x4000, $0x38;
	[tilespmem:$0x1C000] =	vst v63  }
0x148: {  	s19 =	sand.u32 $0x380, s19;
	s17 =	sand.u32 $0x2000, s22;
	_ =	swait.ge [sflag:s10], $0x4000  }
0x149: {  	s20 =	sand.u32 $0x1C00, s18;
	s17 =	sor.u32 s19, s17;
	[sflag:s10] =	ssyncset.done $0x0  }
0x14a: {  	s17 =	sor.u32 s20, s17;
	[sflag:s10] =	ssyncadd.s32 $0xFFFFC000  }
0x14b: {  	v0 =	vld [tilespmem:s17+$0x8070]  }
0x14c: {  	v1 =	vld [tilespmem:s17+$0x8000]  }
0x14d: {  	v2 =	vld [tilespmem:s17+$0x10070]  }
0x14e: {  	v4 =	vld [tilespmem:s17+$0x8010]  }
0x14f: {  	v8 =	vld [tilespmem:s17+$0x8020]  }
0x150: {  	v9 =	vld [tilespmem:s17+$0x8030]  }
0x151: {  	v6 =	vld [tilespmem:s17+$0x8040];
	v0 =	vmul.f32 $3.125000000e-02, v0  }
0x152: {  	v5 =	vld [tilespmem:s17+$0x8050]  }
0x153: {  	v3 =	vld [tilespmem:s17+$0x8060];
	v2 =	vadd.f32 v0, v2  }
0x154: {  	v7 =	vld [tilespmem:s17+$0x10000];
	v4 =	vmul.f32 $3.125000000e-02, v4;
	v0 =	vmul.f32 $3.125000000e-02, v1  }
0x155: {  	s19 =	simm.s32 $0x0;
	v1 =	vmul.f32 $3.125000000e-02, v8;
	v8 =	vld [tilespmem:s17+$0x10010];
	[tilespmem:s17+$0x10070] =	vst v2;
	v2 =	vmul.f32 $3.125000000e-02, v9  }
.LBB2_14:
0x156: {  	s19 =	sadd.s32 $0x8, s19;
	v9 =	vld [tilespmem:s17+$0x10020];
	v6 =	vmul.f32 $3.125000000e-02, v6  }
0x157: {  	s20 =	sshll.u32 s19, $0x4;
	s21 =	sshll.u32 s19, $0x1;
	p0 =	slt.u32 s19, $0x3F8;
	v10 =	vld [tilespmem:s17+$0x10030];
	v5 =	vmul.f32 $3.125000000e-02, v5  }
0x158: {  	s18 =	sadd.s32 $0x400, s18;
	s20 =	sand.u32 $0x2000, s20;
	s21 =	sand.u32 $0x380, s21;
	v11 =	vld [tilespmem:s17+$0x10040];
	v3 =	vmul.f32 $3.125000000e-02, v3  }
0x159: {  	s22 =	sand.u32 $0x1C00, s18;
	s20 =	sor.u32 s21, s20;
	v0 =	vadd.f32 v0, v7;
	v7 =	vld [tilespmem:s17+$0x10050]  }
0x15a: {  	s20 =	sor.u32 s22, s20;
	v4 =	vadd.f32 v4, v8;
	v8 =	vld [tilespmem:s17+$0x10060]  }
0x15b: {  	v12 =	vld [tilespmem:s20+$0x8070];
	[tilespmem:s17+$0x10000] =	vst v0;
	v0 =	vadd.f32 v1, v9  }
0x15c: {  	v1 =	vld [tilespmem:s20+$0x8000];
	[tilespmem:s17+$0x10010] =	vst v4;
	v2 =	vadd.f32 v2, v10  }
0x15d: {  	v4 =	vld [tilespmem:s20+$0x10070];
	[tilespmem:s17+$0x10020] =	vst v0;
	v0 =	vadd.f32 v6, v11  }
0x15e: {  	v9 =	vld [tilespmem:s20+$0x8010];
	[tilespmem:s17+$0x10030] =	vst v2;
	v2 =	vadd.f32 v5, v7  }
0x15f: {  	v10 =	vld [tilespmem:s20+$0x8020];
	[tilespmem:s17+$0x10040] =	vst v0;
	v3 =	vadd.f32 v3, v8  }
0x160: {  	v11 =	vld [tilespmem:s20+$0x8030];
	v7 =	vmul.f32 $3.125000000e-02, v12;
	[tilespmem:s17+$0x10050] =	vst v2  }
.Ltmp6:
0x161: {  	v0 =	vmul.f32 $3.125000000e-02, v1;
	v6 =	vld [tilespmem:s20+$0x8040];
	[tilespmem:s17+$0x10060] =	vst v3;
	s17 =	smov.u32 s20;
	(pc) =	sbr.rel @p0 .LBB2_14-.Ltmp6, $4  }
0x162: {  	v5 =	vld [tilespmem:s17+$0x8050];
	v2 =	vadd.f32 v7, v4  }
0x163: {  	v4 =	vmul.f32 $3.125000000e-02, v9;
	v3 =	vld [tilespmem:s17+$0x8060]  }
0x164: {  	v7 =	vld [tilespmem:s17+$0x10000];
	v1 =	vmul.f32 $3.125000000e-02, v10;
	[tilespmem:s17+$0x10070] =	vst v2  }
0x165: {  	v8 =	vld [tilespmem:s17+$0x10010];
	v2 =	vmul.f32 $3.125000000e-02, v11  }
0x166: {  	v9 =	vld [tilespmem:s17+$0x10020]  }
0x167: {  	v10 =	vld [tilespmem:s17+$0x10030]  }
0x168: {  	v11 =	vld [tilespmem:s17+$0x10040]  }
0x169: {  	v0 =	vadd.f32 v0, v7;
	v7 =	vld [tilespmem:s17+$0x10050]  }
0x16a: {  	v4 =	vadd.f32 v4, v8;
	v8 =	vld [tilespmem:s17+$0x10060]  }
0x16b: {  	v6 =	vmul.f32 $3.125000000e-02, v6;
	[tilespmem:s17+$0x10000] =	vst v0;
	v0 =	vadd.f32 v1, v9  }
0x16c: {  	v1 =	vmul.f32 $3.125000000e-02, v5;
	v2 =	vadd.f32 v2, v10;
	[tilespmem:s17+$0x10010] =	vst v4  }
0x16d: {  	v3 =	vmul.f32 $3.125000000e-02, v3;
	[tilespmem:s17+$0x10020] =	vst v0;
	v0 =	vadd.f32 v6, v11  }
0x16e: {  	[tilespmem:s17+$0x10030] =	vst v2;
	v1 =	vadd.f32 v1, v7  }
0x16f: {  	[tilespmem:s17+$0x10040] =	vst v0;
	v0 =	vadd.f32 v3, v8  }
0x170: {  	[tilespmem:s17+$0x10050] =	vst v1  }
0x171: {  	[tilespmem:s17+$0x10060] =	vst v0  }
0x172: {  	s18 =	simm.s32 $0x0;
	s17 =	rddreg [dreg:$0x11]  }
0x173: {  	[hbm4b:s17+s18] =	stream.linear.scatter [tilespmem:s6], [sflag:$0x5], $0x4000, $0x38;
	[tilespmem:$0x1C000] =	vst v63  }
0x174: {  	_ =	swait.ge [sflag:s15], $0x4000  }
0x175: {  	s22 =	simm.s32 $0x0;
	[sflag:s15] =	ssyncset.done $0x0  }
0x176: {  	s19 =	simm.s32 $0x0;
	s21 =	rddreg [dreg:$0x12];
	[sflag:s15] =	ssyncadd.s32 $0xFFFFC000  }
0x177: {  	[tilespmem:s8], [sflag:$0x4] =	stream.linear.gather [hbm4b:s21+s18], $0x4000, $0x38;
	[tilespmem:$0x1C000] =	vst v63  }
0x178: {  	s19 =	sand.u32 $0x380, s19;
	s17 =	sand.u32 $0x2000, s22;
	_ =	swait.ge [sflag:s11], $0x4000  }
0x179: {  	s20 =	sand.u32 $0x1C00, s18;
	s17 =	sor.u32 s19, s17;
	[sflag:s11] =	ssyncset.done $0x0  }
0x17a: {  	s17 =	sor.u32 s20, s17;
	[sflag:s11] =	ssyncadd.s32 $0xFFFFC000  }
0x17b: {  	v0 =	vld [tilespmem:s17+$0xC070]  }
0x17c: {  	v1 =	vld [tilespmem:s17+$0xC000]  }
0x17d: {  	v2 =	vld [tilespmem:s17+$0x14070]  }
0x17e: {  	v4 =	vld [tilespmem:s17+$0xC010]  }
0x17f: {  	v8 =	vld [tilespmem:s17+$0xC020]  }
0x180: {  	v9 =	vld [tilespmem:s17+$0xC030]  }
0x181: {  	v6 =	vld [tilespmem:s17+$0xC040];
	v0 =	vmul.f32 $3.125000000e-02, v0  }
0x182: {  	v5 =	vld [tilespmem:s17+$0xC050]  }
0x183: {  	v3 =	vld [tilespmem:s17+$0xC060];
	v2 =	vadd.f32 v0, v2  }
0x184: {  	v7 =	vld [tilespmem:s17+$0x14000];
	v4 =	vmul.f32 $3.125000000e-02, v4;
	v0 =	vmul.f32 $3.125000000e-02, v1  }
0x185: {  	s19 =	simm.s32 $0x0;
	v1 =	vmul.f32 $3.125000000e-02, v8;
	v8 =	vld [tilespmem:s17+$0x14010];
	[tilespmem:s17+$0x14070] =	vst v2;
	v2 =	vmul.f32 $3.125000000e-02, v9  }
.LBB2_16:
0x186: {  	s19 =	sadd.s32 $0x8, s19;
	v9 =	vld [tilespmem:s17+$0x14020];
	v6 =	vmul.f32 $3.125000000e-02, v6  }
0x187: {  	s20 =	sshll.u32 s19, $0x4;
	s21 =	sshll.u32 s19, $0x1;
	p0 =	slt.u32 s19, $0x3F8;
	v10 =	vld [tilespmem:s17+$0x14030];
	v5 =	vmul.f32 $3.125000000e-02, v5  }
0x188: {  	s18 =	sadd.s32 $0x400, s18;
	s20 =	sand.u32 $0x2000, s20;
	s21 =	sand.u32 $0x380, s21;
	v11 =	vld [tilespmem:s17+$0x14040];
	v3 =	vmul.f32 $3.125000000e-02, v3  }
0x189: {  	s22 =	sand.u32 $0x1C00, s18;
	s20 =	sor.u32 s21, s20;
	v0 =	vadd.f32 v0, v7;
	v7 =	vld [tilespmem:s17+$0x14050]  }
0x18a: {  	s20 =	sor.u32 s22, s20;
	v4 =	vadd.f32 v4, v8;
	v8 =	vld [tilespmem:s17+$0x14060]  }
0x18b: {  	v12 =	vld [tilespmem:s20+$0xC070];
	[tilespmem:s17+$0x14000] =	vst v0;
	v0 =	vadd.f32 v1, v9  }
0x18c: {  	v1 =	vld [tilespmem:s20+$0xC000];
	[tilespmem:s17+$0x14010] =	vst v4;
	v2 =	vadd.f32 v2, v10  }
0x18d: {  	v4 =	vld [tilespmem:s20+$0x14070];
	[tilespmem:s17+$0x14020] =	vst v0;
	v0 =	vadd.f32 v6, v11  }
0x18e: {  	v9 =	vld [tilespmem:s20+$0xC010];
	[tilespmem:s17+$0x14030] =	vst v2;
	v2 =	vadd.f32 v5, v7  }
0x18f: {  	v10 =	vld [tilespmem:s20+$0xC020];
	[tilespmem:s17+$0x14040] =	vst v0;
	v3 =	vadd.f32 v3, v8  }
0x190: {  	v11 =	vld [tilespmem:s20+$0xC030];
	v7 =	vmul.f32 $3.125000000e-02, v12;
	[tilespmem:s17+$0x14050] =	vst v2  }
.Ltmp7:
0x191: {  	v0 =	vmul.f32 $3.125000000e-02, v1;
	v6 =	vld [tilespmem:s20+$0xC040];
	[tilespmem:s17+$0x14060] =	vst v3;
	s17 =	smov.u32 s20;
	(pc) =	sbr.rel @p0 .LBB2_16-.Ltmp7, $4  }
0x192: {  	v5 =	vld [tilespmem:s17+$0xC050];
	v2 =	vadd.f32 v7, v4  }
0x193: {  	v4 =	vmul.f32 $3.125000000e-02, v9;
	v3 =	vld [tilespmem:s17+$0xC060]  }
0x194: {  	v7 =	vld [tilespmem:s17+$0x14000];
	v1 =	vmul.f32 $3.125000000e-02, v10;
	[tilespmem:s17+$0x14070] =	vst v2  }
0x195: {  	v8 =	vld [tilespmem:s17+$0x14010];
	v2 =	vmul.f32 $3.125000000e-02, v11  }
0x196: {  	v9 =	vld [tilespmem:s17+$0x14020]  }
0x197: {  	v10 =	vld [tilespmem:s17+$0x14030]  }
0x198: {  	v11 =	vld [tilespmem:s17+$0x14040]  }
0x199: {  	v0 =	vadd.f32 v0, v7;
	v7 =	vld [tilespmem:s17+$0x14050]  }
0x19a: {  	v4 =	vadd.f32 v4, v8;
	v8 =	vld [tilespmem:s17+$0x14060]  }
0x19b: {  	v6 =	vmul.f32 $3.125000000e-02, v6;
	[tilespmem:s17+$0x14000] =	vst v0;
	v0 =	vadd.f32 v1, v9  }
0x19c: {  	v1 =	vmul.f32 $3.125000000e-02, v5;
	v2 =	vadd.f32 v2, v10;
	[tilespmem:s17+$0x14010] =	vst v4  }
0x19d: {  	v3 =	vmul.f32 $3.125000000e-02, v3;
	[tilespmem:s17+$0x14020] =	vst v0;
	v0 =	vadd.f32 v6, v11  }
0x19e: {  	[tilespmem:s17+$0x14030] =	vst v2;
	v1 =	vadd.f32 v1, v7  }
0x19f: {  	[tilespmem:s17+$0x14040] =	vst v0;
	v0 =	vadd.f32 v3, v8  }
0x1a0: {  	[tilespmem:s17+$0x14050] =	vst v1  }
0x1a1: {  	[tilespmem:s17+$0x14060] =	vst v0  }
0x1a2: {  	s18 =	simm.s32 $0x0;
	s17 =	rddreg [dreg:$0x13]  }
0x1a3: {  	[hbm4b:s17+s18] =	stream.linear.scatter [tilespmem:s7], [sflag:$0x6], $0x4000, $0x38;
	[tilespmem:$0x1C000] =	vst v63  }
0x1a4: {  	_ =	swait.ge [sflag:s12], $0x4000  }
0x1a5: {  	s22 =	simm.s32 $0x0;
	[sflag:s12] =	ssyncset.done $0x0  }
0x1a6: {  	s20 =	simm.s32 $0x0;
	s21 =	rddreg [dreg:$0x14];
	[sflag:s12] =	ssyncadd.s32 $0xFFFFC000  }
0x1a7: {  	[tilespmem:s6], [sflag:$0x2] =	stream.linear.gather [hbm4b:s21+s18], $0x4000, $0x38;
	[tilespmem:$0x1C000] =	vst v63  }
0x1a8: {  	s19 =	sand.u32 $0x1C00, s18;
	s17 =	sand.u32 $0x2000, s22;
	_ =	swait.ge [sflag:s13], $0x4000  }
0x1a9: {  	s20 =	sand.u32 $0x380, s20;
	s17 =	sor.u32 s19, s17;
	[sflag:s13] =	ssyncset.done $0x0  }
0x1aa: {  	s17 =	sor.u32 s20, s17;
	[sflag:s13] =	ssyncadd.s32 $0xFFFFC000  }
0x1ab: {  	v0 =	vld [tilespmem:s17+$0x70]  }
0x1ac: {  	v1 =	vld [tilespmem:s17+$0x0]  }
0x1ad: {  	v2 =	vld [tilespmem:s17+$0x18070]  }
0x1ae: {  	v4 =	vld [tilespmem:s17+$0x10]  }
0x1af: {  	v8 =	vld [tilespmem:s17+$0x20]  }
0x1b0: {  	v9 =	vld [tilespmem:s17+$0x30]  }
0x1b1: {  	v6 =	vld [tilespmem:s17+$0x40];
	v0 =	vmul.f32 $3.125000000e-02, v0  }
0x1b2: {  	v5 =	vld [tilespmem:s17+$0x50]  }
0x1b3: {  	v3 =	vld [tilespmem:s17+$0x60];
	v2 =	vadd.f32 v0, v2  }
0x1b4: {  	v7 =	vld [tilespmem:s17+$0x18000];
	v4 =	vmul.f32 $3.125000000e-02, v4;
	v0 =	vmul.f32 $3.125000000e-02, v1  }
0x1b5: {  	s19 =	simm.s32 $0x0;
	v1 =	vmul.f32 $3.125000000e-02, v8;
	v8 =	vld [tilespmem:s17+$0x18010];
	[tilespmem:s17+$0x18070] =	vst v2;
	v2 =	vmul.f32 $3.125000000e-02, v9  }
.LBB2_18:
0x1b6: {  	s19 =	sadd.s32 $0x8, s19;
	v9 =	vld [tilespmem:s17+$0x18020];
	v6 =	vmul.f32 $3.125000000e-02, v6  }
0x1b7: {  	s18 =	sadd.s32 $0x400, s18;
	s20 =	sshll.u32 s19, $0x4;
	p0 =	slt.u32 s19, $0x3F8;
	v10 =	vld [tilespmem:s17+$0x18030];
	v5 =	vmul.f32 $3.125000000e-02, v5  }
0x1b8: {  	s21 =	sand.u32 $0x1C00, s18;
	s22 =	sshll.u32 s19, $0x1;
	s20 =	sand.u32 $0x2000, s20;
	v11 =	vld [tilespmem:s17+$0x18040];
	v3 =	vmul.f32 $3.125000000e-02, v3  }
0x1b9: {  	s22 =	sand.u32 $0x380, s22;
	s20 =	sor.u32 s21, s20;
	v0 =	vadd.f32 v0, v7;
	v7 =	vld [tilespmem:s17+$0x18050]  }
0x1ba: {  	s20 =	sor.u32 s22, s20;
	v4 =	vadd.f32 v4, v8;
	v8 =	vld [tilespmem:s17+$0x18060]  }
0x1bb: {  	v12 =	vld [tilespmem:s20+$0x70];
	[tilespmem:s17+$0x18000] =	vst v0;
	v0 =	vadd.f32 v1, v9  }
0x1bc: {  	v1 =	vld [tilespmem:s20+$0x0];
	[tilespmem:s17+$0x18010] =	vst v4;
	v2 =	vadd.f32 v2, v10  }
0x1bd: {  	v4 =	vld [tilespmem:s20+$0x18070];
	[tilespmem:s17+$0x18020] =	vst v0;
	v0 =	vadd.f32 v6, v11  }
0x1be: {  	v9 =	vld [tilespmem:s20+$0x10];
	[tilespmem:s17+$0x18030] =	vst v2;
	v2 =	vadd.f32 v5, v7  }
0x1bf: {  	v10 =	vld [tilespmem:s20+$0x20];
	[tilespmem:s17+$0x18040] =	vst v0;
	v3 =	vadd.f32 v3, v8  }
0x1c0: {  	v11 =	vld [tilespmem:s20+$0x30];
	v7 =	vmul.f32 $3.125000000e-02, v12;
	[tilespmem:s17+$0x18050] =	vst v2  }
.Ltmp8:
0x1c1: {  	v0 =	vmul.f32 $3.125000000e-02, v1;
	v6 =	vld [tilespmem:s20+$0x40];
	[tilespmem:s17+$0x18060] =	vst v3;
	s17 =	smov.u32 s20;
	(pc) =	sbr.rel @p0 .LBB2_18-.Ltmp8, $4  }
0x1c2: {  	v5 =	vld [tilespmem:s17+$0x50];
	v2 =	vadd.f32 v7, v4  }
0x1c3: {  	v4 =	vmul.f32 $3.125000000e-02, v9;
	v3 =	vld [tilespmem:s17+$0x60]  }
0x1c4: {  	v7 =	vld [tilespmem:s17+$0x18000];
	v1 =	vmul.f32 $3.125000000e-02, v10;
	[tilespmem:s17+$0x18070] =	vst v2  }
0x1c5: {  	v8 =	vld [tilespmem:s17+$0x18010];
	v2 =	vmul.f32 $3.125000000e-02, v11  }
0x1c6: {  	v9 =	vld [tilespmem:s17+$0x18020]  }
0x1c7: {  	v10 =	vld [tilespmem:s17+$0x18030]  }
0x1c8: {  	v11 =	vld [tilespmem:s17+$0x18040]  }
0x1c9: {  	v0 =	vadd.f32 v0, v7;
	v7 =	vld [tilespmem:s17+$0x18050]  }
0x1ca: {  	v4 =	vadd.f32 v4, v8;
	v8 =	vld [tilespmem:s17+$0x18060]  }
0x1cb: {  	v6 =	vmul.f32 $3.125000000e-02, v6;
	[tilespmem:s17+$0x18000] =	vst v0;
	v0 =	vadd.f32 v1, v9  }
0x1cc: {  	v1 =	vmul.f32 $3.125000000e-02, v5;
	v2 =	vadd.f32 v2, v10;
	[tilespmem:s17+$0x18010] =	vst v4  }
0x1cd: {  	v3 =	vmul.f32 $3.125000000e-02, v3;
	[tilespmem:s17+$0x18020] =	vst v0;
	v0 =	vadd.f32 v6, v11  }
0x1ce: {  	[tilespmem:s17+$0x18030] =	vst v2;
	v1 =	vadd.f32 v1, v7  }
0x1cf: {  	[tilespmem:s17+$0x18040] =	vst v0;
	v0 =	vadd.f32 v3, v8  }
0x1d0: {  	[tilespmem:s17+$0x18050] =	vst v1  }
0x1d1: {  	[tilespmem:s17+$0x18060] =	vst v0  }
0x1d2: {  	s18 =	simm.s32 $0x0;
	s17 =	rddreg [dreg:$0x15]  }
0x1d3: {  	[hbm4b:s17+s18] =	stream.linear.scatter [tilespmem:s8], [sflag:$0x7], $0x4000, $0x38;
	[tilespmem:$0x1C000] =	vst v63  }
0x1d4: {  	_ =	swait.ge [sflag:s14], $0x4000  }
0x1d5: {  	s22 =	simm.s32 $0x0;
	[sflag:s14] =	ssyncset.done $0x0  }
0x1d6: {  	s19 =	simm.s32 $0x0;
	s21 =	rddreg [dreg:$0x17];
	[sflag:s14] =	ssyncadd.s32 $0xFFFFC000  }
0x1d7: {  	[tilespmem:s7], [sflag:$0x3] =	stream.linear.gather [hbm4b:s21+s18], $0x4000, $0x38;
	[tilespmem:$0x1C000] =	vst v63  }
0x1d8: {  	s19 =	sand.u32 $0x380, s19;
	s17 =	sand.u32 $0x2000, s22;
	_ =	swait.ge [sflag:s10], $0x4000  }
0x1d9: {  	s20 =	sand.u32 $0x1C00, s18;
	s17 =	sor.u32 s19, s17;
	[sflag:s10] =	ssyncset.done $0x0  }
0x1da: {  	s17 =	sor.u32 s20, s17;
	[sflag:s10] =	ssyncadd.s32 $0xFFFFC000  }
0x1db: {  	v0 =	vld [tilespmem:s17+$0x4070]  }
0x1dc: {  	v1 =	vld [tilespmem:s17+$0x4000]  }
0x1dd: {  	v2 =	vld [tilespmem:s17+$0x10070]  }
0x1de: {  	v4 =	vld [tilespmem:s17+$0x4010]  }
0x1df: {  	v8 =	vld [tilespmem:s17+$0x4020]  }
0x1e0: {  	v9 =	vld [tilespmem:s17+$0x4030]  }
0x1e1: {  	v6 =	vld [tilespmem:s17+$0x4040];
	v0 =	vmul.f32 $3.125000000e-02, v0  }
0x1e2: {  	v5 =	vld [tilespmem:s17+$0x4050]  }
0x1e3: {  	v3 =	vld [tilespmem:s17+$0x4060];
	v2 =	vadd.f32 v0, v2  }
0x1e4: {  	v7 =	vld [tilespmem:s17+$0x10000];
	v4 =	vmul.f32 $3.125000000e-02, v4;
	v0 =	vmul.f32 $3.125000000e-02, v1  }
0x1e5: {  	s19 =	simm.s32 $0x0;
	v1 =	vmul.f32 $3.125000000e-02, v8;
	v8 =	vld [tilespmem:s17+$0x10010];
	[tilespmem:s17+$0x10070] =	vst v2;
	v2 =	vmul.f32 $3.125000000e-02, v9  }
.LBB2_20:
0x1e6: {  	s19 =	sadd.s32 $0x8, s19;
	v9 =	vld [tilespmem:s17+$0x10020];
	v6 =	vmul.f32 $3.125000000e-02, v6  }
0x1e7: {  	s20 =	sshll.u32 s19, $0x4;
	s21 =	sshll.u32 s19, $0x1;
	p0 =	slt.u32 s19, $0x3F8;
	v10 =	vld [tilespmem:s17+$0x10030];
	v5 =	vmul.f32 $3.125000000e-02, v5  }
0x1e8: {  	s18 =	sadd.s32 $0x400, s18;
	s20 =	sand.u32 $0x2000, s20;
	s21 =	sand.u32 $0x380, s21;
	v11 =	vld [tilespmem:s17+$0x10040];
	v3 =	vmul.f32 $3.125000000e-02, v3  }
0x1e9: {  	s22 =	sand.u32 $0x1C00, s18;
	s20 =	sor.u32 s21, s20;
	v0 =	vadd.f32 v0, v7;
	v7 =	vld [tilespmem:s17+$0x10050]  }
0x1ea: {  	s20 =	sor.u32 s22, s20;
	v4 =	vadd.f32 v4, v8;
	v8 =	vld [tilespmem:s17+$0x10060]  }
0x1eb: {  	v12 =	vld [tilespmem:s20+$0x4070];
	[tilespmem:s17+$0x10000] =	vst v0;
	v0 =	vadd.f32 v1, v9  }
0x1ec: {  	v1 =	vld [tilespmem:s20+$0x4000];
	[tilespmem:s17+$0x10010] =	vst v4;
	v2 =	vadd.f32 v2, v10  }
0x1ed: {  	v4 =	vld [tilespmem:s20+$0x10070];
	[tilespmem:s17+$0x10020] =	vst v0;
	v0 =	vadd.f32 v6, v11  }
0x1ee: {  	v9 =	vld [tilespmem:s20+$0x4010];
	[tilespmem:s17+$0x10030] =	vst v2;
	v2 =	vadd.f32 v5, v7  }
0x1ef: {  	v10 =	vld [tilespmem:s20+$0x4020];
	[tilespmem:s17+$0x10040] =	vst v0;
	v3 =	vadd.f32 v3, v8  }
0x1f0: {  	v11 =	vld [tilespmem:s20+$0x4030];
	v7 =	vmul.f32 $3.125000000e-02, v12;
	[tilespmem:s17+$0x10050] =	vst v2  }
.Ltmp9:
0x1f1: {  	v0 =	vmul.f32 $3.125000000e-02, v1;
	v6 =	vld [tilespmem:s20+$0x4040];
	[tilespmem:s17+$0x10060] =	vst v3;
	s17 =	smov.u32 s20;
	(pc) =	sbr.rel @p0 .LBB2_20-.Ltmp9, $4  }
0x1f2: {  	v5 =	vld [tilespmem:s17+$0x4050];
	v2 =	vadd.f32 v7, v4  }
0x1f3: {  	v4 =	vmul.f32 $3.125000000e-02, v9;
	v3 =	vld [tilespmem:s17+$0x4060]  }
0x1f4: {  	v7 =	vld [tilespmem:s17+$0x10000];
	v1 =	vmul.f32 $3.125000000e-02, v10;
	[tilespmem:s17+$0x10070] =	vst v2  }
0x1f5: {  	v8 =	vld [tilespmem:s17+$0x10010];
	v2 =	vmul.f32 $3.125000000e-02, v11  }
0x1f6: {  	v9 =	vld [tilespmem:s17+$0x10020]  }
0x1f7: {  	v10 =	vld [tilespmem:s17+$0x10030]  }
0x1f8: {  	v11 =	vld [tilespmem:s17+$0x10040]  }
0x1f9: {  	v0 =	vadd.f32 v0, v7;
	v7 =	vld [tilespmem:s17+$0x10050]  }
0x1fa: {  	v4 =	vadd.f32 v4, v8;
	v8 =	vld [tilespmem:s17+$0x10060]  }
0x1fb: {  	v6 =	vmul.f32 $3.125000000e-02, v6;
	[tilespmem:s17+$0x10000] =	vst v0;
	v0 =	vadd.f32 v1, v9  }
0x1fc: {  	v1 =	vmul.f32 $3.125000000e-02, v5;
	v2 =	vadd.f32 v2, v10;
	[tilespmem:s17+$0x10010] =	vst v4  }
0x1fd: {  	v3 =	vmul.f32 $3.125000000e-02, v3;
	[tilespmem:s17+$0x10020] =	vst v0;
	v0 =	vadd.f32 v6, v11  }
0x1fe: {  	[tilespmem:s17+$0x10030] =	vst v2;
	v1 =	vadd.f32 v1, v7  }
0x1ff: {  	[tilespmem:s17+$0x10040] =	vst v0;
	v0 =	vadd.f32 v3, v8  }
0x200: {  	[tilespmem:s17+$0x10050] =	vst v1  }
0x201: {  	[tilespmem:s17+$0x10060] =	vst v0  }
0x202: {  	s18 =	simm.s32 $0x0;
	s17 =	rddreg [dreg:$0x16]  }
0x203: {  	[hbm4b:s17+s18] =	stream.linear.scatter [tilespmem:s6], [sflag:$0x5], $0x4000, $0x38;
	[tilespmem:$0x1C000] =	vst v63  }
0x204: {  	_ =	swait.ge [sflag:s15], $0x4000  }
0x205: {  	[sflag:s15] =	ssyncset.done $0x0  }
0x206: {  	s22 =	simm.s32 $0x0;
	s19 =	simm.s32 $0x0;
	[sflag:s15] =	ssyncadd.s32 $0xFFFFC000  }
0x207: {  	[tilespmem:s8], [sflag:$0x4] =	stream.linear.gather [hbm4b:s23+s18], $0x4000, $0x38;
	[tilespmem:$0x1C000] =	vst v63  }
0x208: {  	s19 =	sand.u32 $0x380, s19;
	s17 =	sand.u32 $0x2000, s22;
	_ =	swait.ge [sflag:s11], $0x4000  }
0x209: {  	s20 =	sand.u32 $0x1C00, s18;
	s17 =	sor.u32 s19, s17;
	[sflag:s11] =	ssyncset.done $0x0  }
0x20a: {  	s17 =	sor.u32 s20, s17;
	[sflag:s11] =	ssyncadd.s32 $0xFFFFC000  }
0x20b: {  	v0 =	vld [tilespmem:s17+$0x8070]  }
0x20c: {  	v1 =	vld [tilespmem:s17+$0x8000]  }
0x20d: {  	v2 =	vld [tilespmem:s17+$0x14070]  }
0x20e: {  	v4 =	vld [tilespmem:s17+$0x8010]  }
0x20f: {  	v8 =	vld [tilespmem:s17+$0x8020]  }
0x210: {  	v9 =	vld [tilespmem:s17+$0x8030]  }
0x211: {  	v6 =	vld [tilespmem:s17+$0x8040];
	v0 =	vmul.f32 $3.125000000e-02, v0  }
0x212: {  	v5 =	vld [tilespmem:s17+$0x8050]  }
0x213: {  	v3 =	vld [tilespmem:s17+$0x8060];
	v2 =	vadd.f32 v0, v2  }
0x214: {  	v7 =	vld [tilespmem:s17+$0x14000];
	v4 =	vmul.f32 $3.125000000e-02, v4;
	v0 =	vmul.f32 $3.125000000e-02, v1  }
0x215: {  	s19 =	simm.s32 $0x0;
	v1 =	vmul.f32 $3.125000000e-02, v8;
	v8 =	vld [tilespmem:s17+$0x14010];
	[tilespmem:s17+$0x14070] =	vst v2;
	v2 =	vmul.f32 $3.125000000e-02, v9  }
.LBB2_22:
0x216: {  	s19 =	sadd.s32 $0x8, s19;
	v9 =	vld [tilespmem:s17+$0x14020];
	v6 =	vmul.f32 $3.125000000e-02, v6  }
0x217: {  	s20 =	sshll.u32 s19, $0x4;
	s21 =	sshll.u32 s19, $0x1;
	p0 =	slt.u32 s19, $0x3F8;
	v10 =	vld [tilespmem:s17+$0x14030];
	v5 =	vmul.f32 $3.125000000e-02, v5  }
0x218: {  	s18 =	sadd.s32 $0x400, s18;
	s20 =	sand.u32 $0x2000, s20;
	s21 =	sand.u32 $0x380, s21;
	v11 =	vld [tilespmem:s17+$0x14040];
	v3 =	vmul.f32 $3.125000000e-02, v3  }
0x219: {  	s22 =	sand.u32 $0x1C00, s18;
	s20 =	sor.u32 s21, s20;
	v0 =	vadd.f32 v0, v7;
	v7 =	vld [tilespmem:s17+$0x14050]  }
0x21a: {  	s20 =	sor.u32 s22, s20;
	v4 =	vadd.f32 v4, v8;
	v8 =	vld [tilespmem:s17+$0x14060]  }
0x21b: {  	v12 =	vld [tilespmem:s20+$0x8070];
	[tilespmem:s17+$0x14000] =	vst v0;
	v0 =	vadd.f32 v1, v9  }
0x21c: {  	v1 =	vld [tilespmem:s20+$0x8000];
	[tilespmem:s17+$0x14010] =	vst v4;
	v2 =	vadd.f32 v2, v10  }
0x21d: {  	v4 =	vld [tilespmem:s20+$0x14070];
	[tilespmem:s17+$0x14020] =	vst v0;
	v0 =	vadd.f32 v6, v11  }
0x21e: {  	v9 =	vld [tilespmem:s20+$0x8010];
	[tilespmem:s17+$0x14030] =	vst v2;
	v2 =	vadd.f32 v5, v7  }
0x21f: {  	v10 =	vld [tilespmem:s20+$0x8020];
	[tilespmem:s17+$0x14040] =	vst v0;
	v3 =	vadd.f32 v3, v8  }
0x220: {  	v11 =	vld [tilespmem:s20+$0x8030];
	v7 =	vmul.f32 $3.125000000e-02, v12;
	[tilespmem:s17+$0x14050] =	vst v2  }
.Ltmp10:
0x221: {  	v0 =	vmul.f32 $3.125000000e-02, v1;
	v6 =	vld [tilespmem:s20+$0x8040];
	[tilespmem:s17+$0x14060] =	vst v3;
	s17 =	smov.u32 s20;
	(pc) =	sbr.rel @p0 .LBB2_22-.Ltmp10, $4  }
0x222: {  	v5 =	vld [tilespmem:s17+$0x8050];
	v2 =	vadd.f32 v7, v4  }
0x223: {  	v4 =	vmul.f32 $3.125000000e-02, v9;
	v3 =	vld [tilespmem:s17+$0x8060]  }
0x224: {  	v7 =	vld [tilespmem:s17+$0x14000];
	v1 =	vmul.f32 $3.125000000e-02, v10;
	[tilespmem:s17+$0x14070] =	vst v2  }
0x225: {  	v8 =	vld [tilespmem:s17+$0x14010];
	v2 =	vmul.f32 $3.125000000e-02, v11  }
0x226: {  	v9 =	vld [tilespmem:s17+$0x14020]  }
0x227: {  	v10 =	vld [tilespmem:s17+$0x14030]  }
0x228: {  	v11 =	vld [tilespmem:s17+$0x14040]  }
0x229: {  	v0 =	vadd.f32 v0, v7;
	v7 =	vld [tilespmem:s17+$0x14050]  }
0x22a: {  	v4 =	vadd.f32 v4, v8;
	v8 =	vld [tilespmem:s17+$0x14060]  }
0x22b: {  	v6 =	vmul.f32 $3.125000000e-02, v6;
	[tilespmem:s17+$0x14000] =	vst v0;
	v0 =	vadd.f32 v1, v9  }
0x22c: {  	v1 =	vmul.f32 $3.125000000e-02, v5;
	v2 =	vadd.f32 v2, v10;
	[tilespmem:s17+$0x14010] =	vst v4  }
0x22d: {  	v3 =	vmul.f32 $3.125000000e-02, v3;
	[tilespmem:s17+$0x14020] =	vst v0;
	v0 =	vadd.f32 v6, v11  }
0x22e: {  	[tilespmem:s17+$0x14030] =	vst v2;
	v1 =	vadd.f32 v1, v7  }
0x22f: {  	[tilespmem:s17+$0x14040] =	vst v0;
	v0 =	vadd.f32 v3, v8  }
0x230: {  	[tilespmem:s17+$0x14050] =	vst v1  }
0x231: {  	[tilespmem:s17+$0x14060] =	vst v0  }
0x232: {  	s18 =	simm.s32 $0x0;
	s17 =	rddreg [dreg:$0x18]  }
0x233: {  	[hbm4b:s17+s18] =	stream.linear.scatter [tilespmem:s7], [sflag:$0x6], $0x4000, $0x38;
	[tilespmem:$0x1C000] =	vst v63  }
0x234: {  	_ =	swait.ge [sflag:s12], $0x4000  }
0x235: {  	[sflag:s12] =	ssyncset.done $0x0  }
0x236: {  	s22 =	simm.s32 $0x0;
	s19 =	simm.s32 $0x0;
	[sflag:s12] =	ssyncadd.s32 $0xFFFFC000  }
0x237: {  	[tilespmem:s6], [sflag:$0x2] =	stream.linear.gather [hbm4b:s25+s18], $0x4000, $0x38;
	[tilespmem:$0x1C000] =	vst v63  }
0x238: {  	s19 =	sand.u32 $0x380, s19;
	s17 =	sand.u32 $0x2000, s22;
	_ =	swait.ge [sflag:s13], $0x4000  }
0x239: {  	s20 =	sand.u32 $0x1C00, s18;
	s17 =	sor.u32 s19, s17;
	[sflag:s13] =	ssyncset.done $0x0  }
0x23a: {  	s17 =	sor.u32 s20, s17;
	[sflag:s13] =	ssyncadd.s32 $0xFFFFC000  }
0x23b: {  	v0 =	vld [tilespmem:s17+$0xC070]  }
0x23c: {  	v1 =	vld [tilespmem:s17+$0xC000]  }
0x23d: {  	v2 =	vld [tilespmem:s17+$0x18070]  }
0x23e: {  	v4 =	vld [tilespmem:s17+$0xC010]  }
0x23f: {  	v8 =	vld [tilespmem:s17+$0xC020]  }
0x240: {  	v9 =	vld [tilespmem:s17+$0xC030]  }
0x241: {  	v6 =	vld [tilespmem:s17+$0xC040];
	v0 =	vmul.f32 $3.125000000e-02, v0  }
0x242: {  	v5 =	vld [tilespmem:s17+$0xC050]  }
0x243: {  	v3 =	vld [tilespmem:s17+$0xC060];
	v2 =	vadd.f32 v0, v2  }
0x244: {  	v7 =	vld [tilespmem:s17+$0x18000];
	v4 =	vmul.f32 $3.125000000e-02, v4;
	v0 =	vmul.f32 $3.125000000e-02, v1  }
0x245: {  	s19 =	simm.s32 $0x0;
	v1 =	vmul.f32 $3.125000000e-02, v8;
	v8 =	vld [tilespmem:s17+$0x18010];
	[tilespmem:s17+$0x18070] =	vst v2;
	v2 =	vmul.f32 $3.125000000e-02, v9  }
.LBB2_24:
0x246: {  	s19 =	sadd.s32 $0x8, s19;
	v9 =	vld [tilespmem:s17+$0x18020];
	v6 =	vmul.f32 $3.125000000e-02, v6  }
0x247: {  	s20 =	sshll.u32 s19, $0x4;
	s21 =	sshll.u32 s19, $0x1;
	p0 =	slt.u32 s19, $0x3F8;
	v10 =	vld [tilespmem:s17+$0x18030];
	v5 =	vmul.f32 $3.125000000e-02, v5  }
0x248: {  	s18 =	sadd.s32 $0x400, s18;
	s20 =	sand.u32 $0x2000, s20;
	s21 =	sand.u32 $0x380, s21;
	v11 =	vld [tilespmem:s17+$0x18040];
	v3 =	vmul.f32 $3.125000000e-02, v3  }
0x249: {  	s22 =	sand.u32 $0x1C00, s18;
	s20 =	sor.u32 s21, s20;
	v0 =	vadd.f32 v0, v7;
	v7 =	vld [tilespmem:s17+$0x18050]  }
0x24a: {  	s20 =	sor.u32 s22, s20;
	v4 =	vadd.f32 v4, v8;
	v8 =	vld [tilespmem:s17+$0x18060]  }
0x24b: {  	v12 =	vld [tilespmem:s20+$0xC070];
	[tilespmem:s17+$0x18000] =	vst v0;
	v0 =	vadd.f32 v1, v9  }
0x24c: {  	v1 =	vld [tilespmem:s20+$0xC000];
	[tilespmem:s17+$0x18010] =	vst v4;
	v2 =	vadd.f32 v2, v10  }
0x24d: {  	v4 =	vld [tilespmem:s20+$0x18070];
	[tilespmem:s17+$0x18020] =	vst v0;
	v0 =	vadd.f32 v6, v11  }
0x24e: {  	v9 =	vld [tilespmem:s20+$0xC010];
	[tilespmem:s17+$0x18030] =	vst v2;
	v2 =	vadd.f32 v5, v7  }
0x24f: {  	v10 =	vld [tilespmem:s20+$0xC020];
	[tilespmem:s17+$0x18040] =	vst v0;
	v3 =	vadd.f32 v3, v8  }
0x250: {  	v11 =	vld [tilespmem:s20+$0xC030];
	v7 =	vmul.f32 $3.125000000e-02, v12;
	[tilespmem:s17+$0x18050] =	vst v2  }
.Ltmp11:
0x251: {  	v0 =	vmul.f32 $3.125000000e-02, v1;
	v6 =	vld [tilespmem:s20+$0xC040];
	[tilespmem:s17+$0x18060] =	vst v3;
	s17 =	smov.u32 s20;
	(pc) =	sbr.rel @p0 .LBB2_24-.Ltmp11, $4  }
0x252: {  	v5 =	vld [tilespmem:s17+$0xC050];
	v2 =	vadd.f32 v7, v4  }
0x253: {  	v4 =	vmul.f32 $3.125000000e-02, v9;
	v3 =	vld [tilespmem:s17+$0xC060]  }
0x254: {  	v7 =	vld [tilespmem:s17+$0x18000];
	v1 =	vmul.f32 $3.125000000e-02, v10;
	[tilespmem:s17+$0x18070] =	vst v2  }
0x255: {  	v8 =	vld [tilespmem:s17+$0x18010];
	v2 =	vmul.f32 $3.125000000e-02, v11  }
0x256: {  	v9 =	vld [tilespmem:s17+$0x18020]  }
0x257: {  	v10 =	vld [tilespmem:s17+$0x18030]  }
0x258: {  	v11 =	vld [tilespmem:s17+$0x18040]  }
0x259: {  	v0 =	vadd.f32 v0, v7;
	v7 =	vld [tilespmem:s17+$0x18050]  }
0x25a: {  	v4 =	vadd.f32 v4, v8;
	v8 =	vld [tilespmem:s17+$0x18060]  }
0x25b: {  	v6 =	vmul.f32 $3.125000000e-02, v6;
	[tilespmem:s17+$0x18000] =	vst v0;
	v0 =	vadd.f32 v1, v9  }
0x25c: {  	v1 =	vmul.f32 $3.125000000e-02, v5;
	v2 =	vadd.f32 v2, v10;
	[tilespmem:s17+$0x18010] =	vst v4  }
0x25d: {  	v3 =	vmul.f32 $3.125000000e-02, v3;
	[tilespmem:s17+$0x18020] =	vst v0;
	v0 =	vadd.f32 v6, v11  }
0x25e: {  	[tilespmem:s17+$0x18030] =	vst v2;
	v1 =	vadd.f32 v1, v7  }
0x25f: {  	[tilespmem:s17+$0x18040] =	vst v0;
	v0 =	vadd.f32 v3, v8  }
0x260: {  	[tilespmem:s17+$0x18050] =	vst v1  }
0x261: {  	s18 =	simm.s32 $0x0;
	[tilespmem:s17+$0x18060] =	vst v0  }
0x262: {  	[hbm4b:s24+s18] =	stream.linear.scatter [tilespmem:s8], [sflag:$0x7], $0x4000, $0x38;
	[tilespmem:$0x1C000] =	vst v63  }
0x263: {  	_ =	swait.ge [sflag:s14], $0x4000  }
0x264: {  	[sflag:s14] =	ssyncset.done $0x0  }
0x265: {  	s21 =	simm.s32 $0x0;
	s20 =	simm.s32 $0x0;
	[sflag:s14] =	ssyncadd.s32 $0xFFFFC000  }
0x266: {  	[tilespmem:s7], [sflag:$0x3] =	stream.linear.gather [hbm4b:s28+s18], $0x4000, $0x38;
	[tilespmem:$0x1C000] =	vst v63  }
0x267: {  	s19 =	sand.u32 $0x1C00, s18;
	s17 =	sand.u32 $0x2000, s21;
	_ =	swait.ge [sflag:s10], $0x4000  }
0x268: {  	s22 =	sand.u32 $0x380, s20;
	s17 =	sor.u32 s19, s17;
	[sflag:s10] =	ssyncset.done $0x0  }
0x269: {  	s17 =	sor.u32 s22, s17;
	[sflag:s10] =	ssyncadd.s32 $0xFFFFC000  }
0x26a: {  	v0 =	vld [tilespmem:s17+$0x70]  }
0x26b: {  	v1 =	vld [tilespmem:s17+$0x0]  }
0x26c: {  	v2 =	vld [tilespmem:s17+$0x10070]  }
0x26d: {  	v4 =	vld [tilespmem:s17+$0x10]  }
0x26e: {  	v8 =	vld [tilespmem:s17+$0x20]  }
0x26f: {  	v9 =	vld [tilespmem:s17+$0x30]  }
0x270: {  	v6 =	vld [tilespmem:s17+$0x40];
	v0 =	vmul.f32 $3.125000000e-02, v0  }
0x271: {  	v5 =	vld [tilespmem:s17+$0x50]  }
0x272: {  	v3 =	vld [tilespmem:s17+$0x60];
	v2 =	vadd.f32 v0, v2  }
0x273: {  	v7 =	vld [tilespmem:s17+$0x10000];
	v4 =	vmul.f32 $3.125000000e-02, v4;
	v0 =	vmul.f32 $3.125000000e-02, v1  }
0x274: {  	s19 =	simm.s32 $0x0;
	v1 =	vmul.f32 $3.125000000e-02, v8;
	v8 =	vld [tilespmem:s17+$0x10010];
	[tilespmem:s17+$0x10070] =	vst v2;
	v2 =	vmul.f32 $3.125000000e-02, v9  }
.LBB2_26:
0x275: {  	s19 =	sadd.s32 $0x8, s19;
	v9 =	vld [tilespmem:s17+$0x10020];
	v6 =	vmul.f32 $3.125000000e-02, v6  }
0x276: {  	s18 =	sadd.s32 $0x400, s18;
	s20 =	sshll.u32 s19, $0x4;
	p0 =	slt.u32 s19, $0x3F8;
	v10 =	vld [tilespmem:s17+$0x10030];
	v5 =	vmul.f32 $3.125000000e-02, v5  }
0x277: {  	s21 =	sand.u32 $0x1C00, s18;
	s22 =	sshll.u32 s19, $0x1;
	s20 =	sand.u32 $0x2000, s20;
	v11 =	vld [tilespmem:s17+$0x10040];
	v3 =	vmul.f32 $3.125000000e-02, v3  }
0x278: {  	s20 =	sor.u32 s21, s20;
	s21 =	sand.u32 $0x380, s22;
	v0 =	vadd.f32 v0, v7;
	v7 =	vld [tilespmem:s17+$0x10050]  }
0x279: {  	s20 =	sor.u32 s21, s20;
	v4 =	vadd.f32 v4, v8;
	v8 =	vld [tilespmem:s17+$0x10060]  }
0x27a: {  	v12 =	vld [tilespmem:s20+$0x70];
	[tilespmem:s17+$0x10000] =	vst v0;
	v0 =	vadd.f32 v1, v9  }
0x27b: {  	v1 =	vld [tilespmem:s20+$0x0];
	[tilespmem:s17+$0x10010] =	vst v4;
	v2 =	vadd.f32 v2, v10  }
0x27c: {  	v4 =	vld [tilespmem:s20+$0x10070];
	[tilespmem:s17+$0x10020] =	vst v0;
	v0 =	vadd.f32 v6, v11  }
0x27d: {  	v9 =	vld [tilespmem:s20+$0x10];
	[tilespmem:s17+$0x10030] =	vst v2;
	v2 =	vadd.f32 v5, v7  }
0x27e: {  	v10 =	vld [tilespmem:s20+$0x20];
	[tilespmem:s17+$0x10040] =	vst v0;
	v3 =	vadd.f32 v3, v8  }
0x27f: {  	v11 =	vld [tilespmem:s20+$0x30];
	v7 =	vmul.f32 $3.125000000e-02, v12;
	[tilespmem:s17+$0x10050] =	vst v2  }
.Ltmp12:
0x280: {  	v0 =	vmul.f32 $3.125000000e-02, v1;
	v6 =	vld [tilespmem:s20+$0x40];
	[tilespmem:s17+$0x10060] =	vst v3;
	s17 =	smov.u32 s20;
	(pc) =	sbr.rel @p0 .LBB2_26-.Ltmp12, $4  }
0x281: {  	v5 =	vld [tilespmem:s17+$0x50];
	v2 =	vadd.f32 v7, v4  }
0x282: {  	v4 =	vmul.f32 $3.125000000e-02, v9;
	v3 =	vld [tilespmem:s17+$0x60]  }
0x283: {  	v7 =	vld [tilespmem:s17+$0x10000];
	v1 =	vmul.f32 $3.125000000e-02, v10;
	[tilespmem:s17+$0x10070] =	vst v2  }
0x284: {  	v8 =	vld [tilespmem:s17+$0x10010];
	v2 =	vmul.f32 $3.125000000e-02, v11  }
0x285: {  	v9 =	vld [tilespmem:s17+$0x10020]  }
0x286: {  	v10 =	vld [tilespmem:s17+$0x10030]  }
0x287: {  	v11 =	vld [tilespmem:s17+$0x10040]  }
0x288: {  	v0 =	vadd.f32 v0, v7;
	v7 =	vld [tilespmem:s17+$0x10050]  }
0x289: {  	v4 =	vadd.f32 v4, v8;
	v8 =	vld [tilespmem:s17+$0x10060]  }
0x28a: {  	v6 =	vmul.f32 $3.125000000e-02, v6;
	[tilespmem:s17+$0x10000] =	vst v0;
	v0 =	vadd.f32 v1, v9  }
0x28b: {  	v1 =	vmul.f32 $3.125000000e-02, v5;
	v2 =	vadd.f32 v2, v10;
	[tilespmem:s17+$0x10010] =	vst v4  }
0x28c: {  	v3 =	vmul.f32 $3.125000000e-02, v3;
	[tilespmem:s17+$0x10020] =	vst v0;
	v0 =	vadd.f32 v6, v11  }
0x28d: {  	[tilespmem:s17+$0x10030] =	vst v2;
	v1 =	vadd.f32 v1, v7  }
0x28e: {  	[tilespmem:s17+$0x10040] =	vst v0;
	v0 =	vadd.f32 v3, v8  }
0x28f: {  	[tilespmem:s17+$0x10050] =	vst v1  }
0x290: {  	s18 =	simm.s32 $0x0;
	[tilespmem:s17+$0x10060] =	vst v0  }
0x291: {  	[hbm4b:s26+s18] =	stream.linear.scatter [tilespmem:s6], [sflag:$0x5], $0x4000, $0x38;
	[tilespmem:$0x1C000] =	vst v63  }
0x292: {  	_ =	swait.ge [sflag:s15], $0x4000  }
0x293: {  	[sflag:s15] =	ssyncset.done $0x0  }
0x294: {  	s22 =	simm.s32 $0x0;
	s19 =	simm.s32 $0x0;
	[sflag:s15] =	ssyncadd.s32 $0xFFFFC000  }
0x295: {  	[tilespmem:s8], [sflag:$0x4] =	stream.linear.gather [hbm4b:s0+s18], $0x4000, $0x38;
	[tilespmem:$0x1C000] =	vst v63  }
0x296: {  	s19 =	sand.u32 $0x380, s19;
	s17 =	sand.u32 $0x2000, s22;
	_ =	swait.ge [sflag:s11], $0x4000  }
0x297: {  	s20 =	sand.u32 $0x1C00, s18;
	s17 =	sor.u32 s19, s17;
	[sflag:s11] =	ssyncset.done $0x0  }
0x298: {  	s17 =	sor.u32 s20, s17;
	[sflag:s11] =	ssyncadd.s32 $0xFFFFC000  }
0x299: {  	v0 =	vld [tilespmem:s17+$0x4070]  }
0x29a: {  	v1 =	vld [tilespmem:s17+$0x4000]  }
0x29b: {  	v2 =	vld [tilespmem:s17+$0x14070]  }
0x29c: {  	v4 =	vld [tilespmem:s17+$0x4010]  }
0x29d: {  	v8 =	vld [tilespmem:s17+$0x4020]  }
0x29e: {  	v9 =	vld [tilespmem:s17+$0x4030]  }
0x29f: {  	v6 =	vld [tilespmem:s17+$0x4040];
	v0 =	vmul.f32 $3.125000000e-02, v0  }
0x2a0: {  	v5 =	vld [tilespmem:s17+$0x4050]  }
0x2a1: {  	v3 =	vld [tilespmem:s17+$0x4060];
	v2 =	vadd.f32 v0, v2  }
0x2a2: {  	v7 =	vld [tilespmem:s17+$0x14000];
	v4 =	vmul.f32 $3.125000000e-02, v4;
	v0 =	vmul.f32 $3.125000000e-02, v1  }
0x2a3: {  	s19 =	simm.s32 $0x0;
	v1 =	vmul.f32 $3.125000000e-02, v8;
	v8 =	vld [tilespmem:s17+$0x14010];
	[tilespmem:s17+$0x14070] =	vst v2;
	v2 =	vmul.f32 $3.125000000e-02, v9  }
.LBB2_28:
0x2a4: {  	s19 =	sadd.s32 $0x8, s19;
	v9 =	vld [tilespmem:s17+$0x14020];
	v6 =	vmul.f32 $3.125000000e-02, v6  }
0x2a5: {  	s20 =	sshll.u32 s19, $0x4;
	s21 =	sshll.u32 s19, $0x1;
	p0 =	slt.u32 s19, $0x3F8;
	v10 =	vld [tilespmem:s17+$0x14030];
	v5 =	vmul.f32 $3.125000000e-02, v5  }
0x2a6: {  	s18 =	sadd.s32 $0x400, s18;
	s20 =	sand.u32 $0x2000, s20;
	s21 =	sand.u32 $0x380, s21;
	v11 =	vld [tilespmem:s17+$0x14040];
	v3 =	vmul.f32 $3.125000000e-02, v3  }
0x2a7: {  	s22 =	sand.u32 $0x1C00, s18;
	s20 =	sor.u32 s21, s20;
	v0 =	vadd.f32 v0, v7;
	v7 =	vld [tilespmem:s17+$0x14050]  }
0x2a8: {  	s20 =	sor.u32 s22, s20;
	v4 =	vadd.f32 v4, v8;
	v8 =	vld [tilespmem:s17+$0x14060]  }
0x2a9: {  	v12 =	vld [tilespmem:s20+$0x4070];
	[tilespmem:s17+$0x14000] =	vst v0;
	v0 =	vadd.f32 v1, v9  }
0x2aa: {  	v1 =	vld [tilespmem:s20+$0x4000];
	[tilespmem:s17+$0x14010] =	vst v4;
	v2 =	vadd.f32 v2, v10  }
0x2ab: {  	v4 =	vld [tilespmem:s20+$0x14070];
	[tilespmem:s17+$0x14020] =	vst v0;
	v0 =	vadd.f32 v6, v11  }
0x2ac: {  	v9 =	vld [tilespmem:s20+$0x4010];
	[tilespmem:s17+$0x14030] =	vst v2;
	v2 =	vadd.f32 v5, v7  }
0x2ad: {  	v10 =	vld [tilespmem:s20+$0x4020];
	[tilespmem:s17+$0x14040] =	vst v0;
	v3 =	vadd.f32 v3, v8  }
0x2ae: {  	v11 =	vld [tilespmem:s20+$0x4030];
	v7 =	vmul.f32 $3.125000000e-02, v12;
	[tilespmem:s17+$0x14050] =	vst v2  }
.Ltmp13:
0x2af: {  	v0 =	vmul.f32 $3.125000000e-02, v1;
	v6 =	vld [tilespmem:s20+$0x4040];
	[tilespmem:s17+$0x14060] =	vst v3;
	s17 =	smov.u32 s20;
	(pc) =	sbr.rel @p0 .LBB2_28-.Ltmp13, $4  }
0x2b0: {  	v5 =	vld [tilespmem:s17+$0x4050];
	v2 =	vadd.f32 v7, v4  }
0x2b1: {  	v4 =	vmul.f32 $3.125000000e-02, v9;
	v3 =	vld [tilespmem:s17+$0x4060]  }
0x2b2: {  	v7 =	vld [tilespmem:s17+$0x14000];
	v1 =	vmul.f32 $3.125000000e-02, v10;
	[tilespmem:s17+$0x14070] =	vst v2  }
0x2b3: {  	v8 =	vld [tilespmem:s17+$0x14010];
	v2 =	vmul.f32 $3.125000000e-02, v11  }
0x2b4: {  	v9 =	vld [tilespmem:s17+$0x14020]  }
0x2b5: {  	v10 =	vld [tilespmem:s17+$0x14030]  }
0x2b6: {  	v11 =	vld [tilespmem:s17+$0x14040]  }
0x2b7: {  	v0 =	vadd.f32 v0, v7;
	v7 =	vld [tilespmem:s17+$0x14050]  }
0x2b8: {  	v4 =	vadd.f32 v4, v8;
	v8 =	vld [tilespmem:s17+$0x14060]  }
0x2b9: {  	v6 =	vmul.f32 $3.125000000e-02, v6;
	[tilespmem:s17+$0x14000] =	vst v0;
	v0 =	vadd.f32 v1, v9  }
0x2ba: {  	v1 =	vmul.f32 $3.125000000e-02, v5;
	v2 =	vadd.f32 v2, v10;
	[tilespmem:s17+$0x14010] =	vst v4  }
0x2bb: {  	v3 =	vmul.f32 $3.125000000e-02, v3;
	[tilespmem:s17+$0x14020] =	vst v0;
	v0 =	vadd.f32 v6, v11  }
0x2bc: {  	[tilespmem:s17+$0x14030] =	vst v2;
	v1 =	vadd.f32 v1, v7  }
0x2bd: {  	[tilespmem:s17+$0x14040] =	vst v0;
	v0 =	vadd.f32 v3, v8  }
0x2be: {  	[tilespmem:s17+$0x14050] =	vst v1  }
0x2bf: {  	s18 =	simm.s32 $0x0;
	[tilespmem:s17+$0x14060] =	vst v0  }
0x2c0: {  	[hbm4b:s29+s18] =	stream.linear.scatter [tilespmem:s7], [sflag:$0x6], $0x4000, $0x38;
	[tilespmem:$0x1C000] =	vst v63  }
0x2c1: {  	_ =	swait.ge [sflag:s12], $0x4000  }
0x2c2: {  	[sflag:s12] =	ssyncset.done $0x0  }
0x2c3: {  	s22 =	simm.s32 $0x0;
	s19 =	simm.s32 $0x0;
	[sflag:s12] =	ssyncadd.s32 $0xFFFFC000  }
0x2c4: {  	[tilespmem:s6], [sflag:$0x2] =	stream.linear.gather [hbm4b:s2+s18], $0x4000, $0x38;
	[tilespmem:$0x1C000] =	vst v63  }
0x2c5: {  	s19 =	sand.u32 $0x380, s19;
	s17 =	sand.u32 $0x2000, s22;
	_ =	swait.ge [sflag:s13], $0x4000  }
0x2c6: {  	s20 =	sand.u32 $0x1C00, s18;
	s17 =	sor.u32 s19, s17;
	[sflag:s13] =	ssyncset.done $0x0  }
0x2c7: {  	s17 =	sor.u32 s20, s17;
	[sflag:s13] =	ssyncadd.s32 $0xFFFFC000  }
0x2c8: {  	v0 =	vld [tilespmem:s17+$0x8070]  }
0x2c9: {  	v1 =	vld [tilespmem:s17+$0x8000]  }
0x2ca: {  	v2 =	vld [tilespmem:s17+$0x18070]  }
0x2cb: {  	v4 =	vld [tilespmem:s17+$0x8010]  }
0x2cc: {  	v8 =	vld [tilespmem:s17+$0x8020]  }
0x2cd: {  	v9 =	vld [tilespmem:s17+$0x8030]  }
0x2ce: {  	v6 =	vld [tilespmem:s17+$0x8040];
	v0 =	vmul.f32 $3.125000000e-02, v0  }
0x2cf: {  	v5 =	vld [tilespmem:s17+$0x8050]  }
0x2d0: {  	v3 =	vld [tilespmem:s17+$0x8060];
	v2 =	vadd.f32 v0, v2  }
0x2d1: {  	v7 =	vld [tilespmem:s17+$0x18000];
	v4 =	vmul.f32 $3.125000000e-02, v4;
	v0 =	vmul.f32 $3.125000000e-02, v1  }
0x2d2: {  	s19 =	simm.s32 $0x0;
	v1 =	vmul.f32 $3.125000000e-02, v8;
	v8 =	vld [tilespmem:s17+$0x18010];
	[tilespmem:s17+$0x18070] =	vst v2;
	v2 =	vmul.f32 $3.125000000e-02, v9  }
.LBB2_30:
0x2d3: {  	s19 =	sadd.s32 $0x8, s19;
	v9 =	vld [tilespmem:s17+$0x18020];
	v6 =	vmul.f32 $3.125000000e-02, v6  }
0x2d4: {  	s20 =	sshll.u32 s19, $0x4;
	s21 =	sshll.u32 s19, $0x1;
	p0 =	slt.u32 s19, $0x3F8;
	v10 =	vld [tilespmem:s17+$0x18030];
	v5 =	vmul.f32 $3.125000000e-02, v5  }
0x2d5: {  	s18 =	sadd.s32 $0x400, s18;
	s20 =	sand.u32 $0x2000, s20;
	s21 =	sand.u32 $0x380, s21;
	v11 =	vld [tilespmem:s17+$0x18040];
	v3 =	vmul.f32 $3.125000000e-02, v3  }
0x2d6: {  	s22 =	sand.u32 $0x1C00, s18;
	s20 =	sor.u32 s21, s20;
	v0 =	vadd.f32 v0, v7;
	v7 =	vld [tilespmem:s17+$0x18050]  }
0x2d7: {  	s20 =	sor.u32 s22, s20;
	v4 =	vadd.f32 v4, v8;
	v8 =	vld [tilespmem:s17+$0x18060]  }
0x2d8: {  	v12 =	vld [tilespmem:s20+$0x8070];
	[tilespmem:s17+$0x18000] =	vst v0;
	v0 =	vadd.f32 v1, v9  }
0x2d9: {  	v1 =	vld [tilespmem:s20+$0x8000];
	[tilespmem:s17+$0x18010] =	vst v4;
	v2 =	vadd.f32 v2, v10  }
0x2da: {  	v4 =	vld [tilespmem:s20+$0x18070];
	[tilespmem:s17+$0x18020] =	vst v0;
	v0 =	vadd.f32 v6, v11  }
0x2db: {  	v9 =	vld [tilespmem:s20+$0x8010];
	[tilespmem:s17+$0x18030] =	vst v2;
	v2 =	vadd.f32 v5, v7  }
0x2dc: {  	v10 =	vld [tilespmem:s20+$0x8020];
	[tilespmem:s17+$0x18040] =	vst v0;
	v3 =	vadd.f32 v3, v8  }
0x2dd: {  	v11 =	vld [tilespmem:s20+$0x8030];
	v7 =	vmul.f32 $3.125000000e-02, v12;
	[tilespmem:s17+$0x18050] =	vst v2  }
.Ltmp14:
0x2de: {  	v0 =	vmul.f32 $3.125000000e-02, v1;
	v6 =	vld [tilespmem:s20+$0x8040];
	[tilespmem:s17+$0x18060] =	vst v3;
	s17 =	smov.u32 s20;
	(pc) =	sbr.rel @p0 .LBB2_30-.Ltmp14, $4  }
0x2df: {  	v5 =	vld [tilespmem:s17+$0x8050];
	v2 =	vadd.f32 v7, v4  }
0x2e0: {  	v4 =	vmul.f32 $3.125000000e-02, v9;
	v3 =	vld [tilespmem:s17+$0x8060]  }
0x2e1: {  	v7 =	vld [tilespmem:s17+$0x18000];
	v1 =	vmul.f32 $3.125000000e-02, v10;
	[tilespmem:s17+$0x18070] =	vst v2  }
0x2e2: {  	v8 =	vld [tilespmem:s17+$0x18010];
	v2 =	vmul.f32 $3.125000000e-02, v11  }
0x2e3: {  	v9 =	vld [tilespmem:s17+$0x18020]  }
0x2e4: {  	v10 =	vld [tilespmem:s17+$0x18030]  }
0x2e5: {  	v11 =	vld [tilespmem:s17+$0x18040]  }
0x2e6: {  	v0 =	vadd.f32 v0, v7;
	v7 =	vld [tilespmem:s17+$0x18050]  }
0x2e7: {  	v4 =	vadd.f32 v4, v8;
	v8 =	vld [tilespmem:s17+$0x18060]  }
0x2e8: {  	v6 =	vmul.f32 $3.125000000e-02, v6;
	[tilespmem:s17+$0x18000] =	vst v0;
	v0 =	vadd.f32 v1, v9  }
0x2e9: {  	v1 =	vmul.f32 $3.125000000e-02, v5;
	v2 =	vadd.f32 v2, v10;
	[tilespmem:s17+$0x18010] =	vst v4  }
0x2ea: {  	v3 =	vmul.f32 $3.125000000e-02, v3;
	[tilespmem:s17+$0x18020] =	vst v0;
	v0 =	vadd.f32 v6, v11  }
0x2eb: {  	[tilespmem:s17+$0x18030] =	vst v2;
	v1 =	vadd.f32 v1, v7  }
0x2ec: {  	[tilespmem:s17+$0x18040] =	vst v0;
	v0 =	vadd.f32 v3, v8  }
0x2ed: {  	[tilespmem:s17+$0x18050] =	vst v1  }
0x2ee: {  	s18 =	simm.s32 $0x0;
	s22 =	simm.s32 $0x0;
	s19 =	simm.s32 $0x0;
	[tilespmem:s17+$0x18060] =	vst v0  }
0x2ef: {  	[hbm4b:s3+s18] =	stream.linear.scatter [tilespmem:s8], [sflag:$0x7], $0x4000, $0x38;
	[tilespmem:$0x1C000] =	vst v63  }
0x2f0: {  	s19 =	sand.u32 $0x380, s19;
	s17 =	sand.u32 $0x2000, s22;
	_ =	swait.ge [sflag:s10], $0x4000  }
0x2f1: {  	s20 =	sand.u32 $0x1C00, s18;
	s17 =	sor.u32 s19, s17;
	[sflag:s10] =	ssyncset.done $0x0  }
0x2f2: {  	s17 =	sor.u32 s20, s17;
	[sflag:s10] =	ssyncadd.s32 $0xFFFFC000  }
0x2f3: {  	v0 =	vld [tilespmem:s17+$0xC070]  }
0x2f4: {  	v1 =	vld [tilespmem:s17+$0xC000]  }
0x2f5: {  	v2 =	vld [tilespmem:s17+$0x10070]  }
0x2f6: {  	v4 =	vld [tilespmem:s17+$0xC010]  }
0x2f7: {  	v8 =	vld [tilespmem:s17+$0xC020]  }
0x2f8: {  	v9 =	vld [tilespmem:s17+$0xC030]  }
0x2f9: {  	v6 =	vld [tilespmem:s17+$0xC040];
	v0 =	vmul.f32 $3.125000000e-02, v0  }
0x2fa: {  	v5 =	vld [tilespmem:s17+$0xC050]  }
0x2fb: {  	v3 =	vld [tilespmem:s17+$0xC060];
	v2 =	vadd.f32 v0, v2  }
0x2fc: {  	v7 =	vld [tilespmem:s17+$0x10000];
	v4 =	vmul.f32 $3.125000000e-02, v4;
	v0 =	vmul.f32 $3.125000000e-02, v1  }
0x2fd: {  	s19 =	simm.s32 $0x0;
	v1 =	vmul.f32 $3.125000000e-02, v8;
	v8 =	vld [tilespmem:s17+$0x10010];
	[tilespmem:s17+$0x10070] =	vst v2;
	v2 =	vmul.f32 $3.125000000e-02, v9  }
.LBB2_32:
0x2fe: {  	s19 =	sadd.s32 $0x8, s19;
	v9 =	vld [tilespmem:s17+$0x10020];
	v6 =	vmul.f32 $3.125000000e-02, v6  }
0x2ff: {  	s20 =	sshll.u32 s19, $0x4;
	s21 =	sshll.u32 s19, $0x1;
	p0 =	slt.u32 s19, $0x3F8;
	v10 =	vld [tilespmem:s17+$0x10030];
	v5 =	vmul.f32 $3.125000000e-02, v5  }
0x300: {  	s18 =	sadd.s32 $0x400, s18;
	s20 =	sand.u32 $0x2000, s20;
	s21 =	sand.u32 $0x380, s21;
	v11 =	vld [tilespmem:s17+$0x10040];
	v3 =	vmul.f32 $3.125000000e-02, v3  }
0x301: {  	s22 =	sand.u32 $0x1C00, s18;
	s20 =	sor.u32 s21, s20;
	v0 =	vadd.f32 v0, v7;
	v7 =	vld [tilespmem:s17+$0x10050]  }
0x302: {  	s20 =	sor.u32 s22, s20;
	v4 =	vadd.f32 v4, v8;
	v8 =	vld [tilespmem:s17+$0x10060]  }
0x303: {  	v12 =	vld [tilespmem:s20+$0xC070];
	[tilespmem:s17+$0x10000] =	vst v0;
	v0 =	vadd.f32 v1, v9  }
0x304: {  	v1 =	vld [tilespmem:s20+$0xC000];
	[tilespmem:s17+$0x10010] =	vst v4;
	v2 =	vadd.f32 v2, v10  }
0x305: {  	v4 =	vld [tilespmem:s20+$0x10070];
	[tilespmem:s17+$0x10020] =	vst v0;
	v0 =	vadd.f32 v6, v11  }
0x306: {  	v9 =	vld [tilespmem:s20+$0xC010];
	[tilespmem:s17+$0x10030] =	vst v2;
	v2 =	vadd.f32 v5, v7  }
0x307: {  	v10 =	vld [tilespmem:s20+$0xC020];
	[tilespmem:s17+$0x10040] =	vst v0;
	v3 =	vadd.f32 v3, v8  }
0x308: {  	v11 =	vld [tilespmem:s20+$0xC030];
	v7 =	vmul.f32 $3.125000000e-02, v12;
	[tilespmem:s17+$0x10050] =	vst v2  }
.Ltmp15:
0x309: {  	v0 =	vmul.f32 $3.125000000e-02, v1;
	v6 =	vld [tilespmem:s20+$0xC040];
	[tilespmem:s17+$0x10060] =	vst v3;
	s17 =	smov.u32 s20;
	(pc) =	sbr.rel @p0 .LBB2_32-.Ltmp15, $4  }
0x30a: {  	v5 =	vld [tilespmem:s17+$0xC050];
	v2 =	vadd.f32 v7, v4  }
0x30b: {  	v4 =	vmul.f32 $3.125000000e-02, v9;
	v3 =	vld [tilespmem:s17+$0xC060]  }
0x30c: {  	v7 =	vld [tilespmem:s17+$0x10000];
	v1 =	vmul.f32 $3.125000000e-02, v10;
	[tilespmem:s17+$0x10070] =	vst v2  }
0x30d: {  	v8 =	vld [tilespmem:s17+$0x10010];
	v2 =	vmul.f32 $3.125000000e-02, v11  }
0x30e: {  	v9 =	vld [tilespmem:s17+$0x10020]  }
0x30f: {  	v10 =	vld [tilespmem:s17+$0x10030]  }
0x310: {  	v11 =	vld [tilespmem:s17+$0x10040]  }
0x311: {  	v58 =	vld [tilespmem:s17+$0x10050];
	v0 =	vadd.f32 v0, v7  }
0x312: {  	v59 =	vld [tilespmem:s17+$0x10060];
	v4 =	vadd.f32 v4, v8  }
0x313: {  	v6 =	vmul.f32 $3.125000000e-02, v6;
	[tilespmem:s17+$0x10000] =	vst v0;
	v60 =	vadd.f32 v1, v9  }
0x314: {  	v61 =	vmul.f32 $3.125000000e-02, v5;
	v2 =	vadd.f32 v2, v10;
	[tilespmem:s17+$0x10010] =	vst v4  }
0x315: {  	v3 =	vmul.f32 $3.125000000e-02, v3;
	v62 =	vadd.f32 v6, v11;
	[tilespmem:s17+$0x10020] =	vst v60  }
0x316: {  	v1 =	vadd.f32 v61, v58;
	[tilespmem:s17+$0x10030] =	vst v2  }
0x317: {  	v63 =	vadd.f32 v3, v59;
	[tilespmem:s17+$0x10040] =	vst v62  }
0x318: {  	[tilespmem:s17+$0x10050] =	vst v1  }
0x319: {  	[tilespmem:s17+$0x10060] =	vst v63  }
0x31a: {  	[hbm4b:s4+s1] =	stream.linear.scatter [tilespmem:s6], [sflag:$0x5], $0x4000, $0x38;
	[tilespmem:$0x1C000] =	vst v63  }
0x31b: {  	_ =	swait.ge [sflag:s14], $0x4000  }
0x31c: {  	[sflag:s14] =	ssyncset.done $0x0  }
0x31d: {  	s16 =	sadd.s32 $0x1, s16;
	[sflag:s14] =	ssyncadd.s32 $0xFFFFC000  }
0x31e: {  	p0 =	sne.s32 s16, s5;
	_ =	swait.ge [sflag:s15], $0x4000  }
.Ltmp16:
0x31f: {  	[sflag:s15] =	ssyncset.done $0x0;
	(pc) =	sbr.rel @p0 .LBB2_1-.Ltmp16, $4  }
0x320: {  	[sflag:s15] =	ssyncadd.s32 $0xFFFFC000  }
0x321: {  	_ =	swait.ge [sflag:s12], $0x4000  }
0x322: {  	[sflag:s12] =	ssyncset.done $0x0  }
0x323: {  	[sflag:s12] =	ssyncadd.s32 $0xFFFFC000  }
0x324: {  	_ =	sfence.sel $0x180000  }
0x325: {  	[bflag:$0x0] =	sbarrier.arrive $0xFFFF  }
0x326: {  	_ =	strace $0x90000047  }
0x327: {  	s0 =	stileid.u32;
	[bflag:$0x2] =	sbarrier.arrive $0xFFFF  }
0x328: {  	p0 =	sne.s32 s0, $0x0;
	s0 =	rddreg [dreg:$0x3]  }
0x329: {  	s0 =	sadd.s32 @!p0 $0x100000, s0  }
0x32a: {  	[sflag:s0] =	ssyncadd.tile.s32 @!p0 $0x1;
	_ =	shalt  }
.Lfunc_end2:
_tile_overlayer_lowered:
.L_overlay_start_2:
0x32b: {  	(tag) =	ssettag $0x2  }
0x32c: {  	s0 =	rddreg [dreg:$0x0];
	s2 =	stileid.u32  }
0x32d: {  	s1 =	rddreg [dreg:$0x1];
	p0 =	sne.s32 s2, $0x0  }
0x32e: {  	s3 =	rddreg [dreg:$0x2];
	[bflag:$0x3] =	sbarrier.arrive $0xFFFF;
	s2 =	simm.s32 @!p0 $0x1C08  }
0x32f: {  	[timem:s3], [sflag:s2] =	dma.local @!p0 [hbm:s0], s1  }
0x330: {  	s0 =	simm.s32 @!p0 $0x8  }
0x331: {  	_ =	swait.ge @!p0 [sflag:s0], s1  }
0x332: {  	s1 =	ssub.s32 @!p0 $0x0, s1;
	[sflag:s0] =	ssyncset.done @!p0 $0x0  }
0x333: {  	[sflag:s0] =	ssyncadd.s32 @!p0 s1  }
0x334: {  	[bflag:$0x3] =	sbarrier.arrive $0xFFFF  }
0x335: {  	_ =	shalt  }

</sc_bundles>
